<compile_context>
chip_gen: v7x
topology: tpu7x:2x2x1
jax: 0.10.2.dev20260603
libtpu: 0.0.44.dev20260713+nightly
codegen_flags: <defaults>
</compile_context>

<pallas_src>
import functools

import jax
import jax.numpy as jnp
from jax import lax
from jax.experimental import pallas as pl
from jax.experimental.pallas import tpu as pltpu
from jax.experimental.pallas import tpu_sc as plsc

NUM_FIELDS = 26
VOCAB = 100000
EMB = 16
BATCH = 4096

_NC = 2
_NS = 16
_FPC = NUM_FIELDS // _NC
_LANES = 16

_H0 = 50048
_H1 = VOCAB - _H0
_UNROLL = 4


def _make_kernel():
    mesh = plsc.VectorSubcoreMesh(core_axis_name="c", subcore_axis_name="s")

    @functools.partial(
        pl.kernel,
        mesh=mesh,
        compiler_params=pltpu.CompilerParams(needs_layout_passes=False),
        out_type=jax.ShapeDtypeStruct((NUM_FIELDS, EMB, BATCH), jnp.float32),
        scratch_types=[
            pltpu.VMEM((_H0,), jnp.float32),
            pltpu.VMEM((_H1,), jnp.float32),
            pltpu.VMEM((BATCH,), jnp.int32),
            pltpu.VMEM((BATCH,), jnp.int32),
            pltpu.VMEM((BATCH,), jnp.float32),
            pltpu.VMEM((BATCH,), jnp.float32),
            pltpu.SemaphoreType.DMA,
            pltpu.SemaphoreType.DMA,
            pltpu.SemaphoreType.DMA,
            pltpu.SemaphoreType.DMA,
            pltpu.SemaphoreType.DMA,
            pltpu.SemaphoreType.DMA,
        ],
    )
    def k(tp_hbm, xT_hbm, out_hbm, buf0, buf1, xc0, xc1, d0, d1,
          sem0, sem1, sx0, sx1, so0, so1):
        c = lax.axis_index("c")
        s = lax.axis_index("s")
        sems = (sem0, sem1)
        bufs = (buf0, buf1)
        xcols = (xc0, xc1)
        sxs = (sx0, sx1)
        dsts = (d0, d1)
        sos = (so0, so1)
        iota = lax.iota(jnp.int32, _LANES)

        def fetch_x(fi):
            return pltpu.async_copy(
                xT_hbm.at[c * _FPC + fi], xcols[fi % 2], sxs[fi % 2]
            )

        def stage(u):
            f = c * _FPC + (u // 2)
            h = u % 2
            base = h * _H0
            n = _H1 if h else _H0
            del n
            return pltpu.async_copy(
                tp_hbm.at[f, s, pl.ds(base, _H1 if h else _H0)],
                bufs[h],
                sems[h],
            )

        pending = stage(0)
        px = fetch_x(0)
        pouts = [None, None]
        for u in range(2 * _FPC):
            f_idx = u // 2
            h = u % 2
            f = c * _FPC + f_idx
            if h == 0:
                px.wait()
                if f_idx + 1 < _FPC:
                    px = fetch_x(f_idx + 1)
                if pouts[f_idx % 2] is not None:
                    pouts[f_idx % 2].wait()
            nxt = stage(u + 1) if u + 1 < 2 * _FPC else None
            pending.wait()
            buf = bufs[h]
            xcol = xcols[f_idx % 2]
            dst = dsts[f_idx % 2]
            base = h * _H0

            def body(i, carry):
                for v in range(_UNROLL):
                    off = (i * _UNROLL + v) * _LANES
                    x = xcol[pl.ds(off, _LANES)]
                    if h == 0:
                        inb = x < _H0
                        xl = x
                    else:
                        inb = x >= _H0
                        xl = x - _H0
                    vals = plsc.load_gather(buf, [xl], mask=inb)
                    plsc.store_scatter(dst, [iota + off], vals, mask=inb)
                return carry

            lax.fori_loop(0, BATCH // (_LANES * _UNROLL), body, 0)

            if h == 1:
                pouts[f_idx % 2] = pltpu.async_copy(
                    dst, out_hbm.at[f, s], sos[f_idx % 2]
                )
            pending = nxt

        for p in pouts:
            if p is not None:
                p.wait()

    return k


_kernel_call = _make_kernel()


def kernel(X, tables):
    tp = jnp.transpose(tables, (0, 2, 1))
    xT = jnp.transpose(X, (1, 0))
    out = _kernel_call(tp, xT)
    return jnp.transpose(out, (2, 0, 1))

# --- scband reference (transcript-rebuilt; emitter-appended) ---
"""Pipeline reference for scband-embedding-layer-8538394985130 (READ-ONLY COPY).

The authoritative reference and input builder live on the scoring server;
editing this copy changes nothing except your own understanding.
"""

import jax, jax.numpy as jnp
import numpy as np

NUM_FIELDS = 26
VOCAB = 100000
EMB = 16
BATCH = 4096


def setup_inputs(seed: int = 0) -> dict:
    key = jax.random.key(seed)
    k1, k2 = jax.random.split(key)
    X = jax.random.randint(k1, (BATCH, NUM_FIELDS), 0, VOCAB, dtype=jnp.int32)
    # 26 independent embedding tables, one per categorical field, stacked into [F, V, E]
    tables = jax.random.normal(k2, (NUM_FIELDS, VOCAB, EMB), dtype=jnp.float32) * 0.01
    return {"X": X, "tables": tables}


def reference(X, tables):
    # EmbeddingDictLayer.forward: per-field categorical lookup
    # feature_emb_dict[f] = embedding_layer[f](X[:, index_f])  -> [B, E]
    # dict2tensor: stack along dim=1 -> [B, F, E]
    gathered = jax.vmap(lambda t, idx: jnp.take(t, idx, axis=0), in_axes=(0, 1))(tables, X)  # [F, B, E]
    feature_emb = jnp.transpose(gathered, (1, 0, 2))  # [B, F, E]
    # embedding_dropout == 0 -> no dropout layer
    return feature_emb

if __name__ == "__main__":
    import jax
    _d = setup_inputs()
    print(jax.jit(kernel)(*tuple(_d.values())))

</pallas_src>

<mosaic_0001>
#map = affine_map<(d0, d1) -> (0, 0, 0)>
#map1 = affine_map<(d0, d1) -> (0, 0)>
module attributes {stable_mosaic.version = 14 : i64} {
  func.func @k(%arg0: i32, %arg1: i32, %arg2: memref<26x16x100000xf32, #tpu.memory_space<hbm>>, %arg3: memref<26x4096xi32, #tpu.memory_space<hbm>>, %arg4: memref<26x16x4096xf32, #tpu.memory_space<hbm>>, %arg5: memref<50048xf32, #tpu.memory_space<vmem>>, %arg6: memref<49952xf32, #tpu.memory_space<vmem>>, %arg7: memref<4096xi32, #tpu.memory_space<vmem>>, %arg8: memref<4096xi32, #tpu.memory_space<vmem>>, %arg9: memref<4096xf32, #tpu.memory_space<vmem>>, %arg10: memref<4096xf32, #tpu.memory_space<vmem>>, %arg11: memref<!tpu.dma_semaphore, #tpu.memory_space<semaphore_mem>>, %arg12: memref<!tpu.dma_semaphore, #tpu.memory_space<semaphore_mem>>, %arg13: memref<!tpu.dma_semaphore, #tpu.memory_space<semaphore_mem>>, %arg14: memref<!tpu.dma_semaphore, #tpu.memory_space<semaphore_mem>>, %arg15: memref<!tpu.dma_semaphore, #tpu.memory_space<semaphore_mem>>, %arg16: memref<!tpu.dma_semaphore, #tpu.memory_space<semaphore_mem>>) attributes {dimension_semantics = [#tpu.dimension_semantics<core_parallel>, #tpu.dimension_semantics<subcore_parallel>], iteration_bounds = array<i64: 2, 16>, scalar_prefetch = 0 : i64, scratch_operands = 12 : i64, tpu.core_type = #tpu.core_type<sc_vector_subcore>, window_params = [{transform_indices = #map}, {transform_indices = #map1}, {transform_indices = #map}]} {
    %iota3A = tpu.iota {dimensions = array<i32: 0>} : vector<16xi32>
    %mul3A = arith.constant 13 : i32
    %mul3A_0 = arith.muli %arg0, %mul3A : i32
    %add3A = arith.constant 0 : i32
    %add3A_1 = arith.addi %mul3A_0, %add3A : i32
    %dma_start3A = arith.constant 0 : i32
    %dma_start3A_2 = tpu.memref_slice %arg2[%add3A_1, %arg1, %dma_start3A] : memref<26x16x100000xf32, #tpu.memory_space<hbm>> -> memref<1x1x50048xf32, #tpu.memory_space<hbm>>
    %dma_start3A_3 = tpu.memref_squeeze %dma_start3A_2 : memref<1x1x50048xf32, #tpu.memory_space<hbm>> -> memref<50048xf32, #tpu.memory_space<hbm>>
    %dma_start3A_4 = arith.constant 0 : i32
    %dma_start3A_5 = tpu.memref_slice %arg2[%add3A_1, %arg1, %dma_start3A_4] : memref<26x16x100000xf32, #tpu.memory_space<hbm>> -> memref<1x1x50048xf32, #tpu.memory_space<hbm>>
    %dma_start3A_6 = tpu.memref_squeeze %dma_start3A_5 : memref<1x1x50048xf32, #tpu.memory_space<hbm>> -> memref<50048xf32, #tpu.memory_space<hbm>>
    tpu.enqueue_dma source(%dma_start3A_6 : memref<50048xf32, #tpu.memory_space<hbm>>) target(%arg5 : memref<50048xf32, #tpu.memory_space<vmem>>) target_semaphore(%arg11 : memref<!tpu.dma_semaphore, #tpu.memory_space<semaphore_mem>>)
    %mul3A_7 = arith.constant 13 : i32
    %mul3A_8 = arith.muli %arg0, %mul3A_7 : i32
    %add3A_9 = arith.constant 0 : i32
    %add3A_10 = arith.addi %mul3A_8, %add3A_9 : i32
    %dma_start3A_11 = arith.constant 0 : i32
    %dma_start3A_12 = tpu.memref_slice %arg3[%add3A_10, %dma_start3A_11] : memref<26x4096xi32, #tpu.memory_space<hbm>> -> memref<1x4096xi32, #tpu.memory_space<hbm>>
    %dma_start3A_13 = tpu.memref_squeeze %dma_start3A_12 : memref<1x4096xi32, #tpu.memory_space<hbm>> -> memref<4096xi32, #tpu.memory_space<hbm>>
    %dma_start3A_14 = arith.constant 0 : i32
    %dma_start3A_15 = tpu.memref_slice %arg3[%add3A_10, %dma_start3A_14] : memref<26x4096xi32, #tpu.memory_space<hbm>> -> memref<1x4096xi32, #tpu.memory_space<hbm>>
    %dma_start3A_16 = tpu.memref_squeeze %dma_start3A_15 : memref<1x4096xi32, #tpu.memory_space<hbm>> -> memref<4096xi32, #tpu.memory_space<hbm>>
    tpu.enqueue_dma source(%dma_start3A_16 : memref<4096xi32, #tpu.memory_space<hbm>>) target(%arg7 : memref<4096xi32, #tpu.memory_space<vmem>>) target_semaphore(%arg13 : memref<!tpu.dma_semaphore, #tpu.memory_space<semaphore_mem>>)
    %mul3A_17 = arith.constant 13 : i32
    %mul3A_18 = arith.muli %arg0, %mul3A_17 : i32
    %add3A_19 = arith.constant 0 : i32
    %add3A_20 = arith.addi %mul3A_18, %add3A_19 : i32
    %dma_wait3A = arith.constant 0 : i32
    %dma_wait3A_21 = tpu.memref_slice %arg3[%add3A_10, %dma_wait3A] : memref<26x4096xi32, #tpu.memory_space<hbm>> -> memref<1x4096xi32, #tpu.memory_space<hbm>>
    %dma_wait3A_22 = tpu.memref_squeeze %dma_wait3A_21 : memref<1x4096xi32, #tpu.memory_space<hbm>> -> memref<4096xi32, #tpu.memory_space<hbm>>
    %dma_wait3A_23 = arith.constant 0 : i32
    %dma_wait3A_24 = tpu.memref_slice %arg3[%add3A_10, %dma_wait3A_23] : memref<26x4096xi32, #tpu.memory_space<hbm>> -> memref<1x4096xi32, #tpu.memory_space<hbm>>
    %dma_wait3A_25 = tpu.memref_squeeze %dma_wait3A_24 : memref<1x4096xi32, #tpu.memory_space<hbm>> -> memref<4096xi32, #tpu.memory_space<hbm>>
    tpu.wait_dma2 semaphore(%arg13 : memref<!tpu.dma_semaphore, #tpu.memory_space<semaphore_mem>>) src(%dma_wait3A_25 : memref<4096xi32, #tpu.memory_space<hbm>>) dst(%arg7 : memref<4096xi32, #tpu.memory_space<vmem>>)
    %mul3A_26 = arith.constant 13 : i32
    %mul3A_27 = arith.muli %arg0, %mul3A_26 : i32
    %add3A_28 = arith.constant 1 : i32
    %add3A_29 = arith.addi %mul3A_27, %add3A_28 : i32
    %dma_start3A_30 = arith.constant 0 : i32
    %dma_start3A_31 = tpu.memref_slice %arg3[%add3A_29, %dma_start3A_30] : memref<26x4096xi32, #tpu.memory_space<hbm>> -> memref<1x4096xi32, #tpu.memory_space<hbm>>
    %dma_start3A_32 = tpu.memref_squeeze %dma_start3A_31 : memref<1x4096xi32, #tpu.memory_space<hbm>> -> memref<4096xi32, #tpu.memory_space<hbm>>
    %dma_start3A_33 = arith.constant 0 : i32
    %dma_start3A_34 = tpu.memref_slice %arg3[%add3A_29, %dma_start3A_33] : memref<26x4096xi32, #tpu.memory_space<hbm>> -> memref<1x4096xi32, #tpu.memory_space<hbm>>
    %dma_start3A_35 = tpu.memref_squeeze %dma_start3A_34 : memref<1x4096xi32, #tpu.memory_space<hbm>> -> memref<4096xi32, #tpu.memory_space<hbm>>
    tpu.enqueue_dma source(%dma_start3A_35 : memref<4096xi32, #tpu.memory_space<hbm>>) target(%arg8 : memref<4096xi32, #tpu.memory_space<vmem>>) target_semaphore(%arg14 : memref<!tpu.dma_semaphore, #tpu.memory_space<semaphore_mem>>)
    %mul3A_36 = arith.constant 13 : i32
    %mul3A_37 = arith.muli %arg0, %mul3A_36 : i32
    %add3A_38 = arith.constant 0 : i32
    %add3A_39 = arith.addi %mul3A_37, %add3A_38 : i32
    %dma_start3A_40 = arith.constant 50048 : i32
    %dma_start3A_41 = tpu.memref_slice %arg2[%add3A_39, %arg1, %dma_start3A_40] : memref<26x16x100000xf32, #tpu.memory_space<hbm>> -> memref<1x1x49952xf32, #tpu.memory_space<hbm>>
    %dma_start3A_42 = tpu.memref_squeeze %dma_start3A_41 : memref<1x1x49952xf32, #tpu.memory_space<hbm>> -> memref<49952xf32, #tpu.memory_space<hbm>>
    %dma_start3A_43 = arith.constant 50048 : i32
    %dma_start3A_44 = tpu.memref_slice %arg2[%add3A_39, %arg1, %dma_start3A_43] : memref<26x16x100000xf32, #tpu.memory_space<hbm>> -> memref<1x1x49952xf32, #tpu.memory_space<hbm>>
    %dma_start3A_45 = tpu.memref_squeeze %dma_start3A_44 : memref<1x1x49952xf32, #tpu.memory_space<hbm>> -> memref<49952xf32, #tpu.memory_space<hbm>>
    tpu.enqueue_dma source(%dma_start3A_45 : memref<49952xf32, #tpu.memory_space<hbm>>) target(%arg6 : memref<49952xf32, #tpu.memory_space<vmem>>) target_semaphore(%arg12 : memref<!tpu.dma_semaphore, #tpu.memory_space<semaphore_mem>>)
    %dma_wait3A_46 = arith.constant 0 : i32
    %dma_wait3A_47 = tpu.memref_slice %arg2[%add3A_1, %arg1, %dma_wait3A_46] : memref<26x16x100000xf32, #tpu.memory_space<hbm>> -> memref<1x1x50048xf32, #tpu.memory_space<hbm>>
    %dma_wait3A_48 = tpu.memref_squeeze %dma_wait3A_47 : memref<1x1x50048xf32, #tpu.memory_space<hbm>> -> memref<50048xf32, #tpu.memory_space<hbm>>
    %dma_wait3A_49 = arith.constant 0 : i32
    %dma_wait3A_50 = tpu.memref_slice %arg2[%add3A_1, %arg1, %dma_wait3A_49] : memref<26x16x100000xf32, #tpu.memory_space<hbm>> -> memref<1x1x50048xf32, #tpu.memory_space<hbm>>
    %dma_wait3A_51 = tpu.memref_squeeze %dma_wait3A_50 : memref<1x1x50048xf32, #tpu.memory_space<hbm>> -> memref<50048xf32, #tpu.memory_space<hbm>>
    tpu.wait_dma2 semaphore(%arg11 : memref<!tpu.dma_semaphore, #tpu.memory_space<semaphore_mem>>) src(%dma_wait3A_51 : memref<50048xf32, #tpu.memory_space<hbm>>) dst(%arg5 : memref<50048xf32, #tpu.memory_space<vmem>>)
    %scan3A = arith.constant 0 : i32
    %scan3A_52 = arith.constant 0 : i32
    %scan3A_53 = arith.constant 64 : i32
    %scan3A_54 = arith.addi %scan3A_52, %scan3A_53 : i32
    %scan3A_55 = arith.constant 1 : i32
    scf.for %scan3A_1035 = %scan3A_52 to %scan3A_54 step %scan3A_55  : i32 {
      %mul3A_1036 = arith.constant 4 : i32
      %mul3A_1037 = arith.muli %scan3A_1035, %mul3A_1036 : i32
      %add3A_1038 = arith.constant 0 : i32
      %add3A_1039 = arith.addi %mul3A_1037, %add3A_1038 : i32
      %mul3A_1040 = arith.constant 16 : i32
      %mul3A_1041 = arith.muli %add3A_1039, %mul3A_1040 : i32
      %get3A = arith.index_cast %mul3A_1041 : i32 to index
      %get3A_1042 = tpu.vector_load %arg7[%get3A] {strides = array<i32>} : memref<4096xi32, #tpu.memory_space<vmem>>, vector<16xi32>,
      %lt3A = arith.constant 50048 : i32
      %lt3A_1043 = vector.broadcast %lt3A : i32 to vector<16xi32>
      %lt3A_1044 = arith.cmpi slt, %get3A_1042, %lt3A_1043 : vector<16xi32>
      %gather3A = tpu.vector_load_idx %arg5[%get3A_1042] masked %lt3A_1044 : memref<50048xf32, #tpu.memory_space<vmem>>[vector<16xi32>], vector<16xf32>, vector<16xi1>
      %add3A_1045 = vector.broadcast %mul3A_1041 : i32 to vector<16xi32>
      %add3A_1046 = arith.addi %iota3A, %add3A_1045 : vector<16xi32>
      tpu.vector_store_idx %arg9[%add3A_1046], %gather3A masked %lt3A_1044 : memref<4096xf32, #tpu.memory_space<vmem>>[vector<16xi32>], vector<16xf32>, vector<16xi1>
      %mul3A_1047 = arith.constant 4 : i32
      %mul3A_1048 = arith.muli %scan3A_1035, %mul3A_1047 : i32
      %add3A_1049 = arith.constant 1 : i32
      %add3A_1050 = arith.addi %mul3A_1048, %add3A_1049 : i32
      %mul3A_1051 = arith.constant 16 : i32
      %mul3A_1052 = arith.muli %add3A_1050, %mul3A_1051 : i32
      %get3A_1053 = arith.index_cast %mul3A_1052 : i32 to index
      %get3A_1054 = tpu.vector_load %arg7[%get3A_1053] {strides = array<i32>} : memref<4096xi32, #tpu.memory_space<vmem>>, vector<16xi32>,
      %lt3A_1055 = arith.constant 50048 : i32
      %lt3A_1056 = vector.broadcast %lt3A_1055 : i32 to vector<16xi32>
      %lt3A_1057 = arith.cmpi slt, %get3A_1054, %lt3A_1056 : vector<16xi32>
      %gather3A_1058 = tpu.vector_load_idx %arg5[%get3A_1054] masked %lt3A_1057 : memref<50048xf32, #tpu.memory_space<vmem>>[vector<16xi32>], vector<16xf32>, vector<16xi1>
      %add3A_1059 = vector.broadcast %mul3A_1052 : i32 to vector<16xi32>
      %add3A_1060 = arith.addi %iota3A, %add3A_1059 : vector<16xi32>
      tpu.vector_store_idx %arg9[%add3A_1060], %gather3A_1058 masked %lt3A_1057 : memref<4096xf32, #tpu.memory_space<vmem>>[vector<16xi32>], vector<16xf32>, vector<16xi1>
      %mul3A_1061 = arith.constant 4 : i32
      %mul3A_1062 = arith.muli %scan3A_1035, %mul3A_1061 : i32
      %add3A_1063 = arith.constant 2 : i32
      %add3A_1064 = arith.addi %mul3A_1062, %add3A_1063 : i32
      %mul3A_1065 = arith.constant 16 : i32
      %mul3A_1066 = arith.muli %add3A_1064, %mul3A_1065 : i32
      %get3A_1067 = arith.index_cast %mul3A_1066 : i32 to index
      %get3A_1068 = tpu.vector_load %arg7[%get3A_1067] {strides = array<i32>} : memref<4096xi32, #tpu.memory_space<vmem>>, vector<16xi32>,
      %lt3A_1069 = arith.constant 50048 : i32
      %lt3A_1070 = vector.broadcast %lt3A_1069 : i32 to vector<16xi32>
      %lt3A_1071 = arith.cmpi slt, %get3A_1068, %lt3A_1070 : vector<16xi32>
      %gather3A_1072 = tpu.vector_load_idx %arg5[%get3A_1068] masked %lt3A_1071 : memref<50048xf32, #tpu.memory_space<vmem>>[vector<16xi32>], vector<16xf32>, vector<16xi1>
      %add3A_1073 = vector.broadcast %mul3A_1066 : i32 to vector<16xi32>
      %add3A_1074 = arith.addi %iota3A, %add3A_1073 : vector<16xi32>
      tpu.vector_store_idx %arg9[%add3A_1074], %gather3A_1072 masked %lt3A_1071 : memref<4096xf32, #tpu.memory_space<vmem>>[vector<16xi32>], vector<16xf32>, vector<16xi1>
      %mul3A_1075 = arith.constant 4 : i32
      %mul3A_1076 = arith.muli %scan3A_1035, %mul3A_1075 : i32
      %add3A_1077 = arith.constant 3 : i32
      %add3A_1078 = arith.addi %mul3A_1076, %add3A_1077 : i32
      %mul3A_1079 = arith.constant 16 : i32
      %mul3A_1080 = arith.muli %add3A_1078, %mul3A_1079 : i32
      %get3A_1081 = arith.index_cast %mul3A_1080 : i32 to index
      %get3A_1082 = tpu.vector_load %arg7[%get3A_1081] {strides = array<i32>} : memref<4096xi32, #tpu.memory_space<vmem>>, vector<16xi32>,
      %lt3A_1083 = arith.constant 50048 : i32
      %lt3A_1084 = vector.broadcast %lt3A_1083 : i32 to vector<16xi32>
      %lt3A_1085 = arith.cmpi slt, %get3A_1082, %lt3A_1084 : vector<16xi32>
      %gather3A_1086 = tpu.vector_load_idx %arg5[%get3A_1082] masked %lt3A_1085 : memref<50048xf32, #tpu.memory_space<vmem>>[vector<16xi32>], vector<16xf32>, vector<16xi1>
      %add3A_1087 = vector.broadcast %mul3A_1080 : i32 to vector<16xi32>
      %add3A_1088 = arith.addi %iota3A, %add3A_1087 : vector<16xi32>
      tpu.vector_store_idx %arg9[%add3A_1088], %gather3A_1086 masked %lt3A_1085 : memref<4096xf32, #tpu.memory_space<vmem>>[vector<16xi32>], vector<16xf32>, vector<16xi1>
    }
    %scan3A_56 = arith.constant 64 : i32
    %mul3A_57 = arith.constant 13 : i32
    %mul3A_58 = arith.muli %arg0, %mul3A_57 : i32
    %add3A_59 = arith.constant 0 : i32
    %add3A_60 = arith.addi %mul3A_58, %add3A_59 : i32
    %mul3A_61 = arith.constant 13 : i32
    %mul3A_62 = arith.muli %arg0, %mul3A_61 : i32
    %add3A_63 = arith.constant 1 : i32
    %add3A_64 = arith.addi %mul3A_62, %add3A_63 : i32
    %dma_start3A_65 = arith.constant 0 : i32
    %dma_start3A_66 = tpu.memref_slice %arg2[%add3A_64, %arg1, %dma_start3A_65] : memref<26x16x100000xf32, #tpu.memory_space<hbm>> -> memref<1x1x50048xf32, #tpu.memory_space<hbm>>
    %dma_start3A_67 = tpu.memref_squeeze %dma_start3A_66 : memref<1x1x50048xf32, #tpu.memory_space<hbm>> -> memref<50048xf32, #tpu.memory_space<hbm>>
    %dma_start3A_68 = arith.constant 0 : i32
    %dma_start3A_69 = tpu.memref_slice %arg2[%add3A_64, %arg1, %dma_start3A_68] : memref<26x16x100000xf32, #tpu.memory_space<hbm>> -> memref<1x1x50048xf32, #tpu.memory_space<hbm>>
    %dma_start3A_70 = tpu.memref_squeeze %dma_start3A_69 : memref<1x1x50048xf32, #tpu.memory_space<hbm>> -> memref<50048xf32, #tpu.memory_space<hbm>>
    tpu.enqueue_dma source(%dma_start3A_70 : memref<50048xf32, #tpu.memory_space<hbm>>) target(%arg5 : memref<50048xf32, #tpu.memory_space<vmem>>) target_semaphore(%arg11 : memref<!tpu.dma_semaphore, #tpu.memory_space<semaphore_mem>>)
    %dma_wait3A_71 = arith.constant 50048 : i32
    %dma_wait3A_72 = tpu.memref_slice %arg2[%add3A_39, %arg1, %dma_wait3A_71] : memref<26x16x100000xf32, #tpu.memory_space<hbm>> -> memref<1x1x49952xf32, #tpu.memory_space<hbm>>
    %dma_wait3A_73 = tpu.memref_squeeze %dma_wait3A_72 : memref<1x1x49952xf32, #tpu.memory_space<hbm>> -> memref<49952xf32, #tpu.memory_space<hbm>>
    %dma_wait3A_74 = arith.constant 50048 : i32
    %dma_wait3A_75 = tpu.memref_slice %arg2[%add3A_39, %arg1, %dma_wait3A_74] : memref<26x16x100000xf32, #tpu.memory_space<hbm>> -> memref<1x1x49952xf32, #tpu.memory_space<hbm>>
    %dma_wait3A_76 = tpu.memref_squeeze %dma_wait3A_75 : memref<1x1x49952xf32, #tpu.memory_space<hbm>> -> memref<49952xf32, #tpu.memory_space<hbm>>
    tpu.wait_dma2 semaphore(%arg12 : memref<!tpu.dma_semaphore, #tpu.memory_space<semaphore_mem>>) src(%dma_wait3A_76 : memref<49952xf32, #tpu.memory_space<hbm>>) dst(%arg6 : memref<49952xf32, #tpu.memory_space<vmem>>)
    %scan3A_77 = arith.constant 0 : i32
    %scan3A_78 = arith.constant 0 : i32
    %scan3A_79 = arith.constant 64 : i32
    %scan3A_80 = arith.addi %scan3A_78, %scan3A_79 : i32
    %scan3A_81 = arith.constant 1 : i32
    scf.for %scan3A_1035 = %scan3A_78 to %scan3A_80 step %scan3A_81  : i32 {
      %mul3A_1036 = arith.constant 4 : i32
      %mul3A_1037 = arith.muli %scan3A_1035, %mul3A_1036 : i32
      %add3A_1038 = arith.constant 0 : i32
      %add3A_1039 = arith.addi %mul3A_1037, %add3A_1038 : i32
      %mul3A_1040 = arith.constant 16 : i32
      %mul3A_1041 = arith.muli %add3A_1039, %mul3A_1040 : i32
      %get3A = arith.index_cast %mul3A_1041 : i32 to index
      %get3A_1042 = tpu.vector_load %arg7[%get3A] {strides = array<i32>} : memref<4096xi32, #tpu.memory_space<vmem>>, vector<16xi32>,
      %ge3A = arith.constant 50048 : i32
      %ge3A_1043 = vector.broadcast %ge3A : i32 to vector<16xi32>
      %ge3A_1044 = arith.cmpi sge, %get3A_1042, %ge3A_1043 : vector<16xi32>
      %sub3A = arith.constant 50048 : i32
      %sub3A_1045 = vector.broadcast %sub3A : i32 to vector<16xi32>
      %sub3A_1046 = arith.subi %get3A_1042, %sub3A_1045 : vector<16xi32>
      %gather3A = tpu.vector_load_idx %arg6[%sub3A_1046] masked %ge3A_1044 : memref<49952xf32, #tpu.memory_space<vmem>>[vector<16xi32>], vector<16xf32>, vector<16xi1>
      %add3A_1047 = vector.broadcast %mul3A_1041 : i32 to vector<16xi32>
      %add3A_1048 = arith.addi %iota3A, %add3A_1047 : vector<16xi32>
      tpu.vector_store_idx %arg9[%add3A_1048], %gather3A masked %ge3A_1044 : memref<4096xf32, #tpu.memory_space<vmem>>[vector<16xi32>], vector<16xf32>, vector<16xi1>
      %mul3A_1049 = arith.constant 4 : i32
      %mul3A_1050 = arith.muli %scan3A_1035, %mul3A_1049 : i32
      %add3A_1051 = arith.constant 1 : i32
      %add3A_1052 = arith.addi %mul3A_1050, %add3A_1051 : i32
      %mul3A_1053 = arith.constant 16 : i32
      %mul3A_1054 = arith.muli %add3A_1052, %mul3A_1053 : i32
      %get3A_1055 = arith.index_cast %mul3A_1054 : i32 to index
      %get3A_1056 = tpu.vector_load %arg7[%get3A_1055] {strides = array<i32>} : memref<4096xi32, #tpu.memory_space<vmem>>, vector<16xi32>,
      %ge3A_1057 = arith.constant 50048 : i32
      %ge3A_1058 = vector.broadcast %ge3A_1057 : i32 to vector<16xi32>
      %ge3A_1059 = arith.cmpi sge, %get3A_1056, %ge3A_1058 : vector<16xi32>
      %sub3A_1060 = arith.constant 50048 : i32
      %sub3A_1061 = vector.broadcast %sub3A_1060 : i32 to vector<16xi32>
      %sub3A_1062 = arith.subi %get3A_1056, %sub3A_1061 : vector<16xi32>
      %gather3A_1063 = tpu.vector_load_idx %arg6[%sub3A_1062] masked %ge3A_1059 : memref<49952xf32, #tpu.memory_space<vmem>>[vector<16xi32>], vector<16xf32>, vector<16xi1>
      %add3A_1064 = vector.broadcast %mul3A_1054 : i32 to vector<16xi32>
      %add3A_1065 = arith.addi %iota3A, %add3A_1064 : vector<16xi32>
      tpu.vector_store_idx %arg9[%add3A_1065], %gather3A_1063 masked %ge3A_1059 : memref<4096xf32, #tpu.memory_space<vmem>>[vector<16xi32>], vector<16xf32>, vector<16xi1>
      %mul3A_1066 = arith.constant 4 : i32
      %mul3A_1067 = arith.muli %scan3A_1035, %mul3A_1066 : i32
      %add3A_1068 = arith.constant 2 : i32
      %add3A_1069 = arith.addi %mul3A_1067, %add3A_1068 : i32
      %mul3A_1070 = arith.constant 16 : i32
      %mul3A_1071 = arith.muli %add3A_1069, %mul3A_1070 : i32
      %get3A_1072 = arith.index_cast %mul3A_1071 : i32 to index
      %get3A_1073 = tpu.vector_load %arg7[%get3A_1072] {strides = array<i32>} : memref<4096xi32, #tpu.memory_space<vmem>>, vector<16xi32>,
      %ge3A_1074 = arith.constant 50048 : i32
      %ge3A_1075 = vector.broadcast %ge3A_1074 : i32 to vector<16xi32>
      %ge3A_1076 = arith.cmpi sge, %get3A_1073, %ge3A_1075 : vector<16xi32>
      %sub3A_1077 = arith.constant 50048 : i32
      %sub3A_1078 = vector.broadcast %sub3A_1077 : i32 to vector<16xi32>
      %sub3A_1079 = arith.subi %get3A_1073, %sub3A_1078 : vector<16xi32>
      %gather3A_1080 = tpu.vector_load_idx %arg6[%sub3A_1079] masked %ge3A_1076 : memref<49952xf32, #tpu.memory_space<vmem>>[vector<16xi32>], vector<16xf32>, vector<16xi1>
      %add3A_1081 = vector.broadcast %mul3A_1071 : i32 to vector<16xi32>
      %add3A_1082 = arith.addi %iota3A, %add3A_1081 : vector<16xi32>
      tpu.vector_store_idx %arg9[%add3A_1082], %gather3A_1080 masked %ge3A_1076 : memref<4096xf32, #tpu.memory_space<vmem>>[vector<16xi32>], vector<16xf32>, vector<16xi1>
      %mul3A_1083 = arith.constant 4 : i32
      %mul3A_1084 = arith.muli %scan3A_1035, %mul3A_1083 : i32
      %add3A_1085 = arith.constant 3 : i32
      %add3A_1086 = arith.addi %mul3A_1084, %add3A_1085 : i32
      %mul3A_1087 = arith.constant 16 : i32
      %mul3A_1088 = arith.muli %add3A_1086, %mul3A_1087 : i32
      %get3A_1089 = arith.index_cast %mul3A_1088 : i32 to index
      %get3A_1090 = tpu.vector_load %arg7[%get3A_1089] {strides = array<i32>} : memref<4096xi32, #tpu.memory_space<vmem>>, vector<16xi32>,
      %ge3A_1091 = arith.constant 50048 : i32
      %ge3A_1092 = vector.broadcast %ge3A_1091 : i32 to vector<16xi32>
      %ge3A_1093 = arith.cmpi sge, %get3A_1090, %ge3A_1092 : vector<16xi32>
      %sub3A_1094 = arith.constant 50048 : i32
      %sub3A_1095 = vector.broadcast %sub3A_1094 : i32 to vector<16xi32>
      %sub3A_1096 = arith.subi %get3A_1090, %sub3A_1095 : vector<16xi32>
      %gather3A_1097 = tpu.vector_load_idx %arg6[%sub3A_1096] masked %ge3A_1093 : memref<49952xf32, #tpu.memory_space<vmem>>[vector<16xi32>], vector<16xf32>, vector<16xi1>
      %add3A_1098 = vector.broadcast %mul3A_1088 : i32 to vector<16xi32>
      %add3A_1099 = arith.addi %iota3A, %add3A_1098 : vector<16xi32>
      tpu.vector_store_idx %arg9[%add3A_1099], %gather3A_1097 masked %ge3A_1093 : memref<4096xf32, #tpu.memory_space<vmem>>[vector<16xi32>], vector<16xf32>, vector<16xi1>
    }
    %scan3A_82 = arith.constant 64 : i32
    %dma_start3A_83 = arith.constant 0 : i32
    %dma_start3A_84 = tpu.memref_slice %arg4[%add3A_60, %arg1, %dma_start3A_83] : memref<26x16x4096xf32, #tpu.memory_space<hbm>> -> memref<1x1x4096xf32, #tpu.memory_space<hbm>>
    %dma_start3A_85 = tpu.memref_squeeze %dma_start3A_84 : memref<1x1x4096xf32, #tpu.memory_space<hbm>> -> memref<4096xf32, #tpu.memory_space<hbm>>
    %dma_start3A_86 = arith.constant 0 : i32
    %dma_start3A_87 = tpu.memref_slice %arg4[%add3A_60, %arg1, %dma_start3A_86] : memref<26x16x4096xf32, #tpu.memory_space<hbm>> -> memref<1x1x4096xf32, #tpu.memory_space<hbm>>
    %dma_start3A_88 = tpu.memref_squeeze %dma_start3A_87 : memref<1x1x4096xf32, #tpu.memory_space<hbm>> -> memref<4096xf32, #tpu.memory_space<hbm>>
    tpu.enqueue_dma source(%arg9 : memref<4096xf32, #tpu.memory_space<vmem>>) target(%dma_start3A_88 : memref<4096xf32, #tpu.memory_space<hbm>>) target_semaphore(%arg15 : memref<!tpu.dma_semaphore, #tpu.memory_space<semaphore_mem>>)
    %mul3A_89 = arith.constant 13 : i32
    %mul3A_90 = arith.muli %arg0, %mul3A_89 : i32
    %add3A_91 = arith.constant 1 : i32
    %add3A_92 = arith.addi %mul3A_90, %add3A_91 : i32
    %dma_wait3A_93 = arith.constant 0 : i32
    %dma_wait3A_94 = tpu.memref_slice %arg3[%add3A_29, %dma_wait3A_93] : memref<26x4096xi32, #tpu.memory_space<hbm>> -> memref<1x4096xi32, #tpu.memory_space<hbm>>
    %dma_wait3A_95 = tpu.memref_squeeze %dma_wait3A_94 : memref<1x4096xi32, #tpu.memory_space<hbm>> -> memref<4096xi32, #tpu.memory_space<hbm>>
    %dma_wait3A_96 = arith.constant 0 : i32
    %dma_wait3A_97 = tpu.memref_slice %arg3[%add3A_29, %dma_wait3A_96] : memref<26x4096xi32, #tpu.memory_space<hbm>> -> memref<1x4096xi32, #tpu.memory_space<hbm>>
    %dma_wait3A_98 = tpu.memref_squeeze %dma_wait3A_97 : memref<1x4096xi32, #tpu.memory_space<hbm>> -> memref<4096xi32, #tpu.memory_space<hbm>>
    tpu.wait_dma2 semaphore(%arg14 : memref<!tpu.dma_semaphore, #tpu.memory_space<semaphore_mem>>) src(%dma_wait3A_98 : memref<4096xi32, #tpu.memory_space<hbm>>) dst(%arg8 : memref<4096xi32, #tpu.memory_space<vmem>>)
    %mul3A_99 = arith.constant 13 : i32
    %mul3A_100 = arith.muli %arg0, %mul3A_99 : i32
    %add3A_101 = arith.constant 2 : i32
    %add3A_102 = arith.addi %mul3A_100, %add3A_101 : i32
    %dma_start3A_103 = arith.constant 0 : i32
    %dma_start3A_104 = tpu.memref_slice %arg3[%add3A_102, %dma_start3A_103] : memref<26x4096xi32, #tpu.memory_space<hbm>> -> memref<1x4096xi32, #tpu.memory_space<hbm>>
    %dma_start3A_105 = tpu.memref_squeeze %dma_start3A_104 : memref<1x4096xi32, #tpu.memory_space<hbm>> -> memref<4096xi32, #tpu.memory_space<hbm>>
    %dma_start3A_106 = arith.constant 0 : i32
    %dma_start3A_107 = tpu.memref_slice %arg3[%add3A_102, %dma_start3A_106] : memref<26x4096xi32, #tpu.memory_space<hbm>> -> memref<1x4096xi32, #tpu.memory_space<hbm>>
    %dma_start3A_108 = tpu.memref_squeeze %dma_start3A_107 : memref<1x4096xi32, #tpu.memory_space<hbm>> -> memref<4096xi32, #tpu.memory_space<hbm>>
    tpu.enqueue_dma source(%dma_start3A_108 : memref<4096xi32, #tpu.memory_space<hbm>>) target(%arg7 : memref<4096xi32, #tpu.memory_space<vmem>>) target_semaphore(%arg13 : memref<!tpu.dma_semaphore, #tpu.memory_space<semaphore_mem>>)
    %mul3A_109 = arith.constant 13 : i32
    %mul3A_110 = arith.muli %arg0, %mul3A_109 : i32
    %add3A_111 = arith.constant 1 : i32
    %add3A_112 = arith.addi %mul3A_110, %add3A_111 : i32
    %dma_start3A_113 = arith.constant 50048 : i32
    %dma_start3A_114 = tpu.memref_slice %arg2[%add3A_112, %arg1, %dma_start3A_113] : memref<26x16x100000xf32, #tpu.memory_space<hbm>> -> memref<1x1x49952xf32, #tpu.memory_space<hbm>>
    %dma_start3A_115 = tpu.memref_squeeze %dma_start3A_114 : memref<1x1x49952xf32, #tpu.memory_space<hbm>> -> memref<49952xf32, #tpu.memory_space<hbm>>
    %dma_start3A_116 = arith.constant 50048 : i32
    %dma_start3A_117 = tpu.memref_slice %arg2[%add3A_112, %arg1, %dma_start3A_116] : memref<26x16x100000xf32, #tpu.memory_space<hbm>> -> memref<1x1x49952xf32, #tpu.memory_space<hbm>>
    %dma_start3A_118 = tpu.memref_squeeze %dma_start3A_117 : memref<1x1x49952xf32, #tpu.memory_space<hbm>> -> memref<49952xf32, #tpu.memory_space<hbm>>
    tpu.enqueue_dma source(%dma_start3A_118 : memref<49952xf32, #tpu.memory_space<hbm>>) target(%arg6 : memref<49952xf32, #tpu.memory_space<vmem>>) target_semaphore(%arg12 : memref<!tpu.dma_semaphore, #tpu.memory_space<semaphore_mem>>)
    %dma_wait3A_119 = arith.constant 0 : i32
    %dma_wait3A_120 = tpu.memref_slice %arg2[%add3A_64, %arg1, %dma_wait3A_119] : memref<26x16x100000xf32, #tpu.memory_space<hbm>> -> memref<1x1x50048xf32, #tpu.memory_space<hbm>>
    %dma_wait3A_121 = tpu.memref_squeeze %dma_wait3A_120 : memref<1x1x50048xf32, #tpu.memory_space<hbm>> -> memref<50048xf32, #tpu.memory_space<hbm>>
    %dma_wait3A_122 = arith.constant 0 : i32
    %dma_wait3A_123 = tpu.memref_slice %arg2[%add3A_64, %arg1, %dma_wait3A_122] : memref<26x16x100000xf32, #tpu.memory_space<hbm>> -> memref<1x1x50048xf32, #tpu.memory_space<hbm>>
    %dma_wait3A_124 = tpu.memref_squeeze %dma_wait3A_123 : memref<1x1x50048xf32, #tpu.memory_space<hbm>> -> memref<50048xf32, #tpu.memory_space<hbm>>
    tpu.wait_dma2 semaphore(%arg11 : memref<!tpu.dma_semaphore, #tpu.memory_space<semaphore_mem>>) src(%dma_wait3A_124 : memref<50048xf32, #tpu.memory_space<hbm>>) dst(%arg5 : memref<50048xf32, #tpu.memory_space<vmem>>)
    %scan3A_125 = arith.constant 0 : i32
    %scan3A_126 = arith.constant 0 : i32
    %scan3A_127 = arith.constant 64 : i32
    %scan3A_128 = arith.addi %scan3A_126, %scan3A_127 : i32
    %scan3A_129 = arith.constant 1 : i32
    scf.for %scan3A_1035 = %scan3A_126 to %scan3A_128 step %scan3A_129  : i32 {
      %mul3A_1036 = arith.constant 4 : i32
      %mul3A_1037 = arith.muli %scan3A_1035, %mul3A_1036 : i32
      %add3A_1038 = arith.constant 0 : i32
      %add3A_1039 = arith.addi %mul3A_1037, %add3A_1038 : i32
      %mul3A_1040 = arith.constant 16 : i32
      %mul3A_1041 = arith.muli %add3A_1039, %mul3A_1040 : i32
      %get3A = arith.index_cast %mul3A_1041 : i32 to index
      %get3A_1042 = tpu.vector_load %arg8[%get3A] {strides = array<i32>} : memref<4096xi32, #tpu.memory_space<vmem>>, vector<16xi32>,
      %lt3A = arith.constant 50048 : i32
      %lt3A_1043 = vector.broadcast %lt3A : i32 to vector<16xi32>
      %lt3A_1044 = arith.cmpi slt, %get3A_1042, %lt3A_1043 : vector<16xi32>
      %gather3A = tpu.vector_load_idx %arg5[%get3A_1042] masked %lt3A_1044 : memref<50048xf32, #tpu.memory_space<vmem>>[vector<16xi32>], vector<16xf32>, vector<16xi1>
      %add3A_1045 = vector.broadcast %mul3A_1041 : i32 to vector<16xi32>
      %add3A_1046 = arith.addi %iota3A, %add3A_1045 : vector<16xi32>
      tpu.vector_store_idx %arg10[%add3A_1046], %gather3A masked %lt3A_1044 : memref<4096xf32, #tpu.memory_space<vmem>>[vector<16xi32>], vector<16xf32>, vector<16xi1>
      %mul3A_1047 = arith.constant 4 : i32
      %mul3A_1048 = arith.muli %scan3A_1035, %mul3A_1047 : i32
      %add3A_1049 = arith.constant 1 : i32
      %add3A_1050 = arith.addi %mul3A_1048, %add3A_1049 : i32
      %mul3A_1051 = arith.constant 16 : i32
      %mul3A_1052 = arith.muli %add3A_1050, %mul3A_1051 : i32
      %get3A_1053 = arith.index_cast %mul3A_1052 : i32 to index
      %get3A_1054 = tpu.vector_load %arg8[%get3A_1053] {strides = array<i32>} : memref<4096xi32, #tpu.memory_space<vmem>>, vector<16xi32>,
      %lt3A_1055 = arith.constant 50048 : i32
      %lt3A_1056 = vector.broadcast %lt3A_1055 : i32 to vector<16xi32>
      %lt3A_1057 = arith.cmpi slt, %get3A_1054, %lt3A_1056 : vector<16xi32>
      %gather3A_1058 = tpu.vector_load_idx %arg5[%get3A_1054] masked %lt3A_1057 : memref<50048xf32, #tpu.memory_space<vmem>>[vector<16xi32>], vector<16xf32>, vector<16xi1>
      %add3A_1059 = vector.broadcast %mul3A_1052 : i32 to vector<16xi32>
      %add3A_1060 = arith.addi %iota3A, %add3A_1059 : vector<16xi32>
      tpu.vector_store_idx %arg10[%add3A_1060], %gather3A_1058 masked %lt3A_1057 : memref<4096xf32, #tpu.memory_space<vmem>>[vector<16xi32>], vector<16xf32>, vector<16xi1>
      %mul3A_1061 = arith.constant 4 : i32
      %mul3A_1062 = arith.muli %scan3A_1035, %mul3A_1061 : i32
      %add3A_1063 = arith.constant 2 : i32
      %add3A_1064 = arith.addi %mul3A_1062, %add3A_1063 : i32
      %mul3A_1065 = arith.constant 16 : i32
      %mul3A_1066 = arith.muli %add3A_1064, %mul3A_1065 : i32
      %get3A_1067 = arith.index_cast %mul3A_1066 : i32 to index
      %get3A_1068 = tpu.vector_load %arg8[%get3A_1067] {strides = array<i32>} : memref<4096xi32, #tpu.memory_space<vmem>>, vector<16xi32>,
      %lt3A_1069 = arith.constant 50048 : i32
      %lt3A_1070 = vector.broadcast %lt3A_1069 : i32 to vector<16xi32>
      %lt3A_1071 = arith.cmpi slt, %get3A_1068, %lt3A_1070 : vector<16xi32>
      %gather3A_1072 = tpu.vector_load_idx %arg5[%get3A_1068] masked %lt3A_1071 : memref<50048xf32, #tpu.memory_space<vmem>>[vector<16xi32>], vector<16xf32>, vector<16xi1>
      %add3A_1073 = vector.broadcast %mul3A_1066 : i32 to vector<16xi32>
      %add3A_1074 = arith.addi %iota3A, %add3A_1073 : vector<16xi32>
      tpu.vector_store_idx %arg10[%add3A_1074], %gather3A_1072 masked %lt3A_1071 : memref<4096xf32, #tpu.memory_space<vmem>>[vector<16xi32>], vector<16xf32>, vector<16xi1>
      %mul3A_1075 = arith.constant 4 : i32
      %mul3A_1076 = arith.muli %scan3A_1035, %mul3A_1075 : i32
      %add3A_1077 = arith.constant 3 : i32
      %add3A_1078 = arith.addi %mul3A_1076, %add3A_1077 : i32
      %mul3A_1079 = arith.constant 16 : i32
      %mul3A_1080 = arith.muli %add3A_1078, %mul3A_1079 : i32
      %get3A_1081 = arith.index_cast %mul3A_1080 : i32 to index
      %get3A_1082 = tpu.vector_load %arg8[%get3A_1081] {strides = array<i32>} : memref<4096xi32, #tpu.memory_space<vmem>>, vector<16xi32>,
      %lt3A_1083 = arith.constant 50048 : i32
      %lt3A_1084 = vector.broadcast %lt3A_1083 : i32 to vector<16xi32>
      %lt3A_1085 = arith.cmpi slt, %get3A_1082, %lt3A_1084 : vector<16xi32>
      %gather3A_1086 = tpu.vector_load_idx %arg5[%get3A_1082] masked %lt3A_1085 : memref<50048xf32, #tpu.memory_space<vmem>>[vector<16xi32>], vector<16xf32>, vector<16xi1>
      %add3A_1087 = vector.broadcast %mul3A_1080 : i32 to vector<16xi32>
      %add3A_1088 = arith.addi %iota3A, %add3A_1087 : vector<16xi32>
      tpu.vector_store_idx %arg10[%add3A_1088], %gather3A_1086 masked %lt3A_1085 : memref<4096xf32, #tpu.memory_space<vmem>>[vector<16xi32>], vector<16xf32>, vector<16xi1>
    }
    %scan3A_130 = arith.constant 64 : i32
    %mul3A_131 = arith.constant 13 : i32
    %mul3A_132 = arith.muli %arg0, %mul3A_131 : i32
    %add3A_133 = arith.constant 1 : i32
    %add3A_134 = arith.addi %mul3A_132, %add3A_133 : i32
    %mul3A_135 = arith.constant 13 : i32
    %mul3A_136 = arith.muli %arg0, %mul3A_135 : i32
    %add3A_137 = arith.constant 2 : i32
    %add3A_138 = arith.addi %mul3A_136, %add3A_137 : i32
    %dma_start3A_139 = arith.constant 0 : i32
    %dma_start3A_140 = tpu.memref_slice %arg2[%add3A_138, %arg1, %dma_start3A_139] : memref<26x16x100000xf32, #tpu.memory_space<hbm>> -> memref<1x1x50048xf32, #tpu.memory_space<hbm>>
    %dma_start3A_141 = tpu.memref_squeeze %dma_start3A_140 : memref<1x1x50048xf32, #tpu.memory_space<hbm>> -> memref<50048xf32, #tpu.memory_space<hbm>>
    %dma_start3A_142 = arith.constant 0 : i32
    %dma_start3A_143 = tpu.memref_slice %arg2[%add3A_138, %arg1, %dma_start3A_142] : memref<26x16x100000xf32, #tpu.memory_space<hbm>> -> memref<1x1x50048xf32, #tpu.memory_space<hbm>>
    %dma_start3A_144 = tpu.memref_squeeze %dma_start3A_143 : memref<1x1x50048xf32, #tpu.memory_space<hbm>> -> memref<50048xf32, #tpu.memory_space<hbm>>
    tpu.enqueue_dma source(%dma_start3A_144 : memref<50048xf32, #tpu.memory_space<hbm>>) target(%arg5 : memref<50048xf32, #tpu.memory_space<vmem>>) target_semaphore(%arg11 : memref<!tpu.dma_semaphore, #tpu.memory_space<semaphore_mem>>)
    %dma_wait3A_145 = arith.constant 50048 : i32
    %dma_wait3A_146 = tpu.memref_slice %arg2[%add3A_112, %arg1, %dma_wait3A_145] : memref<26x16x100000xf32, #tpu.memory_space<hbm>> -> memref<1x1x49952xf32, #tpu.memory_space<hbm>>
    %dma_wait3A_147 = tpu.memref_squeeze %dma_wait3A_146 : memref<1x1x49952xf32, #tpu.memory_space<hbm>> -> memref<49952xf32, #tpu.memory_space<hbm>>
    %dma_wait3A_148 = arith.constant 50048 : i32
    %dma_wait3A_149 = tpu.memref_slice %arg2[%add3A_112, %arg1, %dma_wait3A_148] : memref<26x16x100000xf32, #tpu.memory_space<hbm>> -> memref<1x1x49952xf32, #tpu.memory_space<hbm>>
    %dma_wait3A_150 = tpu.memref_squeeze %dma_wait3A_149 : memref<1x1x49952xf32, #tpu.memory_space<hbm>> -> memref<49952xf32, #tpu.memory_space<hbm>>
    tpu.wait_dma2 semaphore(%arg12 : memref<!tpu.dma_semaphore, #tpu.memory_space<semaphore_mem>>) src(%dma_wait3A_150 : memref<49952xf32, #tpu.memory_space<hbm>>) dst(%arg6 : memref<49952xf32, #tpu.memory_space<vmem>>)
    %scan3A_151 = arith.constant 0 : i32
    %scan3A_152 = arith.constant 0 : i32
    %scan3A_153 = arith.constant 64 : i32
    %scan3A_154 = arith.addi %scan3A_152, %scan3A_153 : i32
    %scan3A_155 = arith.constant 1 : i32
    scf.for %scan3A_1035 = %scan3A_152 to %scan3A_154 step %scan3A_155  : i32 {
      %mul3A_1036 = arith.constant 4 : i32
      %mul3A_1037 = arith.muli %scan3A_1035, %mul3A_1036 : i32
      %add3A_1038 = arith.constant 0 : i32
      %add3A_1039 = arith.addi %mul3A_1037, %add3A_1038 : i32
      %mul3A_1040 = arith.constant 16 : i32
      %mul3A_1041 = arith.muli %add3A_1039, %mul3A_1040 : i32
      %get3A = arith.index_cast %mul3A_1041 : i32 to index
      %get3A_1042 = tpu.vector_load %arg8[%get3A] {strides = array<i32>} : memref<4096xi32, #tpu.memory_space<vmem>>, vector<16xi32>,
      %ge3A = arith.constant 50048 : i32
      %ge3A_1043 = vector.broadcast %ge3A : i32 to vector<16xi32>
      %ge3A_1044 = arith.cmpi sge, %get3A_1042, %ge3A_1043 : vector<16xi32>
      %sub3A = arith.constant 50048 : i32
      %sub3A_1045 = vector.broadcast %sub3A : i32 to vector<16xi32>
      %sub3A_1046 = arith.subi %get3A_1042, %sub3A_1045 : vector<16xi32>
      %gather3A = tpu.vector_load_idx %arg6[%sub3A_1046] masked %ge3A_1044 : memref<49952xf32, #tpu.memory_space<vmem>>[vector<16xi32>], vector<16xf32>, vector<16xi1>
      %add3A_1047 = vector.broadcast %mul3A_1041 : i32 to vector<16xi32>
      %add3A_1048 = arith.addi %iota3A, %add3A_1047 : vector<16xi32>
      tpu.vector_store_idx %arg10[%add3A_1048], %gather3A masked %ge3A_1044 : memref<4096xf32, #tpu.memory_space<vmem>>[vector<16xi32>], vector<16xf32>, vector<16xi1>
      %mul3A_1049 = arith.constant 4 : i32
      %mul3A_1050 = arith.muli %scan3A_1035, %mul3A_1049 : i32
      %add3A_1051 = arith.constant 1 : i32
      %add3A_1052 = arith.addi %mul3A_1050, %add3A_1051 : i32
      %mul3A_1053 = arith.constant 16 : i32
      %mul3A_1054 = arith.muli %add3A_1052, %mul3A_1053 : i32
      %get3A_1055 = arith.index_cast %mul3A_1054 : i32 to index
      %get3A_1056 = tpu.vector_load %arg8[%get3A_1055] {strides = array<i32>} : memref<4096xi32, #tpu.memory_space<vmem>>, vector<16xi32>,
      %ge3A_1057 = arith.constant 50048 : i32
      %ge3A_1058 = vector.broadcast %ge3A_1057 : i32 to vector<16xi32>
      %ge3A_1059 = arith.cmpi sge, %get3A_1056, %ge3A_1058 : vector<16xi32>
      %sub3A_1060 = arith.constant 50048 : i32
      %sub3A_1061 = vector.broadcast %sub3A_1060 : i32 to vector<16xi32>
      %sub3A_1062 = arith.subi %get3A_1056, %sub3A_1061 : vector<16xi32>
      %gather3A_1063 = tpu.vector_load_idx %arg6[%sub3A_1062] masked %ge3A_1059 : memref<49952xf32, #tpu.memory_space<vmem>>[vector<16xi32>], vector<16xf32>, vector<16xi1>
      %add3A_1064 = vector.broadcast %mul3A_1054 : i32 to vector<16xi32>
      %add3A_1065 = arith.addi %iota3A, %add3A_1064 : vector<16xi32>
      tpu.vector_store_idx %arg10[%add3A_1065], %gather3A_1063 masked %ge3A_1059 : memref<4096xf32, #tpu.memory_space<vmem>>[vector<16xi32>], vector<16xf32>, vector<16xi1>
      %mul3A_1066 = arith.constant 4 : i32
      %mul3A_1067 = arith.muli %scan3A_1035, %mul3A_1066 : i32
      %add3A_1068 = arith.constant 2 : i32
      %add3A_1069 = arith.addi %mul3A_1067, %add3A_1068 : i32
      %mul3A_1070 = arith.constant 16 : i32
      %mul3A_1071 = arith.muli %add3A_1069, %mul3A_1070 : i32
      %get3A_1072 = arith.index_cast %mul3A_1071 : i32 to index
      %get3A_1073 = tpu.vector_load %arg8[%get3A_1072] {strides = array<i32>} : memref<4096xi32, #tpu.memory_space<vmem>>, vector<16xi32>,
      %ge3A_1074 = arith.constant 50048 : i32
      %ge3A_1075 = vector.broadcast %ge3A_1074 : i32 to vector<16xi32>
      %ge3A_1076 = arith.cmpi sge, %get3A_1073, %ge3A_1075 : vector<16xi32>
      %sub3A_1077 = arith.constant 50048 : i32
      %sub3A_1078 = vector.broadcast %sub3A_1077 : i32 to vector<16xi32>
      %sub3A_1079 = arith.subi %get3A_1073, %sub3A_1078 : vector<16xi32>
      %gather3A_1080 = tpu.vector_load_idx %arg6[%sub3A_1079] masked %ge3A_1076 : memref<49952xf32, #tpu.memory_space<vmem>>[vector<16xi32>], vector<16xf32>, vector<16xi1>
      %add3A_1081 = vector.broadcast %mul3A_1071 : i32 to vector<16xi32>
      %add3A_1082 = arith.addi %iota3A, %add3A_1081 : vector<16xi32>
      tpu.vector_store_idx %arg10[%add3A_1082], %gather3A_1080 masked %ge3A_1076 : memref<4096xf32, #tpu.memory_space<vmem>>[vector<16xi32>], vector<16xf32>, vector<16xi1>
      %mul3A_1083 = arith.constant 4 : i32
      %mul3A_1084 = arith.muli %scan3A_1035, %mul3A_1083 : i32
      %add3A_1085 = arith.constant 3 : i32
      %add3A_1086 = arith.addi %mul3A_1084, %add3A_1085 : i32
      %mul3A_1087 = arith.constant 16 : i32
      %mul3A_1088 = arith.muli %add3A_1086, %mul3A_1087 : i32
      %get3A_1089 = arith.index_cast %mul3A_1088 : i32 to index
      %get3A_1090 = tpu.vector_load %arg8[%get3A_1089] {strides = array<i32>} : memref<4096xi32, #tpu.memory_space<vmem>>, vector<16xi32>,
      %ge3A_1091 = arith.constant 50048 : i32
      %ge3A_1092 = vector.broadcast %ge3A_1091 : i32 to vector<16xi32>
      %ge3A_1093 = arith.cmpi sge, %get3A_1090, %ge3A_1092 : vector<16xi32>
      %sub3A_1094 = arith.constant 50048 : i32
      %sub3A_1095 = vector.broadcast %sub3A_1094 : i32 to vector<16xi32>
      %sub3A_1096 = arith.subi %get3A_1090, %sub3A_1095 : vector<16xi32>
      %gather3A_1097 = tpu.vector_load_idx %arg6[%sub3A_1096] masked %ge3A_1093 : memref<49952xf32, #tpu.memory_space<vmem>>[vector<16xi32>], vector<16xf32>, vector<16xi1>
      %add3A_1098 = vector.broadcast %mul3A_1088 : i32 to vector<16xi32>
      %add3A_1099 = arith.addi %iota3A, %add3A_1098 : vector<16xi32>
      tpu.vector_store_idx %arg10[%add3A_1099], %gather3A_1097 masked %ge3A_1093 : memref<4096xf32, #tpu.memory_space<vmem>>[vector<16xi32>], vector<16xf32>, vector<16xi1>
    }
    %scan3A_156 = arith.constant 64 : i32
    %dma_start3A_157 = arith.constant 0 : i32
    %dma_start3A_158 = tpu.memref_slice %arg4[%add3A_134, %arg1, %dma_start3A_157] : memref<26x16x4096xf32, #tpu.memory_space<hbm>> -> memref<1x1x4096xf32, #tpu.memory_space<hbm>>
    %dma_start3A_159 = tpu.memref_squeeze %dma_start3A_158 : memref<1x1x4096xf32, #tpu.memory_space<hbm>> -> memref<4096xf32, #tpu.memory_space<hbm>>
    %dma_start3A_160 = arith.constant 0 : i32
    %dma_start3A_161 = tpu.memref_slice %arg4[%add3A_134, %arg1, %dma_start3A_160] : memref<26x16x4096xf32, #tpu.memory_space<hbm>> -> memref<1x1x4096xf32, #tpu.memory_space<hbm>>
    %dma_start3A_162 = tpu.memref_squeeze %dma_start3A_161 : memref<1x1x4096xf32, #tpu.memory_space<hbm>> -> memref<4096xf32, #tpu.memory_space<hbm>>
    tpu.enqueue_dma source(%arg10 : memref<4096xf32, #tpu.memory_space<vmem>>) target(%dma_start3A_162 : memref<4096xf32, #tpu.memory_space<hbm>>) target_semaphore(%arg16 : memref<!tpu.dma_semaphore, #tpu.memory_space<semaphore_mem>>)
    %mul3A_163 = arith.constant 13 : i32
    %mul3A_164 = arith.muli %arg0, %mul3A_163 : i32
    %add3A_165 = arith.constant 2 : i32
    %add3A_166 = arith.addi %mul3A_164, %add3A_165 : i32
    %dma_wait3A_167 = arith.constant 0 : i32
    %dma_wait3A_168 = tpu.memref_slice %arg3[%add3A_102, %dma_wait3A_167] : memref<26x4096xi32, #tpu.memory_space<hbm>> -> memref<1x4096xi32, #tpu.memory_space<hbm>>
    %dma_wait3A_169 = tpu.memref_squeeze %dma_wait3A_168 : memref<1x4096xi32, #tpu.memory_space<hbm>> -> memref<4096xi32, #tpu.memory_space<hbm>>
    %dma_wait3A_170 = arith.constant 0 : i32
    %dma_wait3A_171 = tpu.memref_slice %arg3[%add3A_102, %dma_wait3A_170] : memref<26x4096xi32, #tpu.memory_space<hbm>> -> memref<1x4096xi32, #tpu.memory_space<hbm>>
    %dma_wait3A_172 = tpu.memref_squeeze %dma_wait3A_171 : memref<1x4096xi32, #tpu.memory_space<hbm>> -> memref<4096xi32, #tpu.memory_space<hbm>>
    tpu.wait_dma2 semaphore(%arg13 : memref<!tpu.dma_semaphore, #tpu.memory_space<semaphore_mem>>) src(%dma_wait3A_172 : memref<4096xi32, #tpu.memory_space<hbm>>) dst(%arg7 : memref<4096xi32, #tpu.memory_space<vmem>>)
    %mul3A_173 = arith.constant 13 : i32
    %mul3A_174 = arith.muli %arg0, %mul3A_173 : i32
    %add3A_175 = arith.constant 3 : i32
    %add3A_176 = arith.addi %mul3A_174, %add3A_175 : i32
    %dma_start3A_177 = arith.constant 0 : i32
    %dma_start3A_178 = tpu.memref_slice %arg3[%add3A_176, %dma_start3A_177] : memref<26x4096xi32, #tpu.memory_space<hbm>> -> memref<1x4096xi32, #tpu.memory_space<hbm>>
    %dma_start3A_179 = tpu.memref_squeeze %dma_start3A_178 : memref<1x4096xi32, #tpu.memory_space<hbm>> -> memref<4096xi32, #tpu.memory_space<hbm>>
    %dma_start3A_180 = arith.constant 0 : i32
    %dma_start3A_181 = tpu.memref_slice %arg3[%add3A_176, %dma_start3A_180] : memref<26x4096xi32, #tpu.memory_space<hbm>> -> memref<1x4096xi32, #tpu.memory_space<hbm>>
    %dma_start3A_182 = tpu.memref_squeeze %dma_start3A_181 : memref<1x4096xi32, #tpu.memory_space<hbm>> -> memref<4096xi32, #tpu.memory_space<hbm>>
    tpu.enqueue_dma source(%dma_start3A_182 : memref<4096xi32, #tpu.memory_space<hbm>>) target(%arg8 : memref<4096xi32, #tpu.memory_space<vmem>>) target_semaphore(%arg14 : memref<!tpu.dma_semaphore, #tpu.memory_space<semaphore_mem>>)
    %dma_wait3A_183 = arith.constant 0 : i32
    %dma_wait3A_184 = tpu.memref_slice %arg4[%add3A_60, %arg1, %dma_wait3A_183] : memref<26x16x4096xf32, #tpu.memory_space<hbm>> -> memref<1x1x4096xf32, #tpu.memory_space<hbm>>
    %dma_wait3A_185 = tpu.memref_squeeze %dma_wait3A_184 : memref<1x1x4096xf32, #tpu.memory_space<hbm>> -> memref<4096xf32, #tpu.memory_space<hbm>>
    %dma_wait3A_186 = arith.constant 0 : i32
    %dma_wait3A_187 = tpu.memref_slice %arg4[%add3A_60, %arg1, %dma_wait3A_186] : memref<26x16x4096xf32, #tpu.memory_space<hbm>> -> memref<1x1x4096xf32, #tpu.memory_space<hbm>>
    %dma_wait3A_188 = tpu.memref_squeeze %dma_wait3A_187 : memref<1x1x4096xf32, #tpu.memory_space<hbm>> -> memref<4096xf32, #tpu.memory_space<hbm>>
    tpu.wait_dma2 semaphore(%arg15 : memref<!tpu.dma_semaphore, #tpu.memory_space<semaphore_mem>>) src(%arg9 : memref<4096xf32, #tpu.memory_space<vmem>>) dst(%dma_wait3A_188 : memref<4096xf32, #tpu.memory_space<hbm>>)
    %mul3A_189 = arith.constant 13 : i32
    %mul3A_190 = arith.muli %arg0, %mul3A_189 : i32
    %add3A_191 = arith.constant 2 : i32
    %add3A_192 = arith.addi %mul3A_190, %add3A_191 : i32
    %dma_start3A_193 = arith.constant 50048 : i32
    %dma_start3A_194 = tpu.memref_slice %arg2[%add3A_192, %arg1, %dma_start3A_193] : memref<26x16x100000xf32, #tpu.memory_space<hbm>> -> memref<1x1x49952xf32, #tpu.memory_space<hbm>>
    %dma_start3A_195 = tpu.memref_squeeze %dma_start3A_194 : memref<1x1x49952xf32, #tpu.memory_space<hbm>> -> memref<49952xf32, #tpu.memory_space<hbm>>
    %dma_start3A_196 = arith.constant 50048 : i32
    %dma_start3A_197 = tpu.memref_slice %arg2[%add3A_192, %arg1, %dma_start3A_196] : memref<26x16x100000xf32, #tpu.memory_space<hbm>> -> memref<1x1x49952xf32, #tpu.memory_space<hbm>>
    %dma_start3A_198 = tpu.memref_squeeze %dma_start3A_197 : memref<1x1x49952xf32, #tpu.memory_space<hbm>> -> memref<49952xf32, #tpu.memory_space<hbm>>
    tpu.enqueue_dma source(%dma_start3A_198 : memref<49952xf32, #tpu.memory_space<hbm>>) target(%arg6 : memref<49952xf32, #tpu.memory_space<vmem>>) target_semaphore(%arg12 : memref<!tpu.dma_semaphore, #tpu.memory_space<semaphore_mem>>)
    %dma_wait3A_199 = arith.constant 0 : i32
    %dma_wait3A_200 = tpu.memref_slice %arg2[%add3A_138, %arg1, %dma_wait3A_199] : memref<26x16x100000xf32, #tpu.memory_space<hbm>> -> memref<1x1x50048xf32, #tpu.memory_space<hbm>>
    %dma_wait3A_201 = tpu.memref_squeeze %dma_wait3A_200 : memref<1x1x50048xf32, #tpu.memory_space<hbm>> -> memref<50048xf32, #tpu.memory_space<hbm>>
    %dma_wait3A_202 = arith.constant 0 : i32
    %dma_wait3A_203 = tpu.memref_slice %arg2[%add3A_138, %arg1, %dma_wait3A_202] : memref<26x16x100000xf32, #tpu.memory_space<hbm>> -> memref<1x1x50048xf32, #tpu.memory_space<hbm>>
    %dma_wait3A_204 = tpu.memref_squeeze %dma_wait3A_203 : memref<1x1x50048xf32, #tpu.memory_space<hbm>> -> memref<50048xf32, #tpu.memory_space<hbm>>
    tpu.wait_dma2 semaphore(%arg11 : memref<!tpu.dma_semaphore, #tpu.memory_space<semaphore_mem>>) src(%dma_wait3A_204 : memref<50048xf32, #tpu.memory_space<hbm>>) dst(%arg5 : memref<50048xf32, #tpu.memory_space<vmem>>)
    %scan3A_205 = arith.constant 0 : i32
    %scan3A_206 = arith.constant 0 : i32
    %scan3A_207 = arith.constant 64 : i32
    %scan3A_208 = arith.addi %scan3A_206, %scan3A_207 : i32
    %scan3A_209 = arith.constant 1 : i32
    scf.for %scan3A_1035 = %scan3A_206 to %scan3A_208 step %scan3A_209  : i32 {
      %mul3A_1036 = arith.constant 4 : i32
      %mul3A_1037 = arith.muli %scan3A_1035, %mul3A_1036 : i32
      %add3A_1038 = arith.constant 0 : i32
      %add3A_1039 = arith.addi %mul3A_1037, %add3A_1038 : i32
      %mul3A_1040 = arith.constant 16 : i32
      %mul3A_1041 = arith.muli %add3A_1039, %mul3A_1040 : i32
      %get3A = arith.index_cast %mul3A_1041 : i32 to index
      %get3A_1042 = tpu.vector_load %arg7[%get3A] {strides = array<i32>} : memref<4096xi32, #tpu.memory_space<vmem>>, vector<16xi32>,
      %lt3A = arith.constant 50048 : i32
      %lt3A_1043 = vector.broadcast %lt3A : i32 to vector<16xi32>
      %lt3A_1044 = arith.cmpi slt, %get3A_1042, %lt3A_1043 : vector<16xi32>
      %gather3A = tpu.vector_load_idx %arg5[%get3A_1042] masked %lt3A_1044 : memref<50048xf32, #tpu.memory_space<vmem>>[vector<16xi32>], vector<16xf32>, vector<16xi1>
      %add3A_1045 = vector.broadcast %mul3A_1041 : i32 to vector<16xi32>
      %add3A_1046 = arith.addi %iota3A, %add3A_1045 : vector<16xi32>
      tpu.vector_store_idx %arg9[%add3A_1046], %gather3A masked %lt3A_1044 : memref<4096xf32, #tpu.memory_space<vmem>>[vector<16xi32>], vector<16xf32>, vector<16xi1>
      %mul3A_1047 = arith.constant 4 : i32
      %mul3A_1048 = arith.muli %scan3A_1035, %mul3A_1047 : i32
      %add3A_1049 = arith.constant 1 : i32
      %add3A_1050 = arith.addi %mul3A_1048, %add3A_1049 : i32
      %mul3A_1051 = arith.constant 16 : i32
      %mul3A_1052 = arith.muli %add3A_1050, %mul3A_1051 : i32
      %get3A_1053 = arith.index_cast %mul3A_1052 : i32 to index
      %get3A_1054 = tpu.vector_load %arg7[%get3A_1053] {strides = array<i32>} : memref<4096xi32, #tpu.memory_space<vmem>>, vector<16xi32>,
      %lt3A_1055 = arith.constant 50048 : i32
      %lt3A_1056 = vector.broadcast %lt3A_1055 : i32 to vector<16xi32>
      %lt3A_1057 = arith.cmpi slt, %get3A_1054, %lt3A_1056 : vector<16xi32>
      %gather3A_1058 = tpu.vector_load_idx %arg5[%get3A_1054] masked %lt3A_1057 : memref<50048xf32, #tpu.memory_space<vmem>>[vector<16xi32>], vector<16xf32>, vector<16xi1>
      %add3A_1059 = vector.broadcast %mul3A_1052 : i32 to vector<16xi32>
      %add3A_1060 = arith.addi %iota3A, %add3A_1059 : vector<16xi32>
      tpu.vector_store_idx %arg9[%add3A_1060], %gather3A_1058 masked %lt3A_1057 : memref<4096xf32, #tpu.memory_space<vmem>>[vector<16xi32>], vector<16xf32>, vector<16xi1>
      %mul3A_1061 = arith.constant 4 : i32
      %mul3A_1062 = arith.muli %scan3A_1035, %mul3A_1061 : i32
      %add3A_1063 = arith.constant 2 : i32
      %add3A_1064 = arith.addi %mul3A_1062, %add3A_1063 : i32
      %mul3A_1065 = arith.constant 16 : i32
      %mul3A_1066 = arith.muli %add3A_1064, %mul3A_1065 : i32
      %get3A_1067 = arith.index_cast %mul3A_1066 : i32 to index
      %get3A_1068 = tpu.vector_load %arg7[%get3A_1067] {strides = array<i32>} : memref<4096xi32, #tpu.memory_space<vmem>>, vector<16xi32>,
      %lt3A_1069 = arith.constant 50048 : i32
      %lt3A_1070 = vector.broadcast %lt3A_1069 : i32 to vector<16xi32>
      %lt3A_1071 = arith.cmpi slt, %get3A_1068, %lt3A_1070 : vector<16xi32>
      %gather3A_1072 = tpu.vector_load_idx %arg5[%get3A_1068] masked %lt3A_1071 : memref<50048xf32, #tpu.memory_space<vmem>>[vector<16xi32>], vector<16xf32>, vector<16xi1>
      %add3A_1073 = vector.broadcast %mul3A_1066 : i32 to vector<16xi32>
      %add3A_1074 = arith.addi %iota3A, %add3A_1073 : vector<16xi32>
      tpu.vector_store_idx %arg9[%add3A_1074], %gather3A_1072 masked %lt3A_1071 : memref<4096xf32, #tpu.memory_space<vmem>>[vector<16xi32>], vector<16xf32>, vector<16xi1>
      %mul3A_1075 = arith.constant 4 : i32
      %mul3A_1076 = arith.muli %scan3A_1035, %mul3A_1075 : i32
      %add3A_1077 = arith.constant 3 : i32
      %add3A_1078 = arith.addi %mul3A_1076, %add3A_1077 : i32
      %mul3A_1079 = arith.constant 16 : i32
      %mul3A_1080 = arith.muli %add3A_1078, %mul3A_1079 : i32
      %get3A_1081 = arith.index_cast %mul3A_1080 : i32 to index
      %get3A_1082 = tpu.vector_load %arg7[%get3A_1081] {strides = array<i32>} : memref<4096xi32, #tpu.memory_space<vmem>>, vector<16xi32>,
      %lt3A_1083 = arith.constant 50048 : i32
      %lt3A_1084 = vector.broadcast %lt3A_1083 : i32 to vector<16xi32>
      %lt3A_1085 = arith.cmpi slt, %get3A_1082, %lt3A_1084 : vector<16xi32>
      %gather3A_1086 = tpu.vector_load_idx %arg5[%get3A_1082] masked %lt3A_1085 : memref<50048xf32, #tpu.memory_space<vmem>>[vector<16xi32>], vector<16xf32>, vector<16xi1>
      %add3A_1087 = vector.broadcast %mul3A_1080 : i32 to vector<16xi32>
      %add3A_1088 = arith.addi %iota3A, %add3A_1087 : vector<16xi32>
      tpu.vector_store_idx %arg9[%add3A_1088], %gather3A_1086 masked %lt3A_1085 : memref<4096xf32, #tpu.memory_space<vmem>>[vector<16xi32>], vector<16xf32>, vector<16xi1>
    }
    %scan3A_210 = arith.constant 64 : i32
    %mul3A_211 = arith.constant 13 : i32
    %mul3A_212 = arith.muli %arg0, %mul3A_211 : i32
    %add3A_213 = arith.constant 2 : i32
    %add3A_214 = arith.addi %mul3A_212, %add3A_213 : i32
    %mul3A_215 = arith.constant 13 : i32
    %mul3A_216 = arith.muli %arg0, %mul3A_215 : i32
    %add3A_217 = arith.constant 3 : i32
    %add3A_218 = arith.addi %mul3A_216, %add3A_217 : i32
    %dma_start3A_219 = arith.constant 0 : i32
    %dma_start3A_220 = tpu.memref_slice %arg2[%add3A_218, %arg1, %dma_start3A_219] : memref<26x16x100000xf32, #tpu.memory_space<hbm>> -> memref<1x1x50048xf32, #tpu.memory_space<hbm>>
    %dma_start3A_221 = tpu.memref_squeeze %dma_start3A_220 : memref<1x1x50048xf32, #tpu.memory_space<hbm>> -> memref<50048xf32, #tpu.memory_space<hbm>>
    %dma_start3A_222 = arith.constant 0 : i32
    %dma_start3A_223 = tpu.memref_slice %arg2[%add3A_218, %arg1, %dma_start3A_222] : memref<26x16x100000xf32, #tpu.memory_space<hbm>> -> memref<1x1x50048xf32, #tpu.memory_space<hbm>>
    %dma_start3A_224 = tpu.memref_squeeze %dma_start3A_223 : memref<1x1x50048xf32, #tpu.memory_space<hbm>> -> memref<50048xf32, #tpu.memory_space<hbm>>
    tpu.enqueue_dma source(%dma_start3A_224 : memref<50048xf32, #tpu.memory_space<hbm>>) target(%arg5 : memref<50048xf32, #tpu.memory_space<vmem>>) target_semaphore(%arg11 : memref<!tpu.dma_semaphore, #tpu.memory_space<semaphore_mem>>)
    %dma_wait3A_225 = arith.constant 50048 : i32
    %dma_wait3A_226 = tpu.memref_slice %arg2[%add3A_192, %arg1, %dma_wait3A_225] : memref<26x16x100000xf32, #tpu.memory_space<hbm>> -> memref<1x1x49952xf32, #tpu.memory_space<hbm>>
    %dma_wait3A_227 = tpu.memref_squeeze %dma_wait3A_226 : memref<1x1x49952xf32, #tpu.memory_space<hbm>> -> memref<49952xf32, #tpu.memory_space<hbm>>
    %dma_wait3A_228 = arith.constant 50048 : i32
    %dma_wait3A_229 = tpu.memref_slice %arg2[%add3A_192, %arg1, %dma_wait3A_228] : memref<26x16x100000xf32, #tpu.memory_space<hbm>> -> memref<1x1x49952xf32, #tpu.memory_space<hbm>>
    %dma_wait3A_230 = tpu.memref_squeeze %dma_wait3A_229 : memref<1x1x49952xf32, #tpu.memory_space<hbm>> -> memref<49952xf32, #tpu.memory_space<hbm>>
    tpu.wait_dma2 semaphore(%arg12 : memref<!tpu.dma_semaphore, #tpu.memory_space<semaphore_mem>>) src(%dma_wait3A_230 : memref<49952xf32, #tpu.memory_space<hbm>>) dst(%arg6 : memref<49952xf32, #tpu.memory_space<vmem>>)
    %scan3A_231 = arith.constant 0 : i32
    %scan3A_232 = arith.constant 0 : i32
    %scan3A_233 = arith.constant 64 : i32
    %scan3A_234 = arith.addi %scan3A_232, %scan3A_233 : i32
    %scan3A_235 = arith.constant 1 : i32
    scf.for %scan3A_1035 = %scan3A_232 to %scan3A_234 step %scan3A_235  : i32 {
      %mul3A_1036 = arith.constant 4 : i32
      %mul3A_1037 = arith.muli %scan3A_1035, %mul3A_1036 : i32
      %add3A_1038 = arith.constant 0 : i32
      %add3A_1039 = arith.addi %mul3A_1037, %add3A_1038 : i32
      %mul3A_1040 = arith.constant 16 : i32
      %mul3A_1041 = arith.muli %add3A_1039, %mul3A_1040 : i32
      %get3A = arith.index_cast %mul3A_1041 : i32 to index
      %get3A_1042 = tpu.vector_load %arg7[%get3A] {strides = array<i32>} : memref<4096xi32, #tpu.memory_space<vmem>>, vector<16xi32>,
      %ge3A = arith.constant 50048 : i32
      %ge3A_1043 = vector.broadcast %ge3A : i32 to vector<16xi32>
      %ge3A_1044 = arith.cmpi sge, %get3A_1042, %ge3A_1043 : vector<16xi32>
      %sub3A = arith.constant 50048 : i32
      %sub3A_1045 = vector.broadcast %sub3A : i32 to vector<16xi32>
      %sub3A_1046 = arith.subi %get3A_1042, %sub3A_1045 : vector<16xi32>
      %gather3A = tpu.vector_load_idx %arg6[%sub3A_1046] masked %ge3A_1044 : memref<49952xf32, #tpu.memory_space<vmem>>[vector<16xi32>], vector<16xf32>, vector<16xi1>
      %add3A_1047 = vector.broadcast %mul3A_1041 : i32 to vector<16xi32>
      %add3A_1048 = arith.addi %iota3A, %add3A_1047 : vector<16xi32>
      tpu.vector_store_idx %arg9[%add3A_1048], %gather3A masked %ge3A_1044 : memref<4096xf32, #tpu.memory_space<vmem>>[vector<16xi32>], vector<16xf32>, vector<16xi1>
      %mul3A_1049 = arith.constant 4 : i32
      %mul3A_1050 = arith.muli %scan3A_1035, %mul3A_1049 : i32
      %add3A_1051 = arith.constant 1 : i32
      %add3A_1052 = arith.addi %mul3A_1050, %add3A_1051 : i32
      %mul3A_1053 = arith.constant 16 : i32
      %mul3A_1054 = arith.muli %add3A_1052, %mul3A_1053 : i32
      %get3A_1055 = arith.index_cast %mul3A_1054 : i32 to index
      %get3A_1056 = tpu.vector_load %arg7[%get3A_1055] {strides = array<i32>} : memref<4096xi32, #tpu.memory_space<vmem>>, vector<16xi32>,
      %ge3A_1057 = arith.constant 50048 : i32
      %ge3A_1058 = vector.broadcast %ge3A_1057 : i32 to vector<16xi32>
      %ge3A_1059 = arith.cmpi sge, %get3A_1056, %ge3A_1058 : vector<16xi32>
      %sub3A_1060 = arith.constant 50048 : i32
      %sub3A_1061 = vector.broadcast %sub3A_1060 : i32 to vector<16xi32>
      %sub3A_1062 = arith.subi %get3A_1056, %sub3A_1061 : vector<16xi32>
      %gather3A_1063 = tpu.vector_load_idx %arg6[%sub3A_1062] masked %ge3A_1059 : memref<49952xf32, #tpu.memory_space<vmem>>[vector<16xi32>], vector<16xf32>, vector<16xi1>
      %add3A_1064 = vector.broadcast %mul3A_1054 : i32 to vector<16xi32>
      %add3A_1065 = arith.addi %iota3A, %add3A_1064 : vector<16xi32>
      tpu.vector_store_idx %arg9[%add3A_1065], %gather3A_1063 masked %ge3A_1059 : memref<4096xf32, #tpu.memory_space<vmem>>[vector<16xi32>], vector<16xf32>, vector<16xi1>
      %mul3A_1066 = arith.constant 4 : i32
      %mul3A_1067 = arith.muli %scan3A_1035, %mul3A_1066 : i32
      %add3A_1068 = arith.constant 2 : i32
      %add3A_1069 = arith.addi %mul3A_1067, %add3A_1068 : i32
      %mul3A_1070 = arith.constant 16 : i32
      %mul3A_1071 = arith.muli %add3A_1069, %mul3A_1070 : i32
      %get3A_1072 = arith.index_cast %mul3A_1071 : i32 to index
      %get3A_1073 = tpu.vector_load %arg7[%get3A_1072] {strides = array<i32>} : memref<4096xi32, #tpu.memory_space<vmem>>, vector<16xi32>,
      %ge3A_1074 = arith.constant 50048 : i32
      %ge3A_1075 = vector.broadcast %ge3A_1074 : i32 to vector<16xi32>
      %ge3A_1076 = arith.cmpi sge, %get3A_1073, %ge3A_1075 : vector<16xi32>
      %sub3A_1077 = arith.constant 50048 : i32
      %sub3A_1078 = vector.broadcast %sub3A_1077 : i32 to vector<16xi32>
      %sub3A_1079 = arith.subi %get3A_1073, %sub3A_1078 : vector<16xi32>
      %gather3A_1080 = tpu.vector_load_idx %arg6[%sub3A_1079] masked %ge3A_1076 : memref<49952xf32, #tpu.memory_space<vmem>>[vector<16xi32>], vector<16xf32>, vector<16xi1>
      %add3A_1081 = vector.broadcast %mul3A_1071 : i32 to vector<16xi32>
      %add3A_1082 = arith.addi %iota3A, %add3A_1081 : vector<16xi32>
      tpu.vector_store_idx %arg9[%add3A_1082], %gather3A_1080 masked %ge3A_1076 : memref<4096xf32, #tpu.memory_space<vmem>>[vector<16xi32>], vector<16xf32>, vector<16xi1>
      %mul3A_1083 = arith.constant 4 : i32
      %mul3A_1084 = arith.muli %scan3A_1035, %mul3A_1083 : i32
      %add3A_1085 = arith.constant 3 : i32
      %add3A_1086 = arith.addi %mul3A_1084, %add3A_1085 : i32
      %mul3A_1087 = arith.constant 16 : i32
      %mul3A_1088 = arith.muli %add3A_1086, %mul3A_1087 : i32
      %get3A_1089 = arith.index_cast %mul3A_1088 : i32 to index
      %get3A_1090 = tpu.vector_load %arg7[%get3A_1089] {strides = array<i32>} : memref<4096xi32, #tpu.memory_space<vmem>>, vector<16xi32>,
      %ge3A_1091 = arith.constant 50048 : i32
      %ge3A_1092 = vector.broadcast %ge3A_1091 : i32 to vector<16xi32>
      %ge3A_1093 = arith.cmpi sge, %get3A_1090, %ge3A_1092 : vector<16xi32>
      %sub3A_1094 = arith.constant 50048 : i32
      %sub3A_1095 = vector.broadcast %sub3A_1094 : i32 to vector<16xi32>
      %sub3A_1096 = arith.subi %get3A_1090, %sub3A_1095 : vector<16xi32>
      %gather3A_1097 = tpu.vector_load_idx %arg6[%sub3A_1096] masked %ge3A_1093 : memref<49952xf32, #tpu.memory_space<vmem>>[vector<16xi32>], vector<16xf32>, vector<16xi1>
      %add3A_1098 = vector.broadcast %mul3A_1088 : i32 to vector<16xi32>
      %add3A_1099 = arith.addi %iota3A, %add3A_1098 : vector<16xi32>
      tpu.vector_store_idx %arg9[%add3A_1099], %gather3A_1097 masked %ge3A_1093 : memref<4096xf32, #tpu.memory_space<vmem>>[vector<16xi32>], vector<16xf32>, vector<16xi1>
    }
    %scan3A_236 = arith.constant 64 : i32
    %dma_start3A_237 = arith.constant 0 : i32
    %dma_start3A_238 = tpu.memref_slice %arg4[%add3A_214, %arg1, %dma_start3A_237] : memref<26x16x4096xf32, #tpu.memory_space<hbm>> -> memref<1x1x4096xf32, #tpu.memory_space<hbm>>
    %dma_start3A_239 = tpu.memref_squeeze %dma_start3A_238 : memref<1x1x4096xf32, #tpu.memory_space<hbm>> -> memref<4096xf32, #tpu.memory_space<hbm>>
    %dma_start3A_240 = arith.constant 0 : i32
    %dma_start3A_241 = tpu.memref_slice %arg4[%add3A_214, %arg1, %dma_start3A_240] : memref<26x16x4096xf32, #tpu.memory_space<hbm>> -> memref<1x1x4096xf32, #tpu.memory_space<hbm>>
    %dma_start3A_242 = tpu.memref_squeeze %dma_start3A_241 : memref<1x1x4096xf32, #tpu.memory_space<hbm>> -> memref<4096xf32, #tpu.memory_space<hbm>>
    tpu.enqueue_dma source(%arg9 : memref<4096xf32, #tpu.memory_space<vmem>>) target(%dma_start3A_242 : memref<4096xf32, #tpu.memory_space<hbm>>) target_semaphore(%arg15 : memref<!tpu.dma_semaphore, #tpu.memory_space<semaphore_mem>>)
    %mul3A_243 = arith.constant 13 : i32
    %mul3A_244 = arith.muli %arg0, %mul3A_243 : i32
    %add3A_245 = arith.constant 3 : i32
    %add3A_246 = arith.addi %mul3A_244, %add3A_245 : i32
    %dma_wait3A_247 = arith.constant 0 : i32
    %dma_wait3A_248 = tpu.memref_slice %arg3[%add3A_176, %dma_wait3A_247] : memref<26x4096xi32, #tpu.memory_space<hbm>> -> memref<1x4096xi32, #tpu.memory_space<hbm>>
    %dma_wait3A_249 = tpu.memref_squeeze %dma_wait3A_248 : memref<1x4096xi32, #tpu.memory_space<hbm>> -> memref<4096xi32, #tpu.memory_space<hbm>>
    %dma_wait3A_250 = arith.constant 0 : i32
    %dma_wait3A_251 = tpu.memref_slice %arg3[%add3A_176, %dma_wait3A_250] : memref<26x4096xi32, #tpu.memory_space<hbm>> -> memref<1x4096xi32, #tpu.memory_space<hbm>>
    %dma_wait3A_252 = tpu.memref_squeeze %dma_wait3A_251 : memref<1x4096xi32, #tpu.memory_space<hbm>> -> memref<4096xi32, #tpu.memory_space<hbm>>
    tpu.wait_dma2 semaphore(%arg14 : memref<!tpu.dma_semaphore, #tpu.memory_space<semaphore_mem>>) src(%dma_wait3A_252 : memref<4096xi32, #tpu.memory_space<hbm>>) dst(%arg8 : memref<4096xi32, #tpu.memory_space<vmem>>)
    %mul3A_253 = arith.constant 13 : i32
    %mul3A_254 = arith.muli %arg0, %mul3A_253 : i32
    %add3A_255 = arith.constant 4 : i32
    %add3A_256 = arith.addi %mul3A_254, %add3A_255 : i32
    %dma_start3A_257 = arith.constant 0 : i32
    %dma_start3A_258 = tpu.memref_slice %arg3[%add3A_256, %dma_start3A_257] : memref<26x4096xi32, #tpu.memory_space<hbm>> -> memref<1x4096xi32, #tpu.memory_space<hbm>>
    %dma_start3A_259 = tpu.memref_squeeze %dma_start3A_258 : memref<1x4096xi32, #tpu.memory_space<hbm>> -> memref<4096xi32, #tpu.memory_space<hbm>>
    %dma_start3A_260 = arith.constant 0 : i32
    %dma_start3A_261 = tpu.memref_slice %arg3[%add3A_256, %dma_start3A_260] : memref<26x4096xi32, #tpu.memory_space<hbm>> -> memref<1x4096xi32, #tpu.memory_space<hbm>>
    %dma_start3A_262 = tpu.memref_squeeze %dma_start3A_261 : memref<1x4096xi32, #tpu.memory_space<hbm>> -> memref<4096xi32, #tpu.memory_space<hbm>>
    tpu.enqueue_dma source(%dma_start3A_262 : memref<4096xi32, #tpu.memory_space<hbm>>) target(%arg7 : memref<4096xi32, #tpu.memory_space<vmem>>) target_semaphore(%arg13 : memref<!tpu.dma_semaphore, #tpu.memory_space<semaphore_mem>>)
    %dma_wait3A_263 = arith.constant 0 : i32
    %dma_wait3A_264 = tpu.memref_slice %arg4[%add3A_134, %arg1, %dma_wait3A_263] : memref<26x16x4096xf32, #tpu.memory_space<hbm>> -> memref<1x1x4096xf32, #tpu.memory_space<hbm>>
    %dma_wait3A_265 = tpu.memref_squeeze %dma_wait3A_264 : memref<1x1x4096xf32, #tpu.memory_space<hbm>> -> memref<4096xf32, #tpu.memory_space<hbm>>
    %dma_wait3A_266 = arith.constant 0 : i32
    %dma_wait3A_267 = tpu.memref_slice %arg4[%add3A_134, %arg1, %dma_wait3A_266] : memref<26x16x4096xf32, #tpu.memory_space<hbm>> -> memref<1x1x4096xf32, #tpu.memory_space<hbm>>
    %dma_wait3A_268 = tpu.memref_squeeze %dma_wait3A_267 : memref<1x1x4096xf32, #tpu.memory_space<hbm>> -> memref<4096xf32, #tpu.memory_space<hbm>>
    tpu.wait_dma2 semaphore(%arg16 : memref<!tpu.dma_semaphore, #tpu.memory_space<semaphore_mem>>) src(%arg10 : memref<4096xf32, #tpu.memory_space<vmem>>) dst(%dma_wait3A_268 : memref<4096xf32, #tpu.memory_space<hbm>>)
    %mul3A_269 = arith.constant 13 : i32
    %mul3A_270 = arith.muli %arg0, %mul3A_269 : i32
    %add3A_271 = arith.constant 3 : i32
    %add3A_272 = arith.addi %mul3A_270, %add3A_271 : i32
    %dma_start3A_273 = arith.constant 50048 : i32
    %dma_start3A_274 = tpu.memref_slice %arg2[%add3A_272, %arg1, %dma_start3A_273] : memref<26x16x100000xf32, #tpu.memory_space<hbm>> -> memref<1x1x49952xf32, #tpu.memory_space<hbm>>
    %dma_start3A_275 = tpu.memref_squeeze %dma_start3A_274 : memref<1x1x49952xf32, #tpu.memory_space<hbm>> -> memref<49952xf32, #tpu.memory_space<hbm>>
    %dma_start3A_276 = arith.constant 50048 : i32
    %dma_start3A_277 = tpu.memref_slice %arg2[%add3A_272, %arg1, %dma_start3A_276] : memref<26x16x100000xf32, #tpu.memory_space<hbm>> -> memref<1x1x49952xf32, #tpu.memory_space<hbm>>
    %dma_start3A_278 = tpu.memref_squeeze %dma_start3A_277 : memref<1x1x49952xf32, #tpu.memory_space<hbm>> -> memref<49952xf32, #tpu.memory_space<hbm>>
    tpu.enqueue_dma source(%dma_start3A_278 : memref<49952xf32, #tpu.memory_space<hbm>>) target(%arg6 : memref<49952xf32, #tpu.memory_space<vmem>>) target_semaphore(%arg12 : memref<!tpu.dma_semaphore, #tpu.memory_space<semaphore_mem>>)
    %dma_wait3A_279 = arith.constant 0 : i32
    %dma_wait3A_280 = tpu.memref_slice %arg2[%add3A_218, %arg1, %dma_wait3A_279] : memref<26x16x100000xf32, #tpu.memory_space<hbm>> -> memref<1x1x50048xf32, #tpu.memory_space<hbm>>
    %dma_wait3A_281 = tpu.memref_squeeze %dma_wait3A_280 : memref<1x1x50048xf32, #tpu.memory_space<hbm>> -> memref<50048xf32, #tpu.memory_space<hbm>>
    %dma_wait3A_282 = arith.constant 0 : i32
    %dma_wait3A_283 = tpu.memref_slice %arg2[%add3A_218, %arg1, %dma_wait3A_282] : memref<26x16x100000xf32, #tpu.memory_space<hbm>> -> memref<1x1x50048xf32, #tpu.memory_space<hbm>>
    %dma_wait3A_284 = tpu.memref_squeeze %dma_wait3A_283 : memref<1x1x50048xf32, #tpu.memory_space<hbm>> -> memref<50048xf32, #tpu.memory_space<hbm>>
    tpu.wait_dma2 semaphore(%arg11 : memref<!tpu.dma_semaphore, #tpu.memory_space<semaphore_mem>>) src(%dma_wait3A_284 : memref<50048xf32, #tpu.memory_space<hbm>>) dst(%arg5 : memref<50048xf32, #tpu.memory_space<vmem>>)
    %scan3A_285 = arith.constant 0 : i32
    %scan3A_286 = arith.constant 0 : i32
    %scan3A_287 = arith.constant 64 : i32
    %scan3A_288 = arith.addi %scan3A_286, %scan3A_287 : i32
    %scan3A_289 = arith.constant 1 : i32
    scf.for %scan3A_1035 = %scan3A_286 to %scan3A_288 step %scan3A_289  : i32 {
      %mul3A_1036 = arith.constant 4 : i32
      %mul3A_1037 = arith.muli %scan3A_1035, %mul3A_1036 : i32
      %add3A_1038 = arith.constant 0 : i32
      %add3A_1039 = arith.addi %mul3A_1037, %add3A_1038 : i32
      %mul3A_1040 = arith.constant 16 : i32
      %mul3A_1041 = arith.muli %add3A_1039, %mul3A_1040 : i32
      %get3A = arith.index_cast %mul3A_1041 : i32 to index
      %get3A_1042 = tpu.vector_load %arg8[%get3A] {strides = array<i32>} : memref<4096xi32, #tpu.memory_space<vmem>>, vector<16xi32>,
      %lt3A = arith.constant 50048 : i32
      %lt3A_1043 = vector.broadcast %lt3A : i32 to vector<16xi32>
      %lt3A_1044 = arith.cmpi slt, %get3A_1042, %lt3A_1043 : vector<16xi32>
      %gather3A = tpu.vector_load_idx %arg5[%get3A_1042] masked %lt3A_1044 : memref<50048xf32, #tpu.memory_space<vmem>>[vector<16xi32>], vector<16xf32>, vector<16xi1>
      %add3A_1045 = vector.broadcast %mul3A_1041 : i32 to vector<16xi32>
      %add3A_1046 = arith.addi %iota3A, %add3A_1045 : vector<16xi32>
      tpu.vector_store_idx %arg10[%add3A_1046], %gather3A masked %lt3A_1044 : memref<4096xf32, #tpu.memory_space<vmem>>[vector<16xi32>], vector<16xf32>, vector<16xi1>
      %mul3A_1047 = arith.constant 4 : i32
      %mul3A_1048 = arith.muli %scan3A_1035, %mul3A_1047 : i32
      %add3A_1049 = arith.constant 1 : i32
      %add3A_1050 = arith.addi %mul3A_1048, %add3A_1049 : i32
      %mul3A_1051 = arith.constant 16 : i32
      %mul3A_1052 = arith.muli %add3A_1050, %mul3A_1051 : i32
      %get3A_1053 = arith.index_cast %mul3A_1052 : i32 to index
      %get3A_1054 = tpu.vector_load %arg8[%get3A_1053] {strides = array<i32>} : memref<4096xi32, #tpu.memory_space<vmem>>, vector<16xi32>,
      %lt3A_1055 = arith.constant 50048 : i32
      %lt3A_1056 = vector.broadcast %lt3A_1055 : i32 to vector<16xi32>
      %lt3A_1057 = arith.cmpi slt, %get3A_1054, %lt3A_1056 : vector<16xi32>
      %gather3A_1058 = tpu.vector_load_idx %arg5[%get3A_1054] masked %lt3A_1057 : memref<50048xf32, #tpu.memory_space<vmem>>[vector<16xi32>], vector<16xf32>, vector<16xi1>
      %add3A_1059 = vector.broadcast %mul3A_1052 : i32 to vector<16xi32>
      %add3A_1060 = arith.addi %iota3A, %add3A_1059 : vector<16xi32>
      tpu.vector_store_idx %arg10[%add3A_1060], %gather3A_1058 masked %lt3A_1057 : memref<4096xf32, #tpu.memory_space<vmem>>[vector<16xi32>], vector<16xf32>, vector<16xi1>
      %mul3A_1061 = arith.constant 4 : i32
      %mul3A_1062 = arith.muli %scan3A_1035, %mul3A_1061 : i32
      %add3A_1063 = arith.constant 2 : i32
      %add3A_1064 = arith.addi %mul3A_1062, %add3A_1063 : i32
      %mul3A_1065 = arith.constant 16 : i32
      %mul3A_1066 = arith.muli %add3A_1064, %mul3A_1065 : i32
      %get3A_1067 = arith.index_cast %mul3A_1066 : i32 to index
      %get3A_1068 = tpu.vector_load %arg8[%get3A_1067] {strides = array<i32>} : memref<4096xi32, #tpu.memory_space<vmem>>, vector<16xi32>,
      %lt3A_1069 = arith.constant 50048 : i32
      %lt3A_1070 = vector.broadcast %lt3A_1069 : i32 to vector<16xi32>
      %lt3A_1071 = arith.cmpi slt, %get3A_1068, %lt3A_1070 : vector<16xi32>
      %gather3A_1072 = tpu.vector_load_idx %arg5[%get3A_1068] masked %lt3A_1071 : memref<50048xf32, #tpu.memory_space<vmem>>[vector<16xi32>], vector<16xf32>, vector<16xi1>
      %add3A_1073 = vector.broadcast %mul3A_1066 : i32 to vector<16xi32>
      %add3A_1074 = arith.addi %iota3A, %add3A_1073 : vector<16xi32>
      tpu.vector_store_idx %arg10[%add3A_1074], %gather3A_1072 masked %lt3A_1071 : memref<4096xf32, #tpu.memory_space<vmem>>[vector<16xi32>], vector<16xf32>, vector<16xi1>
      %mul3A_1075 = arith.constant 4 : i32
      %mul3A_1076 = arith.muli %scan3A_1035, %mul3A_1075 : i32
      %add3A_1077 = arith.constant 3 : i32
      %add3A_1078 = arith.addi %mul3A_1076, %add3A_1077 : i32
      %mul3A_1079 = arith.constant 16 : i32
      %mul3A_1080 = arith.muli %add3A_1078, %mul3A_1079 : i32
      %get3A_1081 = arith.index_cast %mul3A_1080 : i32 to index
      %get3A_1082 = tpu.vector_load %arg8[%get3A_1081] {strides = array<i32>} : memref<4096xi32, #tpu.memory_space<vmem>>, vector<16xi32>,
      %lt3A_1083 = arith.constant 50048 : i32
      %lt3A_1084 = vector.broadcast %lt3A_1083 : i32 to vector<16xi32>
      %lt3A_1085 = arith.cmpi slt, %get3A_1082, %lt3A_1084 : vector<16xi32>
      %gather3A_1086 = tpu.vector_load_idx %arg5[%get3A_1082] masked %lt3A_1085 : memref<50048xf32, #tpu.memory_space<vmem>>[vector<16xi32>], vector<16xf32>, vector<16xi1>
      %add3A_1087 = vector.broadcast %mul3A_1080 : i32 to vector<16xi32>
      %add3A_1088 = arith.addi %iota3A, %add3A_1087 : vector<16xi32>
      tpu.vector_store_idx %arg10[%add3A_1088], %gather3A_1086 masked %lt3A_1085 : memref<4096xf32, #tpu.memory_space<vmem>>[vector<16xi32>], vector<16xf32>, vector<16xi1>
    }
    %scan3A_290 = arith.constant 64 : i32
    %mul3A_291 = arith.constant 13 : i32
    %mul3A_292 = arith.muli %arg0, %mul3A_291 : i32
    %add3A_293 = arith.constant 3 : i32
    %add3A_294 = arith.addi %mul3A_292, %add3A_293 : i32
    %mul3A_295 = arith.constant 13 : i32
    %mul3A_296 = arith.muli %arg0, %mul3A_295 : i32
    %add3A_297 = arith.constant 4 : i32
    %add3A_298 = arith.addi %mul3A_296, %add3A_297 : i32
    %dma_start3A_299 = arith.constant 0 : i32
    %dma_start3A_300 = tpu.memref_slice %arg2[%add3A_298, %arg1, %dma_start3A_299] : memref<26x16x100000xf32, #tpu.memory_space<hbm>> -> memref<1x1x50048xf32, #tpu.memory_space<hbm>>
    %dma_start3A_301 = tpu.memref_squeeze %dma_start3A_300 : memref<1x1x50048xf32, #tpu.memory_space<hbm>> -> memref<50048xf32, #tpu.memory_space<hbm>>
    %dma_start3A_302 = arith.constant 0 : i32
    %dma_start3A_303 = tpu.memref_slice %arg2[%add3A_298, %arg1, %dma_start3A_302] : memref<26x16x100000xf32, #tpu.memory_space<hbm>> -> memref<1x1x50048xf32, #tpu.memory_space<hbm>>
    %dma_start3A_304 = tpu.memref_squeeze %dma_start3A_303 : memref<1x1x50048xf32, #tpu.memory_space<hbm>> -> memref<50048xf32, #tpu.memory_space<hbm>>
    tpu.enqueue_dma source(%dma_start3A_304 : memref<50048xf32, #tpu.memory_space<hbm>>) target(%arg5 : memref<50048xf32, #tpu.memory_space<vmem>>) target_semaphore(%arg11 : memref<!tpu.dma_semaphore, #tpu.memory_space<semaphore_mem>>)
    %dma_wait3A_305 = arith.constant 50048 : i32
    %dma_wait3A_306 = tpu.memref_slice %arg2[%add3A_272, %arg1, %dma_wait3A_305] : memref<26x16x100000xf32, #tpu.memory_space<hbm>> -> memref<1x1x49952xf32, #tpu.memory_space<hbm>>
    %dma_wait3A_307 = tpu.memref_squeeze %dma_wait3A_306 : memref<1x1x49952xf32, #tpu.memory_space<hbm>> -> memref<49952xf32, #tpu.memory_space<hbm>>
    %dma_wait3A_308 = arith.constant 50048 : i32
    %dma_wait3A_309 = tpu.memref_slice %arg2[%add3A_272, %arg1, %dma_wait3A_308] : memref<26x16x100000xf32, #tpu.memory_space<hbm>> -> memref<1x1x49952xf32, #tpu.memory_space<hbm>>
    %dma_wait3A_310 = tpu.memref_squeeze %dma_wait3A_309 : memref<1x1x49952xf32, #tpu.memory_space<hbm>> -> memref<49952xf32, #tpu.memory_space<hbm>>
    tpu.wait_dma2 semaphore(%arg12 : memref<!tpu.dma_semaphore, #tpu.memory_space<semaphore_mem>>) src(%dma_wait3A_310 : memref<49952xf32, #tpu.memory_space<hbm>>) dst(%arg6 : memref<49952xf32, #tpu.memory_space<vmem>>)
    %scan3A_311 = arith.constant 0 : i32
    %scan3A_312 = arith.constant 0 : i32
    %scan3A_313 = arith.constant 64 : i32
    %scan3A_314 = arith.addi %scan3A_312, %scan3A_313 : i32
    %scan3A_315 = arith.constant 1 : i32
    scf.for %scan3A_1035 = %scan3A_312 to %scan3A_314 step %scan3A_315  : i32 {
      %mul3A_1036 = arith.constant 4 : i32
      %mul3A_1037 = arith.muli %scan3A_1035, %mul3A_1036 : i32
      %add3A_1038 = arith.constant 0 : i32
      %add3A_1039 = arith.addi %mul3A_1037, %add3A_1038 : i32
      %mul3A_1040 = arith.constant 16 : i32
      %mul3A_1041 = arith.muli %add3A_1039, %mul3A_1040 : i32
      %get3A = arith.index_cast %mul3A_1041 : i32 to index
      %get3A_1042 = tpu.vector_load %arg8[%get3A] {strides = array<i32>} : memref<4096xi32, #tpu.memory_space<vmem>>, vector<16xi32>,
      %ge3A = arith.constant 50048 : i32
      %ge3A_1043 = vector.broadcast %ge3A : i32 to vector<16xi32>
      %ge3A_1044 = arith.cmpi sge, %get3A_1042, %ge3A_1043 : vector<16xi32>
      %sub3A = arith.constant 50048 : i32
      %sub3A_1045 = vector.broadcast %sub3A : i32 to vector<16xi32>
      %sub3A_1046 = arith.subi %get3A_1042, %sub3A_1045 : vector<16xi32>
      %gather3A = tpu.vector_load_idx %arg6[%sub3A_1046] masked %ge3A_1044 : memref<49952xf32, #tpu.memory_space<vmem>>[vector<16xi32>], vector<16xf32>, vector<16xi1>
      %add3A_1047 = vector.broadcast %mul3A_1041 : i32 to vector<16xi32>
      %add3A_1048 = arith.addi %iota3A, %add3A_1047 : vector<16xi32>
      tpu.vector_store_idx %arg10[%add3A_1048], %gather3A masked %ge3A_1044 : memref<4096xf32, #tpu.memory_space<vmem>>[vector<16xi32>], vector<16xf32>, vector<16xi1>
      %mul3A_1049 = arith.constant 4 : i32
      %mul3A_1050 = arith.muli %scan3A_1035, %mul3A_1049 : i32
      %add3A_1051 = arith.constant 1 : i32
      %add3A_1052 = arith.addi %mul3A_1050, %add3A_1051 : i32
      %mul3A_1053 = arith.constant 16 : i32
      %mul3A_1054 = arith.muli %add3A_1052, %mul3A_1053 : i32
      %get3A_1055 = arith.index_cast %mul3A_1054 : i32 to index
      %get3A_1056 = tpu.vector_load %arg8[%get3A_1055] {strides = array<i32>} : memref<4096xi32, #tpu.memory_space<vmem>>, vector<16xi32>,
      %ge3A_1057 = arith.constant 50048 : i32
      %ge3A_1058 = vector.broadcast %ge3A_1057 : i32 to vector<16xi32>
      %ge3A_1059 = arith.cmpi sge, %get3A_1056, %ge3A_1058 : vector<16xi32>
      %sub3A_1060 = arith.constant 50048 : i32
      %sub3A_1061 = vector.broadcast %sub3A_1060 : i32 to vector<16xi32>
      %sub3A_1062 = arith.subi %get3A_1056, %sub3A_1061 : vector<16xi32>
      %gather3A_1063 = tpu.vector_load_idx %arg6[%sub3A_1062] masked %ge3A_1059 : memref<49952xf32, #tpu.memory_space<vmem>>[vector<16xi32>], vector<16xf32>, vector<16xi1>
      %add3A_1064 = vector.broadcast %mul3A_1054 : i32 to vector<16xi32>
      %add3A_1065 = arith.addi %iota3A, %add3A_1064 : vector<16xi32>
      tpu.vector_store_idx %arg10[%add3A_1065], %gather3A_1063 masked %ge3A_1059 : memref<4096xf32, #tpu.memory_space<vmem>>[vector<16xi32>], vector<16xf32>, vector<16xi1>
      %mul3A_1066 = arith.constant 4 : i32
      %mul3A_1067 = arith.muli %scan3A_1035, %mul3A_1066 : i32
      %add3A_1068 = arith.constant 2 : i32
      %add3A_1069 = arith.addi %mul3A_1067, %add3A_1068 : i32
      %mul3A_1070 = arith.constant 16 : i32
      %mul3A_1071 = arith.muli %add3A_1069, %mul3A_1070 : i32
      %get3A_1072 = arith.index_cast %mul3A_1071 : i32 to index
      %get3A_1073 = tpu.vector_load %arg8[%get3A_1072] {strides = array<i32>} : memref<4096xi32, #tpu.memory_space<vmem>>, vector<16xi32>,
      %ge3A_1074 = arith.constant 50048 : i32
      %ge3A_1075 = vector.broadcast %ge3A_1074 : i32 to vector<16xi32>
      %ge3A_1076 = arith.cmpi sge, %get3A_1073, %ge3A_1075 : vector<16xi32>
      %sub3A_1077 = arith.constant 50048 : i32
      %sub3A_1078 = vector.broadcast %sub3A_1077 : i32 to vector<16xi32>
      %sub3A_1079 = arith.subi %get3A_1073, %sub3A_1078 : vector<16xi32>
      %gather3A_1080 = tpu.vector_load_idx %arg6[%sub3A_1079] masked %ge3A_1076 : memref<49952xf32, #tpu.memory_space<vmem>>[vector<16xi32>], vector<16xf32>, vector<16xi1>
      %add3A_1081 = vector.broadcast %mul3A_1071 : i32 to vector<16xi32>
      %add3A_1082 = arith.addi %iota3A, %add3A_1081 : vector<16xi32>
      tpu.vector_store_idx %arg10[%add3A_1082], %gather3A_1080 masked %ge3A_1076 : memref<4096xf32, #tpu.memory_space<vmem>>[vector<16xi32>], vector<16xf32>, vector<16xi1>
      %mul3A_1083 = arith.constant 4 : i32
      %mul3A_1084 = arith.muli %scan3A_1035, %mul3A_1083 : i32
      %add3A_1085 = arith.constant 3 : i32
      %add3A_1086 = arith.addi %mul3A_1084, %add3A_1085 : i32
      %mul3A_1087 = arith.constant 16 : i32
      %mul3A_1088 = arith.muli %add3A_1086, %mul3A_1087 : i32
      %get3A_1089 = arith.index_cast %mul3A_1088 : i32 to index
      %get3A_1090 = tpu.vector_load %arg8[%get3A_1089] {strides = array<i32>} : memref<4096xi32, #tpu.memory_space<vmem>>, vector<16xi32>,
      %ge3A_1091 = arith.constant 50048 : i32
      %ge3A_1092 = vector.broadcast %ge3A_1091 : i32 to vector<16xi32>
      %ge3A_1093 = arith.cmpi sge, %get3A_1090, %ge3A_1092 : vector<16xi32>
      %sub3A_1094 = arith.constant 50048 : i32
      %sub3A_1095 = vector.broadcast %sub3A_1094 : i32 to vector<16xi32>
      %sub3A_1096 = arith.subi %get3A_1090, %sub3A_1095 : vector<16xi32>
      %gather3A_1097 = tpu.vector_load_idx %arg6[%sub3A_1096] masked %ge3A_1093 : memref<49952xf32, #tpu.memory_space<vmem>>[vector<16xi32>], vector<16xf32>, vector<16xi1>
      %add3A_1098 = vector.broadcast %mul3A_1088 : i32 to vector<16xi32>
      %add3A_1099 = arith.addi %iota3A, %add3A_1098 : vector<16xi32>
      tpu.vector_store_idx %arg10[%add3A_1099], %gather3A_1097 masked %ge3A_1093 : memref<4096xf32, #tpu.memory_space<vmem>>[vector<16xi32>], vector<16xf32>, vector<16xi1>
    }
    %scan3A_316 = arith.constant 64 : i32
    %dma_start3A_317 = arith.constant 0 : i32
    %dma_start3A_318 = tpu.memref_slice %arg4[%add3A_294, %arg1, %dma_start3A_317] : memref<26x16x4096xf32, #tpu.memory_space<hbm>> -> memref<1x1x4096xf32, #tpu.memory_space<hbm>>
    %dma_start3A_319 = tpu.memref_squeeze %dma_start3A_318 : memref<1x1x4096xf32, #tpu.memory_space<hbm>> -> memref<4096xf32, #tpu.memory_space<hbm>>
    %dma_start3A_320 = arith.constant 0 : i32
    %dma_start3A_321 = tpu.memref_slice %arg4[%add3A_294, %arg1, %dma_start3A_320] : memref<26x16x4096xf32, #tpu.memory_space<hbm>> -> memref<1x1x4096xf32, #tpu.memory_space<hbm>>
    %dma_start3A_322 = tpu.memref_squeeze %dma_start3A_321 : memref<1x1x4096xf32, #tpu.memory_space<hbm>> -> memref<4096xf32, #tpu.memory_space<hbm>>
    tpu.enqueue_dma source(%arg10 : memref<4096xf32, #tpu.memory_space<vmem>>) target(%dma_start3A_322 : memref<4096xf32, #tpu.memory_space<hbm>>) target_semaphore(%arg16 : memref<!tpu.dma_semaphore, #tpu.memory_space<semaphore_mem>>)
    %mul3A_323 = arith.constant 13 : i32
    %mul3A_324 = arith.muli %arg0, %mul3A_323 : i32
    %add3A_325 = arith.constant 4 : i32
    %add3A_326 = arith.addi %mul3A_324, %add3A_325 : i32
    %dma_wait3A_327 = arith.constant 0 : i32
    %dma_wait3A_328 = tpu.memref_slice %arg3[%add3A_256, %dma_wait3A_327] : memref<26x4096xi32, #tpu.memory_space<hbm>> -> memref<1x4096xi32, #tpu.memory_space<hbm>>
    %dma_wait3A_329 = tpu.memref_squeeze %dma_wait3A_328 : memref<1x4096xi32, #tpu.memory_space<hbm>> -> memref<4096xi32, #tpu.memory_space<hbm>>
    %dma_wait3A_330 = arith.constant 0 : i32
    %dma_wait3A_331 = tpu.memref_slice %arg3[%add3A_256, %dma_wait3A_330] : memref<26x4096xi32, #tpu.memory_space<hbm>> -> memref<1x4096xi32, #tpu.memory_space<hbm>>
    %dma_wait3A_332 = tpu.memref_squeeze %dma_wait3A_331 : memref<1x4096xi32, #tpu.memory_space<hbm>> -> memref<4096xi32, #tpu.memory_space<hbm>>
    tpu.wait_dma2 semaphore(%arg13 : memref<!tpu.dma_semaphore, #tpu.memory_space<semaphore_mem>>) src(%dma_wait3A_332 : memref<4096xi32, #tpu.memory_space<hbm>>) dst(%arg7 : memref<4096xi32, #tpu.memory_space<vmem>>)
    %mul3A_333 = arith.constant 13 : i32
    %mul3A_334 = arith.muli %arg0, %mul3A_333 : i32
    %add3A_335 = arith.constant 5 : i32
    %add3A_336 = arith.addi %mul3A_334, %add3A_335 : i32
    %dma_start3A_337 = arith.constant 0 : i32
    %dma_start3A_338 = tpu.memref_slice %arg3[%add3A_336, %dma_start3A_337] : memref<26x4096xi32, #tpu.memory_space<hbm>> -> memref<1x4096xi32, #tpu.memory_space<hbm>>
    %dma_start3A_339 = tpu.memref_squeeze %dma_start3A_338 : memref<1x4096xi32, #tpu.memory_space<hbm>> -> memref<4096xi32, #tpu.memory_space<hbm>>
    %dma_start3A_340 = arith.constant 0 : i32
    %dma_start3A_341 = tpu.memref_slice %arg3[%add3A_336, %dma_start3A_340] : memref<26x4096xi32, #tpu.memory_space<hbm>> -> memref<1x4096xi32, #tpu.memory_space<hbm>>
    %dma_start3A_342 = tpu.memref_squeeze %dma_start3A_341 : memref<1x4096xi32, #tpu.memory_space<hbm>> -> memref<4096xi32, #tpu.memory_space<hbm>>
    tpu.enqueue_dma source(%dma_start3A_342 : memref<4096xi32, #tpu.memory_space<hbm>>) target(%arg8 : memref<4096xi32, #tpu.memory_space<vmem>>) target_semaphore(%arg14 : memref<!tpu.dma_semaphore, #tpu.memory_space<semaphore_mem>>)
    %dma_wait3A_343 = arith.constant 0 : i32
    %dma_wait3A_344 = tpu.memref_slice %arg4[%add3A_214, %arg1, %dma_wait3A_343] : memref<26x16x4096xf32, #tpu.memory_space<hbm>> -> memref<1x1x4096xf32, #tpu.memory_space<hbm>>
    %dma_wait3A_345 = tpu.memref_squeeze %dma_wait3A_344 : memref<1x1x4096xf32, #tpu.memory_space<hbm>> -> memref<4096xf32, #tpu.memory_space<hbm>>
    %dma_wait3A_346 = arith.constant 0 : i32
    %dma_wait3A_347 = tpu.memref_slice %arg4[%add3A_214, %arg1, %dma_wait3A_346] : memref<26x16x4096xf32, #tpu.memory_space<hbm>> -> memref<1x1x4096xf32, #tpu.memory_space<hbm>>
    %dma_wait3A_348 = tpu.memref_squeeze %dma_wait3A_347 : memref<1x1x4096xf32, #tpu.memory_space<hbm>> -> memref<4096xf32, #tpu.memory_space<hbm>>
    tpu.wait_dma2 semaphore(%arg15 : memref<!tpu.dma_semaphore, #tpu.memory_space<semaphore_mem>>) src(%arg9 : memref<4096xf32, #tpu.memory_space<vmem>>) dst(%dma_wait3A_348 : memref<4096xf32, #tpu.memory_space<hbm>>)
    %mul3A_349 = arith.constant 13 : i32
    %mul3A_350 = arith.muli %arg0, %mul3A_349 : i32
    %add3A_351 = arith.constant 4 : i32
    %add3A_352 = arith.addi %mul3A_350, %add3A_351 : i32
    %dma_start3A_353 = arith.constant 50048 : i32
    %dma_start3A_354 = tpu.memref_slice %arg2[%add3A_352, %arg1, %dma_start3A_353] : memref<26x16x100000xf32, #tpu.memory_space<hbm>> -> memref<1x1x49952xf32, #tpu.memory_space<hbm>>
    %dma_start3A_355 = tpu.memref_squeeze %dma_start3A_354 : memref<1x1x49952xf32, #tpu.memory_space<hbm>> -> memref<49952xf32, #tpu.memory_space<hbm>>
    %dma_start3A_356 = arith.constant 50048 : i32
    %dma_start3A_357 = tpu.memref_slice %arg2[%add3A_352, %arg1, %dma_start3A_356] : memref<26x16x100000xf32, #tpu.memory_space<hbm>> -> memref<1x1x49952xf32, #tpu.memory_space<hbm>>
    %dma_start3A_358 = tpu.memref_squeeze %dma_start3A_357 : memref<1x1x49952xf32, #tpu.memory_space<hbm>> -> memref<49952xf32, #tpu.memory_space<hbm>>
    tpu.enqueue_dma source(%dma_start3A_358 : memref<49952xf32, #tpu.memory_space<hbm>>) target(%arg6 : memref<49952xf32, #tpu.memory_space<vmem>>) target_semaphore(%arg12 : memref<!tpu.dma_semaphore, #tpu.memory_space<semaphore_mem>>)
    %dma_wait3A_359 = arith.constant 0 : i32
    %dma_wait3A_360 = tpu.memref_slice %arg2[%add3A_298, %arg1, %dma_wait3A_359] : memref<26x16x100000xf32, #tpu.memory_space<hbm>> -> memref<1x1x50048xf32, #tpu.memory_space<hbm>>
    %dma_wait3A_361 = tpu.memref_squeeze %dma_wait3A_360 : memref<1x1x50048xf32, #tpu.memory_space<hbm>> -> memref<50048xf32, #tpu.memory_space<hbm>>
    %dma_wait3A_362 = arith.constant 0 : i32
    %dma_wait3A_363 = tpu.memref_slice %arg2[%add3A_298, %arg1, %dma_wait3A_362] : memref<26x16x100000xf32, #tpu.memory_space<hbm>> -> memref<1x1x50048xf32, #tpu.memory_space<hbm>>
    %dma_wait3A_364 = tpu.memref_squeeze %dma_wait3A_363 : memref<1x1x50048xf32, #tpu.memory_space<hbm>> -> memref<50048xf32, #tpu.memory_space<hbm>>
    tpu.wait_dma2 semaphore(%arg11 : memref<!tpu.dma_semaphore, #tpu.memory_space<semaphore_mem>>) src(%dma_wait3A_364 : memref<50048xf32, #tpu.memory_space<hbm>>) dst(%arg5 : memref<50048xf32, #tpu.memory_space<vmem>>)
    %scan3A_365 = arith.constant 0 : i32
    %scan3A_366 = arith.constant 0 : i32
    %scan3A_367 = arith.constant 64 : i32
    %scan3A_368 = arith.addi %scan3A_366, %scan3A_367 : i32
    %scan3A_369 = arith.constant 1 : i32
    scf.for %scan3A_1035 = %scan3A_366 to %scan3A_368 step %scan3A_369  : i32 {
      %mul3A_1036 = arith.constant 4 : i32
      %mul3A_1037 = arith.muli %scan3A_1035, %mul3A_1036 : i32
      %add3A_1038 = arith.constant 0 : i32
      %add3A_1039 = arith.addi %mul3A_1037, %add3A_1038 : i32
      %mul3A_1040 = arith.constant 16 : i32
      %mul3A_1041 = arith.muli %add3A_1039, %mul3A_1040 : i32
      %get3A = arith.index_cast %mul3A_1041 : i32 to index
      %get3A_1042 = tpu.vector_load %arg7[%get3A] {strides = array<i32>} : memref<4096xi32, #tpu.memory_space<vmem>>, vector<16xi32>,
      %lt3A = arith.constant 50048 : i32
      %lt3A_1043 = vector.broadcast %lt3A : i32 to vector<16xi32>
      %lt3A_1044 = arith.cmpi slt, %get3A_1042, %lt3A_1043 : vector<16xi32>
      %gather3A = tpu.vector_load_idx %arg5[%get3A_1042] masked %lt3A_1044 : memref<50048xf32, #tpu.memory_space<vmem>>[vector<16xi32>], vector<16xf32>, vector<16xi1>
      %add3A_1045 = vector.broadcast %mul3A_1041 : i32 to vector<16xi32>
      %add3A_1046 = arith.addi %iota3A, %add3A_1045 : vector<16xi32>
      tpu.vector_store_idx %arg9[%add3A_1046], %gather3A masked %lt3A_1044 : memref<4096xf32, #tpu.memory_space<vmem>>[vector<16xi32>], vector<16xf32>, vector<16xi1>
      %mul3A_1047 = arith.constant 4 : i32
      %mul3A_1048 = arith.muli %scan3A_1035, %mul3A_1047 : i32
      %add3A_1049 = arith.constant 1 : i32
      %add3A_1050 = arith.addi %mul3A_1048, %add3A_1049 : i32
      %mul3A_1051 = arith.constant 16 : i32
      %mul3A_1052 = arith.muli %add3A_1050, %mul3A_1051 : i32
      %get3A_1053 = arith.index_cast %mul3A_1052 : i32 to index
      %get3A_1054 = tpu.vector_load %arg7[%get3A_1053] {strides = array<i32>} : memref<4096xi32, #tpu.memory_space<vmem>>, vector<16xi32>,
      %lt3A_1055 = arith.constant 50048 : i32
      %lt3A_1056 = vector.broadcast %lt3A_1055 : i32 to vector<16xi32>
      %lt3A_1057 = arith.cmpi slt, %get3A_1054, %lt3A_1056 : vector<16xi32>
      %gather3A_1058 = tpu.vector_load_idx %arg5[%get3A_1054] masked %lt3A_1057 : memref<50048xf32, #tpu.memory_space<vmem>>[vector<16xi32>], vector<16xf32>, vector<16xi1>
      %add3A_1059 = vector.broadcast %mul3A_1052 : i32 to vector<16xi32>
      %add3A_1060 = arith.addi %iota3A, %add3A_1059 : vector<16xi32>
      tpu.vector_store_idx %arg9[%add3A_1060], %gather3A_1058 masked %lt3A_1057 : memref<4096xf32, #tpu.memory_space<vmem>>[vector<16xi32>], vector<16xf32>, vector<16xi1>
      %mul3A_1061 = arith.constant 4 : i32
      %mul3A_1062 = arith.muli %scan3A_1035, %mul3A_1061 : i32
      %add3A_1063 = arith.constant 2 : i32
      %add3A_1064 = arith.addi %mul3A_1062, %add3A_1063 : i32
      %mul3A_1065 = arith.constant 16 : i32
      %mul3A_1066 = arith.muli %add3A_1064, %mul3A_1065 : i32
      %get3A_1067 = arith.index_cast %mul3A_1066 : i32 to index
      %get3A_1068 = tpu.vector_load %arg7[%get3A_1067] {strides = array<i32>} : memref<4096xi32, #tpu.memory_space<vmem>>, vector<16xi32>,
      %lt3A_1069 = arith.constant 50048 : i32
      %lt3A_1070 = vector.broadcast %lt3A_1069 : i32 to vector<16xi32>
      %lt3A_1071 = arith.cmpi slt, %get3A_1068, %lt3A_1070 : vector<16xi32>
      %gather3A_1072 = tpu.vector_load_idx %arg5[%get3A_1068] masked %lt3A_1071 : memref<50048xf32, #tpu.memory_space<vmem>>[vector<16xi32>], vector<16xf32>, vector<16xi1>
      %add3A_1073 = vector.broadcast %mul3A_1066 : i32 to vector<16xi32>
      %add3A_1074 = arith.addi %iota3A, %add3A_1073 : vector<16xi32>
      tpu.vector_store_idx %arg9[%add3A_1074], %gather3A_1072 masked %lt3A_1071 : memref<4096xf32, #tpu.memory_space<vmem>>[vector<16xi32>], vector<16xf32>, vector<16xi1>
      %mul3A_1075 = arith.constant 4 : i32
      %mul3A_1076 = arith.muli %scan3A_1035, %mul3A_1075 : i32
      %add3A_1077 = arith.constant 3 : i32
      %add3A_1078 = arith.addi %mul3A_1076, %add3A_1077 : i32
      %mul3A_1079 = arith.constant 16 : i32
      %mul3A_1080 = arith.muli %add3A_1078, %mul3A_1079 : i32
      %get3A_1081 = arith.index_cast %mul3A_1080 : i32 to index
      %get3A_1082 = tpu.vector_load %arg7[%get3A_1081] {strides = array<i32>} : memref<4096xi32, #tpu.memory_space<vmem>>, vector<16xi32>,
      %lt3A_1083 = arith.constant 50048 : i32
      %lt3A_1084 = vector.broadcast %lt3A_1083 : i32 to vector<16xi32>
      %lt3A_1085 = arith.cmpi slt, %get3A_1082, %lt3A_1084 : vector<16xi32>
      %gather3A_1086 = tpu.vector_load_idx %arg5[%get3A_1082] masked %lt3A_1085 : memref<50048xf32, #tpu.memory_space<vmem>>[vector<16xi32>], vector<16xf32>, vector<16xi1>
      %add3A_1087 = vector.broadcast %mul3A_1080 : i32 to vector<16xi32>
      %add3A_1088 = arith.addi %iota3A, %add3A_1087 : vector<16xi32>
      tpu.vector_store_idx %arg9[%add3A_1088], %gather3A_1086 masked %lt3A_1085 : memref<4096xf32, #tpu.memory_space<vmem>>[vector<16xi32>], vector<16xf32>, vector<16xi1>
    }
    %scan3A_370 = arith.constant 64 : i32
    %mul3A_371 = arith.constant 13 : i32
    %mul3A_372 = arith.muli %arg0, %mul3A_371 : i32
    %add3A_373 = arith.constant 4 : i32
    %add3A_374 = arith.addi %mul3A_372, %add3A_373 : i32
    %mul3A_375 = arith.constant 13 : i32
    %mul3A_376 = arith.muli %arg0, %mul3A_375 : i32
    %add3A_377 = arith.constant 5 : i32
    %add3A_378 = arith.addi %mul3A_376, %add3A_377 : i32
    %dma_start3A_379 = arith.constant 0 : i32
    %dma_start3A_380 = tpu.memref_slice %arg2[%add3A_378, %arg1, %dma_start3A_379] : memref<26x16x100000xf32, #tpu.memory_space<hbm>> -> memref<1x1x50048xf32, #tpu.memory_space<hbm>>
    %dma_start3A_381 = tpu.memref_squeeze %dma_start3A_380 : memref<1x1x50048xf32, #tpu.memory_space<hbm>> -> memref<50048xf32, #tpu.memory_space<hbm>>
    %dma_start3A_382 = arith.constant 0 : i32
    %dma_start3A_383 = tpu.memref_slice %arg2[%add3A_378, %arg1, %dma_start3A_382] : memref<26x16x100000xf32, #tpu.memory_space<hbm>> -> memref<1x1x50048xf32, #tpu.memory_space<hbm>>
    %dma_start3A_384 = tpu.memref_squeeze %dma_start3A_383 : memref<1x1x50048xf32, #tpu.memory_space<hbm>> -> memref<50048xf32, #tpu.memory_space<hbm>>
    tpu.enqueue_dma source(%dma_start3A_384 : memref<50048xf32, #tpu.memory_space<hbm>>) target(%arg5 : memref<50048xf32, #tpu.memory_space<vmem>>) target_semaphore(%arg11 : memref<!tpu.dma_semaphore, #tpu.memory_space<semaphore_mem>>)
    %dma_wait3A_385 = arith.constant 50048 : i32
    %dma_wait3A_386 = tpu.memref_slice %arg2[%add3A_352, %arg1, %dma_wait3A_385] : memref<26x16x100000xf32, #tpu.memory_space<hbm>> -> memref<1x1x49952xf32, #tpu.memory_space<hbm>>
    %dma_wait3A_387 = tpu.memref_squeeze %dma_wait3A_386 : memref<1x1x49952xf32, #tpu.memory_space<hbm>> -> memref<49952xf32, #tpu.memory_space<hbm>>
    %dma_wait3A_388 = arith.constant 50048 : i32
    %dma_wait3A_389 = tpu.memref_slice %arg2[%add3A_352, %arg1, %dma_wait3A_388] : memref<26x16x100000xf32, #tpu.memory_space<hbm>> -> memref<1x1x49952xf32, #tpu.memory_space<hbm>>
    %dma_wait3A_390 = tpu.memref_squeeze %dma_wait3A_389 : memref<1x1x49952xf32, #tpu.memory_space<hbm>> -> memref<49952xf32, #tpu.memory_space<hbm>>
    tpu.wait_dma2 semaphore(%arg12 : memref<!tpu.dma_semaphore, #tpu.memory_space<semaphore_mem>>) src(%dma_wait3A_390 : memref<49952xf32, #tpu.memory_space<hbm>>) dst(%arg6 : memref<49952xf32, #tpu.memory_space<vmem>>)
    %scan3A_391 = arith.constant 0 : i32
    %scan3A_392 = arith.constant 0 : i32
    %scan3A_393 = arith.constant 64 : i32
    %scan3A_394 = arith.addi %scan3A_392, %scan3A_393 : i32
    %scan3A_395 = arith.constant 1 : i32
    scf.for %scan3A_1035 = %scan3A_392 to %scan3A_394 step %scan3A_395  : i32 {
      %mul3A_1036 = arith.constant 4 : i32
      %mul3A_1037 = arith.muli %scan3A_1035, %mul3A_1036 : i32
      %add3A_1038 = arith.constant 0 : i32
      %add3A_1039 = arith.addi %mul3A_1037, %add3A_1038 : i32
      %mul3A_1040 = arith.constant 16 : i32
      %mul3A_1041 = arith.muli %add3A_1039, %mul3A_1040 : i32
      %get3A = arith.index_cast %mul3A_1041 : i32 to index
      %get3A_1042 = tpu.vector_load %arg7[%get3A] {strides = array<i32>} : memref<4096xi32, #tpu.memory_space<vmem>>, vector<16xi32>,
      %ge3A = arith.constant 50048 : i32
      %ge3A_1043 = vector.broadcast %ge3A : i32 to vector<16xi32>
      %ge3A_1044 = arith.cmpi sge, %get3A_1042, %ge3A_1043 : vector<16xi32>
      %sub3A = arith.constant 50048 : i32
      %sub3A_1045 = vector.broadcast %sub3A : i32 to vector<16xi32>
      %sub3A_1046 = arith.subi %get3A_1042, %sub3A_1045 : vector<16xi32>
      %gather3A = tpu.vector_load_idx %arg6[%sub3A_1046] masked %ge3A_1044 : memref<49952xf32, #tpu.memory_space<vmem>>[vector<16xi32>], vector<16xf32>, vector<16xi1>
      %add3A_1047 = vector.broadcast %mul3A_1041 : i32 to vector<16xi32>
      %add3A_1048 = arith.addi %iota3A, %add3A_1047 : vector<16xi32>
      tpu.vector_store_idx %arg9[%add3A_1048], %gather3A masked %ge3A_1044 : memref<4096xf32, #tpu.memory_space<vmem>>[vector<16xi32>], vector<16xf32>, vector<16xi1>
      %mul3A_1049 = arith.constant 4 : i32
      %mul3A_1050 = arith.muli %scan3A_1035, %mul3A_1049 : i32
      %add3A_1051 = arith.constant 1 : i32
      %add3A_1052 = arith.addi %mul3A_1050, %add3A_1051 : i32
      %mul3A_1053 = arith.constant 16 : i32
      %mul3A_1054 = arith.muli %add3A_1052, %mul3A_1053 : i32
      %get3A_1055 = arith.index_cast %mul3A_1054 : i32 to index
      %get3A_1056 = tpu.vector_load %arg7[%get3A_1055] {strides = array<i32>} : memref<4096xi32, #tpu.memory_space<vmem>>, vector<16xi32>,
      %ge3A_1057 = arith.constant 50048 : i32
      %ge3A_1058 = vector.broadcast %ge3A_1057 : i32 to vector<16xi32>
      %ge3A_1059 = arith.cmpi sge, %get3A_1056, %ge3A_1058 : vector<16xi32>
      %sub3A_1060 = arith.constant 50048 : i32
      %sub3A_1061 = vector.broadcast %sub3A_1060 : i32 to vector<16xi32>
      %sub3A_1062 = arith.subi %get3A_1056, %sub3A_1061 : vector<16xi32>
      %gather3A_1063 = tpu.vector_load_idx %arg6[%sub3A_1062] masked %ge3A_1059 : memref<49952xf32, #tpu.memory_space<vmem>>[vector<16xi32>], vector<16xf32>, vector<16xi1>
      %add3A_1064 = vector.broadcast %mul3A_1054 : i32 to vector<16xi32>
      %add3A_1065 = arith.addi %iota3A, %add3A_1064 : vector<16xi32>
      tpu.vector_store_idx %arg9[%add3A_1065], %gather3A_1063 masked %ge3A_1059 : memref<4096xf32, #tpu.memory_space<vmem>>[vector<16xi32>], vector<16xf32>, vector<16xi1>
      %mul3A_1066 = arith.constant 4 : i32
      %mul3A_1067 = arith.muli %scan3A_1035, %mul3A_1066 : i32
      %add3A_1068 = arith.constant 2 : i32
      %add3A_1069 = arith.addi %mul3A_1067, %add3A_1068 : i32
      %mul3A_1070 = arith.constant 16 : i32
      %mul3A_1071 = arith.muli %add3A_1069, %mul3A_1070 : i32
      %get3A_1072 = arith.index_cast %mul3A_1071 : i32 to index
      %get3A_1073 = tpu.vector_load %arg7[%get3A_1072] {strides = array<i32>} : memref<4096xi32, #tpu.memory_space<vmem>>, vector<16xi32>,
      %ge3A_1074 = arith.constant 50048 : i32
      %ge3A_1075 = vector.broadcast %ge3A_1074 : i32 to vector<16xi32>
      %ge3A_1076 = arith.cmpi sge, %get3A_1073, %ge3A_1075 : vector<16xi32>
      %sub3A_1077 = arith.constant 50048 : i32
      %sub3A_1078 = vector.broadcast %sub3A_1077 : i32 to vector<16xi32>
      %sub3A_1079 = arith.subi %get3A_1073, %sub3A_1078 : vector<16xi32>
      %gather3A_1080 = tpu.vector_load_idx %arg6[%sub3A_1079] masked %ge3A_1076 : memref<49952xf32, #tpu.memory_space<vmem>>[vector<16xi32>], vector<16xf32>, vector<16xi1>
      %add3A_1081 = vector.broadcast %mul3A_1071 : i32 to vector<16xi32>
      %add3A_1082 = arith.addi %iota3A, %add3A_1081 : vector<16xi32>
      tpu.vector_store_idx %arg9[%add3A_1082], %gather3A_1080 masked %ge3A_1076 : memref<4096xf32, #tpu.memory_space<vmem>>[vector<16xi32>], vector<16xf32>, vector<16xi1>
      %mul3A_1083 = arith.constant 4 : i32
      %mul3A_1084 = arith.muli %scan3A_1035, %mul3A_1083 : i32
      %add3A_1085 = arith.constant 3 : i32
      %add3A_1086 = arith.addi %mul3A_1084, %add3A_1085 : i32
      %mul3A_1087 = arith.constant 16 : i32
      %mul3A_1088 = arith.muli %add3A_1086, %mul3A_1087 : i32
      %get3A_1089 = arith.index_cast %mul3A_1088 : i32 to index
      %get3A_1090 = tpu.vector_load %arg7[%get3A_1089] {strides = array<i32>} : memref<4096xi32, #tpu.memory_space<vmem>>, vector<16xi32>,
      %ge3A_1091 = arith.constant 50048 : i32
      %ge3A_1092 = vector.broadcast %ge3A_1091 : i32 to vector<16xi32>
      %ge3A_1093 = arith.cmpi sge, %get3A_1090, %ge3A_1092 : vector<16xi32>
      %sub3A_1094 = arith.constant 50048 : i32
      %sub3A_1095 = vector.broadcast %sub3A_1094 : i32 to vector<16xi32>
      %sub3A_1096 = arith.subi %get3A_1090, %sub3A_1095 : vector<16xi32>
      %gather3A_1097 = tpu.vector_load_idx %arg6[%sub3A_1096] masked %ge3A_1093 : memref<49952xf32, #tpu.memory_space<vmem>>[vector<16xi32>], vector<16xf32>, vector<16xi1>
      %add3A_1098 = vector.broadcast %mul3A_1088 : i32 to vector<16xi32>
      %add3A_1099 = arith.addi %iota3A, %add3A_1098 : vector<16xi32>
      tpu.vector_store_idx %arg9[%add3A_1099], %gather3A_1097 masked %ge3A_1093 : memref<4096xf32, #tpu.memory_space<vmem>>[vector<16xi32>], vector<16xf32>, vector<16xi1>
    }
    %scan3A_396 = arith.constant 64 : i32
    %dma_start3A_397 = arith.constant 0 : i32
    %dma_start3A_398 = tpu.memref_slice %arg4[%add3A_374, %arg1, %dma_start3A_397] : memref<26x16x4096xf32, #tpu.memory_space<hbm>> -> memref<1x1x4096xf32, #tpu.memory_space<hbm>>
    %dma_start3A_399 = tpu.memref_squeeze %dma_start3A_398 : memref<1x1x4096xf32, #tpu.memory_space<hbm>> -> memref<4096xf32, #tpu.memory_space<hbm>>
    %dma_start3A_400 = arith.constant 0 : i32
    %dma_start3A_401 = tpu.memref_slice %arg4[%add3A_374, %arg1, %dma_start3A_400] : memref<26x16x4096xf32, #tpu.memory_space<hbm>> -> memref<1x1x4096xf32, #tpu.memory_space<hbm>>
    %dma_start3A_402 = tpu.memref_squeeze %dma_start3A_401 : memref<1x1x4096xf32, #tpu.memory_space<hbm>> -> memref<4096xf32, #tpu.memory_space<hbm>>
    tpu.enqueue_dma source(%arg9 : memref<4096xf32, #tpu.memory_space<vmem>>) target(%dma_start3A_402 : memref<4096xf32, #tpu.memory_space<hbm>>) target_semaphore(%arg15 : memref<!tpu.dma_semaphore, #tpu.memory_space<semaphore_mem>>)
    %mul3A_403 = arith.constant 13 : i32
    %mul3A_404 = arith.muli %arg0, %mul3A_403 : i32
    %add3A_405 = arith.constant 5 : i32
    %add3A_406 = arith.addi %mul3A_404, %add3A_405 : i32
    %dma_wait3A_407 = arith.constant 0 : i32
    %dma_wait3A_408 = tpu.memref_slice %arg3[%add3A_336, %dma_wait3A_407] : memref<26x4096xi32, #tpu.memory_space<hbm>> -> memref<1x4096xi32, #tpu.memory_space<hbm>>
    %dma_wait3A_409 = tpu.memref_squeeze %dma_wait3A_408 : memref<1x4096xi32, #tpu.memory_space<hbm>> -> memref<4096xi32, #tpu.memory_space<hbm>>
    %dma_wait3A_410 = arith.constant 0 : i32
    %dma_wait3A_411 = tpu.memref_slice %arg3[%add3A_336, %dma_wait3A_410] : memref<26x4096xi32, #tpu.memory_space<hbm>> -> memref<1x4096xi32, #tpu.memory_space<hbm>>
    %dma_wait3A_412 = tpu.memref_squeeze %dma_wait3A_411 : memref<1x4096xi32, #tpu.memory_space<hbm>> -> memref<4096xi32, #tpu.memory_space<hbm>>
    tpu.wait_dma2 semaphore(%arg14 : memref<!tpu.dma_semaphore, #tpu.memory_space<semaphore_mem>>) src(%dma_wait3A_412 : memref<4096xi32, #tpu.memory_space<hbm>>) dst(%arg8 : memref<4096xi32, #tpu.memory_space<vmem>>)
    %mul3A_413 = arith.constant 13 : i32
    %mul3A_414 = arith.muli %arg0, %mul3A_413 : i32
    %add3A_415 = arith.constant 6 : i32
    %add3A_416 = arith.addi %mul3A_414, %add3A_415 : i32
    %dma_start3A_417 = arith.constant 0 : i32
    %dma_start3A_418 = tpu.memref_slice %arg3[%add3A_416, %dma_start3A_417] : memref<26x4096xi32, #tpu.memory_space<hbm>> -> memref<1x4096xi32, #tpu.memory_space<hbm>>
    %dma_start3A_419 = tpu.memref_squeeze %dma_start3A_418 : memref<1x4096xi32, #tpu.memory_space<hbm>> -> memref<4096xi32, #tpu.memory_space<hbm>>
    %dma_start3A_420 = arith.constant 0 : i32
    %dma_start3A_421 = tpu.memref_slice %arg3[%add3A_416, %dma_start3A_420] : memref<26x4096xi32, #tpu.memory_space<hbm>> -> memref<1x4096xi32, #tpu.memory_space<hbm>>
    %dma_start3A_422 = tpu.memref_squeeze %dma_start3A_421 : memref<1x4096xi32, #tpu.memory_space<hbm>> -> memref<4096xi32, #tpu.memory_space<hbm>>
    tpu.enqueue_dma source(%dma_start3A_422 : memref<4096xi32, #tpu.memory_space<hbm>>) target(%arg7 : memref<4096xi32, #tpu.memory_space<vmem>>) target_semaphore(%arg13 : memref<!tpu.dma_semaphore, #tpu.memory_space<semaphore_mem>>)
    %dma_wait3A_423 = arith.constant 0 : i32
    %dma_wait3A_424 = tpu.memref_slice %arg4[%add3A_294, %arg1, %dma_wait3A_423] : memref<26x16x4096xf32, #tpu.memory_space<hbm>> -> memref<1x1x4096xf32, #tpu.memory_space<hbm>>
    %dma_wait3A_425 = tpu.memref_squeeze %dma_wait3A_424 : memref<1x1x4096xf32, #tpu.memory_space<hbm>> -> memref<4096xf32, #tpu.memory_space<hbm>>
    %dma_wait3A_426 = arith.constant 0 : i32
    %dma_wait3A_427 = tpu.memref_slice %arg4[%add3A_294, %arg1, %dma_wait3A_426] : memref<26x16x4096xf32, #tpu.memory_space<hbm>> -> memref<1x1x4096xf32, #tpu.memory_space<hbm>>
    %dma_wait3A_428 = tpu.memref_squeeze %dma_wait3A_427 : memref<1x1x4096xf32, #tpu.memory_space<hbm>> -> memref<4096xf32, #tpu.memory_space<hbm>>
    tpu.wait_dma2 semaphore(%arg16 : memref<!tpu.dma_semaphore, #tpu.memory_space<semaphore_mem>>) src(%arg10 : memref<4096xf32, #tpu.memory_space<vmem>>) dst(%dma_wait3A_428 : memref<4096xf32, #tpu.memory_space<hbm>>)
    %mul3A_429 = arith.constant 13 : i32
    %mul3A_430 = arith.muli %arg0, %mul3A_429 : i32
    %add3A_431 = arith.constant 5 : i32
    %add3A_432 = arith.addi %mul3A_430, %add3A_431 : i32
    %dma_start3A_433 = arith.constant 50048 : i32
    %dma_start3A_434 = tpu.memref_slice %arg2[%add3A_432, %arg1, %dma_start3A_433] : memref<26x16x100000xf32, #tpu.memory_space<hbm>> -> memref<1x1x49952xf32, #tpu.memory_space<hbm>>
    %dma_start3A_435 = tpu.memref_squeeze %dma_start3A_434 : memref<1x1x49952xf32, #tpu.memory_space<hbm>> -> memref<49952xf32, #tpu.memory_space<hbm>>
    %dma_start3A_436 = arith.constant 50048 : i32
    %dma_start3A_437 = tpu.memref_slice %arg2[%add3A_432, %arg1, %dma_start3A_436] : memref<26x16x100000xf32, #tpu.memory_space<hbm>> -> memref<1x1x49952xf32, #tpu.memory_space<hbm>>
    %dma_start3A_438 = tpu.memref_squeeze %dma_start3A_437 : memref<1x1x49952xf32, #tpu.memory_space<hbm>> -> memref<49952xf32, #tpu.memory_space<hbm>>
    tpu.enqueue_dma source(%dma_start3A_438 : memref<49952xf32, #tpu.memory_space<hbm>>) target(%arg6 : memref<49952xf32, #tpu.memory_space<vmem>>) target_semaphore(%arg12 : memref<!tpu.dma_semaphore, #tpu.memory_space<semaphore_mem>>)
    %dma_wait3A_439 = arith.constant 0 : i32
    %dma_wait3A_440 = tpu.memref_slice %arg2[%add3A_378, %arg1, %dma_wait3A_439] : memref<26x16x100000xf32, #tpu.memory_space<hbm>> -> memref<1x1x50048xf32, #tpu.memory_space<hbm>>
    %dma_wait3A_441 = tpu.memref_squeeze %dma_wait3A_440 : memref<1x1x50048xf32, #tpu.memory_space<hbm>> -> memref<50048xf32, #tpu.memory_space<hbm>>
    %dma_wait3A_442 = arith.constant 0 : i32
    %dma_wait3A_443 = tpu.memref_slice %arg2[%add3A_378, %arg1, %dma_wait3A_442] : memref<26x16x100000xf32, #tpu.memory_space<hbm>> -> memref<1x1x50048xf32, #tpu.memory_space<hbm>>
    %dma_wait3A_444 = tpu.memref_squeeze %dma_wait3A_443 : memref<1x1x50048xf32, #tpu.memory_space<hbm>> -> memref<50048xf32, #tpu.memory_space<hbm>>
    tpu.wait_dma2 semaphore(%arg11 : memref<!tpu.dma_semaphore, #tpu.memory_space<semaphore_mem>>) src(%dma_wait3A_444 : memref<50048xf32, #tpu.memory_space<hbm>>) dst(%arg5 : memref<50048xf32, #tpu.memory_space<vmem>>)
    %scan3A_445 = arith.constant 0 : i32
    %scan3A_446 = arith.constant 0 : i32
    %scan3A_447 = arith.constant 64 : i32
    %scan3A_448 = arith.addi %scan3A_446, %scan3A_447 : i32
    %scan3A_449 = arith.constant 1 : i32
    scf.for %scan3A_1035 = %scan3A_446 to %scan3A_448 step %scan3A_449  : i32 {
      %mul3A_1036 = arith.constant 4 : i32
      %mul3A_1037 = arith.muli %scan3A_1035, %mul3A_1036 : i32
      %add3A_1038 = arith.constant 0 : i32
      %add3A_1039 = arith.addi %mul3A_1037, %add3A_1038 : i32
      %mul3A_1040 = arith.constant 16 : i32
      %mul3A_1041 = arith.muli %add3A_1039, %mul3A_1040 : i32
      %get3A = arith.index_cast %mul3A_1041 : i32 to index
      %get3A_1042 = tpu.vector_load %arg8[%get3A] {strides = array<i32>} : memref<4096xi32, #tpu.memory_space<vmem>>, vector<16xi32>,
      %lt3A = arith.constant 50048 : i32
      %lt3A_1043 = vector.broadcast %lt3A : i32 to vector<16xi32>
      %lt3A_1044 = arith.cmpi slt, %get3A_1042, %lt3A_1043 : vector<16xi32>
      %gather3A = tpu.vector_load_idx %arg5[%get3A_1042] masked %lt3A_1044 : memref<50048xf32, #tpu.memory_space<vmem>>[vector<16xi32>], vector<16xf32>, vector<16xi1>
      %add3A_1045 = vector.broadcast %mul3A_1041 : i32 to vector<16xi32>
      %add3A_1046 = arith.addi %iota3A, %add3A_1045 : vector<16xi32>
      tpu.vector_store_idx %arg10[%add3A_1046], %gather3A masked %lt3A_1044 : memref<4096xf32, #tpu.memory_space<vmem>>[vector<16xi32>], vector<16xf32>, vector<16xi1>
      %mul3A_1047 = arith.constant 4 : i32
      %mul3A_1048 = arith.muli %scan3A_1035, %mul3A_1047 : i32
      %add3A_1049 = arith.constant 1 : i32
      %add3A_1050 = arith.addi %mul3A_1048, %add3A_1049 : i32
      %mul3A_1051 = arith.constant 16 : i32
      %mul3A_1052 = arith.muli %add3A_1050, %mul3A_1051 : i32
      %get3A_1053 = arith.index_cast %mul3A_1052 : i32 to index
      %get3A_1054 = tpu.vector_load %arg8[%get3A_1053] {strides = array<i32>} : memref<4096xi32, #tpu.memory_space<vmem>>, vector<16xi32>,
      %lt3A_1055 = arith.constant 50048 : i32
      %lt3A_1056 = vector.broadcast %lt3A_1055 : i32 to vector<16xi32>
      %lt3A_1057 = arith.cmpi slt, %get3A_1054, %lt3A_1056 : vector<16xi32>
      %gather3A_1058 = tpu.vector_load_idx %arg5[%get3A_1054] masked %lt3A_1057 : memref<50048xf32, #tpu.memory_space<vmem>>[vector<16xi32>], vector<16xf32>, vector<16xi1>
      %add3A_1059 = vector.broadcast %mul3A_1052 : i32 to vector<16xi32>
      %add3A_1060 = arith.addi %iota3A, %add3A_1059 : vector<16xi32>
      tpu.vector_store_idx %arg10[%add3A_1060], %gather3A_1058 masked %lt3A_1057 : memref<4096xf32, #tpu.memory_space<vmem>>[vector<16xi32>], vector<16xf32>, vector<16xi1>
      %mul3A_1061 = arith.constant 4 : i32
      %mul3A_1062 = arith.muli %scan3A_1035, %mul3A_1061 : i32
      %add3A_1063 = arith.constant 2 : i32
      %add3A_1064 = arith.addi %mul3A_1062, %add3A_1063 : i32
      %mul3A_1065 = arith.constant 16 : i32
      %mul3A_1066 = arith.muli %add3A_1064, %mul3A_1065 : i32
      %get3A_1067 = arith.index_cast %mul3A_1066 : i32 to index
      %get3A_1068 = tpu.vector_load %arg8[%get3A_1067] {strides = array<i32>} : memref<4096xi32, #tpu.memory_space<vmem>>, vector<16xi32>,
      %lt3A_1069 = arith.constant 50048 : i32
      %lt3A_1070 = vector.broadcast %lt3A_1069 : i32 to vector<16xi32>
      %lt3A_1071 = arith.cmpi slt, %get3A_1068, %lt3A_1070 : vector<16xi32>
      %gather3A_1072 = tpu.vector_load_idx %arg5[%get3A_1068] masked %lt3A_1071 : memref<50048xf32, #tpu.memory_space<vmem>>[vector<16xi32>], vector<16xf32>, vector<16xi1>
      %add3A_1073 = vector.broadcast %mul3A_1066 : i32 to vector<16xi32>
      %add3A_1074 = arith.addi %iota3A, %add3A_1073 : vector<16xi32>
      tpu.vector_store_idx %arg10[%add3A_1074], %gather3A_1072 masked %lt3A_1071 : memref<4096xf32, #tpu.memory_space<vmem>>[vector<16xi32>], vector<16xf32>, vector<16xi1>
      %mul3A_1075 = arith.constant 4 : i32
      %mul3A_1076 = arith.muli %scan3A_1035, %mul3A_1075 : i32
      %add3A_1077 = arith.constant 3 : i32
      %add3A_1078 = arith.addi %mul3A_1076, %add3A_1077 : i32
      %mul3A_1079 = arith.constant 16 : i32
      %mul3A_1080 = arith.muli %add3A_1078, %mul3A_1079 : i32
      %get3A_1081 = arith.index_cast %mul3A_1080 : i32 to index
      %get3A_1082 = tpu.vector_load %arg8[%get3A_1081] {strides = array<i32>} : memref<4096xi32, #tpu.memory_space<vmem>>, vector<16xi32>,
      %lt3A_1083 = arith.constant 50048 : i32
      %lt3A_1084 = vector.broadcast %lt3A_1083 : i32 to vector<16xi32>
      %lt3A_1085 = arith.cmpi slt, %get3A_1082, %lt3A_1084 : vector<16xi32>
      %gather3A_1086 = tpu.vector_load_idx %arg5[%get3A_1082] masked %lt3A_1085 : memref<50048xf32, #tpu.memory_space<vmem>>[vector<16xi32>], vector<16xf32>, vector<16xi1>
      %add3A_1087 = vector.broadcast %mul3A_1080 : i32 to vector<16xi32>
      %add3A_1088 = arith.addi %iota3A, %add3A_1087 : vector<16xi32>
      tpu.vector_store_idx %arg10[%add3A_1088], %gather3A_1086 masked %lt3A_1085 : memref<4096xf32, #tpu.memory_space<vmem>>[vector<16xi32>], vector<16xf32>, vector<16xi1>
    }
    %scan3A_450 = arith.constant 64 : i32
    %mul3A_451 = arith.constant 13 : i32
    %mul3A_452 = arith.muli %arg0, %mul3A_451 : i32
    %add3A_453 = arith.constant 5 : i32
    %add3A_454 = arith.addi %mul3A_452, %add3A_453 : i32
    %mul3A_455 = arith.constant 13 : i32
    %mul3A_456 = arith.muli %arg0, %mul3A_455 : i32
    %add3A_457 = arith.constant 6 : i32
    %add3A_458 = arith.addi %mul3A_456, %add3A_457 : i32
    %dma_start3A_459 = arith.constant 0 : i32
    %dma_start3A_460 = tpu.memref_slice %arg2[%add3A_458, %arg1, %dma_start3A_459] : memref<26x16x100000xf32, #tpu.memory_space<hbm>> -> memref<1x1x50048xf32, #tpu.memory_space<hbm>>
    %dma_start3A_461 = tpu.memref_squeeze %dma_start3A_460 : memref<1x1x50048xf32, #tpu.memory_space<hbm>> -> memref<50048xf32, #tpu.memory_space<hbm>>
    %dma_start3A_462 = arith.constant 0 : i32
    %dma_start3A_463 = tpu.memref_slice %arg2[%add3A_458, %arg1, %dma_start3A_462] : memref<26x16x100000xf32, #tpu.memory_space<hbm>> -> memref<1x1x50048xf32, #tpu.memory_space<hbm>>
    %dma_start3A_464 = tpu.memref_squeeze %dma_start3A_463 : memref<1x1x50048xf32, #tpu.memory_space<hbm>> -> memref<50048xf32, #tpu.memory_space<hbm>>
    tpu.enqueue_dma source(%dma_start3A_464 : memref<50048xf32, #tpu.memory_space<hbm>>) target(%arg5 : memref<50048xf32, #tpu.memory_space<vmem>>) target_semaphore(%arg11 : memref<!tpu.dma_semaphore, #tpu.memory_space<semaphore_mem>>)
    %dma_wait3A_465 = arith.constant 50048 : i32
    %dma_wait3A_466 = tpu.memref_slice %arg2[%add3A_432, %arg1, %dma_wait3A_465] : memref<26x16x100000xf32, #tpu.memory_space<hbm>> -> memref<1x1x49952xf32, #tpu.memory_space<hbm>>
    %dma_wait3A_467 = tpu.memref_squeeze %dma_wait3A_466 : memref<1x1x49952xf32, #tpu.memory_space<hbm>> -> memref<49952xf32, #tpu.memory_space<hbm>>
    %dma_wait3A_468 = arith.constant 50048 : i32
    %dma_wait3A_469 = tpu.memref_slice %arg2[%add3A_432, %arg1, %dma_wait3A_468] : memref<26x16x100000xf32, #tpu.memory_space<hbm>> -> memref<1x1x49952xf32, #tpu.memory_space<hbm>>
    %dma_wait3A_470 = tpu.memref_squeeze %dma_wait3A_469 : memref<1x1x49952xf32, #tpu.memory_space<hbm>> -> memref<49952xf32, #tpu.memory_space<hbm>>
    tpu.wait_dma2 semaphore(%arg12 : memref<!tpu.dma_semaphore, #tpu.memory_space<semaphore_mem>>) src(%dma_wait3A_470 : memref<49952xf32, #tpu.memory_space<hbm>>) dst(%arg6 : memref<49952xf32, #tpu.memory_space<vmem>>)
    %scan3A_471 = arith.constant 0 : i32
    %scan3A_472 = arith.constant 0 : i32
    %scan3A_473 = arith.constant 64 : i32
    %scan3A_474 = arith.addi %scan3A_472, %scan3A_473 : i32
    %scan3A_475 = arith.constant 1 : i32
    scf.for %scan3A_1035 = %scan3A_472 to %scan3A_474 step %scan3A_475  : i32 {
      %mul3A_1036 = arith.constant 4 : i32
      %mul3A_1037 = arith.muli %scan3A_1035, %mul3A_1036 : i32
      %add3A_1038 = arith.constant 0 : i32
      %add3A_1039 = arith.addi %mul3A_1037, %add3A_1038 : i32
      %mul3A_1040 = arith.constant 16 : i32
      %mul3A_1041 = arith.muli %add3A_1039, %mul3A_1040 : i32
      %get3A = arith.index_cast %mul3A_1041 : i32 to index
      %get3A_1042 = tpu.vector_load %arg8[%get3A] {strides = array<i32>} : memref<4096xi32, #tpu.memory_space<vmem>>, vector<16xi32>,
      %ge3A = arith.constant 50048 : i32
      %ge3A_1043 = vector.broadcast %ge3A : i32 to vector<16xi32>
      %ge3A_1044 = arith.cmpi sge, %get3A_1042, %ge3A_1043 : vector<16xi32>
      %sub3A = arith.constant 50048 : i32
      %sub3A_1045 = vector.broadcast %sub3A : i32 to vector<16xi32>
      %sub3A_1046 = arith.subi %get3A_1042, %sub3A_1045 : vector<16xi32>
      %gather3A = tpu.vector_load_idx %arg6[%sub3A_1046] masked %ge3A_1044 : memref<49952xf32, #tpu.memory_space<vmem>>[vector<16xi32>], vector<16xf32>, vector<16xi1>
      %add3A_1047 = vector.broadcast %mul3A_1041 : i32 to vector<16xi32>
      %add3A_1048 = arith.addi %iota3A, %add3A_1047 : vector<16xi32>
      tpu.vector_store_idx %arg10[%add3A_1048], %gather3A masked %ge3A_1044 : memref<4096xf32, #tpu.memory_space<vmem>>[vector<16xi32>], vector<16xf32>, vector<16xi1>
      %mul3A_1049 = arith.constant 4 : i32
      %mul3A_1050 = arith.muli %scan3A_1035, %mul3A_1049 : i32
      %add3A_1051 = arith.constant 1 : i32
      %add3A_1052 = arith.addi %mul3A_1050, %add3A_1051 : i32
      %mul3A_1053 = arith.constant 16 : i32
      %mul3A_1054 = arith.muli %add3A_1052, %mul3A_1053 : i32
      %get3A_1055 = arith.index_cast %mul3A_1054 : i32 to index
      %get3A_1056 = tpu.vector_load %arg8[%get3A_1055] {strides = array<i32>} : memref<4096xi32, #tpu.memory_space<vmem>>, vector<16xi32>,
      %ge3A_1057 = arith.constant 50048 : i32
      %ge3A_1058 = vector.broadcast %ge3A_1057 : i32 to vector<16xi32>
      %ge3A_1059 = arith.cmpi sge, %get3A_1056, %ge3A_1058 : vector<16xi32>
      %sub3A_1060 = arith.constant 50048 : i32
      %sub3A_1061 = vector.broadcast %sub3A_1060 : i32 to vector<16xi32>
      %sub3A_1062 = arith.subi %get3A_1056, %sub3A_1061 : vector<16xi32>
      %gather3A_1063 = tpu.vector_load_idx %arg6[%sub3A_1062] masked %ge3A_1059 : memref<49952xf32, #tpu.memory_space<vmem>>[vector<16xi32>], vector<16xf32>, vector<16xi1>
      %add3A_1064 = vector.broadcast %mul3A_1054 : i32 to vector<16xi32>
      %add3A_1065 = arith.addi %iota3A, %add3A_1064 : vector<16xi32>
      tpu.vector_store_idx %arg10[%add3A_1065], %gather3A_1063 masked %ge3A_1059 : memref<4096xf32, #tpu.memory_space<vmem>>[vector<16xi32>], vector<16xf32>, vector<16xi1>
      %mul3A_1066 = arith.constant 4 : i32
      %mul3A_1067 = arith.muli %scan3A_1035, %mul3A_1066 : i32
      %add3A_1068 = arith.constant 2 : i32
      %add3A_1069 = arith.addi %mul3A_1067, %add3A_1068 : i32
      %mul3A_1070 = arith.constant 16 : i32
      %mul3A_1071 = arith.muli %add3A_1069, %mul3A_1070 : i32
      %get3A_1072 = arith.index_cast %mul3A_1071 : i32 to index
      %get3A_1073 = tpu.vector_load %arg8[%get3A_1072] {strides = array<i32>} : memref<4096xi32, #tpu.memory_space<vmem>>, vector<16xi32>,
      %ge3A_1074 = arith.constant 50048 : i32
      %ge3A_1075 = vector.broadcast %ge3A_1074 : i32 to vector<16xi32>
      %ge3A_1076 = arith.cmpi sge, %get3A_1073, %ge3A_1075 : vector<16xi32>
      %sub3A_1077 = arith.constant 50048 : i32
      %sub3A_1078 = vector.broadcast %sub3A_1077 : i32 to vector<16xi32>
      %sub3A_1079 = arith.subi %get3A_1073, %sub3A_1078 : vector<16xi32>
      %gather3A_1080 = tpu.vector_load_idx %arg6[%sub3A_1079] masked %ge3A_1076 : memref<49952xf32, #tpu.memory_space<vmem>>[vector<16xi32>], vector<16xf32>, vector<16xi1>
      %add3A_1081 = vector.broadcast %mul3A_1071 : i32 to vector<16xi32>
      %add3A_1082 = arith.addi %iota3A, %add3A_1081 : vector<16xi32>
      tpu.vector_store_idx %arg10[%add3A_1082], %gather3A_1080 masked %ge3A_1076 : memref<4096xf32, #tpu.memory_space<vmem>>[vector<16xi32>], vector<16xf32>, vector<16xi1>
      %mul3A_1083 = arith.constant 4 : i32
      %mul3A_1084 = arith.muli %scan3A_1035, %mul3A_1083 : i32
      %add3A_1085 = arith.constant 3 : i32
      %add3A_1086 = arith.addi %mul3A_1084, %add3A_1085 : i32
      %mul3A_1087 = arith.constant 16 : i32
      %mul3A_1088 = arith.muli %add3A_1086, %mul3A_1087 : i32
      %get3A_1089 = arith.index_cast %mul3A_1088 : i32 to index
      %get3A_1090 = tpu.vector_load %arg8[%get3A_1089] {strides = array<i32>} : memref<4096xi32, #tpu.memory_space<vmem>>, vector<16xi32>,
      %ge3A_1091 = arith.constant 50048 : i32
      %ge3A_1092 = vector.broadcast %ge3A_1091 : i32 to vector<16xi32>
      %ge3A_1093 = arith.cmpi sge, %get3A_1090, %ge3A_1092 : vector<16xi32>
      %sub3A_1094 = arith.constant 50048 : i32
      %sub3A_1095 = vector.broadcast %sub3A_1094 : i32 to vector<16xi32>
      %sub3A_1096 = arith.subi %get3A_1090, %sub3A_1095 : vector<16xi32>
      %gather3A_1097 = tpu.vector_load_idx %arg6[%sub3A_1096] masked %ge3A_1093 : memref<49952xf32, #tpu.memory_space<vmem>>[vector<16xi32>], vector<16xf32>, vector<16xi1>
      %add3A_1098 = vector.broadcast %mul3A_1088 : i32 to vector<16xi32>
      %add3A_1099 = arith.addi %iota3A, %add3A_1098 : vector<16xi32>
      tpu.vector_store_idx %arg10[%add3A_1099], %gather3A_1097 masked %ge3A_1093 : memref<4096xf32, #tpu.memory_space<vmem>>[vector<16xi32>], vector<16xf32>, vector<16xi1>
    }
    %scan3A_476 = arith.constant 64 : i32
    %dma_start3A_477 = arith.constant 0 : i32
    %dma_start3A_478 = tpu.memref_slice %arg4[%add3A_454, %arg1, %dma_start3A_477] : memref<26x16x4096xf32, #tpu.memory_space<hbm>> -> memref<1x1x4096xf32, #tpu.memory_space<hbm>>
    %dma_start3A_479 = tpu.memref_squeeze %dma_start3A_478 : memref<1x1x4096xf32, #tpu.memory_space<hbm>> -> memref<4096xf32, #tpu.memory_space<hbm>>
    %dma_start3A_480 = arith.constant 0 : i32
    %dma_start3A_481 = tpu.memref_slice %arg4[%add3A_454, %arg1, %dma_start3A_480] : memref<26x16x4096xf32, #tpu.memory_space<hbm>> -> memref<1x1x4096xf32, #tpu.memory_space<hbm>>
    %dma_start3A_482 = tpu.memref_squeeze %dma_start3A_481 : memref<1x1x4096xf32, #tpu.memory_space<hbm>> -> memref<4096xf32, #tpu.memory_space<hbm>>
    tpu.enqueue_dma source(%arg10 : memref<4096xf32, #tpu.memory_space<vmem>>) target(%dma_start3A_482 : memref<4096xf32, #tpu.memory_space<hbm>>) target_semaphore(%arg16 : memref<!tpu.dma_semaphore, #tpu.memory_space<semaphore_mem>>)
    %mul3A_483 = arith.constant 13 : i32
    %mul3A_484 = arith.muli %arg0, %mul3A_483 : i32
    %add3A_485 = arith.constant 6 : i32
    %add3A_486 = arith.addi %mul3A_484, %add3A_485 : i32
    %dma_wait3A_487 = arith.constant 0 : i32
    %dma_wait3A_488 = tpu.memref_slice %arg3[%add3A_416, %dma_wait3A_487] : memref<26x4096xi32, #tpu.memory_space<hbm>> -> memref<1x4096xi32, #tpu.memory_space<hbm>>
    %dma_wait3A_489 = tpu.memref_squeeze %dma_wait3A_488 : memref<1x4096xi32, #tpu.memory_space<hbm>> -> memref<4096xi32, #tpu.memory_space<hbm>>
    %dma_wait3A_490 = arith.constant 0 : i32
    %dma_wait3A_491 = tpu.memref_slice %arg3[%add3A_416, %dma_wait3A_490] : memref<26x4096xi32, #tpu.memory_space<hbm>> -> memref<1x4096xi32, #tpu.memory_space<hbm>>
    %dma_wait3A_492 = tpu.memref_squeeze %dma_wait3A_491 : memref<1x4096xi32, #tpu.memory_space<hbm>> -> memref<4096xi32, #tpu.memory_space<hbm>>
    tpu.wait_dma2 semaphore(%arg13 : memref<!tpu.dma_semaphore, #tpu.memory_space<semaphore_mem>>) src(%dma_wait3A_492 : memref<4096xi32, #tpu.memory_space<hbm>>) dst(%arg7 : memref<4096xi32, #tpu.memory_space<vmem>>)
    %mul3A_493 = arith.constant 13 : i32
    %mul3A_494 = arith.muli %arg0, %mul3A_493 : i32
    %add3A_495 = arith.constant 7 : i32
    %add3A_496 = arith.addi %mul3A_494, %add3A_495 : i32
    %dma_start3A_497 = arith.constant 0 : i32
    %dma_start3A_498 = tpu.memref_slice %arg3[%add3A_496, %dma_start3A_497] : memref<26x4096xi32, #tpu.memory_space<hbm>> -> memref<1x4096xi32, #tpu.memory_space<hbm>>
    %dma_start3A_499 = tpu.memref_squeeze %dma_start3A_498 : memref<1x4096xi32, #tpu.memory_space<hbm>> -> memref<4096xi32, #tpu.memory_space<hbm>>
    %dma_start3A_500 = arith.constant 0 : i32
    %dma_start3A_501 = tpu.memref_slice %arg3[%add3A_496, %dma_start3A_500] : memref<26x4096xi32, #tpu.memory_space<hbm>> -> memref<1x4096xi32, #tpu.memory_space<hbm>>
    %dma_start3A_502 = tpu.memref_squeeze %dma_start3A_501 : memref<1x4096xi32, #tpu.memory_space<hbm>> -> memref<4096xi32, #tpu.memory_space<hbm>>
    tpu.enqueue_dma source(%dma_start3A_502 : memref<4096xi32, #tpu.memory_space<hbm>>) target(%arg8 : memref<4096xi32, #tpu.memory_space<vmem>>) target_semaphore(%arg14 : memref<!tpu.dma_semaphore, #tpu.memory_space<semaphore_mem>>)
    %dma_wait3A_503 = arith.constant 0 : i32
    %dma_wait3A_504 = tpu.memref_slice %arg4[%add3A_374, %arg1, %dma_wait3A_503] : memref<26x16x4096xf32, #tpu.memory_space<hbm>> -> memref<1x1x4096xf32, #tpu.memory_space<hbm>>
    %dma_wait3A_505 = tpu.memref_squeeze %dma_wait3A_504 : memref<1x1x4096xf32, #tpu.memory_space<hbm>> -> memref<4096xf32, #tpu.memory_space<hbm>>
    %dma_wait3A_506 = arith.constant 0 : i32
    %dma_wait3A_507 = tpu.memref_slice %arg4[%add3A_374, %arg1, %dma_wait3A_506] : memref<26x16x4096xf32, #tpu.memory_space<hbm>> -> memref<1x1x4096xf32, #tpu.memory_space<hbm>>
    %dma_wait3A_508 = tpu.memref_squeeze %dma_wait3A_507 : memref<1x1x4096xf32, #tpu.memory_space<hbm>> -> memref<4096xf32, #tpu.memory_space<hbm>>
    tpu.wait_dma2 semaphore(%arg15 : memref<!tpu.dma_semaphore, #tpu.memory_space<semaphore_mem>>) src(%arg9 : memref<4096xf32, #tpu.memory_space<vmem>>) dst(%dma_wait3A_508 : memref<4096xf32, #tpu.memory_space<hbm>>)
    %mul3A_509 = arith.constant 13 : i32
    %mul3A_510 = arith.muli %arg0, %mul3A_509 : i32
    %add3A_511 = arith.constant 6 : i32
    %add3A_512 = arith.addi %mul3A_510, %add3A_511 : i32
    %dma_start3A_513 = arith.constant 50048 : i32
    %dma_start3A_514 = tpu.memref_slice %arg2[%add3A_512, %arg1, %dma_start3A_513] : memref<26x16x100000xf32, #tpu.memory_space<hbm>> -> memref<1x1x49952xf32, #tpu.memory_space<hbm>>
    %dma_start3A_515 = tpu.memref_squeeze %dma_start3A_514 : memref<1x1x49952xf32, #tpu.memory_space<hbm>> -> memref<49952xf32, #tpu.memory_space<hbm>>
    %dma_start3A_516 = arith.constant 50048 : i32
    %dma_start3A_517 = tpu.memref_slice %arg2[%add3A_512, %arg1, %dma_start3A_516] : memref<26x16x100000xf32, #tpu.memory_space<hbm>> -> memref<1x1x49952xf32, #tpu.memory_space<hbm>>
    %dma_start3A_518 = tpu.memref_squeeze %dma_start3A_517 : memref<1x1x49952xf32, #tpu.memory_space<hbm>> -> memref<49952xf32, #tpu.memory_space<hbm>>
    tpu.enqueue_dma source(%dma_start3A_518 : memref<49952xf32, #tpu.memory_space<hbm>>) target(%arg6 : memref<49952xf32, #tpu.memory_space<vmem>>) target_semaphore(%arg12 : memref<!tpu.dma_semaphore, #tpu.memory_space<semaphore_mem>>)
    %dma_wait3A_519 = arith.constant 0 : i32
    %dma_wait3A_520 = tpu.memref_slice %arg2[%add3A_458, %arg1, %dma_wait3A_519] : memref<26x16x100000xf32, #tpu.memory_space<hbm>> -> memref<1x1x50048xf32, #tpu.memory_space<hbm>>
    %dma_wait3A_521 = tpu.memref_squeeze %dma_wait3A_520 : memref<1x1x50048xf32, #tpu.memory_space<hbm>> -> memref<50048xf32, #tpu.memory_space<hbm>>
    %dma_wait3A_522 = arith.constant 0 : i32
    %dma_wait3A_523 = tpu.memref_slice %arg2[%add3A_458, %arg1, %dma_wait3A_522] : memref<26x16x100000xf32, #tpu.memory_space<hbm>> -> memref<1x1x50048xf32, #tpu.memory_space<hbm>>
    %dma_wait3A_524 = tpu.memref_squeeze %dma_wait3A_523 : memref<1x1x50048xf32, #tpu.memory_space<hbm>> -> memref<50048xf32, #tpu.memory_space<hbm>>
    tpu.wait_dma2 semaphore(%arg11 : memref<!tpu.dma_semaphore, #tpu.memory_space<semaphore_mem>>) src(%dma_wait3A_524 : memref<50048xf32, #tpu.memory_space<hbm>>) dst(%arg5 : memref<50048xf32, #tpu.memory_space<vmem>>)
    %scan3A_525 = arith.constant 0 : i32
    %scan3A_526 = arith.constant 0 : i32
    %scan3A_527 = arith.constant 64 : i32
    %scan3A_528 = arith.addi %scan3A_526, %scan3A_527 : i32
    %scan3A_529 = arith.constant 1 : i32
    scf.for %scan3A_1035 = %scan3A_526 to %scan3A_528 step %scan3A_529  : i32 {
      %mul3A_1036 = arith.constant 4 : i32
      %mul3A_1037 = arith.muli %scan3A_1035, %mul3A_1036 : i32
      %add3A_1038 = arith.constant 0 : i32
      %add3A_1039 = arith.addi %mul3A_1037, %add3A_1038 : i32
      %mul3A_1040 = arith.constant 16 : i32
      %mul3A_1041 = arith.muli %add3A_1039, %mul3A_1040 : i32
      %get3A = arith.index_cast %mul3A_1041 : i32 to index
      %get3A_1042 = tpu.vector_load %arg7[%get3A] {strides = array<i32>} : memref<4096xi32, #tpu.memory_space<vmem>>, vector<16xi32>,
      %lt3A = arith.constant 50048 : i32
      %lt3A_1043 = vector.broadcast %lt3A : i32 to vector<16xi32>
      %lt3A_1044 = arith.cmpi slt, %get3A_1042, %lt3A_1043 : vector<16xi32>
      %gather3A = tpu.vector_load_idx %arg5[%get3A_1042] masked %lt3A_1044 : memref<50048xf32, #tpu.memory_space<vmem>>[vector<16xi32>], vector<16xf32>, vector<16xi1>
      %add3A_1045 = vector.broadcast %mul3A_1041 : i32 to vector<16xi32>
      %add3A_1046 = arith.addi %iota3A, %add3A_1045 : vector<16xi32>
      tpu.vector_store_idx %arg9[%add3A_1046], %gather3A masked %lt3A_1044 : memref<4096xf32, #tpu.memory_space<vmem>>[vector<16xi32>], vector<16xf32>, vector<16xi1>
      %mul3A_1047 = arith.constant 4 : i32
      %mul3A_1048 = arith.muli %scan3A_1035, %mul3A_1047 : i32
      %add3A_1049 = arith.constant 1 : i32
      %add3A_1050 = arith.addi %mul3A_1048, %add3A_1049 : i32
      %mul3A_1051 = arith.constant 16 : i32
      %mul3A_1052 = arith.muli %add3A_1050, %mul3A_1051 : i32
      %get3A_1053 = arith.index_cast %mul3A_1052 : i32 to index
      %get3A_1054 = tpu.vector_load %arg7[%get3A_1053] {strides = array<i32>} : memref<4096xi32, #tpu.memory_space<vmem>>, vector<16xi32>,
      %lt3A_1055 = arith.constant 50048 : i32
      %lt3A_1056 = vector.broadcast %lt3A_1055 : i32 to vector<16xi32>
      %lt3A_1057 = arith.cmpi slt, %get3A_1054, %lt3A_1056 : vector<16xi32>
      %gather3A_1058 = tpu.vector_load_idx %arg5[%get3A_1054] masked %lt3A_1057 : memref<50048xf32, #tpu.memory_space<vmem>>[vector<16xi32>], vector<16xf32>, vector<16xi1>
      %add3A_1059 = vector.broadcast %mul3A_1052 : i32 to vector<16xi32>
      %add3A_1060 = arith.addi %iota3A, %add3A_1059 : vector<16xi32>
      tpu.vector_store_idx %arg9[%add3A_1060], %gather3A_1058 masked %lt3A_1057 : memref<4096xf32, #tpu.memory_space<vmem>>[vector<16xi32>], vector<16xf32>, vector<16xi1>
      %mul3A_1061 = arith.constant 4 : i32
      %mul3A_1062 = arith.muli %scan3A_1035, %mul3A_1061 : i32
      %add3A_1063 = arith.constant 2 : i32
      %add3A_1064 = arith.addi %mul3A_1062, %add3A_1063 : i32
      %mul3A_1065 = arith.constant 16 : i32
      %mul3A_1066 = arith.muli %add3A_1064, %mul3A_1065 : i32
      %get3A_1067 = arith.index_cast %mul3A_1066 : i32 to index
      %get3A_1068 = tpu.vector_load %arg7[%get3A_1067] {strides = array<i32>} : memref<4096xi32, #tpu.memory_space<vmem>>, vector<16xi32>,
      %lt3A_1069 = arith.constant 50048 : i32
      %lt3A_1070 = vector.broadcast %lt3A_1069 : i32 to vector<16xi32>
      %lt3A_1071 = arith.cmpi slt, %get3A_1068, %lt3A_1070 : vector<16xi32>
      %gather3A_1072 = tpu.vector_load_idx %arg5[%get3A_1068] masked %lt3A_1071 : memref<50048xf32, #tpu.memory_space<vmem>>[vector<16xi32>], vector<16xf32>, vector<16xi1>
      %add3A_1073 = vector.broadcast %mul3A_1066 : i32 to vector<16xi32>
      %add3A_1074 = arith.addi %iota3A, %add3A_1073 : vector<16xi32>
      tpu.vector_store_idx %arg9[%add3A_1074], %gather3A_1072 masked %lt3A_1071 : memref<4096xf32, #tpu.memory_space<vmem>>[vector<16xi32>], vector<16xf32>, vector<16xi1>
      %mul3A_1075 = arith.constant 4 : i32
      %mul3A_1076 = arith.muli %scan3A_1035, %mul3A_1075 : i32
      %add3A_1077 = arith.constant 3 : i32
      %add3A_1078 = arith.addi %mul3A_1076, %add3A_1077 : i32
      %mul3A_1079 = arith.constant 16 : i32
      %mul3A_1080 = arith.muli %add3A_1078, %mul3A_1079 : i32
      %get3A_1081 = arith.index_cast %mul3A_1080 : i32 to index
      %get3A_1082 = tpu.vector_load %arg7[%get3A_1081] {strides = array<i32>} : memref<4096xi32, #tpu.memory_space<vmem>>, vector<16xi32>,
      %lt3A_1083 = arith.constant 50048 : i32
      %lt3A_1084 = vector.broadcast %lt3A_1083 : i32 to vector<16xi32>
      %lt3A_1085 = arith.cmpi slt, %get3A_1082, %lt3A_1084 : vector<16xi32>
      %gather3A_1086 = tpu.vector_load_idx %arg5[%get3A_1082] masked %lt3A_1085 : memref<50048xf32, #tpu.memory_space<vmem>>[vector<16xi32>], vector<16xf32>, vector<16xi1>
      %add3A_1087 = vector.broadcast %mul3A_1080 : i32 to vector<16xi32>
      %add3A_1088 = arith.addi %iota3A, %add3A_1087 : vector<16xi32>
      tpu.vector_store_idx %arg9[%add3A_1088], %gather3A_1086 masked %lt3A_1085 : memref<4096xf32, #tpu.memory_space<vmem>>[vector<16xi32>], vector<16xf32>, vector<16xi1>
    }
    %scan3A_530 = arith.constant 64 : i32
    %mul3A_531 = arith.constant 13 : i32
    %mul3A_532 = arith.muli %arg0, %mul3A_531 : i32
    %add3A_533 = arith.constant 6 : i32
    %add3A_534 = arith.addi %mul3A_532, %add3A_533 : i32
    %mul3A_535 = arith.constant 13 : i32
    %mul3A_536 = arith.muli %arg0, %mul3A_535 : i32
    %add3A_537 = arith.constant 7 : i32
    %add3A_538 = arith.addi %mul3A_536, %add3A_537 : i32
    %dma_start3A_539 = arith.constant 0 : i32
    %dma_start3A_540 = tpu.memref_slice %arg2[%add3A_538, %arg1, %dma_start3A_539] : memref<26x16x100000xf32, #tpu.memory_space<hbm>> -> memref<1x1x50048xf32, #tpu.memory_space<hbm>>
    %dma_start3A_541 = tpu.memref_squeeze %dma_start3A_540 : memref<1x1x50048xf32, #tpu.memory_space<hbm>> -> memref<50048xf32, #tpu.memory_space<hbm>>
    %dma_start3A_542 = arith.constant 0 : i32
    %dma_start3A_543 = tpu.memref_slice %arg2[%add3A_538, %arg1, %dma_start3A_542] : memref<26x16x100000xf32, #tpu.memory_space<hbm>> -> memref<1x1x50048xf32, #tpu.memory_space<hbm>>
    %dma_start3A_544 = tpu.memref_squeeze %dma_start3A_543 : memref<1x1x50048xf32, #tpu.memory_space<hbm>> -> memref<50048xf32, #tpu.memory_space<hbm>>
    tpu.enqueue_dma source(%dma_start3A_544 : memref<50048xf32, #tpu.memory_space<hbm>>) target(%arg5 : memref<50048xf32, #tpu.memory_space<vmem>>) target_semaphore(%arg11 : memref<!tpu.dma_semaphore, #tpu.memory_space<semaphore_mem>>)
    %dma_wait3A_545 = arith.constant 50048 : i32
    %dma_wait3A_546 = tpu.memref_slice %arg2[%add3A_512, %arg1, %dma_wait3A_545] : memref<26x16x100000xf32, #tpu.memory_space<hbm>> -> memref<1x1x49952xf32, #tpu.memory_space<hbm>>
    %dma_wait3A_547 = tpu.memref_squeeze %dma_wait3A_546 : memref<1x1x49952xf32, #tpu.memory_space<hbm>> -> memref<49952xf32, #tpu.memory_space<hbm>>
    %dma_wait3A_548 = arith.constant 50048 : i32
    %dma_wait3A_549 = tpu.memref_slice %arg2[%add3A_512, %arg1, %dma_wait3A_548] : memref<26x16x100000xf32, #tpu.memory_space<hbm>> -> memref<1x1x49952xf32, #tpu.memory_space<hbm>>
    %dma_wait3A_550 = tpu.memref_squeeze %dma_wait3A_549 : memref<1x1x49952xf32, #tpu.memory_space<hbm>> -> memref<49952xf32, #tpu.memory_space<hbm>>
    tpu.wait_dma2 semaphore(%arg12 : memref<!tpu.dma_semaphore, #tpu.memory_space<semaphore_mem>>) src(%dma_wait3A_550 : memref<49952xf32, #tpu.memory_space<hbm>>) dst(%arg6 : memref<49952xf32, #tpu.memory_space<vmem>>)
    %scan3A_551 = arith.constant 0 : i32
    %scan3A_552 = arith.constant 0 : i32
    %scan3A_553 = arith.constant 64 : i32
    %scan3A_554 = arith.addi %scan3A_552, %scan3A_553 : i32
    %scan3A_555 = arith.constant 1 : i32
    scf.for %scan3A_1035 = %scan3A_552 to %scan3A_554 step %scan3A_555  : i32 {
      %mul3A_1036 = arith.constant 4 : i32
      %mul3A_1037 = arith.muli %scan3A_1035, %mul3A_1036 : i32
      %add3A_1038 = arith.constant 0 : i32
      %add3A_1039 = arith.addi %mul3A_1037, %add3A_1038 : i32
      %mul3A_1040 = arith.constant 16 : i32
      %mul3A_1041 = arith.muli %add3A_1039, %mul3A_1040 : i32
      %get3A = arith.index_cast %mul3A_1041 : i32 to index
      %get3A_1042 = tpu.vector_load %arg7[%get3A] {strides = array<i32>} : memref<4096xi32, #tpu.memory_space<vmem>>, vector<16xi32>,
      %ge3A = arith.constant 50048 : i32
      %ge3A_1043 = vector.broadcast %ge3A : i32 to vector<16xi32>
      %ge3A_1044 = arith.cmpi sge, %get3A_1042, %ge3A_1043 : vector<16xi32>
      %sub3A = arith.constant 50048 : i32
      %sub3A_1045 = vector.broadcast %sub3A : i32 to vector<16xi32>
      %sub3A_1046 = arith.subi %get3A_1042, %sub3A_1045 : vector<16xi32>
      %gather3A = tpu.vector_load_idx %arg6[%sub3A_1046] masked %ge3A_1044 : memref<49952xf32, #tpu.memory_space<vmem>>[vector<16xi32>], vector<16xf32>, vector<16xi1>
      %add3A_1047 = vector.broadcast %mul3A_1041 : i32 to vector<16xi32>
      %add3A_1048 = arith.addi %iota3A, %add3A_1047 : vector<16xi32>
      tpu.vector_store_idx %arg9[%add3A_1048], %gather3A masked %ge3A_1044 : memref<4096xf32, #tpu.memory_space<vmem>>[vector<16xi32>], vector<16xf32>, vector<16xi1>
      %mul3A_1049 = arith.constant 4 : i32
      %mul3A_1050 = arith.muli %scan3A_1035, %mul3A_1049 : i32
      %add3A_1051 = arith.constant 1 : i32
      %add3A_1052 = arith.addi %mul3A_1050, %add3A_1051 : i32
      %mul3A_1053 = arith.constant 16 : i32
      %mul3A_1054 = arith.muli %add3A_1052, %mul3A_1053 : i32
      %get3A_1055 = arith.index_cast %mul3A_1054 : i32 to index
      %get3A_1056 = tpu.vector_load %arg7[%get3A_1055] {strides = array<i32>} : memref<4096xi32, #tpu.memory_space<vmem>>, vector<16xi32>,
      %ge3A_1057 = arith.constant 50048 : i32
      %ge3A_1058 = vector.broadcast %ge3A_1057 : i32 to vector<16xi32>
      %ge3A_1059 = arith.cmpi sge, %get3A_1056, %ge3A_1058 : vector<16xi32>
      %sub3A_1060 = arith.constant 50048 : i32
      %sub3A_1061 = vector.broadcast %sub3A_1060 : i32 to vector<16xi32>
      %sub3A_1062 = arith.subi %get3A_1056, %sub3A_1061 : vector<16xi32>
      %gather3A_1063 = tpu.vector_load_idx %arg6[%sub3A_1062] masked %ge3A_1059 : memref<49952xf32, #tpu.memory_space<vmem>>[vector<16xi32>], vector<16xf32>, vector<16xi1>
      %add3A_1064 = vector.broadcast %mul3A_1054 : i32 to vector<16xi32>
      %add3A_1065 = arith.addi %iota3A, %add3A_1064 : vector<16xi32>
      tpu.vector_store_idx %arg9[%add3A_1065], %gather3A_1063 masked %ge3A_1059 : memref<4096xf32, #tpu.memory_space<vmem>>[vector<16xi32>], vector<16xf32>, vector<16xi1>
      %mul3A_1066 = arith.constant 4 : i32
      %mul3A_1067 = arith.muli %scan3A_1035, %mul3A_1066 : i32
      %add3A_1068 = arith.constant 2 : i32
      %add3A_1069 = arith.addi %mul3A_1067, %add3A_1068 : i32
      %mul3A_1070 = arith.constant 16 : i32
      %mul3A_1071 = arith.muli %add3A_1069, %mul3A_1070 : i32
      %get3A_1072 = arith.index_cast %mul3A_1071 : i32 to index
      %get3A_1073 = tpu.vector_load %arg7[%get3A_1072] {strides = array<i32>} : memref<4096xi32, #tpu.memory_space<vmem>>, vector<16xi32>,
      %ge3A_1074 = arith.constant 50048 : i32
      %ge3A_1075 = vector.broadcast %ge3A_1074 : i32 to vector<16xi32>
      %ge3A_1076 = arith.cmpi sge, %get3A_1073, %ge3A_1075 : vector<16xi32>
      %sub3A_1077 = arith.constant 50048 : i32
      %sub3A_1078 = vector.broadcast %sub3A_1077 : i32 to vector<16xi32>
      %sub3A_1079 = arith.subi %get3A_1073, %sub3A_1078 : vector<16xi32>
      %gather3A_1080 = tpu.vector_load_idx %arg6[%sub3A_1079] masked %ge3A_1076 : memref<49952xf32, #tpu.memory_space<vmem>>[vector<16xi32>], vector<16xf32>, vector<16xi1>
      %add3A_1081 = vector.broadcast %mul3A_1071 : i32 to vector<16xi32>
      %add3A_1082 = arith.addi %iota3A, %add3A_1081 : vector<16xi32>
      tpu.vector_store_idx %arg9[%add3A_1082], %gather3A_1080 masked %ge3A_1076 : memref<4096xf32, #tpu.memory_space<vmem>>[vector<16xi32>], vector<16xf32>, vector<16xi1>
      %mul3A_1083 = arith.constant 4 : i32
      %mul3A_1084 = arith.muli %scan3A_1035, %mul3A_1083 : i32
      %add3A_1085 = arith.constant 3 : i32
      %add3A_1086 = arith.addi %mul3A_1084, %add3A_1085 : i32
      %mul3A_1087 = arith.constant 16 : i32
      %mul3A_1088 = arith.muli %add3A_1086, %mul3A_1087 : i32
      %get3A_1089 = arith.index_cast %mul3A_1088 : i32 to index
      %get3A_1090 = tpu.vector_load %arg7[%get3A_1089] {strides = array<i32>} : memref<4096xi32, #tpu.memory_space<vmem>>, vector<16xi32>,
      %ge3A_1091 = arith.constant 50048 : i32
      %ge3A_1092 = vector.broadcast %ge3A_1091 : i32 to vector<16xi32>
      %ge3A_1093 = arith.cmpi sge, %get3A_1090, %ge3A_1092 : vector<16xi32>
      %sub3A_1094 = arith.constant 50048 : i32
      %sub3A_1095 = vector.broadcast %sub3A_1094 : i32 to vector<16xi32>
      %sub3A_1096 = arith.subi %get3A_1090, %sub3A_1095 : vector<16xi32>
      %gather3A_1097 = tpu.vector_load_idx %arg6[%sub3A_1096] masked %ge3A_1093 : memref<49952xf32, #tpu.memory_space<vmem>>[vector<16xi32>], vector<16xf32>, vector<16xi1>
      %add3A_1098 = vector.broadcast %mul3A_1088 : i32 to vector<16xi32>
      %add3A_1099 = arith.addi %iota3A, %add3A_1098 : vector<16xi32>
      tpu.vector_store_idx %arg9[%add3A_1099], %gather3A_1097 masked %ge3A_1093 : memref<4096xf32, #tpu.memory_space<vmem>>[vector<16xi32>], vector<16xf32>, vector<16xi1>
    }
    %scan3A_556 = arith.constant 64 : i32
    %dma_start3A_557 = arith.constant 0 : i32
    %dma_start3A_558 = tpu.memref_slice %arg4[%add3A_534, %arg1, %dma_start3A_557] : memref<26x16x4096xf32, #tpu.memory_space<hbm>> -> memref<1x1x4096xf32, #tpu.memory_space<hbm>>
    %dma_start3A_559 = tpu.memref_squeeze %dma_start3A_558 : memref<1x1x4096xf32, #tpu.memory_space<hbm>> -> memref<4096xf32, #tpu.memory_space<hbm>>
    %dma_start3A_560 = arith.constant 0 : i32
    %dma_start3A_561 = tpu.memref_slice %arg4[%add3A_534, %arg1, %dma_start3A_560] : memref<26x16x4096xf32, #tpu.memory_space<hbm>> -> memref<1x1x4096xf32, #tpu.memory_space<hbm>>
    %dma_start3A_562 = tpu.memref_squeeze %dma_start3A_561 : memref<1x1x4096xf32, #tpu.memory_space<hbm>> -> memref<4096xf32, #tpu.memory_space<hbm>>
    tpu.enqueue_dma source(%arg9 : memref<4096xf32, #tpu.memory_space<vmem>>) target(%dma_start3A_562 : memref<4096xf32, #tpu.memory_space<hbm>>) target_semaphore(%arg15 : memref<!tpu.dma_semaphore, #tpu.memory_space<semaphore_mem>>)
    %mul3A_563 = arith.constant 13 : i32
    %mul3A_564 = arith.muli %arg0, %mul3A_563 : i32
    %add3A_565 = arith.constant 7 : i32
    %add3A_566 = arith.addi %mul3A_564, %add3A_565 : i32
    %dma_wait3A_567 = arith.constant 0 : i32
    %dma_wait3A_568 = tpu.memref_slice %arg3[%add3A_496, %dma_wait3A_567] : memref<26x4096xi32, #tpu.memory_space<hbm>> -> memref<1x4096xi32, #tpu.memory_space<hbm>>
    %dma_wait3A_569 = tpu.memref_squeeze %dma_wait3A_568 : memref<1x4096xi32, #tpu.memory_space<hbm>> -> memref<4096xi32, #tpu.memory_space<hbm>>
    %dma_wait3A_570 = arith.constant 0 : i32
    %dma_wait3A_571 = tpu.memref_slice %arg3[%add3A_496, %dma_wait3A_570] : memref<26x4096xi32, #tpu.memory_space<hbm>> -> memref<1x4096xi32, #tpu.memory_space<hbm>>
    %dma_wait3A_572 = tpu.memref_squeeze %dma_wait3A_571 : memref<1x4096xi32, #tpu.memory_space<hbm>> -> memref<4096xi32, #tpu.memory_space<hbm>>
    tpu.wait_dma2 semaphore(%arg14 : memref<!tpu.dma_semaphore, #tpu.memory_space<semaphore_mem>>) src(%dma_wait3A_572 : memref<4096xi32, #tpu.memory_space<hbm>>) dst(%arg8 : memref<4096xi32, #tpu.memory_space<vmem>>)
    %mul3A_573 = arith.constant 13 : i32
    %mul3A_574 = arith.muli %arg0, %mul3A_573 : i32
    %add3A_575 = arith.constant 8 : i32
    %add3A_576 = arith.addi %mul3A_574, %add3A_575 : i32
    %dma_start3A_577 = arith.constant 0 : i32
    %dma_start3A_578 = tpu.memref_slice %arg3[%add3A_576, %dma_start3A_577] : memref<26x4096xi32, #tpu.memory_space<hbm>> -> memref<1x4096xi32, #tpu.memory_space<hbm>>
    %dma_start3A_579 = tpu.memref_squeeze %dma_start3A_578 : memref<1x4096xi32, #tpu.memory_space<hbm>> -> memref<4096xi32, #tpu.memory_space<hbm>>
    %dma_start3A_580 = arith.constant 0 : i32
    %dma_start3A_581 = tpu.memref_slice %arg3[%add3A_576, %dma_start3A_580] : memref<26x4096xi32, #tpu.memory_space<hbm>> -> memref<1x4096xi32, #tpu.memory_space<hbm>>
    %dma_start3A_582 = tpu.memref_squeeze %dma_start3A_581 : memref<1x4096xi32, #tpu.memory_space<hbm>> -> memref<4096xi32, #tpu.memory_space<hbm>>
    tpu.enqueue_dma source(%dma_start3A_582 : memref<4096xi32, #tpu.memory_space<hbm>>) target(%arg7 : memref<4096xi32, #tpu.memory_space<vmem>>) target_semaphore(%arg13 : memref<!tpu.dma_semaphore, #tpu.memory_space<semaphore_mem>>)
    %dma_wait3A_583 = arith.constant 0 : i32
    %dma_wait3A_584 = tpu.memref_slice %arg4[%add3A_454, %arg1, %dma_wait3A_583] : memref<26x16x4096xf32, #tpu.memory_space<hbm>> -> memref<1x1x4096xf32, #tpu.memory_space<hbm>>
    %dma_wait3A_585 = tpu.memref_squeeze %dma_wait3A_584 : memref<1x1x4096xf32, #tpu.memory_space<hbm>> -> memref<4096xf32, #tpu.memory_space<hbm>>
    %dma_wait3A_586 = arith.constant 0 : i32
    %dma_wait3A_587 = tpu.memref_slice %arg4[%add3A_454, %arg1, %dma_wait3A_586] : memref<26x16x4096xf32, #tpu.memory_space<hbm>> -> memref<1x1x4096xf32, #tpu.memory_space<hbm>>
    %dma_wait3A_588 = tpu.memref_squeeze %dma_wait3A_587 : memref<1x1x4096xf32, #tpu.memory_space<hbm>> -> memref<4096xf32, #tpu.memory_space<hbm>>
    tpu.wait_dma2 semaphore(%arg16 : memref<!tpu.dma_semaphore, #tpu.memory_space<semaphore_mem>>) src(%arg10 : memref<4096xf32, #tpu.memory_space<vmem>>) dst(%dma_wait3A_588 : memref<4096xf32, #tpu.memory_space<hbm>>)
    %mul3A_589 = arith.constant 13 : i32
    %mul3A_590 = arith.muli %arg0, %mul3A_589 : i32
    %add3A_591 = arith.constant 7 : i32
    %add3A_592 = arith.addi %mul3A_590, %add3A_591 : i32
    %dma_start3A_593 = arith.constant 50048 : i32
    %dma_start3A_594 = tpu.memref_slice %arg2[%add3A_592, %arg1, %dma_start3A_593] : memref<26x16x100000xf32, #tpu.memory_space<hbm>> -> memref<1x1x49952xf32, #tpu.memory_space<hbm>>
    %dma_start3A_595 = tpu.memref_squeeze %dma_start3A_594 : memref<1x1x49952xf32, #tpu.memory_space<hbm>> -> memref<49952xf32, #tpu.memory_space<hbm>>
    %dma_start3A_596 = arith.constant 50048 : i32
    %dma_start3A_597 = tpu.memref_slice %arg2[%add3A_592, %arg1, %dma_start3A_596] : memref<26x16x100000xf32, #tpu.memory_space<hbm>> -> memref<1x1x49952xf32, #tpu.memory_space<hbm>>
    %dma_start3A_598 = tpu.memref_squeeze %dma_start3A_597 : memref<1x1x49952xf32, #tpu.memory_space<hbm>> -> memref<49952xf32, #tpu.memory_space<hbm>>
    tpu.enqueue_dma source(%dma_start3A_598 : memref<49952xf32, #tpu.memory_space<hbm>>) target(%arg6 : memref<49952xf32, #tpu.memory_space<vmem>>) target_semaphore(%arg12 : memref<!tpu.dma_semaphore, #tpu.memory_space<semaphore_mem>>)
    %dma_wait3A_599 = arith.constant 0 : i32
    %dma_wait3A_600 = tpu.memref_slice %arg2[%add3A_538, %arg1, %dma_wait3A_599] : memref<26x16x100000xf32, #tpu.memory_space<hbm>> -> memref<1x1x50048xf32, #tpu.memory_space<hbm>>
    %dma_wait3A_601 = tpu.memref_squeeze %dma_wait3A_600 : memref<1x1x50048xf32, #tpu.memory_space<hbm>> -> memref<50048xf32, #tpu.memory_space<hbm>>
    %dma_wait3A_602 = arith.constant 0 : i32
    %dma_wait3A_603 = tpu.memref_slice %arg2[%add3A_538, %arg1, %dma_wait3A_602] : memref<26x16x100000xf32, #tpu.memory_space<hbm>> -> memref<1x1x50048xf32, #tpu.memory_space<hbm>>
    %dma_wait3A_604 = tpu.memref_squeeze %dma_wait3A_603 : memref<1x1x50048xf32, #tpu.memory_space<hbm>> -> memref<50048xf32, #tpu.memory_space<hbm>>
    tpu.wait_dma2 semaphore(%arg11 : memref<!tpu.dma_semaphore, #tpu.memory_space<semaphore_mem>>) src(%dma_wait3A_604 : memref<50048xf32, #tpu.memory_space<hbm>>) dst(%arg5 : memref<50048xf32, #tpu.memory_space<vmem>>)
    %scan3A_605 = arith.constant 0 : i32
    %scan3A_606 = arith.constant 0 : i32
    %scan3A_607 = arith.constant 64 : i32
    %scan3A_608 = arith.addi %scan3A_606, %scan3A_607 : i32
    %scan3A_609 = arith.constant 1 : i32
    scf.for %scan3A_1035 = %scan3A_606 to %scan3A_608 step %scan3A_609  : i32 {
      %mul3A_1036 = arith.constant 4 : i32
      %mul3A_1037 = arith.muli %scan3A_1035, %mul3A_1036 : i32
      %add3A_1038 = arith.constant 0 : i32
      %add3A_1039 = arith.addi %mul3A_1037, %add3A_1038 : i32
      %mul3A_1040 = arith.constant 16 : i32
      %mul3A_1041 = arith.muli %add3A_1039, %mul3A_1040 : i32
      %get3A = arith.index_cast %mul3A_1041 : i32 to index
      %get3A_1042 = tpu.vector_load %arg8[%get3A] {strides = array<i32>} : memref<4096xi32, #tpu.memory_space<vmem>>, vector<16xi32>,
      %lt3A = arith.constant 50048 : i32
      %lt3A_1043 = vector.broadcast %lt3A : i32 to vector<16xi32>
      %lt3A_1044 = arith.cmpi slt, %get3A_1042, %lt3A_1043 : vector<16xi32>
      %gather3A = tpu.vector_load_idx %arg5[%get3A_1042] masked %lt3A_1044 : memref<50048xf32, #tpu.memory_space<vmem>>[vector<16xi32>], vector<16xf32>, vector<16xi1>
      %add3A_1045 = vector.broadcast %mul3A_1041 : i32 to vector<16xi32>
      %add3A_1046 = arith.addi %iota3A, %add3A_1045 : vector<16xi32>
      tpu.vector_store_idx %arg10[%add3A_1046], %gather3A masked %lt3A_1044 : memref<4096xf32, #tpu.memory_space<vmem>>[vector<16xi32>], vector<16xf32>, vector<16xi1>
      %mul3A_1047 = arith.constant 4 : i32
      %mul3A_1048 = arith.muli %scan3A_1035, %mul3A_1047 : i32
      %add3A_1049 = arith.constant 1 : i32
      %add3A_1050 = arith.addi %mul3A_1048, %add3A_1049 : i32
      %mul3A_1051 = arith.constant 16 : i32
      %mul3A_1052 = arith.muli %add3A_1050, %mul3A_1051 : i32
      %get3A_1053 = arith.index_cast %mul3A_1052 : i32 to index
      %get3A_1054 = tpu.vector_load %arg8[%get3A_1053] {strides = array<i32>} : memref<4096xi32, #tpu.memory_space<vmem>>, vector<16xi32>,
      %lt3A_1055 = arith.constant 50048 : i32
      %lt3A_1056 = vector.broadcast %lt3A_1055 : i32 to vector<16xi32>
      %lt3A_1057 = arith.cmpi slt, %get3A_1054, %lt3A_1056 : vector<16xi32>
      %gather3A_1058 = tpu.vector_load_idx %arg5[%get3A_1054] masked %lt3A_1057 : memref<50048xf32, #tpu.memory_space<vmem>>[vector<16xi32>], vector<16xf32>, vector<16xi1>
      %add3A_1059 = vector.broadcast %mul3A_1052 : i32 to vector<16xi32>
      %add3A_1060 = arith.addi %iota3A, %add3A_1059 : vector<16xi32>
      tpu.vector_store_idx %arg10[%add3A_1060], %gather3A_1058 masked %lt3A_1057 : memref<4096xf32, #tpu.memory_space<vmem>>[vector<16xi32>], vector<16xf32>, vector<16xi1>
      %mul3A_1061 = arith.constant 4 : i32
      %mul3A_1062 = arith.muli %scan3A_1035, %mul3A_1061 : i32
      %add3A_1063 = arith.constant 2 : i32
      %add3A_1064 = arith.addi %mul3A_1062, %add3A_1063 : i32
      %mul3A_1065 = arith.constant 16 : i32
      %mul3A_1066 = arith.muli %add3A_1064, %mul3A_1065 : i32
      %get3A_1067 = arith.index_cast %mul3A_1066 : i32 to index
      %get3A_1068 = tpu.vector_load %arg8[%get3A_1067] {strides = array<i32>} : memref<4096xi32, #tpu.memory_space<vmem>>, vector<16xi32>,
      %lt3A_1069 = arith.constant 50048 : i32
      %lt3A_1070 = vector.broadcast %lt3A_1069 : i32 to vector<16xi32>
      %lt3A_1071 = arith.cmpi slt, %get3A_1068, %lt3A_1070 : vector<16xi32>
      %gather3A_1072 = tpu.vector_load_idx %arg5[%get3A_1068] masked %lt3A_1071 : memref<50048xf32, #tpu.memory_space<vmem>>[vector<16xi32>], vector<16xf32>, vector<16xi1>
      %add3A_1073 = vector.broadcast %mul3A_1066 : i32 to vector<16xi32>
      %add3A_1074 = arith.addi %iota3A, %add3A_1073 : vector<16xi32>
      tpu.vector_store_idx %arg10[%add3A_1074], %gather3A_1072 masked %lt3A_1071 : memref<4096xf32, #tpu.memory_space<vmem>>[vector<16xi32>], vector<16xf32>, vector<16xi1>
      %mul3A_1075 = arith.constant 4 : i32
      %mul3A_1076 = arith.muli %scan3A_1035, %mul3A_1075 : i32
      %add3A_1077 = arith.constant 3 : i32
      %add3A_1078 = arith.addi %mul3A_1076, %add3A_1077 : i32
      %mul3A_1079 = arith.constant 16 : i32
      %mul3A_1080 = arith.muli %add3A_1078, %mul3A_1079 : i32
      %get3A_1081 = arith.index_cast %mul3A_1080 : i32 to index
      %get3A_1082 = tpu.vector_load %arg8[%get3A_1081] {strides = array<i32>} : memref<4096xi32, #tpu.memory_space<vmem>>, vector<16xi32>,
      %lt3A_1083 = arith.constant 50048 : i32
      %lt3A_1084 = vector.broadcast %lt3A_1083 : i32 to vector<16xi32>
      %lt3A_1085 = arith.cmpi slt, %get3A_1082, %lt3A_1084 : vector<16xi32>
      %gather3A_1086 = tpu.vector_load_idx %arg5[%get3A_1082] masked %lt3A_1085 : memref<50048xf32, #tpu.memory_space<vmem>>[vector<16xi32>], vector<16xf32>, vector<16xi1>
      %add3A_1087 = vector.broadcast %mul3A_1080 : i32 to vector<16xi32>
      %add3A_1088 = arith.addi %iota3A, %add3A_1087 : vector<16xi32>
      tpu.vector_store_idx %arg10[%add3A_1088], %gather3A_1086 masked %lt3A_1085 : memref<4096xf32, #tpu.memory_space<vmem>>[vector<16xi32>], vector<16xf32>, vector<16xi1>
    }
    %scan3A_610 = arith.constant 64 : i32
    %mul3A_611 = arith.constant 13 : i32
    %mul3A_612 = arith.muli %arg0, %mul3A_611 : i32
    %add3A_613 = arith.constant 7 : i32
    %add3A_614 = arith.addi %mul3A_612, %add3A_613 : i32
    %mul3A_615 = arith.constant 13 : i32
    %mul3A_616 = arith.muli %arg0, %mul3A_615 : i32
    %add3A_617 = arith.constant 8 : i32
    %add3A_618 = arith.addi %mul3A_616, %add3A_617 : i32
    %dma_start3A_619 = arith.constant 0 : i32
    %dma_start3A_620 = tpu.memref_slice %arg2[%add3A_618, %arg1, %dma_start3A_619] : memref<26x16x100000xf32, #tpu.memory_space<hbm>> -> memref<1x1x50048xf32, #tpu.memory_space<hbm>>
    %dma_start3A_621 = tpu.memref_squeeze %dma_start3A_620 : memref<1x1x50048xf32, #tpu.memory_space<hbm>> -> memref<50048xf32, #tpu.memory_space<hbm>>
    %dma_start3A_622 = arith.constant 0 : i32
    %dma_start3A_623 = tpu.memref_slice %arg2[%add3A_618, %arg1, %dma_start3A_622] : memref<26x16x100000xf32, #tpu.memory_space<hbm>> -> memref<1x1x50048xf32, #tpu.memory_space<hbm>>
    %dma_start3A_624 = tpu.memref_squeeze %dma_start3A_623 : memref<1x1x50048xf32, #tpu.memory_space<hbm>> -> memref<50048xf32, #tpu.memory_space<hbm>>
    tpu.enqueue_dma source(%dma_start3A_624 : memref<50048xf32, #tpu.memory_space<hbm>>) target(%arg5 : memref<50048xf32, #tpu.memory_space<vmem>>) target_semaphore(%arg11 : memref<!tpu.dma_semaphore, #tpu.memory_space<semaphore_mem>>)
    %dma_wait3A_625 = arith.constant 50048 : i32
    %dma_wait3A_626 = tpu.memref_slice %arg2[%add3A_592, %arg1, %dma_wait3A_625] : memref<26x16x100000xf32, #tpu.memory_space<hbm>> -> memref<1x1x49952xf32, #tpu.memory_space<hbm>>
    %dma_wait3A_627 = tpu.memref_squeeze %dma_wait3A_626 : memref<1x1x49952xf32, #tpu.memory_space<hbm>> -> memref<49952xf32, #tpu.memory_space<hbm>>
    %dma_wait3A_628 = arith.constant 50048 : i32
    %dma_wait3A_629 = tpu.memref_slice %arg2[%add3A_592, %arg1, %dma_wait3A_628] : memref<26x16x100000xf32, #tpu.memory_space<hbm>> -> memref<1x1x49952xf32, #tpu.memory_space<hbm>>
    %dma_wait3A_630 = tpu.memref_squeeze %dma_wait3A_629 : memref<1x1x49952xf32, #tpu.memory_space<hbm>> -> memref<49952xf32, #tpu.memory_space<hbm>>
    tpu.wait_dma2 semaphore(%arg12 : memref<!tpu.dma_semaphore, #tpu.memory_space<semaphore_mem>>) src(%dma_wait3A_630 : memref<49952xf32, #tpu.memory_space<hbm>>) dst(%arg6 : memref<49952xf32, #tpu.memory_space<vmem>>)
    %scan3A_631 = arith.constant 0 : i32
    %scan3A_632 = arith.constant 0 : i32
    %scan3A_633 = arith.constant 64 : i32
    %scan3A_634 = arith.addi %scan3A_632, %scan3A_633 : i32
    %scan3A_635 = arith.constant 1 : i32
    scf.for %scan3A_1035 = %scan3A_632 to %scan3A_634 step %scan3A_635  : i32 {
      %mul3A_1036 = arith.constant 4 : i32
      %mul3A_1037 = arith.muli %scan3A_1035, %mul3A_1036 : i32
      %add3A_1038 = arith.constant 0 : i32
      %add3A_1039 = arith.addi %mul3A_1037, %add3A_1038 : i32
      %mul3A_1040 = arith.constant 16 : i32
      %mul3A_1041 = arith.muli %add3A_1039, %mul3A_1040 : i32
      %get3A = arith.index_cast %mul3A_1041 : i32 to index
      %get3A_1042 = tpu.vector_load %arg8[%get3A] {strides = array<i32>} : memref<4096xi32, #tpu.memory_space<vmem>>, vector<16xi32>,
      %ge3A = arith.constant 50048 : i32
      %ge3A_1043 = vector.broadcast %ge3A : i32 to vector<16xi32>
      %ge3A_1044 = arith.cmpi sge, %get3A_1042, %ge3A_1043 : vector<16xi32>
      %sub3A = arith.constant 50048 : i32
      %sub3A_1045 = vector.broadcast %sub3A : i32 to vector<16xi32>
      %sub3A_1046 = arith.subi %get3A_1042, %sub3A_1045 : vector<16xi32>
      %gather3A = tpu.vector_load_idx %arg6[%sub3A_1046] masked %ge3A_1044 : memref<49952xf32, #tpu.memory_space<vmem>>[vector<16xi32>], vector<16xf32>, vector<16xi1>
      %add3A_1047 = vector.broadcast %mul3A_1041 : i32 to vector<16xi32>
      %add3A_1048 = arith.addi %iota3A, %add3A_1047 : vector<16xi32>
      tpu.vector_store_idx %arg10[%add3A_1048], %gather3A masked %ge3A_1044 : memref<4096xf32, #tpu.memory_space<vmem>>[vector<16xi32>], vector<16xf32>, vector<16xi1>
      %mul3A_1049 = arith.constant 4 : i32
      %mul3A_1050 = arith.muli %scan3A_1035, %mul3A_1049 : i32
      %add3A_1051 = arith.constant 1 : i32
      %add3A_1052 = arith.addi %mul3A_1050, %add3A_1051 : i32
      %mul3A_1053 = arith.constant 16 : i32
      %mul3A_1054 = arith.muli %add3A_1052, %mul3A_1053 : i32
      %get3A_1055 = arith.index_cast %mul3A_1054 : i32 to index
      %get3A_1056 = tpu.vector_load %arg8[%get3A_1055] {strides = array<i32>} : memref<4096xi32, #tpu.memory_space<vmem>>, vector<16xi32>,
      %ge3A_1057 = arith.constant 50048 : i32
      %ge3A_1058 = vector.broadcast %ge3A_1057 : i32 to vector<16xi32>
      %ge3A_1059 = arith.cmpi sge, %get3A_1056, %ge3A_1058 : vector<16xi32>
      %sub3A_1060 = arith.constant 50048 : i32
      %sub3A_1061 = vector.broadcast %sub3A_1060 : i32 to vector<16xi32>
      %sub3A_1062 = arith.subi %get3A_1056, %sub3A_1061 : vector<16xi32>
      %gather3A_1063 = tpu.vector_load_idx %arg6[%sub3A_1062] masked %ge3A_1059 : memref<49952xf32, #tpu.memory_space<vmem>>[vector<16xi32>], vector<16xf32>, vector<16xi1>
      %add3A_1064 = vector.broadcast %mul3A_1054 : i32 to vector<16xi32>
      %add3A_1065 = arith.addi %iota3A, %add3A_1064 : vector<16xi32>
      tpu.vector_store_idx %arg10[%add3A_1065], %gather3A_1063 masked %ge3A_1059 : memref<4096xf32, #tpu.memory_space<vmem>>[vector<16xi32>], vector<16xf32>, vector<16xi1>
      %mul3A_1066 = arith.constant 4 : i32
      %mul3A_1067 = arith.muli %scan3A_1035, %mul3A_1066 : i32
      %add3A_1068 = arith.constant 2 : i32
      %add3A_1069 = arith.addi %mul3A_1067, %add3A_1068 : i32
      %mul3A_1070 = arith.constant 16 : i32
      %mul3A_1071 = arith.muli %add3A_1069, %mul3A_1070 : i32
      %get3A_1072 = arith.index_cast %mul3A_1071 : i32 to index
      %get3A_1073 = tpu.vector_load %arg8[%get3A_1072] {strides = array<i32>} : memref<4096xi32, #tpu.memory_space<vmem>>, vector<16xi32>,
      %ge3A_1074 = arith.constant 50048 : i32
      %ge3A_1075 = vector.broadcast %ge3A_1074 : i32 to vector<16xi32>
      %ge3A_1076 = arith.cmpi sge, %get3A_1073, %ge3A_1075 : vector<16xi32>
      %sub3A_1077 = arith.constant 50048 : i32
      %sub3A_1078 = vector.broadcast %sub3A_1077 : i32 to vector<16xi32>
      %sub3A_1079 = arith.subi %get3A_1073, %sub3A_1078 : vector<16xi32>
      %gather3A_1080 = tpu.vector_load_idx %arg6[%sub3A_1079] masked %ge3A_1076 : memref<49952xf32, #tpu.memory_space<vmem>>[vector<16xi32>], vector<16xf32>, vector<16xi1>
      %add3A_1081 = vector.broadcast %mul3A_1071 : i32 to vector<16xi32>
      %add3A_1082 = arith.addi %iota3A, %add3A_1081 : vector<16xi32>
      tpu.vector_store_idx %arg10[%add3A_1082], %gather3A_1080 masked %ge3A_1076 : memref<4096xf32, #tpu.memory_space<vmem>>[vector<16xi32>], vector<16xf32>, vector<16xi1>
      %mul3A_1083 = arith.constant 4 : i32
      %mul3A_1084 = arith.muli %scan3A_1035, %mul3A_1083 : i32
      %add3A_1085 = arith.constant 3 : i32
      %add3A_1086 = arith.addi %mul3A_1084, %add3A_1085 : i32
      %mul3A_1087 = arith.constant 16 : i32
      %mul3A_1088 = arith.muli %add3A_1086, %mul3A_1087 : i32
      %get3A_1089 = arith.index_cast %mul3A_1088 : i32 to index
      %get3A_1090 = tpu.vector_load %arg8[%get3A_1089] {strides = array<i32>} : memref<4096xi32, #tpu.memory_space<vmem>>, vector<16xi32>,
      %ge3A_1091 = arith.constant 50048 : i32
      %ge3A_1092 = vector.broadcast %ge3A_1091 : i32 to vector<16xi32>
      %ge3A_1093 = arith.cmpi sge, %get3A_1090, %ge3A_1092 : vector<16xi32>
      %sub3A_1094 = arith.constant 50048 : i32
      %sub3A_1095 = vector.broadcast %sub3A_1094 : i32 to vector<16xi32>
      %sub3A_1096 = arith.subi %get3A_1090, %sub3A_1095 : vector<16xi32>
      %gather3A_1097 = tpu.vector_load_idx %arg6[%sub3A_1096] masked %ge3A_1093 : memref<49952xf32, #tpu.memory_space<vmem>>[vector<16xi32>], vector<16xf32>, vector<16xi1>
      %add3A_1098 = vector.broadcast %mul3A_1088 : i32 to vector<16xi32>
      %add3A_1099 = arith.addi %iota3A, %add3A_1098 : vector<16xi32>
      tpu.vector_store_idx %arg10[%add3A_1099], %gather3A_1097 masked %ge3A_1093 : memref<4096xf32, #tpu.memory_space<vmem>>[vector<16xi32>], vector<16xf32>, vector<16xi1>
    }
    %scan3A_636 = arith.constant 64 : i32
    %dma_start3A_637 = arith.constant 0 : i32
    %dma_start3A_638 = tpu.memref_slice %arg4[%add3A_614, %arg1, %dma_start3A_637] : memref<26x16x4096xf32, #tpu.memory_space<hbm>> -> memref<1x1x4096xf32, #tpu.memory_space<hbm>>
    %dma_start3A_639 = tpu.memref_squeeze %dma_start3A_638 : memref<1x1x4096xf32, #tpu.memory_space<hbm>> -> memref<4096xf32, #tpu.memory_space<hbm>>
    %dma_start3A_640 = arith.constant 0 : i32
    %dma_start3A_641 = tpu.memref_slice %arg4[%add3A_614, %arg1, %dma_start3A_640] : memref<26x16x4096xf32, #tpu.memory_space<hbm>> -> memref<1x1x4096xf32, #tpu.memory_space<hbm>>
    %dma_start3A_642 = tpu.memref_squeeze %dma_start3A_641 : memref<1x1x4096xf32, #tpu.memory_space<hbm>> -> memref<4096xf32, #tpu.memory_space<hbm>>
    tpu.enqueue_dma source(%arg10 : memref<4096xf32, #tpu.memory_space<vmem>>) target(%dma_start3A_642 : memref<4096xf32, #tpu.memory_space<hbm>>) target_semaphore(%arg16 : memref<!tpu.dma_semaphore, #tpu.memory_space<semaphore_mem>>)
    %mul3A_643 = arith.constant 13 : i32
    %mul3A_644 = arith.muli %arg0, %mul3A_643 : i32
    %add3A_645 = arith.constant 8 : i32
    %add3A_646 = arith.addi %mul3A_644, %add3A_645 : i32
    %dma_wait3A_647 = arith.constant 0 : i32
    %dma_wait3A_648 = tpu.memref_slice %arg3[%add3A_576, %dma_wait3A_647] : memref<26x4096xi32, #tpu.memory_space<hbm>> -> memref<1x4096xi32, #tpu.memory_space<hbm>>
    %dma_wait3A_649 = tpu.memref_squeeze %dma_wait3A_648 : memref<1x4096xi32, #tpu.memory_space<hbm>> -> memref<4096xi32, #tpu.memory_space<hbm>>
    %dma_wait3A_650 = arith.constant 0 : i32
    %dma_wait3A_651 = tpu.memref_slice %arg3[%add3A_576, %dma_wait3A_650] : memref<26x4096xi32, #tpu.memory_space<hbm>> -> memref<1x4096xi32, #tpu.memory_space<hbm>>
    %dma_wait3A_652 = tpu.memref_squeeze %dma_wait3A_651 : memref<1x4096xi32, #tpu.memory_space<hbm>> -> memref<4096xi32, #tpu.memory_space<hbm>>
    tpu.wait_dma2 semaphore(%arg13 : memref<!tpu.dma_semaphore, #tpu.memory_space<semaphore_mem>>) src(%dma_wait3A_652 : memref<4096xi32, #tpu.memory_space<hbm>>) dst(%arg7 : memref<4096xi32, #tpu.memory_space<vmem>>)
    %mul3A_653 = arith.constant 13 : i32
    %mul3A_654 = arith.muli %arg0, %mul3A_653 : i32
    %add3A_655 = arith.constant 9 : i32
    %add3A_656 = arith.addi %mul3A_654, %add3A_655 : i32
    %dma_start3A_657 = arith.constant 0 : i32
    %dma_start3A_658 = tpu.memref_slice %arg3[%add3A_656, %dma_start3A_657] : memref<26x4096xi32, #tpu.memory_space<hbm>> -> memref<1x4096xi32, #tpu.memory_space<hbm>>
    %dma_start3A_659 = tpu.memref_squeeze %dma_start3A_658 : memref<1x4096xi32, #tpu.memory_space<hbm>> -> memref<4096xi32, #tpu.memory_space<hbm>>
    %dma_start3A_660 = arith.constant 0 : i32
    %dma_start3A_661 = tpu.memref_slice %arg3[%add3A_656, %dma_start3A_660] : memref<26x4096xi32, #tpu.memory_space<hbm>> -> memref<1x4096xi32, #tpu.memory_space<hbm>>
    %dma_start3A_662 = tpu.memref_squeeze %dma_start3A_661 : memref<1x4096xi32, #tpu.memory_space<hbm>> -> memref<4096xi32, #tpu.memory_space<hbm>>
    tpu.enqueue_dma source(%dma_start3A_662 : memref<4096xi32, #tpu.memory_space<hbm>>) target(%arg8 : memref<4096xi32, #tpu.memory_space<vmem>>) target_semaphore(%arg14 : memref<!tpu.dma_semaphore, #tpu.memory_space<semaphore_mem>>)
    %dma_wait3A_663 = arith.constant 0 : i32
    %dma_wait3A_664 = tpu.memref_slice %arg4[%add3A_534, %arg1, %dma_wait3A_663] : memref<26x16x4096xf32, #tpu.memory_space<hbm>> -> memref<1x1x4096xf32, #tpu.memory_space<hbm>>
    %dma_wait3A_665 = tpu.memref_squeeze %dma_wait3A_664 : memref<1x1x4096xf32, #tpu.memory_space<hbm>> -> memref<4096xf32, #tpu.memory_space<hbm>>
    %dma_wait3A_666 = arith.constant 0 : i32
    %dma_wait3A_667 = tpu.memref_slice %arg4[%add3A_534, %arg1, %dma_wait3A_666] : memref<26x16x4096xf32, #tpu.memory_space<hbm>> -> memref<1x1x4096xf32, #tpu.memory_space<hbm>>
    %dma_wait3A_668 = tpu.memref_squeeze %dma_wait3A_667 : memref<1x1x4096xf32, #tpu.memory_space<hbm>> -> memref<4096xf32, #tpu.memory_space<hbm>>
    tpu.wait_dma2 semaphore(%arg15 : memref<!tpu.dma_semaphore, #tpu.memory_space<semaphore_mem>>) src(%arg9 : memref<4096xf32, #tpu.memory_space<vmem>>) dst(%dma_wait3A_668 : memref<4096xf32, #tpu.memory_space<hbm>>)
    %mul3A_669 = arith.constant 13 : i32
    %mul3A_670 = arith.muli %arg0, %mul3A_669 : i32
    %add3A_671 = arith.constant 8 : i32
    %add3A_672 = arith.addi %mul3A_670, %add3A_671 : i32
    %dma_start3A_673 = arith.constant 50048 : i32
    %dma_start3A_674 = tpu.memref_slice %arg2[%add3A_672, %arg1, %dma_start3A_673] : memref<26x16x100000xf32, #tpu.memory_space<hbm>> -> memref<1x1x49952xf32, #tpu.memory_space<hbm>>
    %dma_start3A_675 = tpu.memref_squeeze %dma_start3A_674 : memref<1x1x49952xf32, #tpu.memory_space<hbm>> -> memref<49952xf32, #tpu.memory_space<hbm>>
    %dma_start3A_676 = arith.constant 50048 : i32
    %dma_start3A_677 = tpu.memref_slice %arg2[%add3A_672, %arg1, %dma_start3A_676] : memref<26x16x100000xf32, #tpu.memory_space<hbm>> -> memref<1x1x49952xf32, #tpu.memory_space<hbm>>
    %dma_start3A_678 = tpu.memref_squeeze %dma_start3A_677 : memref<1x1x49952xf32, #tpu.memory_space<hbm>> -> memref<49952xf32, #tpu.memory_space<hbm>>
    tpu.enqueue_dma source(%dma_start3A_678 : memref<49952xf32, #tpu.memory_space<hbm>>) target(%arg6 : memref<49952xf32, #tpu.memory_space<vmem>>) target_semaphore(%arg12 : memref<!tpu.dma_semaphore, #tpu.memory_space<semaphore_mem>>)
    %dma_wait3A_679 = arith.constant 0 : i32
    %dma_wait3A_680 = tpu.memref_slice %arg2[%add3A_618, %arg1, %dma_wait3A_679] : memref<26x16x100000xf32, #tpu.memory_space<hbm>> -> memref<1x1x50048xf32, #tpu.memory_space<hbm>>
    %dma_wait3A_681 = tpu.memref_squeeze %dma_wait3A_680 : memref<1x1x50048xf32, #tpu.memory_space<hbm>> -> memref<50048xf32, #tpu.memory_space<hbm>>
    %dma_wait3A_682 = arith.constant 0 : i32
    %dma_wait3A_683 = tpu.memref_slice %arg2[%add3A_618, %arg1, %dma_wait3A_682] : memref<26x16x100000xf32, #tpu.memory_space<hbm>> -> memref<1x1x50048xf32, #tpu.memory_space<hbm>>
    %dma_wait3A_684 = tpu.memref_squeeze %dma_wait3A_683 : memref<1x1x50048xf32, #tpu.memory_space<hbm>> -> memref<50048xf32, #tpu.memory_space<hbm>>
    tpu.wait_dma2 semaphore(%arg11 : memref<!tpu.dma_semaphore, #tpu.memory_space<semaphore_mem>>) src(%dma_wait3A_684 : memref<50048xf32, #tpu.memory_space<hbm>>) dst(%arg5 : memref<50048xf32, #tpu.memory_space<vmem>>)
    %scan3A_685 = arith.constant 0 : i32
    %scan3A_686 = arith.constant 0 : i32
    %scan3A_687 = arith.constant 64 : i32
    %scan3A_688 = arith.addi %scan3A_686, %scan3A_687 : i32
    %scan3A_689 = arith.constant 1 : i32
    scf.for %scan3A_1035 = %scan3A_686 to %scan3A_688 step %scan3A_689  : i32 {
      %mul3A_1036 = arith.constant 4 : i32
      %mul3A_1037 = arith.muli %scan3A_1035, %mul3A_1036 : i32
      %add3A_1038 = arith.constant 0 : i32
      %add3A_1039 = arith.addi %mul3A_1037, %add3A_1038 : i32
      %mul3A_1040 = arith.constant 16 : i32
      %mul3A_1041 = arith.muli %add3A_1039, %mul3A_1040 : i32
      %get3A = arith.index_cast %mul3A_1041 : i32 to index
      %get3A_1042 = tpu.vector_load %arg7[%get3A] {strides = array<i32>} : memref<4096xi32, #tpu.memory_space<vmem>>, vector<16xi32>,
      %lt3A = arith.constant 50048 : i32
      %lt3A_1043 = vector.broadcast %lt3A : i32 to vector<16xi32>
      %lt3A_1044 = arith.cmpi slt, %get3A_1042, %lt3A_1043 : vector<16xi32>
      %gather3A = tpu.vector_load_idx %arg5[%get3A_1042] masked %lt3A_1044 : memref<50048xf32, #tpu.memory_space<vmem>>[vector<16xi32>], vector<16xf32>, vector<16xi1>
      %add3A_1045 = vector.broadcast %mul3A_1041 : i32 to vector<16xi32>
      %add3A_1046 = arith.addi %iota3A, %add3A_1045 : vector<16xi32>
      tpu.vector_store_idx %arg9[%add3A_1046], %gather3A masked %lt3A_1044 : memref<4096xf32, #tpu.memory_space<vmem>>[vector<16xi32>], vector<16xf32>, vector<16xi1>
      %mul3A_1047 = arith.constant 4 : i32
      %mul3A_1048 = arith.muli %scan3A_1035, %mul3A_1047 : i32
      %add3A_1049 = arith.constant 1 : i32
      %add3A_1050 = arith.addi %mul3A_1048, %add3A_1049 : i32
      %mul3A_1051 = arith.constant 16 : i32
      %mul3A_1052 = arith.muli %add3A_1050, %mul3A_1051 : i32
      %get3A_1053 = arith.index_cast %mul3A_1052 : i32 to index
      %get3A_1054 = tpu.vector_load %arg7[%get3A_1053] {strides = array<i32>} : memref<4096xi32, #tpu.memory_space<vmem>>, vector<16xi32>,
      %lt3A_1055 = arith.constant 50048 : i32
      %lt3A_1056 = vector.broadcast %lt3A_1055 : i32 to vector<16xi32>
      %lt3A_1057 = arith.cmpi slt, %get3A_1054, %lt3A_1056 : vector<16xi32>
      %gather3A_1058 = tpu.vector_load_idx %arg5[%get3A_1054] masked %lt3A_1057 : memref<50048xf32, #tpu.memory_space<vmem>>[vector<16xi32>], vector<16xf32>, vector<16xi1>
      %add3A_1059 = vector.broadcast %mul3A_1052 : i32 to vector<16xi32>
      %add3A_1060 = arith.addi %iota3A, %add3A_1059 : vector<16xi32>
      tpu.vector_store_idx %arg9[%add3A_1060], %gather3A_1058 masked %lt3A_1057 : memref<4096xf32, #tpu.memory_space<vmem>>[vector<16xi32>], vector<16xf32>, vector<16xi1>
      %mul3A_1061 = arith.constant 4 : i32
      %mul3A_1062 = arith.muli %scan3A_1035, %mul3A_1061 : i32
      %add3A_1063 = arith.constant 2 : i32
      %add3A_1064 = arith.addi %mul3A_1062, %add3A_1063 : i32
      %mul3A_1065 = arith.constant 16 : i32
      %mul3A_1066 = arith.muli %add3A_1064, %mul3A_1065 : i32
      %get3A_1067 = arith.index_cast %mul3A_1066 : i32 to index
      %get3A_1068 = tpu.vector_load %arg7[%get3A_1067] {strides = array<i32>} : memref<4096xi32, #tpu.memory_space<vmem>>, vector<16xi32>,
      %lt3A_1069 = arith.constant 50048 : i32
      %lt3A_1070 = vector.broadcast %lt3A_1069 : i32 to vector<16xi32>
      %lt3A_1071 = arith.cmpi slt, %get3A_1068, %lt3A_1070 : vector<16xi32>
      %gather3A_1072 = tpu.vector_load_idx %arg5[%get3A_1068] masked %lt3A_1071 : memref<50048xf32, #tpu.memory_space<vmem>>[vector<16xi32>], vector<16xf32>, vector<16xi1>
      %add3A_1073 = vector.broadcast %mul3A_1066 : i32 to vector<16xi32>
      %add3A_1074 = arith.addi %iota3A, %add3A_1073 : vector<16xi32>
      tpu.vector_store_idx %arg9[%add3A_1074], %gather3A_1072 masked %lt3A_1071 : memref<4096xf32, #tpu.memory_space<vmem>>[vector<16xi32>], vector<16xf32>, vector<16xi1>
      %mul3A_1075 = arith.constant 4 : i32
      %mul3A_1076 = arith.muli %scan3A_1035, %mul3A_1075 : i32
      %add3A_1077 = arith.constant 3 : i32
      %add3A_1078 = arith.addi %mul3A_1076, %add3A_1077 : i32
      %mul3A_1079 = arith.constant 16 : i32
      %mul3A_1080 = arith.muli %add3A_1078, %mul3A_1079 : i32
      %get3A_1081 = arith.index_cast %mul3A_1080 : i32 to index
      %get3A_1082 = tpu.vector_load %arg7[%get3A_1081] {strides = array<i32>} : memref<4096xi32, #tpu.memory_space<vmem>>, vector<16xi32>,
      %lt3A_1083 = arith.constant 50048 : i32
      %lt3A_1084 = vector.broadcast %lt3A_1083 : i32 to vector<16xi32>
      %lt3A_1085 = arith.cmpi slt, %get3A_1082, %lt3A_1084 : vector<16xi32>
      %gather3A_1086 = tpu.vector_load_idx %arg5[%get3A_1082] masked %lt3A_1085 : memref<50048xf32, #tpu.memory_space<vmem>>[vector<16xi32>], vector<16xf32>, vector<16xi1>
      %add3A_1087 = vector.broadcast %mul3A_1080 : i32 to vector<16xi32>
      %add3A_1088 = arith.addi %iota3A, %add3A_1087 : vector<16xi32>
      tpu.vector_store_idx %arg9[%add3A_1088], %gather3A_1086 masked %lt3A_1085 : memref<4096xf32, #tpu.memory_space<vmem>>[vector<16xi32>], vector<16xf32>, vector<16xi1>
    }
    %scan3A_690 = arith.constant 64 : i32
    %mul3A_691 = arith.constant 13 : i32
    %mul3A_692 = arith.muli %arg0, %mul3A_691 : i32
    %add3A_693 = arith.constant 8 : i32
    %add3A_694 = arith.addi %mul3A_692, %add3A_693 : i32
    %mul3A_695 = arith.constant 13 : i32
    %mul3A_696 = arith.muli %arg0, %mul3A_695 : i32
    %add3A_697 = arith.constant 9 : i32
    %add3A_698 = arith.addi %mul3A_696, %add3A_697 : i32
    %dma_start3A_699 = arith.constant 0 : i32
    %dma_start3A_700 = tpu.memref_slice %arg2[%add3A_698, %arg1, %dma_start3A_699] : memref<26x16x100000xf32, #tpu.memory_space<hbm>> -> memref<1x1x50048xf32, #tpu.memory_space<hbm>>
    %dma_start3A_701 = tpu.memref_squeeze %dma_start3A_700 : memref<1x1x50048xf32, #tpu.memory_space<hbm>> -> memref<50048xf32, #tpu.memory_space<hbm>>
    %dma_start3A_702 = arith.constant 0 : i32
    %dma_start3A_703 = tpu.memref_slice %arg2[%add3A_698, %arg1, %dma_start3A_702] : memref<26x16x100000xf32, #tpu.memory_space<hbm>> -> memref<1x1x50048xf32, #tpu.memory_space<hbm>>
    %dma_start3A_704 = tpu.memref_squeeze %dma_start3A_703 : memref<1x1x50048xf32, #tpu.memory_space<hbm>> -> memref<50048xf32, #tpu.memory_space<hbm>>
    tpu.enqueue_dma source(%dma_start3A_704 : memref<50048xf32, #tpu.memory_space<hbm>>) target(%arg5 : memref<50048xf32, #tpu.memory_space<vmem>>) target_semaphore(%arg11 : memref<!tpu.dma_semaphore, #tpu.memory_space<semaphore_mem>>)
    %dma_wait3A_705 = arith.constant 50048 : i32
    %dma_wait3A_706 = tpu.memref_slice %arg2[%add3A_672, %arg1, %dma_wait3A_705] : memref<26x16x100000xf32, #tpu.memory_space<hbm>> -> memref<1x1x49952xf32, #tpu.memory_space<hbm>>
    %dma_wait3A_707 = tpu.memref_squeeze %dma_wait3A_706 : memref<1x1x49952xf32, #tpu.memory_space<hbm>> -> memref<49952xf32, #tpu.memory_space<hbm>>
    %dma_wait3A_708 = arith.constant 50048 : i32
    %dma_wait3A_709 = tpu.memref_slice %arg2[%add3A_672, %arg1, %dma_wait3A_708] : memref<26x16x100000xf32, #tpu.memory_space<hbm>> -> memref<1x1x49952xf32, #tpu.memory_space<hbm>>
    %dma_wait3A_710 = tpu.memref_squeeze %dma_wait3A_709 : memref<1x1x49952xf32, #tpu.memory_space<hbm>> -> memref<49952xf32, #tpu.memory_space<hbm>>
    tpu.wait_dma2 semaphore(%arg12 : memref<!tpu.dma_semaphore, #tpu.memory_space<semaphore_mem>>) src(%dma_wait3A_710 : memref<49952xf32, #tpu.memory_space<hbm>>) dst(%arg6 : memref<49952xf32, #tpu.memory_space<vmem>>)
    %scan3A_711 = arith.constant 0 : i32
    %scan3A_712 = arith.constant 0 : i32
    %scan3A_713 = arith.constant 64 : i32
    %scan3A_714 = arith.addi %scan3A_712, %scan3A_713 : i32
    %scan3A_715 = arith.constant 1 : i32
    scf.for %scan3A_1035 = %scan3A_712 to %scan3A_714 step %scan3A_715  : i32 {
      %mul3A_1036 = arith.constant 4 : i32
      %mul3A_1037 = arith.muli %scan3A_1035, %mul3A_1036 : i32
      %add3A_1038 = arith.constant 0 : i32
      %add3A_1039 = arith.addi %mul3A_1037, %add3A_1038 : i32
      %mul3A_1040 = arith.constant 16 : i32
      %mul3A_1041 = arith.muli %add3A_1039, %mul3A_1040 : i32
      %get3A = arith.index_cast %mul3A_1041 : i32 to index
      %get3A_1042 = tpu.vector_load %arg7[%get3A] {strides = array<i32>} : memref<4096xi32, #tpu.memory_space<vmem>>, vector<16xi32>,
      %ge3A = arith.constant 50048 : i32
      %ge3A_1043 = vector.broadcast %ge3A : i32 to vector<16xi32>
      %ge3A_1044 = arith.cmpi sge, %get3A_1042, %ge3A_1043 : vector<16xi32>
      %sub3A = arith.constant 50048 : i32
      %sub3A_1045 = vector.broadcast %sub3A : i32 to vector<16xi32>
      %sub3A_1046 = arith.subi %get3A_1042, %sub3A_1045 : vector<16xi32>
      %gather3A = tpu.vector_load_idx %arg6[%sub3A_1046] masked %ge3A_1044 : memref<49952xf32, #tpu.memory_space<vmem>>[vector<16xi32>], vector<16xf32>, vector<16xi1>
      %add3A_1047 = vector.broadcast %mul3A_1041 : i32 to vector<16xi32>
      %add3A_1048 = arith.addi %iota3A, %add3A_1047 : vector<16xi32>
      tpu.vector_store_idx %arg9[%add3A_1048], %gather3A masked %ge3A_1044 : memref<4096xf32, #tpu.memory_space<vmem>>[vector<16xi32>], vector<16xf32>, vector<16xi1>
      %mul3A_1049 = arith.constant 4 : i32
      %mul3A_1050 = arith.muli %scan3A_1035, %mul3A_1049 : i32
      %add3A_1051 = arith.constant 1 : i32
      %add3A_1052 = arith.addi %mul3A_1050, %add3A_1051 : i32
      %mul3A_1053 = arith.constant 16 : i32
      %mul3A_1054 = arith.muli %add3A_1052, %mul3A_1053 : i32
      %get3A_1055 = arith.index_cast %mul3A_1054 : i32 to index
      %get3A_1056 = tpu.vector_load %arg7[%get3A_1055] {strides = array<i32>} : memref<4096xi32, #tpu.memory_space<vmem>>, vector<16xi32>,
      %ge3A_1057 = arith.constant 50048 : i32
      %ge3A_1058 = vector.broadcast %ge3A_1057 : i32 to vector<16xi32>
      %ge3A_1059 = arith.cmpi sge, %get3A_1056, %ge3A_1058 : vector<16xi32>
      %sub3A_1060 = arith.constant 50048 : i32
      %sub3A_1061 = vector.broadcast %sub3A_1060 : i32 to vector<16xi32>
      %sub3A_1062 = arith.subi %get3A_1056, %sub3A_1061 : vector<16xi32>
      %gather3A_1063 = tpu.vector_load_idx %arg6[%sub3A_1062] masked %ge3A_1059 : memref<49952xf32, #tpu.memory_space<vmem>>[vector<16xi32>], vector<16xf32>, vector<16xi1>
      %add3A_1064 = vector.broadcast %mul3A_1054 : i32 to vector<16xi32>
      %add3A_1065 = arith.addi %iota3A, %add3A_1064 : vector<16xi32>
      tpu.vector_store_idx %arg9[%add3A_1065], %gather3A_1063 masked %ge3A_1059 : memref<4096xf32, #tpu.memory_space<vmem>>[vector<16xi32>], vector<16xf32>, vector<16xi1>
      %mul3A_1066 = arith.constant 4 : i32
      %mul3A_1067 = arith.muli %scan3A_1035, %mul3A_1066 : i32
      %add3A_1068 = arith.constant 2 : i32
      %add3A_1069 = arith.addi %mul3A_1067, %add3A_1068 : i32
      %mul3A_1070 = arith.constant 16 : i32
      %mul3A_1071 = arith.muli %add3A_1069, %mul3A_1070 : i32
      %get3A_1072 = arith.index_cast %mul3A_1071 : i32 to index
      %get3A_1073 = tpu.vector_load %arg7[%get3A_1072] {strides = array<i32>} : memref<4096xi32, #tpu.memory_space<vmem>>, vector<16xi32>,
      %ge3A_1074 = arith.constant 50048 : i32
      %ge3A_1075 = vector.broadcast %ge3A_1074 : i32 to vector<16xi32>
      %ge3A_1076 = arith.cmpi sge, %get3A_1073, %ge3A_1075 : vector<16xi32>
      %sub3A_1077 = arith.constant 50048 : i32
      %sub3A_1078 = vector.broadcast %sub3A_1077 : i32 to vector<16xi32>
      %sub3A_1079 = arith.subi %get3A_1073, %sub3A_1078 : vector<16xi32>
      %gather3A_1080 = tpu.vector_load_idx %arg6[%sub3A_1079] masked %ge3A_1076 : memref<49952xf32, #tpu.memory_space<vmem>>[vector<16xi32>], vector<16xf32>, vector<16xi1>
      %add3A_1081 = vector.broadcast %mul3A_1071 : i32 to vector<16xi32>
      %add3A_1082 = arith.addi %iota3A, %add3A_1081 : vector<16xi32>
      tpu.vector_store_idx %arg9[%add3A_1082], %gather3A_1080 masked %ge3A_1076 : memref<4096xf32, #tpu.memory_space<vmem>>[vector<16xi32>], vector<16xf32>, vector<16xi1>
      %mul3A_1083 = arith.constant 4 : i32
      %mul3A_1084 = arith.muli %scan3A_1035, %mul3A_1083 : i32
      %add3A_1085 = arith.constant 3 : i32
      %add3A_1086 = arith.addi %mul3A_1084, %add3A_1085 : i32
      %mul3A_1087 = arith.constant 16 : i32
      %mul3A_1088 = arith.muli %add3A_1086, %mul3A_1087 : i32
      %get3A_1089 = arith.index_cast %mul3A_1088 : i32 to index
      %get3A_1090 = tpu.vector_load %arg7[%get3A_1089] {strides = array<i32>} : memref<4096xi32, #tpu.memory_space<vmem>>, vector<16xi32>,
      %ge3A_1091 = arith.constant 50048 : i32
      %ge3A_1092 = vector.broadcast %ge3A_1091 : i32 to vector<16xi32>
      %ge3A_1093 = arith.cmpi sge, %get3A_1090, %ge3A_1092 : vector<16xi32>
      %sub3A_1094 = arith.constant 50048 : i32
      %sub3A_1095 = vector.broadcast %sub3A_1094 : i32 to vector<16xi32>
      %sub3A_1096 = arith.subi %get3A_1090, %sub3A_1095 : vector<16xi32>
      %gather3A_1097 = tpu.vector_load_idx %arg6[%sub3A_1096] masked %ge3A_1093 : memref<49952xf32, #tpu.memory_space<vmem>>[vector<16xi32>], vector<16xf32>, vector<16xi1>
      %add3A_1098 = vector.broadcast %mul3A_1088 : i32 to vector<16xi32>
      %add3A_1099 = arith.addi %iota3A, %add3A_1098 : vector<16xi32>
      tpu.vector_store_idx %arg9[%add3A_1099], %gather3A_1097 masked %ge3A_1093 : memref<4096xf32, #tpu.memory_space<vmem>>[vector<16xi32>], vector<16xf32>, vector<16xi1>
    }
    %scan3A_716 = arith.constant 64 : i32
    %dma_start3A_717 = arith.constant 0 : i32
    %dma_start3A_718 = tpu.memref_slice %arg4[%add3A_694, %arg1, %dma_start3A_717] : memref<26x16x4096xf32, #tpu.memory_space<hbm>> -> memref<1x1x4096xf32, #tpu.memory_space<hbm>>
    %dma_start3A_719 = tpu.memref_squeeze %dma_start3A_718 : memref<1x1x4096xf32, #tpu.memory_space<hbm>> -> memref<4096xf32, #tpu.memory_space<hbm>>
    %dma_start3A_720 = arith.constant 0 : i32
    %dma_start3A_721 = tpu.memref_slice %arg4[%add3A_694, %arg1, %dma_start3A_720] : memref<26x16x4096xf32, #tpu.memory_space<hbm>> -> memref<1x1x4096xf32, #tpu.memory_space<hbm>>
    %dma_start3A_722 = tpu.memref_squeeze %dma_start3A_721 : memref<1x1x4096xf32, #tpu.memory_space<hbm>> -> memref<4096xf32, #tpu.memory_space<hbm>>
    tpu.enqueue_dma source(%arg9 : memref<4096xf32, #tpu.memory_space<vmem>>) target(%dma_start3A_722 : memref<4096xf32, #tpu.memory_space<hbm>>) target_semaphore(%arg15 : memref<!tpu.dma_semaphore, #tpu.memory_space<semaphore_mem>>)
    %mul3A_723 = arith.constant 13 : i32
    %mul3A_724 = arith.muli %arg0, %mul3A_723 : i32
    %add3A_725 = arith.constant 9 : i32
    %add3A_726 = arith.addi %mul3A_724, %add3A_725 : i32
    %dma_wait3A_727 = arith.constant 0 : i32
    %dma_wait3A_728 = tpu.memref_slice %arg3[%add3A_656, %dma_wait3A_727] : memref<26x4096xi32, #tpu.memory_space<hbm>> -> memref<1x4096xi32, #tpu.memory_space<hbm>>
    %dma_wait3A_729 = tpu.memref_squeeze %dma_wait3A_728 : memref<1x4096xi32, #tpu.memory_space<hbm>> -> memref<4096xi32, #tpu.memory_space<hbm>>
    %dma_wait3A_730 = arith.constant 0 : i32
    %dma_wait3A_731 = tpu.memref_slice %arg3[%add3A_656, %dma_wait3A_730] : memref<26x4096xi32, #tpu.memory_space<hbm>> -> memref<1x4096xi32, #tpu.memory_space<hbm>>
    %dma_wait3A_732 = tpu.memref_squeeze %dma_wait3A_731 : memref<1x4096xi32, #tpu.memory_space<hbm>> -> memref<4096xi32, #tpu.memory_space<hbm>>
    tpu.wait_dma2 semaphore(%arg14 : memref<!tpu.dma_semaphore, #tpu.memory_space<semaphore_mem>>) src(%dma_wait3A_732 : memref<4096xi32, #tpu.memory_space<hbm>>) dst(%arg8 : memref<4096xi32, #tpu.memory_space<vmem>>)
    %mul3A_733 = arith.constant 13 : i32
    %mul3A_734 = arith.muli %arg0, %mul3A_733 : i32
    %add3A_735 = arith.constant 10 : i32
    %add3A_736 = arith.addi %mul3A_734, %add3A_735 : i32
    %dma_start3A_737 = arith.constant 0 : i32
    %dma_start3A_738 = tpu.memref_slice %arg3[%add3A_736, %dma_start3A_737] : memref<26x4096xi32, #tpu.memory_space<hbm>> -> memref<1x4096xi32, #tpu.memory_space<hbm>>
    %dma_start3A_739 = tpu.memref_squeeze %dma_start3A_738 : memref<1x4096xi32, #tpu.memory_space<hbm>> -> memref<4096xi32, #tpu.memory_space<hbm>>
    %dma_start3A_740 = arith.constant 0 : i32
    %dma_start3A_741 = tpu.memref_slice %arg3[%add3A_736, %dma_start3A_740] : memref<26x4096xi32, #tpu.memory_space<hbm>> -> memref<1x4096xi32, #tpu.memory_space<hbm>>
    %dma_start3A_742 = tpu.memref_squeeze %dma_start3A_741 : memref<1x4096xi32, #tpu.memory_space<hbm>> -> memref<4096xi32, #tpu.memory_space<hbm>>
    tpu.enqueue_dma source(%dma_start3A_742 : memref<4096xi32, #tpu.memory_space<hbm>>) target(%arg7 : memref<4096xi32, #tpu.memory_space<vmem>>) target_semaphore(%arg13 : memref<!tpu.dma_semaphore, #tpu.memory_space<semaphore_mem>>)
    %dma_wait3A_743 = arith.constant 0 : i32
    %dma_wait3A_744 = tpu.memref_slice %arg4[%add3A_614, %arg1, %dma_wait3A_743] : memref<26x16x4096xf32, #tpu.memory_space<hbm>> -> memref<1x1x4096xf32, #tpu.memory_space<hbm>>
    %dma_wait3A_745 = tpu.memref_squeeze %dma_wait3A_744 : memref<1x1x4096xf32, #tpu.memory_space<hbm>> -> memref<4096xf32, #tpu.memory_space<hbm>>
    %dma_wait3A_746 = arith.constant 0 : i32
    %dma_wait3A_747 = tpu.memref_slice %arg4[%add3A_614, %arg1, %dma_wait3A_746] : memref<26x16x4096xf32, #tpu.memory_space<hbm>> -> memref<1x1x4096xf32, #tpu.memory_space<hbm>>
    %dma_wait3A_748 = tpu.memref_squeeze %dma_wait3A_747 : memref<1x1x4096xf32, #tpu.memory_space<hbm>> -> memref<4096xf32, #tpu.memory_space<hbm>>
    tpu.wait_dma2 semaphore(%arg16 : memref<!tpu.dma_semaphore, #tpu.memory_space<semaphore_mem>>) src(%arg10 : memref<4096xf32, #tpu.memory_space<vmem>>) dst(%dma_wait3A_748 : memref<4096xf32, #tpu.memory_space<hbm>>)
    %mul3A_749 = arith.constant 13 : i32
    %mul3A_750 = arith.muli %arg0, %mul3A_749 : i32
    %add3A_751 = arith.constant 9 : i32
    %add3A_752 = arith.addi %mul3A_750, %add3A_751 : i32
    %dma_start3A_753 = arith.constant 50048 : i32
    %dma_start3A_754 = tpu.memref_slice %arg2[%add3A_752, %arg1, %dma_start3A_753] : memref<26x16x100000xf32, #tpu.memory_space<hbm>> -> memref<1x1x49952xf32, #tpu.memory_space<hbm>>
    %dma_start3A_755 = tpu.memref_squeeze %dma_start3A_754 : memref<1x1x49952xf32, #tpu.memory_space<hbm>> -> memref<49952xf32, #tpu.memory_space<hbm>>
    %dma_start3A_756 = arith.constant 50048 : i32
    %dma_start3A_757 = tpu.memref_slice %arg2[%add3A_752, %arg1, %dma_start3A_756] : memref<26x16x100000xf32, #tpu.memory_space<hbm>> -> memref<1x1x49952xf32, #tpu.memory_space<hbm>>
    %dma_start3A_758 = tpu.memref_squeeze %dma_start3A_757 : memref<1x1x49952xf32, #tpu.memory_space<hbm>> -> memref<49952xf32, #tpu.memory_space<hbm>>
    tpu.enqueue_dma source(%dma_start3A_758 : memref<49952xf32, #tpu.memory_space<hbm>>) target(%arg6 : memref<49952xf32, #tpu.memory_space<vmem>>) target_semaphore(%arg12 : memref<!tpu.dma_semaphore, #tpu.memory_space<semaphore_mem>>)
    %dma_wait3A_759 = arith.constant 0 : i32
    %dma_wait3A_760 = tpu.memref_slice %arg2[%add3A_698, %arg1, %dma_wait3A_759] : memref<26x16x100000xf32, #tpu.memory_space<hbm>> -> memref<1x1x50048xf32, #tpu.memory_space<hbm>>
    %dma_wait3A_761 = tpu.memref_squeeze %dma_wait3A_760 : memref<1x1x50048xf32, #tpu.memory_space<hbm>> -> memref<50048xf32, #tpu.memory_space<hbm>>
    %dma_wait3A_762 = arith.constant 0 : i32
    %dma_wait3A_763 = tpu.memref_slice %arg2[%add3A_698, %arg1, %dma_wait3A_762] : memref<26x16x100000xf32, #tpu.memory_space<hbm>> -> memref<1x1x50048xf32, #tpu.memory_space<hbm>>
    %dma_wait3A_764 = tpu.memref_squeeze %dma_wait3A_763 : memref<1x1x50048xf32, #tpu.memory_space<hbm>> -> memref<50048xf32, #tpu.memory_space<hbm>>
    tpu.wait_dma2 semaphore(%arg11 : memref<!tpu.dma_semaphore, #tpu.memory_space<semaphore_mem>>) src(%dma_wait3A_764 : memref<50048xf32, #tpu.memory_space<hbm>>) dst(%arg5 : memref<50048xf32, #tpu.memory_space<vmem>>)
    %scan3A_765 = arith.constant 0 : i32
    %scan3A_766 = arith.constant 0 : i32
    %scan3A_767 = arith.constant 64 : i32
    %scan3A_768 = arith.addi %scan3A_766, %scan3A_767 : i32
    %scan3A_769 = arith.constant 1 : i32
    scf.for %scan3A_1035 = %scan3A_766 to %scan3A_768 step %scan3A_769  : i32 {
      %mul3A_1036 = arith.constant 4 : i32
      %mul3A_1037 = arith.muli %scan3A_1035, %mul3A_1036 : i32
      %add3A_1038 = arith.constant 0 : i32
      %add3A_1039 = arith.addi %mul3A_1037, %add3A_1038 : i32
      %mul3A_1040 = arith.constant 16 : i32
      %mul3A_1041 = arith.muli %add3A_1039, %mul3A_1040 : i32
      %get3A = arith.index_cast %mul3A_1041 : i32 to index
      %get3A_1042 = tpu.vector_load %arg8[%get3A] {strides = array<i32>} : memref<4096xi32, #tpu.memory_space<vmem>>, vector<16xi32>,
      %lt3A = arith.constant 50048 : i32
      %lt3A_1043 = vector.broadcast %lt3A : i32 to vector<16xi32>
      %lt3A_1044 = arith.cmpi slt, %get3A_1042, %lt3A_1043 : vector<16xi32>
      %gather3A = tpu.vector_load_idx %arg5[%get3A_1042] masked %lt3A_1044 : memref<50048xf32, #tpu.memory_space<vmem>>[vector<16xi32>], vector<16xf32>, vector<16xi1>
      %add3A_1045 = vector.broadcast %mul3A_1041 : i32 to vector<16xi32>
      %add3A_1046 = arith.addi %iota3A, %add3A_1045 : vector<16xi32>
      tpu.vector_store_idx %arg10[%add3A_1046], %gather3A masked %lt3A_1044 : memref<4096xf32, #tpu.memory_space<vmem>>[vector<16xi32>], vector<16xf32>, vector<16xi1>
      %mul3A_1047 = arith.constant 4 : i32
      %mul3A_1048 = arith.muli %scan3A_1035, %mul3A_1047 : i32
      %add3A_1049 = arith.constant 1 : i32
      %add3A_1050 = arith.addi %mul3A_1048, %add3A_1049 : i32
      %mul3A_1051 = arith.constant 16 : i32
      %mul3A_1052 = arith.muli %add3A_1050, %mul3A_1051 : i32
      %get3A_1053 = arith.index_cast %mul3A_1052 : i32 to index
      %get3A_1054 = tpu.vector_load %arg8[%get3A_1053] {strides = array<i32>} : memref<4096xi32, #tpu.memory_space<vmem>>, vector<16xi32>,
      %lt3A_1055 = arith.constant 50048 : i32
      %lt3A_1056 = vector.broadcast %lt3A_1055 : i32 to vector<16xi32>
      %lt3A_1057 = arith.cmpi slt, %get3A_1054, %lt3A_1056 : vector<16xi32>
      %gather3A_1058 = tpu.vector_load_idx %arg5[%get3A_1054] masked %lt3A_1057 : memref<50048xf32, #tpu.memory_space<vmem>>[vector<16xi32>], vector<16xf32>, vector<16xi1>
      %add3A_1059 = vector.broadcast %mul3A_1052 : i32 to vector<16xi32>
      %add3A_1060 = arith.addi %iota3A, %add3A_1059 : vector<16xi32>
      tpu.vector_store_idx %arg10[%add3A_1060], %gather3A_1058 masked %lt3A_1057 : memref<4096xf32, #tpu.memory_space<vmem>>[vector<16xi32>], vector<16xf32>, vector<16xi1>
      %mul3A_1061 = arith.constant 4 : i32
      %mul3A_1062 = arith.muli %scan3A_1035, %mul3A_1061 : i32
      %add3A_1063 = arith.constant 2 : i32
      %add3A_1064 = arith.addi %mul3A_1062, %add3A_1063 : i32
      %mul3A_1065 = arith.constant 16 : i32
      %mul3A_1066 = arith.muli %add3A_1064, %mul3A_1065 : i32
      %get3A_1067 = arith.index_cast %mul3A_1066 : i32 to index
      %get3A_1068 = tpu.vector_load %arg8[%get3A_1067] {strides = array<i32>} : memref<4096xi32, #tpu.memory_space<vmem>>, vector<16xi32>,
      %lt3A_1069 = arith.constant 50048 : i32
      %lt3A_1070 = vector.broadcast %lt3A_1069 : i32 to vector<16xi32>
      %lt3A_1071 = arith.cmpi slt, %get3A_1068, %lt3A_1070 : vector<16xi32>
      %gather3A_1072 = tpu.vector_load_idx %arg5[%get3A_1068] masked %lt3A_1071 : memref<50048xf32, #tpu.memory_space<vmem>>[vector<16xi32>], vector<16xf32>, vector<16xi1>
      %add3A_1073 = vector.broadcast %mul3A_1066 : i32 to vector<16xi32>
      %add3A_1074 = arith.addi %iota3A, %add3A_1073 : vector<16xi32>
      tpu.vector_store_idx %arg10[%add3A_1074], %gather3A_1072 masked %lt3A_1071 : memref<4096xf32, #tpu.memory_space<vmem>>[vector<16xi32>], vector<16xf32>, vector<16xi1>
      %mul3A_1075 = arith.constant 4 : i32
      %mul3A_1076 = arith.muli %scan3A_1035, %mul3A_1075 : i32
      %add3A_1077 = arith.constant 3 : i32
      %add3A_1078 = arith.addi %mul3A_1076, %add3A_1077 : i32
      %mul3A_1079 = arith.constant 16 : i32
      %mul3A_1080 = arith.muli %add3A_1078, %mul3A_1079 : i32
      %get3A_1081 = arith.index_cast %mul3A_1080 : i32 to index
      %get3A_1082 = tpu.vector_load %arg8[%get3A_1081] {strides = array<i32>} : memref<4096xi32, #tpu.memory_space<vmem>>, vector<16xi32>,
      %lt3A_1083 = arith.constant 50048 : i32
      %lt3A_1084 = vector.broadcast %lt3A_1083 : i32 to vector<16xi32>
      %lt3A_1085 = arith.cmpi slt, %get3A_1082, %lt3A_1084 : vector<16xi32>
      %gather3A_1086 = tpu.vector_load_idx %arg5[%get3A_1082] masked %lt3A_1085 : memref<50048xf32, #tpu.memory_space<vmem>>[vector<16xi32>], vector<16xf32>, vector<16xi1>
      %add3A_1087 = vector.broadcast %mul3A_1080 : i32 to vector<16xi32>
      %add3A_1088 = arith.addi %iota3A, %add3A_1087 : vector<16xi32>
      tpu.vector_store_idx %arg10[%add3A_1088], %gather3A_1086 masked %lt3A_1085 : memref<4096xf32, #tpu.memory_space<vmem>>[vector<16xi32>], vector<16xf32>, vector<16xi1>
    }
    %scan3A_770 = arith.constant 64 : i32
    %mul3A_771 = arith.constant 13 : i32
    %mul3A_772 = arith.muli %arg0, %mul3A_771 : i32
    %add3A_773 = arith.constant 9 : i32
    %add3A_774 = arith.addi %mul3A_772, %add3A_773 : i32
    %mul3A_775 = arith.constant 13 : i32
    %mul3A_776 = arith.muli %arg0, %mul3A_775 : i32
    %add3A_777 = arith.constant 10 : i32
    %add3A_778 = arith.addi %mul3A_776, %add3A_777 : i32
    %dma_start3A_779 = arith.constant 0 : i32
    %dma_start3A_780 = tpu.memref_slice %arg2[%add3A_778, %arg1, %dma_start3A_779] : memref<26x16x100000xf32, #tpu.memory_space<hbm>> -> memref<1x1x50048xf32, #tpu.memory_space<hbm>>
    %dma_start3A_781 = tpu.memref_squeeze %dma_start3A_780 : memref<1x1x50048xf32, #tpu.memory_space<hbm>> -> memref<50048xf32, #tpu.memory_space<hbm>>
    %dma_start3A_782 = arith.constant 0 : i32
    %dma_start3A_783 = tpu.memref_slice %arg2[%add3A_778, %arg1, %dma_start3A_782] : memref<26x16x100000xf32, #tpu.memory_space<hbm>> -> memref<1x1x50048xf32, #tpu.memory_space<hbm>>
    %dma_start3A_784 = tpu.memref_squeeze %dma_start3A_783 : memref<1x1x50048xf32, #tpu.memory_space<hbm>> -> memref<50048xf32, #tpu.memory_space<hbm>>
    tpu.enqueue_dma source(%dma_start3A_784 : memref<50048xf32, #tpu.memory_space<hbm>>) target(%arg5 : memref<50048xf32, #tpu.memory_space<vmem>>) target_semaphore(%arg11 : memref<!tpu.dma_semaphore, #tpu.memory_space<semaphore_mem>>)
    %dma_wait3A_785 = arith.constant 50048 : i32
    %dma_wait3A_786 = tpu.memref_slice %arg2[%add3A_752, %arg1, %dma_wait3A_785] : memref<26x16x100000xf32, #tpu.memory_space<hbm>> -> memref<1x1x49952xf32, #tpu.memory_space<hbm>>
    %dma_wait3A_787 = tpu.memref_squeeze %dma_wait3A_786 : memref<1x1x49952xf32, #tpu.memory_space<hbm>> -> memref<49952xf32, #tpu.memory_space<hbm>>
    %dma_wait3A_788 = arith.constant 50048 : i32
    %dma_wait3A_789 = tpu.memref_slice %arg2[%add3A_752, %arg1, %dma_wait3A_788] : memref<26x16x100000xf32, #tpu.memory_space<hbm>> -> memref<1x1x49952xf32, #tpu.memory_space<hbm>>
    %dma_wait3A_790 = tpu.memref_squeeze %dma_wait3A_789 : memref<1x1x49952xf32, #tpu.memory_space<hbm>> -> memref<49952xf32, #tpu.memory_space<hbm>>
    tpu.wait_dma2 semaphore(%arg12 : memref<!tpu.dma_semaphore, #tpu.memory_space<semaphore_mem>>) src(%dma_wait3A_790 : memref<49952xf32, #tpu.memory_space<hbm>>) dst(%arg6 : memref<49952xf32, #tpu.memory_space<vmem>>)
    %scan3A_791 = arith.constant 0 : i32
    %scan3A_792 = arith.constant 0 : i32
    %scan3A_793 = arith.constant 64 : i32
    %scan3A_794 = arith.addi %scan3A_792, %scan3A_793 : i32
    %scan3A_795 = arith.constant 1 : i32
    scf.for %scan3A_1035 = %scan3A_792 to %scan3A_794 step %scan3A_795  : i32 {
      %mul3A_1036 = arith.constant 4 : i32
      %mul3A_1037 = arith.muli %scan3A_1035, %mul3A_1036 : i32
      %add3A_1038 = arith.constant 0 : i32
      %add3A_1039 = arith.addi %mul3A_1037, %add3A_1038 : i32
      %mul3A_1040 = arith.constant 16 : i32
      %mul3A_1041 = arith.muli %add3A_1039, %mul3A_1040 : i32
      %get3A = arith.index_cast %mul3A_1041 : i32 to index
      %get3A_1042 = tpu.vector_load %arg8[%get3A] {strides = array<i32>} : memref<4096xi32, #tpu.memory_space<vmem>>, vector<16xi32>,
      %ge3A = arith.constant 50048 : i32
      %ge3A_1043 = vector.broadcast %ge3A : i32 to vector<16xi32>
      %ge3A_1044 = arith.cmpi sge, %get3A_1042, %ge3A_1043 : vector<16xi32>
      %sub3A = arith.constant 50048 : i32
      %sub3A_1045 = vector.broadcast %sub3A : i32 to vector<16xi32>
      %sub3A_1046 = arith.subi %get3A_1042, %sub3A_1045 : vector<16xi32>
      %gather3A = tpu.vector_load_idx %arg6[%sub3A_1046] masked %ge3A_1044 : memref<49952xf32, #tpu.memory_space<vmem>>[vector<16xi32>], vector<16xf32>, vector<16xi1>
      %add3A_1047 = vector.broadcast %mul3A_1041 : i32 to vector<16xi32>
      %add3A_1048 = arith.addi %iota3A, %add3A_1047 : vector<16xi32>
      tpu.vector_store_idx %arg10[%add3A_1048], %gather3A masked %ge3A_1044 : memref<4096xf32, #tpu.memory_space<vmem>>[vector<16xi32>], vector<16xf32>, vector<16xi1>
      %mul3A_1049 = arith.constant 4 : i32
      %mul3A_1050 = arith.muli %scan3A_1035, %mul3A_1049 : i32
      %add3A_1051 = arith.constant 1 : i32
      %add3A_1052 = arith.addi %mul3A_1050, %add3A_1051 : i32
      %mul3A_1053 = arith.constant 16 : i32
      %mul3A_1054 = arith.muli %add3A_1052, %mul3A_1053 : i32
      %get3A_1055 = arith.index_cast %mul3A_1054 : i32 to index
      %get3A_1056 = tpu.vector_load %arg8[%get3A_1055] {strides = array<i32>} : memref<4096xi32, #tpu.memory_space<vmem>>, vector<16xi32>,
      %ge3A_1057 = arith.constant 50048 : i32
      %ge3A_1058 = vector.broadcast %ge3A_1057 : i32 to vector<16xi32>
      %ge3A_1059 = arith.cmpi sge, %get3A_1056, %ge3A_1058 : vector<16xi32>
      %sub3A_1060 = arith.constant 50048 : i32
      %sub3A_1061 = vector.broadcast %sub3A_1060 : i32 to vector<16xi32>
      %sub3A_1062 = arith.subi %get3A_1056, %sub3A_1061 : vector<16xi32>
      %gather3A_1063 = tpu.vector_load_idx %arg6[%sub3A_1062] masked %ge3A_1059 : memref<49952xf32, #tpu.memory_space<vmem>>[vector<16xi32>], vector<16xf32>, vector<16xi1>
      %add3A_1064 = vector.broadcast %mul3A_1054 : i32 to vector<16xi32>
      %add3A_1065 = arith.addi %iota3A, %add3A_1064 : vector<16xi32>
      tpu.vector_store_idx %arg10[%add3A_1065], %gather3A_1063 masked %ge3A_1059 : memref<4096xf32, #tpu.memory_space<vmem>>[vector<16xi32>], vector<16xf32>, vector<16xi1>
      %mul3A_1066 = arith.constant 4 : i32
      %mul3A_1067 = arith.muli %scan3A_1035, %mul3A_1066 : i32
      %add3A_1068 = arith.constant 2 : i32
      %add3A_1069 = arith.addi %mul3A_1067, %add3A_1068 : i32
      %mul3A_1070 = arith.constant 16 : i32
      %mul3A_1071 = arith.muli %add3A_1069, %mul3A_1070 : i32
      %get3A_1072 = arith.index_cast %mul3A_1071 : i32 to index
      %get3A_1073 = tpu.vector_load %arg8[%get3A_1072] {strides = array<i32>} : memref<4096xi32, #tpu.memory_space<vmem>>, vector<16xi32>,
      %ge3A_1074 = arith.constant 50048 : i32
      %ge3A_1075 = vector.broadcast %ge3A_1074 : i32 to vector<16xi32>
      %ge3A_1076 = arith.cmpi sge, %get3A_1073, %ge3A_1075 : vector<16xi32>
      %sub3A_1077 = arith.constant 50048 : i32
      %sub3A_1078 = vector.broadcast %sub3A_1077 : i32 to vector<16xi32>
      %sub3A_1079 = arith.subi %get3A_1073, %sub3A_1078 : vector<16xi32>
      %gather3A_1080 = tpu.vector_load_idx %arg6[%sub3A_1079] masked %ge3A_1076 : memref<49952xf32, #tpu.memory_space<vmem>>[vector<16xi32>], vector<16xf32>, vector<16xi1>
      %add3A_1081 = vector.broadcast %mul3A_1071 : i32 to vector<16xi32>
      %add3A_1082 = arith.addi %iota3A, %add3A_1081 : vector<16xi32>
      tpu.vector_store_idx %arg10[%add3A_1082], %gather3A_1080 masked %ge3A_1076 : memref<4096xf32, #tpu.memory_space<vmem>>[vector<16xi32>], vector<16xf32>, vector<16xi1>
      %mul3A_1083 = arith.constant 4 : i32
      %mul3A_1084 = arith.muli %scan3A_1035, %mul3A_1083 : i32
      %add3A_1085 = arith.constant 3 : i32
      %add3A_1086 = arith.addi %mul3A_1084, %add3A_1085 : i32
      %mul3A_1087 = arith.constant 16 : i32
      %mul3A_1088 = arith.muli %add3A_1086, %mul3A_1087 : i32
      %get3A_1089 = arith.index_cast %mul3A_1088 : i32 to index
      %get3A_1090 = tpu.vector_load %arg8[%get3A_1089] {strides = array<i32>} : memref<4096xi32, #tpu.memory_space<vmem>>, vector<16xi32>,
      %ge3A_1091 = arith.constant 50048 : i32
      %ge3A_1092 = vector.broadcast %ge3A_1091 : i32 to vector<16xi32>
      %ge3A_1093 = arith.cmpi sge, %get3A_1090, %ge3A_1092 : vector<16xi32>
      %sub3A_1094 = arith.constant 50048 : i32
      %sub3A_1095 = vector.broadcast %sub3A_1094 : i32 to vector<16xi32>
      %sub3A_1096 = arith.subi %get3A_1090, %sub3A_1095 : vector<16xi32>
      %gather3A_1097 = tpu.vector_load_idx %arg6[%sub3A_1096] masked %ge3A_1093 : memref<49952xf32, #tpu.memory_space<vmem>>[vector<16xi32>], vector<16xf32>, vector<16xi1>
      %add3A_1098 = vector.broadcast %mul3A_1088 : i32 to vector<16xi32>
      %add3A_1099 = arith.addi %iota3A, %add3A_1098 : vector<16xi32>
      tpu.vector_store_idx %arg10[%add3A_1099], %gather3A_1097 masked %ge3A_1093 : memref<4096xf32, #tpu.memory_space<vmem>>[vector<16xi32>], vector<16xf32>, vector<16xi1>
    }
    %scan3A_796 = arith.constant 64 : i32
    %dma_start3A_797 = arith.constant 0 : i32
    %dma_start3A_798 = tpu.memref_slice %arg4[%add3A_774, %arg1, %dma_start3A_797] : memref<26x16x4096xf32, #tpu.memory_space<hbm>> -> memref<1x1x4096xf32, #tpu.memory_space<hbm>>
    %dma_start3A_799 = tpu.memref_squeeze %dma_start3A_798 : memref<1x1x4096xf32, #tpu.memory_space<hbm>> -> memref<4096xf32, #tpu.memory_space<hbm>>
    %dma_start3A_800 = arith.constant 0 : i32
    %dma_start3A_801 = tpu.memref_slice %arg4[%add3A_774, %arg1, %dma_start3A_800] : memref<26x16x4096xf32, #tpu.memory_space<hbm>> -> memref<1x1x4096xf32, #tpu.memory_space<hbm>>
    %dma_start3A_802 = tpu.memref_squeeze %dma_start3A_801 : memref<1x1x4096xf32, #tpu.memory_space<hbm>> -> memref<4096xf32, #tpu.memory_space<hbm>>
    tpu.enqueue_dma source(%arg10 : memref<4096xf32, #tpu.memory_space<vmem>>) target(%dma_start3A_802 : memref<4096xf32, #tpu.memory_space<hbm>>) target_semaphore(%arg16 : memref<!tpu.dma_semaphore, #tpu.memory_space<semaphore_mem>>)
    %mul3A_803 = arith.constant 13 : i32
    %mul3A_804 = arith.muli %arg0, %mul3A_803 : i32
    %add3A_805 = arith.constant 10 : i32
    %add3A_806 = arith.addi %mul3A_804, %add3A_805 : i32
    %dma_wait3A_807 = arith.constant 0 : i32
    %dma_wait3A_808 = tpu.memref_slice %arg3[%add3A_736, %dma_wait3A_807] : memref<26x4096xi32, #tpu.memory_space<hbm>> -> memref<1x4096xi32, #tpu.memory_space<hbm>>
    %dma_wait3A_809 = tpu.memref_squeeze %dma_wait3A_808 : memref<1x4096xi32, #tpu.memory_space<hbm>> -> memref<4096xi32, #tpu.memory_space<hbm>>
    %dma_wait3A_810 = arith.constant 0 : i32
    %dma_wait3A_811 = tpu.memref_slice %arg3[%add3A_736, %dma_wait3A_810] : memref<26x4096xi32, #tpu.memory_space<hbm>> -> memref<1x4096xi32, #tpu.memory_space<hbm>>
    %dma_wait3A_812 = tpu.memref_squeeze %dma_wait3A_811 : memref<1x4096xi32, #tpu.memory_space<hbm>> -> memref<4096xi32, #tpu.memory_space<hbm>>
    tpu.wait_dma2 semaphore(%arg13 : memref<!tpu.dma_semaphore, #tpu.memory_space<semaphore_mem>>) src(%dma_wait3A_812 : memref<4096xi32, #tpu.memory_space<hbm>>) dst(%arg7 : memref<4096xi32, #tpu.memory_space<vmem>>)
    %mul3A_813 = arith.constant 13 : i32
    %mul3A_814 = arith.muli %arg0, %mul3A_813 : i32
    %add3A_815 = arith.constant 11 : i32
    %add3A_816 = arith.addi %mul3A_814, %add3A_815 : i32
    %dma_start3A_817 = arith.constant 0 : i32
    %dma_start3A_818 = tpu.memref_slice %arg3[%add3A_816, %dma_start3A_817] : memref<26x4096xi32, #tpu.memory_space<hbm>> -> memref<1x4096xi32, #tpu.memory_space<hbm>>
    %dma_start3A_819 = tpu.memref_squeeze %dma_start3A_818 : memref<1x4096xi32, #tpu.memory_space<hbm>> -> memref<4096xi32, #tpu.memory_space<hbm>>
    %dma_start3A_820 = arith.constant 0 : i32
    %dma_start3A_821 = tpu.memref_slice %arg3[%add3A_816, %dma_start3A_820] : memref<26x4096xi32, #tpu.memory_space<hbm>> -> memref<1x4096xi32, #tpu.memory_space<hbm>>
    %dma_start3A_822 = tpu.memref_squeeze %dma_start3A_821 : memref<1x4096xi32, #tpu.memory_space<hbm>> -> memref<4096xi32, #tpu.memory_space<hbm>>
    tpu.enqueue_dma source(%dma_start3A_822 : memref<4096xi32, #tpu.memory_space<hbm>>) target(%arg8 : memref<4096xi32, #tpu.memory_space<vmem>>) target_semaphore(%arg14 : memref<!tpu.dma_semaphore, #tpu.memory_space<semaphore_mem>>)
    %dma_wait3A_823 = arith.constant 0 : i32
    %dma_wait3A_824 = tpu.memref_slice %arg4[%add3A_694, %arg1, %dma_wait3A_823] : memref<26x16x4096xf32, #tpu.memory_space<hbm>> -> memref<1x1x4096xf32, #tpu.memory_space<hbm>>
    %dma_wait3A_825 = tpu.memref_squeeze %dma_wait3A_824 : memref<1x1x4096xf32, #tpu.memory_space<hbm>> -> memref<4096xf32, #tpu.memory_space<hbm>>
    %dma_wait3A_826 = arith.constant 0 : i32
    %dma_wait3A_827 = tpu.memref_slice %arg4[%add3A_694, %arg1, %dma_wait3A_826] : memref<26x16x4096xf32, #tpu.memory_space<hbm>> -> memref<1x1x4096xf32, #tpu.memory_space<hbm>>
    %dma_wait3A_828 = tpu.memref_squeeze %dma_wait3A_827 : memref<1x1x4096xf32, #tpu.memory_space<hbm>> -> memref<4096xf32, #tpu.memory_space<hbm>>
    tpu.wait_dma2 semaphore(%arg15 : memref<!tpu.dma_semaphore, #tpu.memory_space<semaphore_mem>>) src(%arg9 : memref<4096xf32, #tpu.memory_space<vmem>>) dst(%dma_wait3A_828 : memref<4096xf32, #tpu.memory_space<hbm>>)
    %mul3A_829 = arith.constant 13 : i32
    %mul3A_830 = arith.muli %arg0, %mul3A_829 : i32
    %add3A_831 = arith.constant 10 : i32
    %add3A_832 = arith.addi %mul3A_830, %add3A_831 : i32
    %dma_start3A_833 = arith.constant 50048 : i32
    %dma_start3A_834 = tpu.memref_slice %arg2[%add3A_832, %arg1, %dma_start3A_833] : memref<26x16x100000xf32, #tpu.memory_space<hbm>> -> memref<1x1x49952xf32, #tpu.memory_space<hbm>>
    %dma_start3A_835 = tpu.memref_squeeze %dma_start3A_834 : memref<1x1x49952xf32, #tpu.memory_space<hbm>> -> memref<49952xf32, #tpu.memory_space<hbm>>
    %dma_start3A_836 = arith.constant 50048 : i32
    %dma_start3A_837 = tpu.memref_slice %arg2[%add3A_832, %arg1, %dma_start3A_836] : memref<26x16x100000xf32, #tpu.memory_space<hbm>> -> memref<1x1x49952xf32, #tpu.memory_space<hbm>>
    %dma_start3A_838 = tpu.memref_squeeze %dma_start3A_837 : memref<1x1x49952xf32, #tpu.memory_space<hbm>> -> memref<49952xf32, #tpu.memory_space<hbm>>
    tpu.enqueue_dma source(%dma_start3A_838 : memref<49952xf32, #tpu.memory_space<hbm>>) target(%arg6 : memref<49952xf32, #tpu.memory_space<vmem>>) target_semaphore(%arg12 : memref<!tpu.dma_semaphore, #tpu.memory_space<semaphore_mem>>)
    %dma_wait3A_839 = arith.constant 0 : i32
    %dma_wait3A_840 = tpu.memref_slice %arg2[%add3A_778, %arg1, %dma_wait3A_839] : memref<26x16x100000xf32, #tpu.memory_space<hbm>> -> memref<1x1x50048xf32, #tpu.memory_space<hbm>>
    %dma_wait3A_841 = tpu.memref_squeeze %dma_wait3A_840 : memref<1x1x50048xf32, #tpu.memory_space<hbm>> -> memref<50048xf32, #tpu.memory_space<hbm>>
    %dma_wait3A_842 = arith.constant 0 : i32
    %dma_wait3A_843 = tpu.memref_slice %arg2[%add3A_778, %arg1, %dma_wait3A_842] : memref<26x16x100000xf32, #tpu.memory_space<hbm>> -> memref<1x1x50048xf32, #tpu.memory_space<hbm>>
    %dma_wait3A_844 = tpu.memref_squeeze %dma_wait3A_843 : memref<1x1x50048xf32, #tpu.memory_space<hbm>> -> memref<50048xf32, #tpu.memory_space<hbm>>
    tpu.wait_dma2 semaphore(%arg11 : memref<!tpu.dma_semaphore, #tpu.memory_space<semaphore_mem>>) src(%dma_wait3A_844 : memref<50048xf32, #tpu.memory_space<hbm>>) dst(%arg5 : memref<50048xf32, #tpu.memory_space<vmem>>)
    %scan3A_845 = arith.constant 0 : i32
    %scan3A_846 = arith.constant 0 : i32
    %scan3A_847 = arith.constant 64 : i32
    %scan3A_848 = arith.addi %scan3A_846, %scan3A_847 : i32
    %scan3A_849 = arith.constant 1 : i32
    scf.for %scan3A_1035 = %scan3A_846 to %scan3A_848 step %scan3A_849  : i32 {
      %mul3A_1036 = arith.constant 4 : i32
      %mul3A_1037 = arith.muli %scan3A_1035, %mul3A_1036 : i32
      %add3A_1038 = arith.constant 0 : i32
      %add3A_1039 = arith.addi %mul3A_1037, %add3A_1038 : i32
      %mul3A_1040 = arith.constant 16 : i32
      %mul3A_1041 = arith.muli %add3A_1039, %mul3A_1040 : i32
      %get3A = arith.index_cast %mul3A_1041 : i32 to index
      %get3A_1042 = tpu.vector_load %arg7[%get3A] {strides = array<i32>} : memref<4096xi32, #tpu.memory_space<vmem>>, vector<16xi32>,
      %lt3A = arith.constant 50048 : i32
      %lt3A_1043 = vector.broadcast %lt3A : i32 to vector<16xi32>
      %lt3A_1044 = arith.cmpi slt, %get3A_1042, %lt3A_1043 : vector<16xi32>
      %gather3A = tpu.vector_load_idx %arg5[%get3A_1042] masked %lt3A_1044 : memref<50048xf32, #tpu.memory_space<vmem>>[vector<16xi32>], vector<16xf32>, vector<16xi1>
      %add3A_1045 = vector.broadcast %mul3A_1041 : i32 to vector<16xi32>
      %add3A_1046 = arith.addi %iota3A, %add3A_1045 : vector<16xi32>
      tpu.vector_store_idx %arg9[%add3A_1046], %gather3A masked %lt3A_1044 : memref<4096xf32, #tpu.memory_space<vmem>>[vector<16xi32>], vector<16xf32>, vector<16xi1>
      %mul3A_1047 = arith.constant 4 : i32
      %mul3A_1048 = arith.muli %scan3A_1035, %mul3A_1047 : i32
      %add3A_1049 = arith.constant 1 : i32
      %add3A_1050 = arith.addi %mul3A_1048, %add3A_1049 : i32
      %mul3A_1051 = arith.constant 16 : i32
      %mul3A_1052 = arith.muli %add3A_1050, %mul3A_1051 : i32
      %get3A_1053 = arith.index_cast %mul3A_1052 : i32 to index
      %get3A_1054 = tpu.vector_load %arg7[%get3A_1053] {strides = array<i32>} : memref<4096xi32, #tpu.memory_space<vmem>>, vector<16xi32>,
      %lt3A_1055 = arith.constant 50048 : i32
      %lt3A_1056 = vector.broadcast %lt3A_1055 : i32 to vector<16xi32>
      %lt3A_1057 = arith.cmpi slt, %get3A_1054, %lt3A_1056 : vector<16xi32>
      %gather3A_1058 = tpu.vector_load_idx %arg5[%get3A_1054] masked %lt3A_1057 : memref<50048xf32, #tpu.memory_space<vmem>>[vector<16xi32>], vector<16xf32>, vector<16xi1>
      %add3A_1059 = vector.broadcast %mul3A_1052 : i32 to vector<16xi32>
      %add3A_1060 = arith.addi %iota3A, %add3A_1059 : vector<16xi32>
      tpu.vector_store_idx %arg9[%add3A_1060], %gather3A_1058 masked %lt3A_1057 : memref<4096xf32, #tpu.memory_space<vmem>>[vector<16xi32>], vector<16xf32>, vector<16xi1>
      %mul3A_1061 = arith.constant 4 : i32
      %mul3A_1062 = arith.muli %scan3A_1035, %mul3A_1061 : i32
      %add3A_1063 = arith.constant 2 : i32
      %add3A_1064 = arith.addi %mul3A_1062, %add3A_1063 : i32
      %mul3A_1065 = arith.constant 16 : i32
      %mul3A_1066 = arith.muli %add3A_1064, %mul3A_1065 : i32
      %get3A_1067 = arith.index_cast %mul3A_1066 : i32 to index
      %get3A_1068 = tpu.vector_load %arg7[%get3A_1067] {strides = array<i32>} : memref<4096xi32, #tpu.memory_space<vmem>>, vector<16xi32>,
      %lt3A_1069 = arith.constant 50048 : i32
      %lt3A_1070 = vector.broadcast %lt3A_1069 : i32 to vector<16xi32>
      %lt3A_1071 = arith.cmpi slt, %get3A_1068, %lt3A_1070 : vector<16xi32>
      %gather3A_1072 = tpu.vector_load_idx %arg5[%get3A_1068] masked %lt3A_1071 : memref<50048xf32, #tpu.memory_space<vmem>>[vector<16xi32>], vector<16xf32>, vector<16xi1>
      %add3A_1073 = vector.broadcast %mul3A_1066 : i32 to vector<16xi32>
      %add3A_1074 = arith.addi %iota3A, %add3A_1073 : vector<16xi32>
      tpu.vector_store_idx %arg9[%add3A_1074], %gather3A_1072 masked %lt3A_1071 : memref<4096xf32, #tpu.memory_space<vmem>>[vector<16xi32>], vector<16xf32>, vector<16xi1>
      %mul3A_1075 = arith.constant 4 : i32
      %mul3A_1076 = arith.muli %scan3A_1035, %mul3A_1075 : i32
      %add3A_1077 = arith.constant 3 : i32
      %add3A_1078 = arith.addi %mul3A_1076, %add3A_1077 : i32
      %mul3A_1079 = arith.constant 16 : i32
      %mul3A_1080 = arith.muli %add3A_1078, %mul3A_1079 : i32
      %get3A_1081 = arith.index_cast %mul3A_1080 : i32 to index
      %get3A_1082 = tpu.vector_load %arg7[%get3A_1081] {strides = array<i32>} : memref<4096xi32, #tpu.memory_space<vmem>>, vector<16xi32>,
      %lt3A_1083 = arith.constant 50048 : i32
      %lt3A_1084 = vector.broadcast %lt3A_1083 : i32 to vector<16xi32>
      %lt3A_1085 = arith.cmpi slt, %get3A_1082, %lt3A_1084 : vector<16xi32>
      %gather3A_1086 = tpu.vector_load_idx %arg5[%get3A_1082] masked %lt3A_1085 : memref<50048xf32, #tpu.memory_space<vmem>>[vector<16xi32>], vector<16xf32>, vector<16xi1>
      %add3A_1087 = vector.broadcast %mul3A_1080 : i32 to vector<16xi32>
      %add3A_1088 = arith.addi %iota3A, %add3A_1087 : vector<16xi32>
      tpu.vector_store_idx %arg9[%add3A_1088], %gather3A_1086 masked %lt3A_1085 : memref<4096xf32, #tpu.memory_space<vmem>>[vector<16xi32>], vector<16xf32>, vector<16xi1>
    }
    %scan3A_850 = arith.constant 64 : i32
    %mul3A_851 = arith.constant 13 : i32
    %mul3A_852 = arith.muli %arg0, %mul3A_851 : i32
    %add3A_853 = arith.constant 10 : i32
    %add3A_854 = arith.addi %mul3A_852, %add3A_853 : i32
    %mul3A_855 = arith.constant 13 : i32
    %mul3A_856 = arith.muli %arg0, %mul3A_855 : i32
    %add3A_857 = arith.constant 11 : i32
    %add3A_858 = arith.addi %mul3A_856, %add3A_857 : i32
    %dma_start3A_859 = arith.constant 0 : i32
    %dma_start3A_860 = tpu.memref_slice %arg2[%add3A_858, %arg1, %dma_start3A_859] : memref<26x16x100000xf32, #tpu.memory_space<hbm>> -> memref<1x1x50048xf32, #tpu.memory_space<hbm>>
    %dma_start3A_861 = tpu.memref_squeeze %dma_start3A_860 : memref<1x1x50048xf32, #tpu.memory_space<hbm>> -> memref<50048xf32, #tpu.memory_space<hbm>>
    %dma_start3A_862 = arith.constant 0 : i32
    %dma_start3A_863 = tpu.memref_slice %arg2[%add3A_858, %arg1, %dma_start3A_862] : memref<26x16x100000xf32, #tpu.memory_space<hbm>> -> memref<1x1x50048xf32, #tpu.memory_space<hbm>>
    %dma_start3A_864 = tpu.memref_squeeze %dma_start3A_863 : memref<1x1x50048xf32, #tpu.memory_space<hbm>> -> memref<50048xf32, #tpu.memory_space<hbm>>
    tpu.enqueue_dma source(%dma_start3A_864 : memref<50048xf32, #tpu.memory_space<hbm>>) target(%arg5 : memref<50048xf32, #tpu.memory_space<vmem>>) target_semaphore(%arg11 : memref<!tpu.dma_semaphore, #tpu.memory_space<semaphore_mem>>)
    %dma_wait3A_865 = arith.constant 50048 : i32
    %dma_wait3A_866 = tpu.memref_slice %arg2[%add3A_832, %arg1, %dma_wait3A_865] : memref<26x16x100000xf32, #tpu.memory_space<hbm>> -> memref<1x1x49952xf32, #tpu.memory_space<hbm>>
    %dma_wait3A_867 = tpu.memref_squeeze %dma_wait3A_866 : memref<1x1x49952xf32, #tpu.memory_space<hbm>> -> memref<49952xf32, #tpu.memory_space<hbm>>
    %dma_wait3A_868 = arith.constant 50048 : i32
    %dma_wait3A_869 = tpu.memref_slice %arg2[%add3A_832, %arg1, %dma_wait3A_868] : memref<26x16x100000xf32, #tpu.memory_space<hbm>> -> memref<1x1x49952xf32, #tpu.memory_space<hbm>>
    %dma_wait3A_870 = tpu.memref_squeeze %dma_wait3A_869 : memref<1x1x49952xf32, #tpu.memory_space<hbm>> -> memref<49952xf32, #tpu.memory_space<hbm>>
    tpu.wait_dma2 semaphore(%arg12 : memref<!tpu.dma_semaphore, #tpu.memory_space<semaphore_mem>>) src(%dma_wait3A_870 : memref<49952xf32, #tpu.memory_space<hbm>>) dst(%arg6 : memref<49952xf32, #tpu.memory_space<vmem>>)
    %scan3A_871 = arith.constant 0 : i32
    %scan3A_872 = arith.constant 0 : i32
    %scan3A_873 = arith.constant 64 : i32
    %scan3A_874 = arith.addi %scan3A_872, %scan3A_873 : i32
    %scan3A_875 = arith.constant 1 : i32
    scf.for %scan3A_1035 = %scan3A_872 to %scan3A_874 step %scan3A_875  : i32 {
      %mul3A_1036 = arith.constant 4 : i32
      %mul3A_1037 = arith.muli %scan3A_1035, %mul3A_1036 : i32
      %add3A_1038 = arith.constant 0 : i32
      %add3A_1039 = arith.addi %mul3A_1037, %add3A_1038 : i32
      %mul3A_1040 = arith.constant 16 : i32
      %mul3A_1041 = arith.muli %add3A_1039, %mul3A_1040 : i32
      %get3A = arith.index_cast %mul3A_1041 : i32 to index
      %get3A_1042 = tpu.vector_load %arg7[%get3A] {strides = array<i32>} : memref<4096xi32, #tpu.memory_space<vmem>>, vector<16xi32>,
      %ge3A = arith.constant 50048 : i32
      %ge3A_1043 = vector.broadcast %ge3A : i32 to vector<16xi32>
      %ge3A_1044 = arith.cmpi sge, %get3A_1042, %ge3A_1043 : vector<16xi32>
      %sub3A = arith.constant 50048 : i32
      %sub3A_1045 = vector.broadcast %sub3A : i32 to vector<16xi32>
      %sub3A_1046 = arith.subi %get3A_1042, %sub3A_1045 : vector<16xi32>
      %gather3A = tpu.vector_load_idx %arg6[%sub3A_1046] masked %ge3A_1044 : memref<49952xf32, #tpu.memory_space<vmem>>[vector<16xi32>], vector<16xf32>, vector<16xi1>
      %add3A_1047 = vector.broadcast %mul3A_1041 : i32 to vector<16xi32>
      %add3A_1048 = arith.addi %iota3A, %add3A_1047 : vector<16xi32>
      tpu.vector_store_idx %arg9[%add3A_1048], %gather3A masked %ge3A_1044 : memref<4096xf32, #tpu.memory_space<vmem>>[vector<16xi32>], vector<16xf32>, vector<16xi1>
      %mul3A_1049 = arith.constant 4 : i32
      %mul3A_1050 = arith.muli %scan3A_1035, %mul3A_1049 : i32
      %add3A_1051 = arith.constant 1 : i32
      %add3A_1052 = arith.addi %mul3A_1050, %add3A_1051 : i32
      %mul3A_1053 = arith.constant 16 : i32
      %mul3A_1054 = arith.muli %add3A_1052, %mul3A_1053 : i32
      %get3A_1055 = arith.index_cast %mul3A_1054 : i32 to index
      %get3A_1056 = tpu.vector_load %arg7[%get3A_1055] {strides = array<i32>} : memref<4096xi32, #tpu.memory_space<vmem>>, vector<16xi32>,
      %ge3A_1057 = arith.constant 50048 : i32
      %ge3A_1058 = vector.broadcast %ge3A_1057 : i32 to vector<16xi32>
      %ge3A_1059 = arith.cmpi sge, %get3A_1056, %ge3A_1058 : vector<16xi32>
      %sub3A_1060 = arith.constant 50048 : i32
      %sub3A_1061 = vector.broadcast %sub3A_1060 : i32 to vector<16xi32>
      %sub3A_1062 = arith.subi %get3A_1056, %sub3A_1061 : vector<16xi32>
      %gather3A_1063 = tpu.vector_load_idx %arg6[%sub3A_1062] masked %ge3A_1059 : memref<49952xf32, #tpu.memory_space<vmem>>[vector<16xi32>], vector<16xf32>, vector<16xi1>
      %add3A_1064 = vector.broadcast %mul3A_1054 : i32 to vector<16xi32>
      %add3A_1065 = arith.addi %iota3A, %add3A_1064 : vector<16xi32>
      tpu.vector_store_idx %arg9[%add3A_1065], %gather3A_1063 masked %ge3A_1059 : memref<4096xf32, #tpu.memory_space<vmem>>[vector<16xi32>], vector<16xf32>, vector<16xi1>
      %mul3A_1066 = arith.constant 4 : i32
      %mul3A_1067 = arith.muli %scan3A_1035, %mul3A_1066 : i32
      %add3A_1068 = arith.constant 2 : i32
      %add3A_1069 = arith.addi %mul3A_1067, %add3A_1068 : i32
      %mul3A_1070 = arith.constant 16 : i32
      %mul3A_1071 = arith.muli %add3A_1069, %mul3A_1070 : i32
      %get3A_1072 = arith.index_cast %mul3A_1071 : i32 to index
      %get3A_1073 = tpu.vector_load %arg7[%get3A_1072] {strides = array<i32>} : memref<4096xi32, #tpu.memory_space<vmem>>, vector<16xi32>,
      %ge3A_1074 = arith.constant 50048 : i32
      %ge3A_1075 = vector.broadcast %ge3A_1074 : i32 to vector<16xi32>
      %ge3A_1076 = arith.cmpi sge, %get3A_1073, %ge3A_1075 : vector<16xi32>
      %sub3A_1077 = arith.constant 50048 : i32
      %sub3A_1078 = vector.broadcast %sub3A_1077 : i32 to vector<16xi32>
      %sub3A_1079 = arith.subi %get3A_1073, %sub3A_1078 : vector<16xi32>
      %gather3A_1080 = tpu.vector_load_idx %arg6[%sub3A_1079] masked %ge3A_1076 : memref<49952xf32, #tpu.memory_space<vmem>>[vector<16xi32>], vector<16xf32>, vector<16xi1>
      %add3A_1081 = vector.broadcast %mul3A_1071 : i32 to vector<16xi32>
      %add3A_1082 = arith.addi %iota3A, %add3A_1081 : vector<16xi32>
      tpu.vector_store_idx %arg9[%add3A_1082], %gather3A_1080 masked %ge3A_1076 : memref<4096xf32, #tpu.memory_space<vmem>>[vector<16xi32>], vector<16xf32>, vector<16xi1>
      %mul3A_1083 = arith.constant 4 : i32
      %mul3A_1084 = arith.muli %scan3A_1035, %mul3A_1083 : i32
      %add3A_1085 = arith.constant 3 : i32
      %add3A_1086 = arith.addi %mul3A_1084, %add3A_1085 : i32
      %mul3A_1087 = arith.constant 16 : i32
      %mul3A_1088 = arith.muli %add3A_1086, %mul3A_1087 : i32
      %get3A_1089 = arith.index_cast %mul3A_1088 : i32 to index
      %get3A_1090 = tpu.vector_load %arg7[%get3A_1089] {strides = array<i32>} : memref<4096xi32, #tpu.memory_space<vmem>>, vector<16xi32>,
      %ge3A_1091 = arith.constant 50048 : i32
      %ge3A_1092 = vector.broadcast %ge3A_1091 : i32 to vector<16xi32>
      %ge3A_1093 = arith.cmpi sge, %get3A_1090, %ge3A_1092 : vector<16xi32>
      %sub3A_1094 = arith.constant 50048 : i32
      %sub3A_1095 = vector.broadcast %sub3A_1094 : i32 to vector<16xi32>
      %sub3A_1096 = arith.subi %get3A_1090, %sub3A_1095 : vector<16xi32>
      %gather3A_1097 = tpu.vector_load_idx %arg6[%sub3A_1096] masked %ge3A_1093 : memref<49952xf32, #tpu.memory_space<vmem>>[vector<16xi32>], vector<16xf32>, vector<16xi1>
      %add3A_1098 = vector.broadcast %mul3A_1088 : i32 to vector<16xi32>
      %add3A_1099 = arith.addi %iota3A, %add3A_1098 : vector<16xi32>
      tpu.vector_store_idx %arg9[%add3A_1099], %gather3A_1097 masked %ge3A_1093 : memref<4096xf32, #tpu.memory_space<vmem>>[vector<16xi32>], vector<16xf32>, vector<16xi1>
    }
    %scan3A_876 = arith.constant 64 : i32
    %dma_start3A_877 = arith.constant 0 : i32
    %dma_start3A_878 = tpu.memref_slice %arg4[%add3A_854, %arg1, %dma_start3A_877] : memref<26x16x4096xf32, #tpu.memory_space<hbm>> -> memref<1x1x4096xf32, #tpu.memory_space<hbm>>
    %dma_start3A_879 = tpu.memref_squeeze %dma_start3A_878 : memref<1x1x4096xf32, #tpu.memory_space<hbm>> -> memref<4096xf32, #tpu.memory_space<hbm>>
    %dma_start3A_880 = arith.constant 0 : i32
    %dma_start3A_881 = tpu.memref_slice %arg4[%add3A_854, %arg1, %dma_start3A_880] : memref<26x16x4096xf32, #tpu.memory_space<hbm>> -> memref<1x1x4096xf32, #tpu.memory_space<hbm>>
    %dma_start3A_882 = tpu.memref_squeeze %dma_start3A_881 : memref<1x1x4096xf32, #tpu.memory_space<hbm>> -> memref<4096xf32, #tpu.memory_space<hbm>>
    tpu.enqueue_dma source(%arg9 : memref<4096xf32, #tpu.memory_space<vmem>>) target(%dma_start3A_882 : memref<4096xf32, #tpu.memory_space<hbm>>) target_semaphore(%arg15 : memref<!tpu.dma_semaphore, #tpu.memory_space<semaphore_mem>>)
    %mul3A_883 = arith.constant 13 : i32
    %mul3A_884 = arith.muli %arg0, %mul3A_883 : i32
    %add3A_885 = arith.constant 11 : i32
    %add3A_886 = arith.addi %mul3A_884, %add3A_885 : i32
    %dma_wait3A_887 = arith.constant 0 : i32
    %dma_wait3A_888 = tpu.memref_slice %arg3[%add3A_816, %dma_wait3A_887] : memref<26x4096xi32, #tpu.memory_space<hbm>> -> memref<1x4096xi32, #tpu.memory_space<hbm>>
    %dma_wait3A_889 = tpu.memref_squeeze %dma_wait3A_888 : memref<1x4096xi32, #tpu.memory_space<hbm>> -> memref<4096xi32, #tpu.memory_space<hbm>>
    %dma_wait3A_890 = arith.constant 0 : i32
    %dma_wait3A_891 = tpu.memref_slice %arg3[%add3A_816, %dma_wait3A_890] : memref<26x4096xi32, #tpu.memory_space<hbm>> -> memref<1x4096xi32, #tpu.memory_space<hbm>>
    %dma_wait3A_892 = tpu.memref_squeeze %dma_wait3A_891 : memref<1x4096xi32, #tpu.memory_space<hbm>> -> memref<4096xi32, #tpu.memory_space<hbm>>
    tpu.wait_dma2 semaphore(%arg14 : memref<!tpu.dma_semaphore, #tpu.memory_space<semaphore_mem>>) src(%dma_wait3A_892 : memref<4096xi32, #tpu.memory_space<hbm>>) dst(%arg8 : memref<4096xi32, #tpu.memory_space<vmem>>)
    %mul3A_893 = arith.constant 13 : i32
    %mul3A_894 = arith.muli %arg0, %mul3A_893 : i32
    %add3A_895 = arith.constant 12 : i32
    %add3A_896 = arith.addi %mul3A_894, %add3A_895 : i32
    %dma_start3A_897 = arith.constant 0 : i32
    %dma_start3A_898 = tpu.memref_slice %arg3[%add3A_896, %dma_start3A_897] : memref<26x4096xi32, #tpu.memory_space<hbm>> -> memref<1x4096xi32, #tpu.memory_space<hbm>>
    %dma_start3A_899 = tpu.memref_squeeze %dma_start3A_898 : memref<1x4096xi32, #tpu.memory_space<hbm>> -> memref<4096xi32, #tpu.memory_space<hbm>>
    %dma_start3A_900 = arith.constant 0 : i32
    %dma_start3A_901 = tpu.memref_slice %arg3[%add3A_896, %dma_start3A_900] : memref<26x4096xi32, #tpu.memory_space<hbm>> -> memref<1x4096xi32, #tpu.memory_space<hbm>>
    %dma_start3A_902 = tpu.memref_squeeze %dma_start3A_901 : memref<1x4096xi32, #tpu.memory_space<hbm>> -> memref<4096xi32, #tpu.memory_space<hbm>>
    tpu.enqueue_dma source(%dma_start3A_902 : memref<4096xi32, #tpu.memory_space<hbm>>) target(%arg7 : memref<4096xi32, #tpu.memory_space<vmem>>) target_semaphore(%arg13 : memref<!tpu.dma_semaphore, #tpu.memory_space<semaphore_mem>>)
    %dma_wait3A_903 = arith.constant 0 : i32
    %dma_wait3A_904 = tpu.memref_slice %arg4[%add3A_774, %arg1, %dma_wait3A_903] : memref<26x16x4096xf32, #tpu.memory_space<hbm>> -> memref<1x1x4096xf32, #tpu.memory_space<hbm>>
    %dma_wait3A_905 = tpu.memref_squeeze %dma_wait3A_904 : memref<1x1x4096xf32, #tpu.memory_space<hbm>> -> memref<4096xf32, #tpu.memory_space<hbm>>
    %dma_wait3A_906 = arith.constant 0 : i32
    %dma_wait3A_907 = tpu.memref_slice %arg4[%add3A_774, %arg1, %dma_wait3A_906] : memref<26x16x4096xf32, #tpu.memory_space<hbm>> -> memref<1x1x4096xf32, #tpu.memory_space<hbm>>
    %dma_wait3A_908 = tpu.memref_squeeze %dma_wait3A_907 : memref<1x1x4096xf32, #tpu.memory_space<hbm>> -> memref<4096xf32, #tpu.memory_space<hbm>>
    tpu.wait_dma2 semaphore(%arg16 : memref<!tpu.dma_semaphore, #tpu.memory_space<semaphore_mem>>) src(%arg10 : memref<4096xf32, #tpu.memory_space<vmem>>) dst(%dma_wait3A_908 : memref<4096xf32, #tpu.memory_space<hbm>>)
    %mul3A_909 = arith.constant 13 : i32
    %mul3A_910 = arith.muli %arg0, %mul3A_909 : i32
    %add3A_911 = arith.constant 11 : i32
    %add3A_912 = arith.addi %mul3A_910, %add3A_911 : i32
    %dma_start3A_913 = arith.constant 50048 : i32
    %dma_start3A_914 = tpu.memref_slice %arg2[%add3A_912, %arg1, %dma_start3A_913] : memref<26x16x100000xf32, #tpu.memory_space<hbm>> -> memref<1x1x49952xf32, #tpu.memory_space<hbm>>
    %dma_start3A_915 = tpu.memref_squeeze %dma_start3A_914 : memref<1x1x49952xf32, #tpu.memory_space<hbm>> -> memref<49952xf32, #tpu.memory_space<hbm>>
    %dma_start3A_916 = arith.constant 50048 : i32
    %dma_start3A_917 = tpu.memref_slice %arg2[%add3A_912, %arg1, %dma_start3A_916] : memref<26x16x100000xf32, #tpu.memory_space<hbm>> -> memref<1x1x49952xf32, #tpu.memory_space<hbm>>
    %dma_start3A_918 = tpu.memref_squeeze %dma_start3A_917 : memref<1x1x49952xf32, #tpu.memory_space<hbm>> -> memref<49952xf32, #tpu.memory_space<hbm>>
    tpu.enqueue_dma source(%dma_start3A_918 : memref<49952xf32, #tpu.memory_space<hbm>>) target(%arg6 : memref<49952xf32, #tpu.memory_space<vmem>>) target_semaphore(%arg12 : memref<!tpu.dma_semaphore, #tpu.memory_space<semaphore_mem>>)
    %dma_wait3A_919 = arith.constant 0 : i32
    %dma_wait3A_920 = tpu.memref_slice %arg2[%add3A_858, %arg1, %dma_wait3A_919] : memref<26x16x100000xf32, #tpu.memory_space<hbm>> -> memref<1x1x50048xf32, #tpu.memory_space<hbm>>
    %dma_wait3A_921 = tpu.memref_squeeze %dma_wait3A_920 : memref<1x1x50048xf32, #tpu.memory_space<hbm>> -> memref<50048xf32, #tpu.memory_space<hbm>>
    %dma_wait3A_922 = arith.constant 0 : i32
    %dma_wait3A_923 = tpu.memref_slice %arg2[%add3A_858, %arg1, %dma_wait3A_922] : memref<26x16x100000xf32, #tpu.memory_space<hbm>> -> memref<1x1x50048xf32, #tpu.memory_space<hbm>>
    %dma_wait3A_924 = tpu.memref_squeeze %dma_wait3A_923 : memref<1x1x50048xf32, #tpu.memory_space<hbm>> -> memref<50048xf32, #tpu.memory_space<hbm>>
    tpu.wait_dma2 semaphore(%arg11 : memref<!tpu.dma_semaphore, #tpu.memory_space<semaphore_mem>>) src(%dma_wait3A_924 : memref<50048xf32, #tpu.memory_space<hbm>>) dst(%arg5 : memref<50048xf32, #tpu.memory_space<vmem>>)
    %scan3A_925 = arith.constant 0 : i32
    %scan3A_926 = arith.constant 0 : i32
    %scan3A_927 = arith.constant 64 : i32
    %scan3A_928 = arith.addi %scan3A_926, %scan3A_927 : i32
    %scan3A_929 = arith.constant 1 : i32
    scf.for %scan3A_1035 = %scan3A_926 to %scan3A_928 step %scan3A_929  : i32 {
      %mul3A_1036 = arith.constant 4 : i32
      %mul3A_1037 = arith.muli %scan3A_1035, %mul3A_1036 : i32
      %add3A_1038 = arith.constant 0 : i32
      %add3A_1039 = arith.addi %mul3A_1037, %add3A_1038 : i32
      %mul3A_1040 = arith.constant 16 : i32
      %mul3A_1041 = arith.muli %add3A_1039, %mul3A_1040 : i32
      %get3A = arith.index_cast %mul3A_1041 : i32 to index
      %get3A_1042 = tpu.vector_load %arg8[%get3A] {strides = array<i32>} : memref<4096xi32, #tpu.memory_space<vmem>>, vector<16xi32>,
      %lt3A = arith.constant 50048 : i32
      %lt3A_1043 = vector.broadcast %lt3A : i32 to vector<16xi32>
      %lt3A_1044 = arith.cmpi slt, %get3A_1042, %lt3A_1043 : vector<16xi32>
      %gather3A = tpu.vector_load_idx %arg5[%get3A_1042] masked %lt3A_1044 : memref<50048xf32, #tpu.memory_space<vmem>>[vector<16xi32>], vector<16xf32>, vector<16xi1>
      %add3A_1045 = vector.broadcast %mul3A_1041 : i32 to vector<16xi32>
      %add3A_1046 = arith.addi %iota3A, %add3A_1045 : vector<16xi32>
      tpu.vector_store_idx %arg10[%add3A_1046], %gather3A masked %lt3A_1044 : memref<4096xf32, #tpu.memory_space<vmem>>[vector<16xi32>], vector<16xf32>, vector<16xi1>
      %mul3A_1047 = arith.constant 4 : i32
      %mul3A_1048 = arith.muli %scan3A_1035, %mul3A_1047 : i32
      %add3A_1049 = arith.constant 1 : i32
      %add3A_1050 = arith.addi %mul3A_1048, %add3A_1049 : i32
      %mul3A_1051 = arith.constant 16 : i32
      %mul3A_1052 = arith.muli %add3A_1050, %mul3A_1051 : i32
      %get3A_1053 = arith.index_cast %mul3A_1052 : i32 to index
      %get3A_1054 = tpu.vector_load %arg8[%get3A_1053] {strides = array<i32>} : memref<4096xi32, #tpu.memory_space<vmem>>, vector<16xi32>,
      %lt3A_1055 = arith.constant 50048 : i32
      %lt3A_1056 = vector.broadcast %lt3A_1055 : i32 to vector<16xi32>
      %lt3A_1057 = arith.cmpi slt, %get3A_1054, %lt3A_1056 : vector<16xi32>
      %gather3A_1058 = tpu.vector_load_idx %arg5[%get3A_1054] masked %lt3A_1057 : memref<50048xf32, #tpu.memory_space<vmem>>[vector<16xi32>], vector<16xf32>, vector<16xi1>
      %add3A_1059 = vector.broadcast %mul3A_1052 : i32 to vector<16xi32>
      %add3A_1060 = arith.addi %iota3A, %add3A_1059 : vector<16xi32>
      tpu.vector_store_idx %arg10[%add3A_1060], %gather3A_1058 masked %lt3A_1057 : memref<4096xf32, #tpu.memory_space<vmem>>[vector<16xi32>], vector<16xf32>, vector<16xi1>
      %mul3A_1061 = arith.constant 4 : i32
      %mul3A_1062 = arith.muli %scan3A_1035, %mul3A_1061 : i32
      %add3A_1063 = arith.constant 2 : i32
      %add3A_1064 = arith.addi %mul3A_1062, %add3A_1063 : i32
      %mul3A_1065 = arith.constant 16 : i32
      %mul3A_1066 = arith.muli %add3A_1064, %mul3A_1065 : i32
      %get3A_1067 = arith.index_cast %mul3A_1066 : i32 to index
      %get3A_1068 = tpu.vector_load %arg8[%get3A_1067] {strides = array<i32>} : memref<4096xi32, #tpu.memory_space<vmem>>, vector<16xi32>,
      %lt3A_1069 = arith.constant 50048 : i32
      %lt3A_1070 = vector.broadcast %lt3A_1069 : i32 to vector<16xi32>
      %lt3A_1071 = arith.cmpi slt, %get3A_1068, %lt3A_1070 : vector<16xi32>
      %gather3A_1072 = tpu.vector_load_idx %arg5[%get3A_1068] masked %lt3A_1071 : memref<50048xf32, #tpu.memory_space<vmem>>[vector<16xi32>], vector<16xf32>, vector<16xi1>
      %add3A_1073 = vector.broadcast %mul3A_1066 : i32 to vector<16xi32>
      %add3A_1074 = arith.addi %iota3A, %add3A_1073 : vector<16xi32>
      tpu.vector_store_idx %arg10[%add3A_1074], %gather3A_1072 masked %lt3A_1071 : memref<4096xf32, #tpu.memory_space<vmem>>[vector<16xi32>], vector<16xf32>, vector<16xi1>
      %mul3A_1075 = arith.constant 4 : i32
      %mul3A_1076 = arith.muli %scan3A_1035, %mul3A_1075 : i32
      %add3A_1077 = arith.constant 3 : i32
      %add3A_1078 = arith.addi %mul3A_1076, %add3A_1077 : i32
      %mul3A_1079 = arith.constant 16 : i32
      %mul3A_1080 = arith.muli %add3A_1078, %mul3A_1079 : i32
      %get3A_1081 = arith.index_cast %mul3A_1080 : i32 to index
      %get3A_1082 = tpu.vector_load %arg8[%get3A_1081] {strides = array<i32>} : memref<4096xi32, #tpu.memory_space<vmem>>, vector<16xi32>,
      %lt3A_1083 = arith.constant 50048 : i32
      %lt3A_1084 = vector.broadcast %lt3A_1083 : i32 to vector<16xi32>
      %lt3A_1085 = arith.cmpi slt, %get3A_1082, %lt3A_1084 : vector<16xi32>
      %gather3A_1086 = tpu.vector_load_idx %arg5[%get3A_1082] masked %lt3A_1085 : memref<50048xf32, #tpu.memory_space<vmem>>[vector<16xi32>], vector<16xf32>, vector<16xi1>
      %add3A_1087 = vector.broadcast %mul3A_1080 : i32 to vector<16xi32>
      %add3A_1088 = arith.addi %iota3A, %add3A_1087 : vector<16xi32>
      tpu.vector_store_idx %arg10[%add3A_1088], %gather3A_1086 masked %lt3A_1085 : memref<4096xf32, #tpu.memory_space<vmem>>[vector<16xi32>], vector<16xf32>, vector<16xi1>
    }
    %scan3A_930 = arith.constant 64 : i32
    %mul3A_931 = arith.constant 13 : i32
    %mul3A_932 = arith.muli %arg0, %mul3A_931 : i32
    %add3A_933 = arith.constant 11 : i32
    %add3A_934 = arith.addi %mul3A_932, %add3A_933 : i32
    %mul3A_935 = arith.constant 13 : i32
    %mul3A_936 = arith.muli %arg0, %mul3A_935 : i32
    %add3A_937 = arith.constant 12 : i32
    %add3A_938 = arith.addi %mul3A_936, %add3A_937 : i32
    %dma_start3A_939 = arith.constant 0 : i32
    %dma_start3A_940 = tpu.memref_slice %arg2[%add3A_938, %arg1, %dma_start3A_939] : memref<26x16x100000xf32, #tpu.memory_space<hbm>> -> memref<1x1x50048xf32, #tpu.memory_space<hbm>>
    %dma_start3A_941 = tpu.memref_squeeze %dma_start3A_940 : memref<1x1x50048xf32, #tpu.memory_space<hbm>> -> memref<50048xf32, #tpu.memory_space<hbm>>
    %dma_start3A_942 = arith.constant 0 : i32
    %dma_start3A_943 = tpu.memref_slice %arg2[%add3A_938, %arg1, %dma_start3A_942] : memref<26x16x100000xf32, #tpu.memory_space<hbm>> -> memref<1x1x50048xf32, #tpu.memory_space<hbm>>
    %dma_start3A_944 = tpu.memref_squeeze %dma_start3A_943 : memref<1x1x50048xf32, #tpu.memory_space<hbm>> -> memref<50048xf32, #tpu.memory_space<hbm>>
    tpu.enqueue_dma source(%dma_start3A_944 : memref<50048xf32, #tpu.memory_space<hbm>>) target(%arg5 : memref<50048xf32, #tpu.memory_space<vmem>>) target_semaphore(%arg11 : memref<!tpu.dma_semaphore, #tpu.memory_space<semaphore_mem>>)
    %dma_wait3A_945 = arith.constant 50048 : i32
    %dma_wait3A_946 = tpu.memref_slice %arg2[%add3A_912, %arg1, %dma_wait3A_945] : memref<26x16x100000xf32, #tpu.memory_space<hbm>> -> memref<1x1x49952xf32, #tpu.memory_space<hbm>>
    %dma_wait3A_947 = tpu.memref_squeeze %dma_wait3A_946 : memref<1x1x49952xf32, #tpu.memory_space<hbm>> -> memref<49952xf32, #tpu.memory_space<hbm>>
    %dma_wait3A_948 = arith.constant 50048 : i32
    %dma_wait3A_949 = tpu.memref_slice %arg2[%add3A_912, %arg1, %dma_wait3A_948] : memref<26x16x100000xf32, #tpu.memory_space<hbm>> -> memref<1x1x49952xf32, #tpu.memory_space<hbm>>
    %dma_wait3A_950 = tpu.memref_squeeze %dma_wait3A_949 : memref<1x1x49952xf32, #tpu.memory_space<hbm>> -> memref<49952xf32, #tpu.memory_space<hbm>>
    tpu.wait_dma2 semaphore(%arg12 : memref<!tpu.dma_semaphore, #tpu.memory_space<semaphore_mem>>) src(%dma_wait3A_950 : memref<49952xf32, #tpu.memory_space<hbm>>) dst(%arg6 : memref<49952xf32, #tpu.memory_space<vmem>>)
    %scan3A_951 = arith.constant 0 : i32
    %scan3A_952 = arith.constant 0 : i32
    %scan3A_953 = arith.constant 64 : i32
    %scan3A_954 = arith.addi %scan3A_952, %scan3A_953 : i32
    %scan3A_955 = arith.constant 1 : i32
    scf.for %scan3A_1035 = %scan3A_952 to %scan3A_954 step %scan3A_955  : i32 {
      %mul3A_1036 = arith.constant 4 : i32
      %mul3A_1037 = arith.muli %scan3A_1035, %mul3A_1036 : i32
      %add3A_1038 = arith.constant 0 : i32
      %add3A_1039 = arith.addi %mul3A_1037, %add3A_1038 : i32
      %mul3A_1040 = arith.constant 16 : i32
      %mul3A_1041 = arith.muli %add3A_1039, %mul3A_1040 : i32
      %get3A = arith.index_cast %mul3A_1041 : i32 to index
      %get3A_1042 = tpu.vector_load %arg8[%get3A] {strides = array<i32>} : memref<4096xi32, #tpu.memory_space<vmem>>, vector<16xi32>,
      %ge3A = arith.constant 50048 : i32
      %ge3A_1043 = vector.broadcast %ge3A : i32 to vector<16xi32>
      %ge3A_1044 = arith.cmpi sge, %get3A_1042, %ge3A_1043 : vector<16xi32>
      %sub3A = arith.constant 50048 : i32
      %sub3A_1045 = vector.broadcast %sub3A : i32 to vector<16xi32>
      %sub3A_1046 = arith.subi %get3A_1042, %sub3A_1045 : vector<16xi32>
      %gather3A = tpu.vector_load_idx %arg6[%sub3A_1046] masked %ge3A_1044 : memref<49952xf32, #tpu.memory_space<vmem>>[vector<16xi32>], vector<16xf32>, vector<16xi1>
      %add3A_1047 = vector.broadcast %mul3A_1041 : i32 to vector<16xi32>
      %add3A_1048 = arith.addi %iota3A, %add3A_1047 : vector<16xi32>
      tpu.vector_store_idx %arg10[%add3A_1048], %gather3A masked %ge3A_1044 : memref<4096xf32, #tpu.memory_space<vmem>>[vector<16xi32>], vector<16xf32>, vector<16xi1>
      %mul3A_1049 = arith.constant 4 : i32
      %mul3A_1050 = arith.muli %scan3A_1035, %mul3A_1049 : i32
      %add3A_1051 = arith.constant 1 : i32
      %add3A_1052 = arith.addi %mul3A_1050, %add3A_1051 : i32
      %mul3A_1053 = arith.constant 16 : i32
      %mul3A_1054 = arith.muli %add3A_1052, %mul3A_1053 : i32
      %get3A_1055 = arith.index_cast %mul3A_1054 : i32 to index
      %get3A_1056 = tpu.vector_load %arg8[%get3A_1055] {strides = array<i32>} : memref<4096xi32, #tpu.memory_space<vmem>>, vector<16xi32>,
      %ge3A_1057 = arith.constant 50048 : i32
      %ge3A_1058 = vector.broadcast %ge3A_1057 : i32 to vector<16xi32>
      %ge3A_1059 = arith.cmpi sge, %get3A_1056, %ge3A_1058 : vector<16xi32>
      %sub3A_1060 = arith.constant 50048 : i32
      %sub3A_1061 = vector.broadcast %sub3A_1060 : i32 to vector<16xi32>
      %sub3A_1062 = arith.subi %get3A_1056, %sub3A_1061 : vector<16xi32>
      %gather3A_1063 = tpu.vector_load_idx %arg6[%sub3A_1062] masked %ge3A_1059 : memref<49952xf32, #tpu.memory_space<vmem>>[vector<16xi32>], vector<16xf32>, vector<16xi1>
      %add3A_1064 = vector.broadcast %mul3A_1054 : i32 to vector<16xi32>
      %add3A_1065 = arith.addi %iota3A, %add3A_1064 : vector<16xi32>
      tpu.vector_store_idx %arg10[%add3A_1065], %gather3A_1063 masked %ge3A_1059 : memref<4096xf32, #tpu.memory_space<vmem>>[vector<16xi32>], vector<16xf32>, vector<16xi1>
      %mul3A_1066 = arith.constant 4 : i32
      %mul3A_1067 = arith.muli %scan3A_1035, %mul3A_1066 : i32
      %add3A_1068 = arith.constant 2 : i32
      %add3A_1069 = arith.addi %mul3A_1067, %add3A_1068 : i32
      %mul3A_1070 = arith.constant 16 : i32
      %mul3A_1071 = arith.muli %add3A_1069, %mul3A_1070 : i32
      %get3A_1072 = arith.index_cast %mul3A_1071 : i32 to index
      %get3A_1073 = tpu.vector_load %arg8[%get3A_1072] {strides = array<i32>} : memref<4096xi32, #tpu.memory_space<vmem>>, vector<16xi32>,
      %ge3A_1074 = arith.constant 50048 : i32
      %ge3A_1075 = vector.broadcast %ge3A_1074 : i32 to vector<16xi32>
      %ge3A_1076 = arith.cmpi sge, %get3A_1073, %ge3A_1075 : vector<16xi32>
      %sub3A_1077 = arith.constant 50048 : i32
      %sub3A_1078 = vector.broadcast %sub3A_1077 : i32 to vector<16xi32>
      %sub3A_1079 = arith.subi %get3A_1073, %sub3A_1078 : vector<16xi32>
      %gather3A_1080 = tpu.vector_load_idx %arg6[%sub3A_1079] masked %ge3A_1076 : memref<49952xf32, #tpu.memory_space<vmem>>[vector<16xi32>], vector<16xf32>, vector<16xi1>
      %add3A_1081 = vector.broadcast %mul3A_1071 : i32 to vector<16xi32>
      %add3A_1082 = arith.addi %iota3A, %add3A_1081 : vector<16xi32>
      tpu.vector_store_idx %arg10[%add3A_1082], %gather3A_1080 masked %ge3A_1076 : memref<4096xf32, #tpu.memory_space<vmem>>[vector<16xi32>], vector<16xf32>, vector<16xi1>
      %mul3A_1083 = arith.constant 4 : i32
      %mul3A_1084 = arith.muli %scan3A_1035, %mul3A_1083 : i32
      %add3A_1085 = arith.constant 3 : i32
      %add3A_1086 = arith.addi %mul3A_1084, %add3A_1085 : i32
      %mul3A_1087 = arith.constant 16 : i32
      %mul3A_1088 = arith.muli %add3A_1086, %mul3A_1087 : i32
      %get3A_1089 = arith.index_cast %mul3A_1088 : i32 to index
      %get3A_1090 = tpu.vector_load %arg8[%get3A_1089] {strides = array<i32>} : memref<4096xi32, #tpu.memory_space<vmem>>, vector<16xi32>,
      %ge3A_1091 = arith.constant 50048 : i32
      %ge3A_1092 = vector.broadcast %ge3A_1091 : i32 to vector<16xi32>
      %ge3A_1093 = arith.cmpi sge, %get3A_1090, %ge3A_1092 : vector<16xi32>
      %sub3A_1094 = arith.constant 50048 : i32
      %sub3A_1095 = vector.broadcast %sub3A_1094 : i32 to vector<16xi32>
      %sub3A_1096 = arith.subi %get3A_1090, %sub3A_1095 : vector<16xi32>
      %gather3A_1097 = tpu.vector_load_idx %arg6[%sub3A_1096] masked %ge3A_1093 : memref<49952xf32, #tpu.memory_space<vmem>>[vector<16xi32>], vector<16xf32>, vector<16xi1>
      %add3A_1098 = vector.broadcast %mul3A_1088 : i32 to vector<16xi32>
      %add3A_1099 = arith.addi %iota3A, %add3A_1098 : vector<16xi32>
      tpu.vector_store_idx %arg10[%add3A_1099], %gather3A_1097 masked %ge3A_1093 : memref<4096xf32, #tpu.memory_space<vmem>>[vector<16xi32>], vector<16xf32>, vector<16xi1>
    }
    %scan3A_956 = arith.constant 64 : i32
    %dma_start3A_957 = arith.constant 0 : i32
    %dma_start3A_958 = tpu.memref_slice %arg4[%add3A_934, %arg1, %dma_start3A_957] : memref<26x16x4096xf32, #tpu.memory_space<hbm>> -> memref<1x1x4096xf32, #tpu.memory_space<hbm>>
    %dma_start3A_959 = tpu.memref_squeeze %dma_start3A_958 : memref<1x1x4096xf32, #tpu.memory_space<hbm>> -> memref<4096xf32, #tpu.memory_space<hbm>>
    %dma_start3A_960 = arith.constant 0 : i32
    %dma_start3A_961 = tpu.memref_slice %arg4[%add3A_934, %arg1, %dma_start3A_960] : memref<26x16x4096xf32, #tpu.memory_space<hbm>> -> memref<1x1x4096xf32, #tpu.memory_space<hbm>>
    %dma_start3A_962 = tpu.memref_squeeze %dma_start3A_961 : memref<1x1x4096xf32, #tpu.memory_space<hbm>> -> memref<4096xf32, #tpu.memory_space<hbm>>
    tpu.enqueue_dma source(%arg10 : memref<4096xf32, #tpu.memory_space<vmem>>) target(%dma_start3A_962 : memref<4096xf32, #tpu.memory_space<hbm>>) target_semaphore(%arg16 : memref<!tpu.dma_semaphore, #tpu.memory_space<semaphore_mem>>)
    %mul3A_963 = arith.constant 13 : i32
    %mul3A_964 = arith.muli %arg0, %mul3A_963 : i32
    %add3A_965 = arith.constant 12 : i32
    %add3A_966 = arith.addi %mul3A_964, %add3A_965 : i32
    %dma_wait3A_967 = arith.constant 0 : i32
    %dma_wait3A_968 = tpu.memref_slice %arg3[%add3A_896, %dma_wait3A_967] : memref<26x4096xi32, #tpu.memory_space<hbm>> -> memref<1x4096xi32, #tpu.memory_space<hbm>>
    %dma_wait3A_969 = tpu.memref_squeeze %dma_wait3A_968 : memref<1x4096xi32, #tpu.memory_space<hbm>> -> memref<4096xi32, #tpu.memory_space<hbm>>
    %dma_wait3A_970 = arith.constant 0 : i32
    %dma_wait3A_971 = tpu.memref_slice %arg3[%add3A_896, %dma_wait3A_970] : memref<26x4096xi32, #tpu.memory_space<hbm>> -> memref<1x4096xi32, #tpu.memory_space<hbm>>
    %dma_wait3A_972 = tpu.memref_squeeze %dma_wait3A_971 : memref<1x4096xi32, #tpu.memory_space<hbm>> -> memref<4096xi32, #tpu.memory_space<hbm>>
    tpu.wait_dma2 semaphore(%arg13 : memref<!tpu.dma_semaphore, #tpu.memory_space<semaphore_mem>>) src(%dma_wait3A_972 : memref<4096xi32, #tpu.memory_space<hbm>>) dst(%arg7 : memref<4096xi32, #tpu.memory_space<vmem>>)
    %dma_wait3A_973 = arith.constant 0 : i32
    %dma_wait3A_974 = tpu.memref_slice %arg4[%add3A_854, %arg1, %dma_wait3A_973] : memref<26x16x4096xf32, #tpu.memory_space<hbm>> -> memref<1x1x4096xf32, #tpu.memory_space<hbm>>
    %dma_wait3A_975 = tpu.memref_squeeze %dma_wait3A_974 : memref<1x1x4096xf32, #tpu.memory_space<hbm>> -> memref<4096xf32, #tpu.memory_space<hbm>>
    %dma_wait3A_976 = arith.constant 0 : i32
    %dma_wait3A_977 = tpu.memref_slice %arg4[%add3A_854, %arg1, %dma_wait3A_976] : memref<26x16x4096xf32, #tpu.memory_space<hbm>> -> memref<1x1x4096xf32, #tpu.memory_space<hbm>>
    %dma_wait3A_978 = tpu.memref_squeeze %dma_wait3A_977 : memref<1x1x4096xf32, #tpu.memory_space<hbm>> -> memref<4096xf32, #tpu.memory_space<hbm>>
    tpu.wait_dma2 semaphore(%arg15 : memref<!tpu.dma_semaphore, #tpu.memory_space<semaphore_mem>>) src(%arg9 : memref<4096xf32, #tpu.memory_space<vmem>>) dst(%dma_wait3A_978 : memref<4096xf32, #tpu.memory_space<hbm>>)
    %mul3A_979 = arith.constant 13 : i32
    %mul3A_980 = arith.muli %arg0, %mul3A_979 : i32
    %add3A_981 = arith.constant 12 : i32
    %add3A_982 = arith.addi %mul3A_980, %add3A_981 : i32
    %dma_start3A_983 = arith.constant 50048 : i32
    %dma_start3A_984 = tpu.memref_slice %arg2[%add3A_982, %arg1, %dma_start3A_983] : memref<26x16x100000xf32, #tpu.memory_space<hbm>> -> memref<1x1x49952xf32, #tpu.memory_space<hbm>>
    %dma_start3A_985 = tpu.memref_squeeze %dma_start3A_984 : memref<1x1x49952xf32, #tpu.memory_space<hbm>> -> memref<49952xf32, #tpu.memory_space<hbm>>
    %dma_start3A_986 = arith.constant 50048 : i32
    %dma_start3A_987 = tpu.memref_slice %arg2[%add3A_982, %arg1, %dma_start3A_986] : memref<26x16x100000xf32, #tpu.memory_space<hbm>> -> memref<1x1x49952xf32, #tpu.memory_space<hbm>>
    %dma_start3A_988 = tpu.memref_squeeze %dma_start3A_987 : memref<1x1x49952xf32, #tpu.memory_space<hbm>> -> memref<49952xf32, #tpu.memory_space<hbm>>
    tpu.enqueue_dma source(%dma_start3A_988 : memref<49952xf32, #tpu.memory_space<hbm>>) target(%arg6 : memref<49952xf32, #tpu.memory_space<vmem>>) target_semaphore(%arg12 : memref<!tpu.dma_semaphore, #tpu.memory_space<semaphore_mem>>)
    %dma_wait3A_989 = arith.constant 0 : i32
    %dma_wait3A_990 = tpu.memref_slice %arg2[%add3A_938, %arg1, %dma_wait3A_989] : memref<26x16x100000xf32, #tpu.memory_space<hbm>> -> memref<1x1x50048xf32, #tpu.memory_space<hbm>>
    %dma_wait3A_991 = tpu.memref_squeeze %dma_wait3A_990 : memref<1x1x50048xf32, #tpu.memory_space<hbm>> -> memref<50048xf32, #tpu.memory_space<hbm>>
    %dma_wait3A_992 = arith.constant 0 : i32
    %dma_wait3A_993 = tpu.memref_slice %arg2[%add3A_938, %arg1, %dma_wait3A_992] : memref<26x16x100000xf32, #tpu.memory_space<hbm>> -> memref<1x1x50048xf32, #tpu.memory_space<hbm>>
    %dma_wait3A_994 = tpu.memref_squeeze %dma_wait3A_993 : memref<1x1x50048xf32, #tpu.memory_space<hbm>> -> memref<50048xf32, #tpu.memory_space<hbm>>
    tpu.wait_dma2 semaphore(%arg11 : memref<!tpu.dma_semaphore, #tpu.memory_space<semaphore_mem>>) src(%dma_wait3A_994 : memref<50048xf32, #tpu.memory_space<hbm>>) dst(%arg5 : memref<50048xf32, #tpu.memory_space<vmem>>)
    %scan3A_995 = arith.constant 0 : i32
    %scan3A_996 = arith.constant 0 : i32
    %scan3A_997 = arith.constant 64 : i32
    %scan3A_998 = arith.addi %scan3A_996, %scan3A_997 : i32
    %scan3A_999 = arith.constant 1 : i32
    scf.for %scan3A_1035 = %scan3A_996 to %scan3A_998 step %scan3A_999  : i32 {
      %mul3A_1036 = arith.constant 4 : i32
      %mul3A_1037 = arith.muli %scan3A_1035, %mul3A_1036 : i32
      %add3A_1038 = arith.constant 0 : i32
      %add3A_1039 = arith.addi %mul3A_1037, %add3A_1038 : i32
      %mul3A_1040 = arith.constant 16 : i32
      %mul3A_1041 = arith.muli %add3A_1039, %mul3A_1040 : i32
      %get3A = arith.index_cast %mul3A_1041 : i32 to index
      %get3A_1042 = tpu.vector_load %arg7[%get3A] {strides = array<i32>} : memref<4096xi32, #tpu.memory_space<vmem>>, vector<16xi32>,
      %lt3A = arith.constant 50048 : i32
      %lt3A_1043 = vector.broadcast %lt3A : i32 to vector<16xi32>
      %lt3A_1044 = arith.cmpi slt, %get3A_1042, %lt3A_1043 : vector<16xi32>
      %gather3A = tpu.vector_load_idx %arg5[%get3A_1042] masked %lt3A_1044 : memref<50048xf32, #tpu.memory_space<vmem>>[vector<16xi32>], vector<16xf32>, vector<16xi1>
      %add3A_1045 = vector.broadcast %mul3A_1041 : i32 to vector<16xi32>
      %add3A_1046 = arith.addi %iota3A, %add3A_1045 : vector<16xi32>
      tpu.vector_store_idx %arg9[%add3A_1046], %gather3A masked %lt3A_1044 : memref<4096xf32, #tpu.memory_space<vmem>>[vector<16xi32>], vector<16xf32>, vector<16xi1>
      %mul3A_1047 = arith.constant 4 : i32
      %mul3A_1048 = arith.muli %scan3A_1035, %mul3A_1047 : i32
      %add3A_1049 = arith.constant 1 : i32
      %add3A_1050 = arith.addi %mul3A_1048, %add3A_1049 : i32
      %mul3A_1051 = arith.constant 16 : i32
      %mul3A_1052 = arith.muli %add3A_1050, %mul3A_1051 : i32
      %get3A_1053 = arith.index_cast %mul3A_1052 : i32 to index
      %get3A_1054 = tpu.vector_load %arg7[%get3A_1053] {strides = array<i32>} : memref<4096xi32, #tpu.memory_space<vmem>>, vector<16xi32>,
      %lt3A_1055 = arith.constant 50048 : i32
      %lt3A_1056 = vector.broadcast %lt3A_1055 : i32 to vector<16xi32>
      %lt3A_1057 = arith.cmpi slt, %get3A_1054, %lt3A_1056 : vector<16xi32>
      %gather3A_1058 = tpu.vector_load_idx %arg5[%get3A_1054] masked %lt3A_1057 : memref<50048xf32, #tpu.memory_space<vmem>>[vector<16xi32>], vector<16xf32>, vector<16xi1>
      %add3A_1059 = vector.broadcast %mul3A_1052 : i32 to vector<16xi32>
      %add3A_1060 = arith.addi %iota3A, %add3A_1059 : vector<16xi32>
      tpu.vector_store_idx %arg9[%add3A_1060], %gather3A_1058 masked %lt3A_1057 : memref<4096xf32, #tpu.memory_space<vmem>>[vector<16xi32>], vector<16xf32>, vector<16xi1>
      %mul3A_1061 = arith.constant 4 : i32
      %mul3A_1062 = arith.muli %scan3A_1035, %mul3A_1061 : i32
      %add3A_1063 = arith.constant 2 : i32
      %add3A_1064 = arith.addi %mul3A_1062, %add3A_1063 : i32
      %mul3A_1065 = arith.constant 16 : i32
      %mul3A_1066 = arith.muli %add3A_1064, %mul3A_1065 : i32
      %get3A_1067 = arith.index_cast %mul3A_1066 : i32 to index
      %get3A_1068 = tpu.vector_load %arg7[%get3A_1067] {strides = array<i32>} : memref<4096xi32, #tpu.memory_space<vmem>>, vector<16xi32>,
      %lt3A_1069 = arith.constant 50048 : i32
      %lt3A_1070 = vector.broadcast %lt3A_1069 : i32 to vector<16xi32>
      %lt3A_1071 = arith.cmpi slt, %get3A_1068, %lt3A_1070 : vector<16xi32>
      %gather3A_1072 = tpu.vector_load_idx %arg5[%get3A_1068] masked %lt3A_1071 : memref<50048xf32, #tpu.memory_space<vmem>>[vector<16xi32>], vector<16xf32>, vector<16xi1>
      %add3A_1073 = vector.broadcast %mul3A_1066 : i32 to vector<16xi32>
      %add3A_1074 = arith.addi %iota3A, %add3A_1073 : vector<16xi32>
      tpu.vector_store_idx %arg9[%add3A_1074], %gather3A_1072 masked %lt3A_1071 : memref<4096xf32, #tpu.memory_space<vmem>>[vector<16xi32>], vector<16xf32>, vector<16xi1>
      %mul3A_1075 = arith.constant 4 : i32
      %mul3A_1076 = arith.muli %scan3A_1035, %mul3A_1075 : i32
      %add3A_1077 = arith.constant 3 : i32
      %add3A_1078 = arith.addi %mul3A_1076, %add3A_1077 : i32
      %mul3A_1079 = arith.constant 16 : i32
      %mul3A_1080 = arith.muli %add3A_1078, %mul3A_1079 : i32
      %get3A_1081 = arith.index_cast %mul3A_1080 : i32 to index
      %get3A_1082 = tpu.vector_load %arg7[%get3A_1081] {strides = array<i32>} : memref<4096xi32, #tpu.memory_space<vmem>>, vector<16xi32>,
      %lt3A_1083 = arith.constant 50048 : i32
      %lt3A_1084 = vector.broadcast %lt3A_1083 : i32 to vector<16xi32>
      %lt3A_1085 = arith.cmpi slt, %get3A_1082, %lt3A_1084 : vector<16xi32>
      %gather3A_1086 = tpu.vector_load_idx %arg5[%get3A_1082] masked %lt3A_1085 : memref<50048xf32, #tpu.memory_space<vmem>>[vector<16xi32>], vector<16xf32>, vector<16xi1>
      %add3A_1087 = vector.broadcast %mul3A_1080 : i32 to vector<16xi32>
      %add3A_1088 = arith.addi %iota3A, %add3A_1087 : vector<16xi32>
      tpu.vector_store_idx %arg9[%add3A_1088], %gather3A_1086 masked %lt3A_1085 : memref<4096xf32, #tpu.memory_space<vmem>>[vector<16xi32>], vector<16xf32>, vector<16xi1>
    }
    %scan3A_1000 = arith.constant 64 : i32
    %mul3A_1001 = arith.constant 13 : i32
    %mul3A_1002 = arith.muli %arg0, %mul3A_1001 : i32
    %add3A_1003 = arith.constant 12 : i32
    %add3A_1004 = arith.addi %mul3A_1002, %add3A_1003 : i32
    %dma_wait3A_1005 = arith.constant 50048 : i32
    %dma_wait3A_1006 = tpu.memref_slice %arg2[%add3A_982, %arg1, %dma_wait3A_1005] : memref<26x16x100000xf32, #tpu.memory_space<hbm>> -> memref<1x1x49952xf32, #tpu.memory_space<hbm>>
    %dma_wait3A_1007 = tpu.memref_squeeze %dma_wait3A_1006 : memref<1x1x49952xf32, #tpu.memory_space<hbm>> -> memref<49952xf32, #tpu.memory_space<hbm>>
    %dma_wait3A_1008 = arith.constant 50048 : i32
    %dma_wait3A_1009 = tpu.memref_slice %arg2[%add3A_982, %arg1, %dma_wait3A_1008] : memref<26x16x100000xf32, #tpu.memory_space<hbm>> -> memref<1x1x49952xf32, #tpu.memory_space<hbm>>
    %dma_wait3A_1010 = tpu.memref_squeeze %dma_wait3A_1009 : memref<1x1x49952xf32, #tpu.memory_space<hbm>> -> memref<49952xf32, #tpu.memory_space<hbm>>
    tpu.wait_dma2 semaphore(%arg12 : memref<!tpu.dma_semaphore, #tpu.memory_space<semaphore_mem>>) src(%dma_wait3A_1010 : memref<49952xf32, #tpu.memory_space<hbm>>) dst(%arg6 : memref<49952xf32, #tpu.memory_space<vmem>>)
    %scan3A_1011 = arith.constant 0 : i32
    %scan3A_1012 = arith.constant 0 : i32
    %scan3A_1013 = arith.constant 64 : i32
    %scan3A_1014 = arith.addi %scan3A_1012, %scan3A_1013 : i32
    %scan3A_1015 = arith.constant 1 : i32
    scf.for %scan3A_1035 = %scan3A_1012 to %scan3A_1014 step %scan3A_1015  : i32 {
      %mul3A_1036 = arith.constant 4 : i32
      %mul3A_1037 = arith.muli %scan3A_1035, %mul3A_1036 : i32
      %add3A_1038 = arith.constant 0 : i32
      %add3A_1039 = arith.addi %mul3A_1037, %add3A_1038 : i32
      %mul3A_1040 = arith.constant 16 : i32
      %mul3A_1041 = arith.muli %add3A_1039, %mul3A_1040 : i32
      %get3A = arith.index_cast %mul3A_1041 : i32 to index
      %get3A_1042 = tpu.vector_load %arg7[%get3A] {strides = array<i32>} : memref<4096xi32, #tpu.memory_space<vmem>>, vector<16xi32>,
      %ge3A = arith.constant 50048 : i32
      %ge3A_1043 = vector.broadcast %ge3A : i32 to vector<16xi32>
      %ge3A_1044 = arith.cmpi sge, %get3A_1042, %ge3A_1043 : vector<16xi32>
      %sub3A = arith.constant 50048 : i32
      %sub3A_1045 = vector.broadcast %sub3A : i32 to vector<16xi32>
      %sub3A_1046 = arith.subi %get3A_1042, %sub3A_1045 : vector<16xi32>
      %gather3A = tpu.vector_load_idx %arg6[%sub3A_1046] masked %ge3A_1044 : memref<49952xf32, #tpu.memory_space<vmem>>[vector<16xi32>], vector<16xf32>, vector<16xi1>
      %add3A_1047 = vector.broadcast %mul3A_1041 : i32 to vector<16xi32>
      %add3A_1048 = arith.addi %iota3A, %add3A_1047 : vector<16xi32>
      tpu.vector_store_idx %arg9[%add3A_1048], %gather3A masked %ge3A_1044 : memref<4096xf32, #tpu.memory_space<vmem>>[vector<16xi32>], vector<16xf32>, vector<16xi1>
      %mul3A_1049 = arith.constant 4 : i32
      %mul3A_1050 = arith.muli %scan3A_1035, %mul3A_1049 : i32
      %add3A_1051 = arith.constant 1 : i32
      %add3A_1052 = arith.addi %mul3A_1050, %add3A_1051 : i32
      %mul3A_1053 = arith.constant 16 : i32
      %mul3A_1054 = arith.muli %add3A_1052, %mul3A_1053 : i32
      %get3A_1055 = arith.index_cast %mul3A_1054 : i32 to index
      %get3A_1056 = tpu.vector_load %arg7[%get3A_1055] {strides = array<i32>} : memref<4096xi32, #tpu.memory_space<vmem>>, vector<16xi32>,
      %ge3A_1057 = arith.constant 50048 : i32
      %ge3A_1058 = vector.broadcast %ge3A_1057 : i32 to vector<16xi32>
      %ge3A_1059 = arith.cmpi sge, %get3A_1056, %ge3A_1058 : vector<16xi32>
      %sub3A_1060 = arith.constant 50048 : i32
      %sub3A_1061 = vector.broadcast %sub3A_1060 : i32 to vector<16xi32>
      %sub3A_1062 = arith.subi %get3A_1056, %sub3A_1061 : vector<16xi32>
      %gather3A_1063 = tpu.vector_load_idx %arg6[%sub3A_1062] masked %ge3A_1059 : memref<49952xf32, #tpu.memory_space<vmem>>[vector<16xi32>], vector<16xf32>, vector<16xi1>
      %add3A_1064 = vector.broadcast %mul3A_1054 : i32 to vector<16xi32>
      %add3A_1065 = arith.addi %iota3A, %add3A_1064 : vector<16xi32>
      tpu.vector_store_idx %arg9[%add3A_1065], %gather3A_1063 masked %ge3A_1059 : memref<4096xf32, #tpu.memory_space<vmem>>[vector<16xi32>], vector<16xf32>, vector<16xi1>
      %mul3A_1066 = arith.constant 4 : i32
      %mul3A_1067 = arith.muli %scan3A_1035, %mul3A_1066 : i32
      %add3A_1068 = arith.constant 2 : i32
      %add3A_1069 = arith.addi %mul3A_1067, %add3A_1068 : i32
      %mul3A_1070 = arith.constant 16 : i32
      %mul3A_1071 = arith.muli %add3A_1069, %mul3A_1070 : i32
      %get3A_1072 = arith.index_cast %mul3A_1071 : i32 to index
      %get3A_1073 = tpu.vector_load %arg7[%get3A_1072] {strides = array<i32>} : memref<4096xi32, #tpu.memory_space<vmem>>, vector<16xi32>,
      %ge3A_1074 = arith.constant 50048 : i32
      %ge3A_1075 = vector.broadcast %ge3A_1074 : i32 to vector<16xi32>
      %ge3A_1076 = arith.cmpi sge, %get3A_1073, %ge3A_1075 : vector<16xi32>
      %sub3A_1077 = arith.constant 50048 : i32
      %sub3A_1078 = vector.broadcast %sub3A_1077 : i32 to vector<16xi32>
      %sub3A_1079 = arith.subi %get3A_1073, %sub3A_1078 : vector<16xi32>
      %gather3A_1080 = tpu.vector_load_idx %arg6[%sub3A_1079] masked %ge3A_1076 : memref<49952xf32, #tpu.memory_space<vmem>>[vector<16xi32>], vector<16xf32>, vector<16xi1>
      %add3A_1081 = vector.broadcast %mul3A_1071 : i32 to vector<16xi32>
      %add3A_1082 = arith.addi %iota3A, %add3A_1081 : vector<16xi32>
      tpu.vector_store_idx %arg9[%add3A_1082], %gather3A_1080 masked %ge3A_1076 : memref<4096xf32, #tpu.memory_space<vmem>>[vector<16xi32>], vector<16xf32>, vector<16xi1>
      %mul3A_1083 = arith.constant 4 : i32
      %mul3A_1084 = arith.muli %scan3A_1035, %mul3A_1083 : i32
      %add3A_1085 = arith.constant 3 : i32
      %add3A_1086 = arith.addi %mul3A_1084, %add3A_1085 : i32
      %mul3A_1087 = arith.constant 16 : i32
      %mul3A_1088 = arith.muli %add3A_1086, %mul3A_1087 : i32
      %get3A_1089 = arith.index_cast %mul3A_1088 : i32 to index
      %get3A_1090 = tpu.vector_load %arg7[%get3A_1089] {strides = array<i32>} : memref<4096xi32, #tpu.memory_space<vmem>>, vector<16xi32>,
      %ge3A_1091 = arith.constant 50048 : i32
      %ge3A_1092 = vector.broadcast %ge3A_1091 : i32 to vector<16xi32>
      %ge3A_1093 = arith.cmpi sge, %get3A_1090, %ge3A_1092 : vector<16xi32>
      %sub3A_1094 = arith.constant 50048 : i32
      %sub3A_1095 = vector.broadcast %sub3A_1094 : i32 to vector<16xi32>
      %sub3A_1096 = arith.subi %get3A_1090, %sub3A_1095 : vector<16xi32>
      %gather3A_1097 = tpu.vector_load_idx %arg6[%sub3A_1096] masked %ge3A_1093 : memref<49952xf32, #tpu.memory_space<vmem>>[vector<16xi32>], vector<16xf32>, vector<16xi1>
      %add3A_1098 = vector.broadcast %mul3A_1088 : i32 to vector<16xi32>
      %add3A_1099 = arith.addi %iota3A, %add3A_1098 : vector<16xi32>
      tpu.vector_store_idx %arg9[%add3A_1099], %gather3A_1097 masked %ge3A_1093 : memref<4096xf32, #tpu.memory_space<vmem>>[vector<16xi32>], vector<16xf32>, vector<16xi1>
    }
    %scan3A_1016 = arith.constant 64 : i32
    %dma_start3A_1017 = arith.constant 0 : i32
    %dma_start3A_1018 = tpu.memref_slice %arg4[%add3A_1004, %arg1, %dma_start3A_1017] : memref<26x16x4096xf32, #tpu.memory_space<hbm>> -> memref<1x1x4096xf32, #tpu.memory_space<hbm>>
    %dma_start3A_1019 = tpu.memref_squeeze %dma_start3A_1018 : memref<1x1x4096xf32, #tpu.memory_space<hbm>> -> memref<4096xf32, #tpu.memory_space<hbm>>
    %dma_start3A_1020 = arith.constant 0 : i32
    %dma_start3A_1021 = tpu.memref_slice %arg4[%add3A_1004, %arg1, %dma_start3A_1020] : memref<26x16x4096xf32, #tpu.memory_space<hbm>> -> memref<1x1x4096xf32, #tpu.memory_space<hbm>>
    %dma_start3A_1022 = tpu.memref_squeeze %dma_start3A_1021 : memref<1x1x4096xf32, #tpu.memory_space<hbm>> -> memref<4096xf32, #tpu.memory_space<hbm>>
    tpu.enqueue_dma source(%arg9 : memref<4096xf32, #tpu.memory_space<vmem>>) target(%dma_start3A_1022 : memref<4096xf32, #tpu.memory_space<hbm>>) target_semaphore(%arg15 : memref<!tpu.dma_semaphore, #tpu.memory_space<semaphore_mem>>)
    %dma_wait3A_1023 = arith.constant 0 : i32
    %dma_wait3A_1024 = tpu.memref_slice %arg4[%add3A_1004, %arg1, %dma_wait3A_1023] : memref<26x16x4096xf32, #tpu.memory_space<hbm>> -> memref<1x1x4096xf32, #tpu.memory_space<hbm>>
    %dma_wait3A_1025 = tpu.memref_squeeze %dma_wait3A_1024 : memref<1x1x4096xf32, #tpu.memory_space<hbm>> -> memref<4096xf32, #tpu.memory_space<hbm>>
    %dma_wait3A_1026 = arith.constant 0 : i32
    %dma_wait3A_1027 = tpu.memref_slice %arg4[%add3A_1004, %arg1, %dma_wait3A_1026] : memref<26x16x4096xf32, #tpu.memory_space<hbm>> -> memref<1x1x4096xf32, #tpu.memory_space<hbm>>
    %dma_wait3A_1028 = tpu.memref_squeeze %dma_wait3A_1027 : memref<1x1x4096xf32, #tpu.memory_space<hbm>> -> memref<4096xf32, #tpu.memory_space<hbm>>
    tpu.wait_dma2 semaphore(%arg15 : memref<!tpu.dma_semaphore, #tpu.memory_space<semaphore_mem>>) src(%arg9 : memref<4096xf32, #tpu.memory_space<vmem>>) dst(%dma_wait3A_1028 : memref<4096xf32, #tpu.memory_space<hbm>>)
    %dma_wait3A_1029 = arith.constant 0 : i32
    %dma_wait3A_1030 = tpu.memref_slice %arg4[%add3A_934, %arg1, %dma_wait3A_1029] : memref<26x16x4096xf32, #tpu.memory_space<hbm>> -> memref<1x1x4096xf32, #tpu.memory_space<hbm>>
    %dma_wait3A_1031 = tpu.memref_squeeze %dma_wait3A_1030 : memref<1x1x4096xf32, #tpu.memory_space<hbm>> -> memref<4096xf32, #tpu.memory_space<hbm>>
    %dma_wait3A_1032 = arith.constant 0 : i32
    %dma_wait3A_1033 = tpu.memref_slice %arg4[%add3A_934, %arg1, %dma_wait3A_1032] : memref<26x16x4096xf32, #tpu.memory_space<hbm>> -> memref<1x1x4096xf32, #tpu.memory_space<hbm>>
    %dma_wait3A_1034 = tpu.memref_squeeze %dma_wait3A_1033 : memref<1x1x4096xf32, #tpu.memory_space<hbm>> -> memref<4096xf32, #tpu.memory_space<hbm>>
    tpu.wait_dma2 semaphore(%arg16 : memref<!tpu.dma_semaphore, #tpu.memory_space<semaphore_mem>>) src(%arg10 : memref<4096xf32, #tpu.memory_space<vmem>>) dst(%dma_wait3A_1034 : memref<4096xf32, #tpu.memory_space<hbm>>)
    return
  }
}

</mosaic_0001>

<sc_bundles>
// kernel: kernel.3.cloned.1.call-start
scs
__scs_entry_jumppad:
0x0: {  	(pc) =	sbr.rel $0x88, $3  }
0x1: {  	(tag) =	ssettag $0x0;
	lr =	simm.s32 $0x1  }
0x2: {  	[smem:$0x3F9F] =	sst lr;
	_ =	strace $0xD0000000  }
0x3: {  	_ = 	snop  }
0x4: {  	_ = 	snop  }
0x5: {  	_ = 	snop  }
0x6: {  	_ = 	snop  }
0x7: {  	_ = 	snop  }
__scs_overlays_trampoline_lowered:
0x8: {  	[smem:$0x3FAE] =	sst s0  }
0x9: {  	[smem:$0x3FAF] =	sst s1  }
0xa: {  	[smem:$0x3FB0] =	sst s2  }
0xb: {  	[smem:$0x3FB1] =	sst s3  }
0xc: {  	[smem:$0x3FB2] =	sst s4  }
0xd: {  	[smem:$0x3FB3] =	sst s5  }
0xe: {  	[smem:$0x3FB4] =	sst s6  }
0xf: {  	[smem:$0x3FB5] =	sst s7  }
0x10: {  	[smem:$0x3FB6] =	sst s8  }
0x11: {  	[smem:$0x3FB7] =	sst s9;
	s0 =	simm.s32 @!p0 $0x0  }
0x12: {  	s1 =	sld [smem:$0x3F9D];
	s0 =	simm.s32 @p0 $0x1  }
0x13: {  	[smem:$0x3FB8] =	sst s0;
	s0 =	simm.s32 @!p1 $0x0  }
0x14: {  	s2 =	sld [smem:$0x3F9C];
	s0 =	simm.s32 @p1 $0x1  }
0x15: {  	[smem:$0x3FB9] =	sst s0;
	s0 =	simm.s32 @!p2 $0x0  }
0x16: {  	s3 =	sld [smem:$0x3FDB];
	s0 =	simm.s32 @p2 $0x1  }
0x17: {  	s4 =	simm.s32 $0x1BF5;
	[smem:$0x3FBB] =	sst s0  }
0x18: {  	s0 =	sld [smem:$0x3F9E];
	_ =	swait.ge [sflag:s4], $0x0  }
0x19: {  	s7 =	sld [smem:$0x3F9F]  }
0x1a: {  	s8 =	sadd.s32 $0xFFFFE003, lr  }
0x1b: {  	s9 =	sadd.s32 $0xFFFFFEF7, lr;
	s5 =	simm.s32 $0xFFFFFFFF;
	p2 =	slt.u32 s8, $0xFFFFF086  }
0x1c: {  	p1 =	slt.u32 s9, $0xF7A;
	s5 =	simm.s32 @!p2 $0x0  }
0x1d: {  	s5 =	simm.s32 @p1 $0x1;
	p0 =	seq.s32 s7, s2  }
0x1e: {  	s7 =	smul.u32 @!p0 $0xF7A, s2;
	p2 =	seq.s32 @!p0 s5, $0x0  }
0x1f: {  	s9 =	smul.u32 $0xF7A, s1;
	s8 =	simm.s32 @!p0 $0x1BF5;
	p2 =	por !p2, p0  }
0x20: {  	[sflag:s8] =	ssyncset.s32 @!p0 $0xFFFFF086;
	s6 =	sadd.s32 @!p0 s3, s7;
	s7 =	simm.s32 @!p0 $0x108  }
0x21: {  	s3 =	sadd.s32 s3, s9;
	s6 =	sadd.s32 @!p0 $0x88, s6;
	s7 =	simm.s32 @p2 $0x1082  }
0x22: {  	[simem:s7], [sflag:s8] =	dma.local @!p0 [hbm:s6], $0xF7A  }
0x23: {  	s9 =	sor.u32 $0xD0000000, s2;
	s6 =	simm.s32 $0x108;
	_ =	swait.ge @!p0 [sflag:s8], $0x0  }
0x24: {  	s3 =	sadd.s32 $0x88, s3;
	s6 =	simm.s32 @!p1 $0x1082;
	[sflag:s4] =	ssyncset.s32 $0xFFFFF086  }
0x25: {  	[simem:s6], [sflag:s4] =	dma.local [hbm:s3], $0xF7A  }
0x26: {  	[smem:$0x3F9F] =	sst s1;
	(tag) =	ssettag s2;
	_ =	strace s9  }
0x27: {  	s1 =	sld [smem:$0x3FAF]  }
0x28: {  	s2 =	sld [smem:$0x3FB0]  }
0x29: {  	s4 =	sld [smem:$0x3FB2]  }
0x2a: {  	p0 =	seq.s32 s5, $0x0;
	s5 =	sld [smem:$0x3FB3]  }
0x2b: {  	s6 =	sld [smem:$0x3FB4]  }
0x2c: {  	s7 =	sld [smem:$0x3FB5]  }
0x2d: {  	s3 =	simm.s32 $0x108;
	s8 =	sld [smem:$0x3FB6]  }
0x2e: {  	s3 =	simm.s32 @!p0 $0x1082;
	s9 =	sld [smem:$0x3FB7]  }
0x2f: {  	lr =	sadd.s32 s0, s3;
	s0 =	sld [smem:$0x3FAE]  }
0x30: {  	s3 =	sld [smem:$0x3FB1]  }
0x31: {  	[smem:$0x3FBA] =	sst s10  }
0x32: {  	s10 =	sld [smem:$0x3FB8];
	_ =	sdelay $0x3  }
0x33: {  	p0 =	seq.s32 s10, $0x1;
	s10 =	sld [smem:$0x3FBA];
	_ =	sdelay $0x3  }
0x34: {  	[smem:$0x3FBA] =	sst s10  }
0x35: {  	s10 =	sld [smem:$0x3FB9];
	_ =	sdelay $0x3  }
0x36: {  	p1 =	seq.s32 s10, $0x1;
	s10 =	sld [smem:$0x3FBA];
	_ =	sdelay $0x3  }
0x37: {  	[smem:$0x3FBA] =	sst s10  }
0x38: {  	s10 =	sld [smem:$0x3FBB]  }
0x39: {  	_ = 	snop;
	(pc) =	sbr.ind lr, $3  }
0x3a: {  	_ = 	snop  }
0x3b: {  	_ = 	snop  }
0x3c: {  	p2 =	seq.s32 s10, $0x1;
	s10 =	sld [smem:$0x3FBA]  }
0x3d: {  	_ =	shalt  }
0x3e: {  	_ =	shalt  }
0x3f: {  	_ =	shalt  }
0x40: {  	_ =	shalt  }
0x41: {  	_ =	shalt  }
0x42: {  	_ =	shalt  }
0x43: {  	_ =	shalt  }
0x44: {  	_ =	shalt  }
0x45: {  	_ =	shalt  }
0x46: {  	_ =	shalt  }
0x47: {  	_ =	shalt  }
0x48: {  	_ =	shalt  }
0x49: {  	_ =	shalt  }
0x4a: {  	_ =	shalt  }
0x4b: {  	_ =	shalt  }
0x4c: {  	_ =	shalt  }
0x4d: {  	_ =	shalt  }
0x4e: {  	_ =	shalt  }
0x4f: {  	_ =	shalt  }
0x50: {  	_ =	shalt  }
0x51: {  	_ =	shalt  }
0x52: {  	_ =	shalt  }
0x53: {  	_ =	shalt  }
0x54: {  	_ =	shalt  }
0x55: {  	_ =	shalt  }
0x56: {  	_ =	shalt  }
0x57: {  	_ =	shalt  }
0x58: {  	_ =	shalt  }
0x59: {  	_ =	shalt  }
0x5a: {  	_ =	shalt  }
0x5b: {  	_ =	shalt  }
0x5c: {  	_ =	shalt  }
0x5d: {  	_ =	shalt  }
0x5e: {  	_ =	shalt  }
0x5f: {  	_ =	shalt  }
0x60: {  	_ =	shalt  }
0x61: {  	_ =	shalt  }
0x62: {  	_ =	shalt  }
0x63: {  	_ =	shalt  }
0x64: {  	_ =	shalt  }
0x65: {  	_ =	shalt  }
0x66: {  	_ =	shalt  }
0x67: {  	_ =	shalt  }
0x68: {  	_ =	shalt  }
0x69: {  	_ =	shalt  }
0x6a: {  	_ =	shalt  }
0x6b: {  	_ =	shalt  }
0x6c: {  	_ =	shalt  }
0x6d: {  	_ =	shalt  }
0x6e: {  	_ =	shalt  }
0x6f: {  	_ =	shalt  }
0x70: {  	_ =	shalt  }
0x71: {  	_ =	shalt  }
0x72: {  	_ =	shalt  }
0x73: {  	_ =	shalt  }
0x74: {  	_ =	shalt  }
0x75: {  	_ =	shalt  }
0x76: {  	_ =	shalt  }
0x77: {  	_ =	shalt  }
0x78: {  	_ =	shalt  }
0x79: {  	_ =	shalt  }
0x7a: {  	_ =	shalt  }
0x7b: {  	_ =	shalt  }
0x7c: {  	_ =	shalt  }
0x7d: {  	_ =	shalt  }
0x7e: {  	_ =	shalt  }
0x7f: {  	_ =	shalt  }
0x80: {  	_ =	shalt  }
0x81: {  	_ =	shalt  }
0x82: {  	_ =	shalt  }
0x83: {  	_ =	shalt  }
0x84: {  	_ =	shalt  }
0x85: {  	_ =	shalt  }
0x86: {  	_ =	shalt  }
0x87: {  	_ =	shalt  }
.Lfunc_end0:
.L_simem_size_0:
called_computation_lowered:
.L_overlay_start_0:
0x88: {  	s2 =	sld [smem:$0x3FD9]  }
0x89: {  	s3 =	sld [smem:$0x3FFE];
	_ =	sdelay $0x1  }
0x8a: {  	s1 =	srdreg.scid  }
0x8b: {  	s0 =	sand.u32 $0x1, s1  }
0x8c: {  	s18 =	sshll.u32 s0, $0xA;
	s2 =	sadd.s32 s3, s2  }
0x8d: {  	s2 =	sadd.s32 s2, s18  }
0x8e: {  	[smem:$0x3FC6] =	sst s2  }
0x8f: {  	_ = 	snop  }
0x90: {  	s2 =	sld [smem:$0x3FC9]  }
0x91: {  	s19 =	sld [smem:$0x3FC8]  }
0x92: {  	s4 =	sld [smem:$0x3FD0];
	(tm) =	ssettm $0x1  }
0x93: {  	s5 =	sld [smem:$0x3FFB];
	_ =	sdelay $0x3  }
0x94: {  	_ =	strace s5  }
0x95: {  	s5 =	sld [smem:$0x3FFC];
	_ =	sdelay $0x3  }
0x96: {  	_ =	strace s5  }
0x97: {  	s5 =	sld [smem:$0x3FFD];
	_ =	sdelay $0x3  }
0x98: {  	_ =	strace s5  }
0x99: {  	_ =	strace $0x8FFFFFFF  }
0x9a: {  	s20 =	sld [smem:$0x3FDB];
	_ =	sdelay $0x1  }
0x9b: {  	s6 =	simm.s32 $_scs_section_size  }
0x9c: {  	s7 =	simm.s32 $_size__tile_overlayer_lowered;
	s8 =	simm.s32 $_tile_overlayer_lowered  }
0x9d: {  	s23 =	simm.s32 $0x1BFF;
	s22 =	sshll.u32 s8, $0x1;
	s5 =	sadd.s32 s6, s20  }
0x9e: {  	s9 =	simm.s32 $0x0;
	s21 =	sshll.u32 s7, $0x1;
	s7 =	sadd.s32 s22, s5  }
0x9f: {  	[timem:s9], [sflag:s23] =	dma.local [hbm:s7], s21  }
0xa0: {  	_ =	swait.ge [sflag:s23], s21  }
0xa1: {  	s6 =	ssub.s32 $0x0, s21;
	[sflag:s23] =	ssyncset.done $0x0  }
0xa2: {  	[sflag:s23] =	ssyncadd.s32 s6;
	_ =	sdelay $0x1  }
0xa3: {  	s24 =	simm.s32 $0x1B8B  }
0xa4: {  	_ =	swait.ge [sflag:s24], $0x1  }
0xa5: {  	[sflag:s24] =	ssyncset.done $0x0  }
0xa6: {  	s25 =	simm.s32 $0x1B8E;
	[sflag:s24] =	ssyncadd.s32 $0xFFFFFFFF  }
0xa7: {  	s26 =	simm.s32 $execute0_lowered;
	[smem:$0x3FD2] =	sst s25  }
0xa8: {  	s6 =	sshll.u32 s26, $0x1;
	_ =	strace $0x80000046;
	[dreg:$0x1] =	wrdreg $0xFFFFFFFF  }
0xa9: {  	s28 =	simm.s32 $_size_execute0_lowered;
	s5 =	sadd.s32 s5, s6;
	[dreg:$0x0] =	wrdreg $0x0  }
0xaa: {  	s6 =	sshll.u32 s28, $0x1;
	[dreg:$0x2] =	wrdreg s5  }
0xab: {  	[dreg:$0x3] =	wrdreg s6  }
0xac: {  	[dreg:$0x4] =	wrdreg $0xC0  }
0xad: {  	_ =	task [dreg:s9], $0x5FFFF  }
0xae: {  	[dreg:$0x1] =	wrdreg $0xFFFFFFFF  }
0xaf: {  	[dreg:$0x0] =	wrdreg $0x60  }
0xb0: {  	[dreg:$0x2] =	wrdreg s19  }
0xb1: {  	[dreg:$0x3] =	wrdreg s2  }
0xb2: {  	[dreg:$0x4] =	wrdreg s4  }
0xb3: {  	[dreg:$0x5] =	wrdreg $0x9  }
0xb4: {  	_ =	task.clear_ibuf [dreg:s9], $0x6FFFF;
	_ =	strace $0x90000046  }
0xb5: {  	s29 =	simm.s32 $0x9;
	_ =	strace $0x80000048  }
0xb6: {  	_ =	swait.ge [sflag:s29], $0x1  }
0xb7: {  	[sflag:s29] =	ssyncadd.s32 $0xFFFFFFFF  }
0xb8: {  	_ =	strace $0x90000048  }
0xb9: {  	_ =	sfence  }
0xba: {  	s30 =	sld [smem:$0x0];
	_ =	sdelay $0x2  }
0xbb: {  	s31 =	sshll.u32 s1, $0xD;
	s1 =	sshrl.u32 s1, $0x2  }
0xbc: {  	s3 =	sand.u32 $0x4000, s31;
	s1 =	sadd.s32 s1, s30  }
0xbd: {  	s0 =	sor.u32 s3, s0;
	s1 =	sshll.u32 s1, $0x11  }
0xbe: {  	s0 =	sor.u32 s1, s0  }
0xbf: {  	s0 =	sadd.s32 $0x8F2B, s0  }
0xc0: {  	[sflag:s0] =	ssyncadd.remote.s32 $0x1  }
0xc1: {  	_ =	sfence.sel $0xFFFF  }
0xc2: {  	[dreg:$0x0] =	wrdreg $0xFFFFFFFF;
	(pc) =	sbr.abs _section_cstart, $3  }
0xc3: {  	[dreg:$0x1] =	wrdreg $0xFFFFFFFF  }
0xc4: {  	_ =	task.clear_ibuf [dreg:s9], $0x2FFFF;
	_ =	strace $0x9FFFFFFF  }
0xc5: {  	(tm) =	ssettm $0x7FFFFFFF  }
tec
execute0_lowered:
.L_overlay_start_1:
0x0: {  	(tag) =	ssettag $0x1  }
0x1: {  	s0 =	srdreg.scid  }
0x2: {  	s23 =	stileid.u32;
	s7 =	sand.u32 $0x1, s0  }
0x3: {  	s8 =	rddreg [dreg:$0x1];
	s28 =	simm.s32 $0x3;
	s3 =	smul.u32 $0x13DB000, s7  }
0x4: {  	s29 =	simm.s32 $0x19700;
	s1 =	sshrl.u32 s23, $0x3;
	s14 =	smul.u32 $0xD, s7  }
0x5: {  	s30 =	simm.s32 $0xC380;
	s0 =	ssub.s32 $0x2, s7;
	s4 =	smul.u32 $0xC3800, s1  }
0x6: {  	s31 =	simm.s32 $0x1;
	s12 =	smul.u32 $0xD000, s7;
	s2 =	sshrl.u32 s0, $0x1  }
0x7: {  	s13 =	smul.u32 $0x280, s7;
	s1 =	sshll.u32 s1, $0xF;
	s0 =	ssub.s32 s0, s2  }
0x8: {  	s2 =	sadd.s32 $0x1, s14;
	s17 =	sadd.s32 s3, s4;
	s3 =	sadd.s32 $0x2, s14  }
0x9: {  	s12 =	sand.u32 $0x8000, s12;
	s6 =	sshll.u32 s2, $0x9;
	s5 =	sshll.u32 s2, $0x4  }
0xa: {  	s10 =	sshll.u32 s3, $0x4;
	s11 =	sshll.u32 s3, $0x9;
	s9 =	sand.u32 $0x70, s5  }
0xb: {  	s3 =	sshll.u32 s3, $0x10;
	s6 =	sand.u32 $0x3000, s6;
	s5 =	sadd.s32 s8, s9  }
0xc: {  	s15 =	sand.u32 $0x3000, s11;
	s9 =	smul.u32 $0x187000, s2;
	s5 =	sadd.s32 s6, s5  }
0xd: {  	s3 =	sor.u32 s1, s3;
	s2 =	sshll.u32 s2, $0x10;
	[dreg:$0x4] =	wrdreg s5  }
0xe: {  	s18 =	sadd.s32 s4, s9;
	s5 =	sand.u32 $0x70, s10;
	s4 =	sadd.s32 $0x3, s14  }
0xf: {  	s2 =	sor.u32 s1, s2;
	s5 =	sadd.s32 s8, s5;
	s16 =	sshll.u32 s4, $0x9  }
0x10: {  	s19 =	sshll.u32 s4, $0x4;
	s4 =	sshll.u32 s4, $0x10;
	s5 =	sadd.s32 s15, s5  }
0x11: {  	s6 =	sand.u32 $0x3000, s16;
	s9 =	sand.u32 $0x70, s19;
	s4 =	sor.u32 s1, s4  }
0x12: {  	[dreg:$0x5] =	wrdreg s5;
	s5 =	sadd.s32 $0x4, s14;
	s9 =	sadd.s32 s8, s9  }
0x13: {  	s10 =	sshll.u32 s5, $0x4;
	s11 =	sshll.u32 s5, $0x9;
	s6 =	sadd.s32 s6, s9  }
0x14: {  	s9 =	sadd.s32 $0x6, s14;
	s5 =	sshll.u32 s5, $0x10;
	s10 =	sand.u32 $0x70, s10  }
0x15: {  	s11 =	sand.u32 $0x3000, s11;
	[dreg:$0x6] =	wrdreg s6;
	s6 =	sadd.s32 $0x5, s14  }
0x16: {  	s25 =	sshll.u32 s9, $0x4;
	s26 =	sshll.u32 s9, $0x9;
	s5 =	sor.u32 s1, s5  }
0x17: {  	s9 =	sshll.u32 s9, $0x10;
	s10 =	sadd.s32 s8, s10;
	s21 =	sshll.u32 s6, $0x9  }
0x18: {  	s22 =	sshll.u32 s6, $0x4;
	s19 =	sand.u32 $0x3000, s26;
	s6 =	sshll.u32 s6, $0x10  }
0x19: {  	s20 =	sadd.s32 s11, s10;
	s15 =	sand.u32 $0x3000, s21;
	s24 =	sand.u32 $0x70, s22  }
0x1a: {  	s11 =	sand.u32 $0x70, s25;
	s10 =	sadd.s32 $0x7, s14;
	s22 =	sor.u32 s13, s12  }
0x1b: {  	s12 =	sadd.s32 $0x9, s14;
	s6 =	sor.u32 s1, s6;
	s16 =	sadd.s32 s8, s24  }
0x1c: {  	[dreg:$0x7] =	wrdreg s20;
	s11 =	sadd.s32 s8, s11;
	s15 =	sadd.s32 s15, s16  }
0x1d: {  	s24 =	sshll.u32 s12, $0x9;
	s11 =	sadd.s32 s19, s11;
	[dreg:$0x8] =	wrdreg s15  }
0x1e: {  	s16 =	sshll.u32 s10, $0x9;
	[dreg:$0x9] =	wrdreg s11;
	s15 =	sshll.u32 s10, $0x4  }
0x1f: {  	s11 =	sadd.s32 $0x8, s14;
	s10 =	sshll.u32 s10, $0x10;
	s19 =	sand.u32 $0x70, s15  }
0x20: {  	s15 =	sand.u32 $0x3000, s16;
	s20 =	sshll.u32 s11, $0xC;
	s16 =	sadd.s32 s8, s19  }
0x21: {  	s21 =	sand.u32 $0x18000, s20;
	s19 =	sand.u32 $0x3000, s24;
	s20 =	sshll.u32 s12, $0x4  }
0x22: {  	s15 =	sadd.s32 s15, s16;
	s16 =	sshrl.u32 s22, $0x3;
	s20 =	sand.u32 $0x70, s20  }
0x23: {  	[dreg:$0xa] =	wrdreg s15;
	s15 =	sor.u32 s13, s21;
	s13 =	sadd.s32 $0xA, s14  }
0x24: {  	s20 =	sadd.s32 s8, s20;
	s16 =	sadd.s32 s8, s16;
	s21 =	sshll.u32 s13, $0x4  }
0x25: {  	s22 =	sshll.u32 s13, $0x9;
	s19 =	sadd.s32 s19, s20;
	[dreg:$0xd] =	wrdreg s16  }
0x26: {  	s26 =	sshrl.u32 s15, $0x3;
	s16 =	sadd.s32 $0xB, s14;
	s15 =	sadd.s32 $0xC, s14  }
0x27: {  	s21 =	sand.u32 $0x70, s21;
	s22 =	sand.u32 $0x3000, s22;
	[dreg:$0xb] =	wrdreg s19  }
0x28: {  	s19 =	sadd.s32 s8, s26;
	s20 =	sshll.u32 s16, $0x4;
	s24 =	sshll.u32 s16, $0x9  }
0x29: {  	s21 =	sadd.s32 s8, s21;
	[dreg:$0xe] =	wrdreg s19;
	s14 =	sand.u32 $0x70, s20  }
0x2a: {  	s25 =	sadd.s32 s22, s21;
	s21 =	sshll.u32 s15, $0x4;
	s22 =	sshll.u32 s23, $0x7  }
0x2b: {  	s23 =	sadd.s32 s8, s14;
	[dreg:$0xc] =	wrdreg s25;
	s19 =	sand.u32 $0x70, s21  }
0x2c: {  	s14 =	sand.u32 $0x380, s22;
	s25 =	sshll.u32 s15, $0x9;
	s15 =	sshll.u32 s15, $0x10  }
0x2d: {  	s19 =	sadd.s32 s8, s19;
	s8 =	sor.u32 s14, s17;
	s17 =	sand.u32 $0x3000, s24  }
0x2e: {  	s20 =	sand.u32 $0x3000, s25;
	s18 =	sor.u32 s14, s18;
	s2 =	sor.u32 s14, s2  }
0x2f: {  	s3 =	sor.u32 s14, s3;
	s4 =	sor.u32 s14, s4;
	s5 =	sor.u32 s14, s5  }
0x30: {  	s6 =	sor.u32 s14, s6;
	s26 =	sadd.s32 $0x61C00, s8;
	s17 =	sadd.s32 s17, s23  }
0x31: {  	s21 =	sadd.s32 s20, s19;
	s23 =	sshrl.u32 s8, $0x3;
	s24 =	sshrl.u32 s18, $0x3  }
0x32: {  	s25 =	sadd.s32 $0x61C00, s18;
	s18 =	smul.u32 $0xD0000, s7;
	[dreg:$0xf] =	wrdreg s17  }
0x33: {  	s2 =	sshrl.u32 s2, $0x3;
	s3 =	sshrl.u32 s3, $0x3;
	[dreg:$0x10] =	wrdreg s21  }
0x34: {  	s4 =	sshrl.u32 s4, $0x3;
	s22 =	sshrl.u32 s26, $0x3;
	s17 =	rddreg [dreg:$0x0]  }
0x35: {  	s26 =	sadd.s32 $0x30E000, s8;
	s21 =	sshrl.u32 s25, $0x3;
	s25 =	sadd.s32 $0x495000, s8  }
0x36: {  	s20 =	sadd.s32 s17, s23;
	s19 =	sadd.s32 s17, s22;
	s22 =	sshrl.u32 s26, $0x3  }
0x37: {  	s7 =	sadd.s32 s17, s21;
	s26 =	sadd.s32 $0x4F6C00, s8;
	[dreg:$0x11] =	wrdreg s20  }
0x38: {  	s21 =	sshrl.u32 s25, $0x3;
	s25 =	sadd.s32 $0x67DC00, s8;
	[dreg:$0x12] =	wrdreg s19  }
0x39: {  	s19 =	sadd.s32 s17, s24;
	[dreg:$0x14] =	wrdreg s7;
	s23 =	sadd.s32 s17, s22  }
0x3a: {  	s24 =	sadd.s32 $0x36FC00, s8;
	s22 =	sshrl.u32 s26, $0x3;
	[dreg:$0x13] =	wrdreg s19  }
0x3b: {  	s26 =	sadd.s32 $0x7A3000, s8;
	[dreg:$0x15] =	wrdreg s23;
	s7 =	sshrl.u32 s24, $0x3  }
0x3c: {  	s23 =	sadd.s32 s17, s22;
	s24 =	sadd.s32 $0x61C000, s8;
	s22 =	sshrl.u32 s26, $0x3  }
0x3d: {  	s26 =	sadd.s32 $0x98BC00, s8;
	s7 =	sadd.s32 s17, s7;
	[dreg:$0x18] =	wrdreg s23  }
0x3e: {  	s23 =	sadd.s32 s17, s22;
	s22 =	sshrl.u32 s26, $0x3;
	s26 =	sadd.s32 $0xC38000, s8  }
0x3f: {  	[dreg:$0x16] =	wrdreg s7;
	s7 =	sadd.s32 s17, s21;
	s21 =	sshrl.u32 s25, $0x3  }
0x40: {  	[dreg:$0x1b] =	wrdreg s23;
	s25 =	sadd.s32 $0x92A000, s8;
	s23 =	sadd.s32 s17, s22  }
0x41: {  	s22 =	sshrl.u32 s26, $0x3;
	s26 =	sadd.s32 $0xE20C00, s8;
	[dreg:$0x17] =	wrdreg s7  }
0x42: {  	s7 =	sshrl.u32 s24, $0x3;
	s24 =	sadd.s32 $0x804C00, s8;
	[dreg:$0x1e] =	wrdreg s23  }
0x43: {  	s23 =	sadd.s32 s17, s22;
	s22 =	sshrl.u32 s26, $0x3;
	s26 =	sadd.s32 $0x10CD000, s8  }
0x44: {  	s7 =	sadd.s32 s17, s7;
	[smem:$0x7F3] =	sst s23;
	s23 =	sadd.s32 s17, s22  }
0x45: {  	s20 =	sshrl.u32 s26, $0x3;
	s22 =	sadd.s32 $0x112EC00, s8;
	s26 =	sor.u32 s18, s1  }
0x46: {  	s18 =	sshll.u32 s12, $0x10;
	[dreg:$0x19] =	wrdreg s7;
	s7 =	sadd.s32 s17, s21  }
0x47: {  	s21 =	sshrl.u32 s25, $0x3;
	[dreg:$0x1a] =	wrdreg s7;
	s7 =	sshrl.u32 s24, $0x3  }
0x48: {  	s25 =	sadd.s32 $0xB12C00, s8;
	[smem:$0x7F6] =	sst s23;
	s7 =	sadd.s32 s17, s7  }
0x49: {  	s24 =	sadd.s32 $0xAB1000, s8;
	[dreg:$0x1c] =	wrdreg s7;
	s7 =	sadd.s32 s17, s21  }
0x4a: {  	s23 =	sadd.s32 $0x1254000, s8;
	[dreg:$0x1d] =	wrdreg s7;
	s7 =	sshrl.u32 s24, $0x3  }
0x4b: {  	s21 =	sshrl.u32 s25, $0x3;
	s25 =	sadd.s32 $0xDBF000, s8;
	s7 =	sadd.s32 s17, s7  }
0x4c: {  	s24 =	sadd.s32 $0xC99C00, s8;
	[dreg:$0x1f] =	wrdreg s7;
	s7 =	sadd.s32 s17, s21  }
0x4d: {  	s21 =	sshrl.u32 s25, $0x3;
	s25 =	sadd.s32 $0xFA7C00, s8;
	[smem:$0x7F2] =	sst s7  }
0x4e: {  	s7 =	sshrl.u32 s24, $0x3;
	s24 =	sadd.s32 $0xF46000, s8;
	s8 =	sadd.s32 $0x12B5C00, s8  }
0x4f: {  	s19 =	sshrl.u32 s25, $0x3;
	s7 =	sadd.s32 s17, s7;
	s8 =	sshrl.u32 s8, $0x3  }
0x50: {  	[smem:$0x7F4] =	sst s7;
	s7 =	sadd.s32 s17, s21;
	s21 =	sadd.s32 s17, s20  }
0x51: {  	s25 =	sadd.s32 s17, s8;
	s8 =	sor.u32 s1, s9;
	[smem:$0x7F5] =	sst s7  }
0x52: {  	s9 =	sor.u32 s1, s10;
	s20 =	sshll.u32 s16, $0x10;
	[smem:$0x7F9] =	sst s21  }
0x53: {  	s7 =	sshrl.u32 s24, $0x3;
	s24 =	sshrl.u32 s23, $0x3;
	[smem:$0x7FC] =	sst s25  }
0x54: {  	s8 =	sor.u32 s14, s8;
	s21 =	sor.u32 s14, s9;
	s9 =	simm.s32 $0x0  }
0x55: {  	s7 =	sadd.s32 s17, s7;
	[smem:$0x7FF] =	sst s9;
	s16 =	sshrl.u32 s8, $0x3  }
0x56: {  	[smem:$0x7F7] =	sst s7;
	s7 =	sadd.s32 s17, s19;
	s19 =	sshll.u32 s13, $0x10  }
0x57: {  	s13 =	sor.u32 s1, s20;
	[smem:$0x7F8] =	sst s7;
	s7 =	sshrl.u32 s22, $0x3  }
0x58: {  	s12 =	sor.u32 s1, s19;
	s22 =	rddreg [dreg:$0x2];
	s7 =	sadd.s32 s17, s7  }
0x59: {  	s25 =	sor.u32 s14, s12;
	s12 =	sadd.s32 s22, s3;
	s16 =	sadd.s32 s22, s16  }
0x5a: {  	s3 =	simm.s32 $0x1B700;
	[smem:$0x7FA] =	sst s7;
	s7 =	sadd.s32 s17, s24  }
0x5b: {  	s17 =	sshll.u32 s11, $0x10;
	s11 =	sor.u32 s1, s18;
	s25 =	sshrl.u32 s25, $0x3  }
0x5c: {  	[smem:$0x7FB] =	sst s7;
	s10 =	sor.u32 s1, s17;
	s1 =	sor.u32 s1, s15  }
0x5d: {  	s7 =	sor.u32 s14, s26;
	s24 =	sor.u32 s14, s11;
	s26 =	sor.u32 s14, s13  }
0x5e: {  	s11 =	sadd.s32 s22, s2;
	s13 =	sadd.s32 s22, s4;
	s17 =	sshrl.u32 s21, $0x3  }
0x5f: {  	s20 =	sadd.s32 s22, s25;
	s25 =	simm.s32 $0x400;
	s2 =	simm.s32 $0x4  }
0x60: {  	s4 =	simm.s32 $0x5;
	s23 =	sor.u32 s14, s10;
	s1 =	sor.u32 s14, s1  }
0x61: {  	s7 =	sshrl.u32 s7, $0x3;
	s10 =	sshrl.u32 s6, $0x3;
	s17 =	sadd.s32 s22, s17  }
0x62: {  	s24 =	sshrl.u32 s24, $0x3;
	s26 =	sshrl.u32 s26, $0x3;
	s6 =	simm.s32 $0x0  }
0x63: {  	s7 =	sadd.s32 s22, s7;
	s15 =	sadd.s32 s22, s10;
	s23 =	sshrl.u32 s23, $0x3  }
0x64: {  	s19 =	sadd.s32 s22, s24;
	s1 =	sshrl.u32 s1, $0x3;
	s21 =	sadd.s32 s22, s26  }
0x65: {  	s24 =	simm.s32 $0x80;
	s26 =	simm.s32 $0x18700;
	[smem:$0x7FD] =	sst s7  }
0x66: {  	s7 =	sshrl.u32 s5, $0x3;
	s18 =	sadd.s32 s22, s23;
	s23 =	smax.u32 s0, $0x1  }
0x67: {  	s0 =	simm.s32 $0x1A700;
	s5 =	simm.s32 $0x6;
	s14 =	sadd.s32 s22, s7  }
0x68: {  	v0 =	vlaneseq.u32;
	s22 =	sadd.s32 s22, s1;
	_ =	strace $0x80000047;
	s1 =	simm.s32 $0x2  }
.LBB2_1:
0x69: {  	s7 =	rddreg [dreg:$0x11]  }
0x6a: {  	[tilespmem:s9], [sflag:$0x1] =	stream.strided.gather [hbm4b:s7+s24], $0xC380, s25, s24, $0x38;
	[tilespmem:$0x1C700] =	vst v63  }
0x6b: {  	s10 =	rddreg [dreg:$0xd]  }
0x6c: {  	[tilespmem:s26], [sflag:$0x3] =	stream.strided.gather [hbm4b:s10+s24], $0x1000, s25, s24, $0x38;
	[tilespmem:$0x1C700] =	vst v63  }
0x6d: {  	_ =	swait.ge [sflag:s28], $0x1000  }
0x6e: {  	[sflag:s28] =	ssyncset.done $0x0  }
0x6f: {  	s8 =	rddreg [dreg:$0x4];
	[sflag:s28] =	ssyncadd.s32 $0xFFFFF000  }
0x70: {  	[tilespmem:s29], [sflag:$0x4] =	stream.strided.gather [hbm4b:s8+s24], $0x1000, s25, s24, $0x38;
	[tilespmem:$0x1C700] =	vst v63  }
0x71: {  	s10 =	rddreg [dreg:$0x12]  }
0x72: {  	[tilespmem:s30], [sflag:$0x2] =	stream.strided.gather [hbm4b:s10+s24], $0xC380, s25, s24, $0x38;
	[tilespmem:$0x1C700] =	vst v63  }
0x73: {  	_ =	swait.ge [sflag:s31], $0xC380  }
0x74: {  	[sflag:s31] =	ssyncset.done $0x0  }
0x75: {  	s7 =	simm.s32 $0x18720;
	s8 =	simm.s32 $0x0;
	[sflag:s31] =	ssyncadd.s32 $0xFFFF3C80  }
.LBB2_2:
0x76: {  	v1 =	vld [tilespmem:s7+$0xFFFFFFE0];
	_ =	sdelay $0x4  }
0x77: {  	vm0 =	vlt.s32 v1, $0xC380;
	_ =	sdelay $0x5  }
0x78: {  	v2 =	vor.u32 s8, v0;
	v1 =	vld.idx.msk [tilespmem:v1+s9+$0x0], vm0;
	_ =	sdelay $0x4  }
0x79: {  	[tilespmem:v2+s0+$0x0] =	vst.idx.msk vm0, v1  }
0x7a: {  	v1 =	vld [tilespmem:s7+$0xFFFFFFF0];
	_ =	sdelay $0x4  }
0x7b: {  	vm13 =	vlt.s32 v1, $0xC380;
	_ =	sdelay $0x4  }
0x7c: {  	s10 =	sadd.s32 $0x10, s8  }
0x7d: {  	v2 =	vor.u32 s10, v0;
	v1 =	vld.idx.msk [tilespmem:v1+s9+$0x0], vm13;
	_ =	sdelay $0x4  }
0x7e: {  	[tilespmem:v2+s0+$0x0] =	vst.idx.msk vm13, v1  }
0x7f: {  	v1 =	vld [tilespmem:s7+$0x0];
	_ =	sdelay $0x4  }
0x80: {  	vm14 =	vlt.s32 v1, $0xC380;
	_ =	sdelay $0x4  }
0x81: {  	s10 =	sadd.s32 $0x20, s8  }
0x82: {  	v2 =	vor.u32 s10, v0;
	v1 =	vld.idx.msk [tilespmem:v1+s9+$0x0], vm14;
	_ =	sdelay $0x4  }
0x83: {  	[tilespmem:v2+s0+$0x0] =	vst.idx.msk vm14, v1  }
0x84: {  	v1 =	vld [tilespmem:s7+$0x10];
	_ =	sdelay $0x4  }
0x85: {  	vm15 =	vlt.s32 v1, $0xC380;
	_ =	sdelay $0x4  }
0x86: {  	s10 =	sadd.s32 $0x30, s8  }
0x87: {  	p0 =	sne.s32 s8, $0xFC0;
	v2 =	vor.u32 s10, v0;
	v1 =	vld.idx.msk [tilespmem:v1+s9+$0x0], vm15  }
.Ltmp0:
0x88: {  	_ = 	snop;
	(pc) =	sbr.rel @p0 .LBB2_2-.Ltmp0, $2  }
0x89: {  	_ =	sdelay $0x2  }
0x8a: {  	s8 =	sadd.s32 $0x40, s8;
	s7 =	sadd.s32 $0x40, s7;
	[tilespmem:v2+s0+$0x0] =	vst.idx.msk vm15, v1  }
0x8b: {  	s7 =	simm.s32 $0x0;
	s8 =	rddreg [dreg:$0x13]  }
0x8c: {  	[tilespmem:s7], [sflag:$0x1] =	stream.strided.gather [hbm4b:s8+s24], $0xC380, s25, s24, $0x38;
	[tilespmem:$0x1C700] =	vst v63  }
0x8d: {  	_ =	swait.ge [sflag:s1], $0xC380  }
0x8e: {  	[sflag:s1] =	ssyncset.done $0x0  }
0x8f: {  	s8 =	simm.s32 $0x18720;
	[sflag:s1] =	ssyncadd.s32 $0xFFFF3C80  }
.LBB2_4:
0x90: {  	v1 =	vld [tilespmem:s8+$0xFFFFFFE0];
	_ =	sdelay $0x4  }
0x91: {  	vm0 =	vgt.s32 v1, $0xC37F  }
0x92: {  	v1 =	vadd.s32 $0xFFFF3C80, v1;
	_ =	sdelay $0x4  }
0x93: {  	v2 =	vor.u32 s7, v0;
	v1 =	vld.idx.msk [tilespmem:v1+s30+$0x0], vm0;
	_ =	sdelay $0x4  }
0x94: {  	[tilespmem:v2+s0+$0x0] =	vst.idx.msk vm0, v1  }
0x95: {  	v1 =	vld [tilespmem:s8+$0xFFFFFFF0];
	_ =	sdelay $0x4  }
0x96: {  	vm13 =	vgt.s32 v1, $0xC37F  }
0x97: {  	v1 =	vadd.s32 $0xFFFF3C80, v1;
	_ =	sdelay $0x3  }
0x98: {  	s10 =	sadd.s32 $0x10, s7  }
0x99: {  	v2 =	vor.u32 s10, v0;
	v1 =	vld.idx.msk [tilespmem:v1+s30+$0x0], vm13;
	_ =	sdelay $0x4  }
0x9a: {  	[tilespmem:v2+s0+$0x0] =	vst.idx.msk vm13, v1  }
0x9b: {  	v1 =	vld [tilespmem:s8+$0x0];
	_ =	sdelay $0x4  }
0x9c: {  	vm14 =	vgt.s32 v1, $0xC37F  }
0x9d: {  	v1 =	vadd.s32 $0xFFFF3C80, v1;
	_ =	sdelay $0x3  }
0x9e: {  	s10 =	sadd.s32 $0x20, s7  }
0x9f: {  	v2 =	vor.u32 s10, v0;
	v1 =	vld.idx.msk [tilespmem:v1+s30+$0x0], vm14;
	_ =	sdelay $0x4  }
0xa0: {  	[tilespmem:v2+s0+$0x0] =	vst.idx.msk vm14, v1  }
0xa1: {  	v1 =	vld [tilespmem:s8+$0x10];
	_ =	sdelay $0x4  }
0xa2: {  	vm15 =	vgt.s32 v1, $0xC37F  }
0xa3: {  	v1 =	vadd.s32 $0xFFFF3C80, v1;
	_ =	sdelay $0x3  }
0xa4: {  	s10 =	sadd.s32 $0x30, s7  }
0xa5: {  	p0 =	sne.s32 s7, $0xFC0;
	v2 =	vor.u32 s10, v0;
	v1 =	vld.idx.msk [tilespmem:v1+s30+$0x0], vm15  }
.Ltmp1:
0xa6: {  	_ = 	snop;
	(pc) =	sbr.rel @p0 .LBB2_4-.Ltmp1, $2  }
0xa7: {  	_ =	sdelay $0x2  }
0xa8: {  	s7 =	sadd.s32 $0x40, s7;
	s8 =	sadd.s32 $0x40, s8;
	[tilespmem:v2+s0+$0x0] =	vst.idx.msk vm15, v1  }
0xa9: {  	s7 =	sld [smem:$0x7FD];
	_ =	sdelay $0x2  }
0xaa: {  	[hbm4b:s7+s24] =	stream.strided.scatter [tilespmem:s0], [sflag:$0x5], $0x1000, s25, s24, $0x38;
	[tilespmem:$0x1C700] =	vst v63  }
0xab: {  	_ =	swait.ge [sflag:s2], $0x1000  }
0xac: {  	[sflag:s2] =	ssyncset.done $0x0  }
0xad: {  	s8 =	rddreg [dreg:$0x5];
	[sflag:s2] =	ssyncadd.s32 $0xFFFFF000  }
0xae: {  	[tilespmem:s26], [sflag:$0x3] =	stream.strided.gather [hbm4b:s8+s24], $0x1000, s25, s24, $0x38;
	[tilespmem:$0x1C700] =	vst v63  }
0xaf: {  	s10 =	rddreg [dreg:$0x14]  }
0xb0: {  	[tilespmem:s30], [sflag:$0x2] =	stream.strided.gather [hbm4b:s10+s24], $0xC380, s25, s24, $0x38;
	[tilespmem:$0x1C700] =	vst v63  }
0xb1: {  	_ =	swait.ge [sflag:s31], $0xC380  }
0xb2: {  	[sflag:s31] =	ssyncset.done $0x0  }
0xb3: {  	s7 =	simm.s32 $0x0;
	s8 =	simm.s32 $0x19720;
	[sflag:s31] =	ssyncadd.s32 $0xFFFF3C80  }
.LBB2_6:
0xb4: {  	v1 =	vld [tilespmem:s8+$0xFFFFFFE0];
	_ =	sdelay $0x4  }
0xb5: {  	vm0 =	vlt.s32 v1, $0xC380;
	_ =	sdelay $0x5  }
0xb6: {  	v2 =	vor.u32 s7, v0;
	v1 =	vld.idx.msk [tilespmem:v1+s9+$0x0], vm0;
	_ =	sdelay $0x4  }
0xb7: {  	[tilespmem:v2+s3+$0x0] =	vst.idx.msk vm0, v1  }
0xb8: {  	v1 =	vld [tilespmem:s8+$0xFFFFFFF0];
	_ =	sdelay $0x4  }
0xb9: {  	vm13 =	vlt.s32 v1, $0xC380;
	_ =	sdelay $0x4  }
0xba: {  	s10 =	sadd.s32 $0x10, s7  }
0xbb: {  	v2 =	vor.u32 s10, v0;
	v1 =	vld.idx.msk [tilespmem:v1+s9+$0x0], vm13;
	_ =	sdelay $0x4  }
0xbc: {  	[tilespmem:v2+s3+$0x0] =	vst.idx.msk vm13, v1  }
0xbd: {  	v1 =	vld [tilespmem:s8+$0x0];
	_ =	sdelay $0x4  }
0xbe: {  	vm14 =	vlt.s32 v1, $0xC380;
	_ =	sdelay $0x4  }
0xbf: {  	s10 =	sadd.s32 $0x20, s7  }
0xc0: {  	v2 =	vor.u32 s10, v0;
	v1 =	vld.idx.msk [tilespmem:v1+s9+$0x0], vm14;
	_ =	sdelay $0x4  }
0xc1: {  	[tilespmem:v2+s3+$0x0] =	vst.idx.msk vm14, v1  }
0xc2: {  	v1 =	vld [tilespmem:s8+$0x10];
	_ =	sdelay $0x4  }
0xc3: {  	vm15 =	vlt.s32 v1, $0xC380;
	_ =	sdelay $0x4  }
0xc4: {  	s10 =	sadd.s32 $0x30, s7  }
0xc5: {  	p0 =	sne.s32 s7, $0xFC0;
	v2 =	vor.u32 s10, v0;
	v1 =	vld.idx.msk [tilespmem:v1+s9+$0x0], vm15  }
.Ltmp2:
0xc6: {  	_ = 	snop;
	(pc) =	sbr.rel @p0 .LBB2_6-.Ltmp2, $2  }
0xc7: {  	_ =	sdelay $0x2  }
0xc8: {  	s7 =	sadd.s32 $0x40, s7;
	s8 =	sadd.s32 $0x40, s8;
	[tilespmem:v2+s3+$0x0] =	vst.idx.msk vm15, v1  }
0xc9: {  	s7 =	simm.s32 $0x0;
	s8 =	rddreg [dreg:$0x15]  }
0xca: {  	[tilespmem:s7], [sflag:$0x1] =	stream.strided.gather [hbm4b:s8+s24], $0xC380, s25, s24, $0x38;
	[tilespmem:$0x1C700] =	vst v63  }
0xcb: {  	_ =	swait.ge [sflag:s1], $0xC380  }
0xcc: {  	[sflag:s1] =	ssyncset.done $0x0  }
0xcd: {  	s8 =	simm.s32 $0x19720;
	[sflag:s1] =	ssyncadd.s32 $0xFFFF3C80  }
.LBB2_8:
0xce: {  	v1 =	vld [tilespmem:s8+$0xFFFFFFE0];
	_ =	sdelay $0x4  }
0xcf: {  	vm0 =	vgt.s32 v1, $0xC37F  }
0xd0: {  	v1 =	vadd.s32 $0xFFFF3C80, v1;
	_ =	sdelay $0x4  }
0xd1: {  	v2 =	vor.u32 s7, v0;
	v1 =	vld.idx.msk [tilespmem:v1+s30+$0x0], vm0;
	_ =	sdelay $0x4  }
0xd2: {  	[tilespmem:v2+s3+$0x0] =	vst.idx.msk vm0, v1  }
0xd3: {  	v1 =	vld [tilespmem:s8+$0xFFFFFFF0];
	_ =	sdelay $0x4  }
0xd4: {  	vm13 =	vgt.s32 v1, $0xC37F  }
0xd5: {  	v1 =	vadd.s32 $0xFFFF3C80, v1;
	_ =	sdelay $0x3  }
0xd6: {  	s10 =	sadd.s32 $0x10, s7  }
0xd7: {  	v2 =	vor.u32 s10, v0;
	v1 =	vld.idx.msk [tilespmem:v1+s30+$0x0], vm13;
	_ =	sdelay $0x4  }
0xd8: {  	[tilespmem:v2+s3+$0x0] =	vst.idx.msk vm13, v1  }
0xd9: {  	v1 =	vld [tilespmem:s8+$0x0];
	_ =	sdelay $0x4  }
0xda: {  	vm14 =	vgt.s32 v1, $0xC37F  }
0xdb: {  	v1 =	vadd.s32 $0xFFFF3C80, v1;
	_ =	sdelay $0x3  }
0xdc: {  	s10 =	sadd.s32 $0x20, s7  }
0xdd: {  	v2 =	vor.u32 s10, v0;
	v1 =	vld.idx.msk [tilespmem:v1+s30+$0x0], vm14;
	_ =	sdelay $0x4  }
0xde: {  	[tilespmem:v2+s3+$0x0] =	vst.idx.msk vm14, v1  }
0xdf: {  	v1 =	vld [tilespmem:s8+$0x10];
	_ =	sdelay $0x4  }
0xe0: {  	vm15 =	vgt.s32 v1, $0xC37F  }
0xe1: {  	v1 =	vadd.s32 $0xFFFF3C80, v1;
	_ =	sdelay $0x3  }
0xe2: {  	s10 =	sadd.s32 $0x30, s7  }
0xe3: {  	p0 =	sne.s32 s7, $0xFC0;
	v2 =	vor.u32 s10, v0;
	v1 =	vld.idx.msk [tilespmem:v1+s30+$0x0], vm15  }
.Ltmp3:
0xe4: {  	_ = 	snop;
	(pc) =	sbr.rel @p0 .LBB2_8-.Ltmp3, $2  }
0xe5: {  	_ =	sdelay $0x2  }
0xe6: {  	s7 =	sadd.s32 $0x40, s7;
	s8 =	sadd.s32 $0x40, s8;
	[tilespmem:v2+s3+$0x0] =	vst.idx.msk vm15, v1  }
0xe7: {  	[hbm4b:s11+s24] =	stream.strided.scatter [tilespmem:s3], [sflag:$0x6], $0x1000, s25, s24, $0x38;
	[tilespmem:$0x1C700] =	vst v63  }
0xe8: {  	_ =	swait.ge [sflag:s28], $0x1000  }
0xe9: {  	[sflag:s28] =	ssyncset.done $0x0  }
0xea: {  	s7 =	rddreg [dreg:$0x6];
	[sflag:s28] =	ssyncadd.s32 $0xFFFFF000  }
0xeb: {  	[tilespmem:s29], [sflag:$0x4] =	stream.strided.gather [hbm4b:s7+s24], $0x1000, s25, s24, $0x38;
	[tilespmem:$0x1C700] =	vst v63  }
0xec: {  	_ =	swait.ge [sflag:s4], $0x1000  }
0xed: {  	[sflag:s4] =	ssyncset.done $0x0  }
0xee: {  	s10 =	rddreg [dreg:$0x16];
	[sflag:s4] =	ssyncadd.s32 $0xFFFFF000  }
0xef: {  	[tilespmem:s30], [sflag:$0x2] =	stream.strided.gather [hbm4b:s10+s24], $0xC380, s25, s24, $0x38;
	[tilespmem:$0x1C700] =	vst v63  }
0xf0: {  	_ =	swait.ge [sflag:s31], $0xC380  }
0xf1: {  	[sflag:s31] =	ssyncset.done $0x0  }
0xf2: {  	s8 =	simm.s32 $0x18720;
	s7 =	simm.s32 $0x0;
	[sflag:s31] =	ssyncadd.s32 $0xFFFF3C80  }
.LBB2_10:
0xf3: {  	v1 =	vld [tilespmem:s8+$0xFFFFFFE0];
	_ =	sdelay $0x4  }
0xf4: {  	vm0 =	vlt.s32 v1, $0xC380;
	_ =	sdelay $0x5  }
0xf5: {  	v2 =	vor.u32 s7, v0;
	v1 =	vld.idx.msk [tilespmem:v1+s9+$0x0], vm0;
	_ =	sdelay $0x4  }
0xf6: {  	[tilespmem:v2+s0+$0x0] =	vst.idx.msk vm0, v1  }
0xf7: {  	v1 =	vld [tilespmem:s8+$0xFFFFFFF0];
	_ =	sdelay $0x4  }
0xf8: {  	vm13 =	vlt.s32 v1, $0xC380;
	_ =	sdelay $0x4  }
0xf9: {  	s10 =	sadd.s32 $0x10, s7  }
0xfa: {  	v2 =	vor.u32 s10, v0;
	v1 =	vld.idx.msk [tilespmem:v1+s9+$0x0], vm13;
	_ =	sdelay $0x4  }
0xfb: {  	[tilespmem:v2+s0+$0x0] =	vst.idx.msk vm13, v1  }
0xfc: {  	v1 =	vld [tilespmem:s8+$0x0];
	_ =	sdelay $0x4  }
0xfd: {  	vm14 =	vlt.s32 v1, $0xC380;
	_ =	sdelay $0x4  }
0xfe: {  	s10 =	sadd.s32 $0x20, s7  }
0xff: {  	v2 =	vor.u32 s10, v0;
	v1 =	vld.idx.msk [tilespmem:v1+s9+$0x0], vm14;
	_ =	sdelay $0x4  }
0x100: {  	[tilespmem:v2+s0+$0x0] =	vst.idx.msk vm14, v1  }
0x101: {  	v1 =	vld [tilespmem:s8+$0x10];
	_ =	sdelay $0x4  }
0x102: {  	vm15 =	vlt.s32 v1, $0xC380;
	_ =	sdelay $0x4  }
0x103: {  	s10 =	sadd.s32 $0x30, s7  }
0x104: {  	p0 =	sne.s32 s7, $0xFC0;
	v2 =	vor.u32 s10, v0;
	v1 =	vld.idx.msk [tilespmem:v1+s9+$0x0], vm15  }
.Ltmp4:
0x105: {  	_ = 	snop;
	(pc) =	sbr.rel @p0 .LBB2_10-.Ltmp4, $2  }
0x106: {  	_ =	sdelay $0x2  }
0x107: {  	s7 =	sadd.s32 $0x40, s7;
	s8 =	sadd.s32 $0x40, s8;
	[tilespmem:v2+s0+$0x0] =	vst.idx.msk vm15, v1  }
0x108: {  	s7 =	simm.s32 $0x0;
	s8 =	rddreg [dreg:$0x17]  }
0x109: {  	[tilespmem:s7], [sflag:$0x1] =	stream.strided.gather [hbm4b:s8+s24], $0xC380, s25, s24, $0x38;
	[tilespmem:$0x1C700] =	vst v63  }
0x10a: {  	_ =	swait.ge [sflag:s1], $0xC380  }
0x10b: {  	[sflag:s1] =	ssyncset.done $0x0  }
0x10c: {  	s8 =	simm.s32 $0x18720;
	[sflag:s1] =	ssyncadd.s32 $0xFFFF3C80  }
.LBB2_12:
0x10d: {  	v1 =	vld [tilespmem:s8+$0xFFFFFFE0];
	_ =	sdelay $0x4  }
0x10e: {  	vm0 =	vgt.s32 v1, $0xC37F  }
0x10f: {  	v1 =	vadd.s32 $0xFFFF3C80, v1;
	_ =	sdelay $0x4  }
0x110: {  	v2 =	vor.u32 s7, v0;
	v1 =	vld.idx.msk [tilespmem:v1+s30+$0x0], vm0;
	_ =	sdelay $0x4  }
0x111: {  	[tilespmem:v2+s0+$0x0] =	vst.idx.msk vm0, v1  }
0x112: {  	v1 =	vld [tilespmem:s8+$0xFFFFFFF0];
	_ =	sdelay $0x4  }
0x113: {  	vm13 =	vgt.s32 v1, $0xC37F  }
0x114: {  	v1 =	vadd.s32 $0xFFFF3C80, v1;
	_ =	sdelay $0x3  }
0x115: {  	s10 =	sadd.s32 $0x10, s7  }
0x116: {  	v2 =	vor.u32 s10, v0;
	v1 =	vld.idx.msk [tilespmem:v1+s30+$0x0], vm13;
	_ =	sdelay $0x4  }
0x117: {  	[tilespmem:v2+s0+$0x0] =	vst.idx.msk vm13, v1  }
0x118: {  	v1 =	vld [tilespmem:s8+$0x0];
	_ =	sdelay $0x4  }
0x119: {  	vm14 =	vgt.s32 v1, $0xC37F  }
0x11a: {  	v1 =	vadd.s32 $0xFFFF3C80, v1;
	_ =	sdelay $0x3  }
0x11b: {  	s10 =	sadd.s32 $0x20, s7  }
0x11c: {  	v2 =	vor.u32 s10, v0;
	v1 =	vld.idx.msk [tilespmem:v1+s30+$0x0], vm14;
	_ =	sdelay $0x4  }
0x11d: {  	[tilespmem:v2+s0+$0x0] =	vst.idx.msk vm14, v1  }
0x11e: {  	v1 =	vld [tilespmem:s8+$0x10];
	_ =	sdelay $0x4  }
0x11f: {  	vm15 =	vgt.s32 v1, $0xC37F  }
0x120: {  	v1 =	vadd.s32 $0xFFFF3C80, v1;
	_ =	sdelay $0x3  }
0x121: {  	s10 =	sadd.s32 $0x30, s7  }
0x122: {  	p0 =	sne.s32 s7, $0xFC0;
	v2 =	vor.u32 s10, v0;
	v1 =	vld.idx.msk [tilespmem:v1+s30+$0x0], vm15  }
.Ltmp5:
0x123: {  	_ = 	snop;
	(pc) =	sbr.rel @p0 .LBB2_12-.Ltmp5, $2  }
0x124: {  	_ =	sdelay $0x2  }
0x125: {  	s7 =	sadd.s32 $0x40, s7;
	s8 =	sadd.s32 $0x40, s8;
	[tilespmem:v2+s0+$0x0] =	vst.idx.msk vm15, v1  }
0x126: {  	[hbm4b:s12+s24] =	stream.strided.scatter [tilespmem:s0], [sflag:$0x5], $0x1000, s25, s24, $0x38;
	[tilespmem:$0x1C700] =	vst v63  }
0x127: {  	_ =	swait.ge [sflag:s2], $0x1000  }
0x128: {  	[sflag:s2] =	ssyncset.done $0x0  }
0x129: {  	s7 =	rddreg [dreg:$0x7];
	[sflag:s2] =	ssyncadd.s32 $0xFFFFF000  }
0x12a: {  	[tilespmem:s26], [sflag:$0x3] =	stream.strided.gather [hbm4b:s7+s24], $0x1000, s25, s24, $0x38;
	[tilespmem:$0x1C700] =	vst v63  }
0x12b: {  	_ =	swait.ge [sflag:s5], $0x1000  }
0x12c: {  	[sflag:s5] =	ssyncset.done $0x0  }
0x12d: {  	s10 =	rddreg [dreg:$0x18];
	[sflag:s5] =	ssyncadd.s32 $0xFFFFF000  }
0x12e: {  	[tilespmem:s30], [sflag:$0x2] =	stream.strided.gather [hbm4b:s10+s24], $0xC380, s25, s24, $0x38;
	[tilespmem:$0x1C700] =	vst v63  }
0x12f: {  	_ =	swait.ge [sflag:s31], $0xC380  }
0x130: {  	[sflag:s31] =	ssyncset.done $0x0  }
0x131: {  	s8 =	simm.s32 $0x19720;
	s7 =	simm.s32 $0x0;
	[sflag:s31] =	ssyncadd.s32 $0xFFFF3C80  }
.LBB2_14:
0x132: {  	v1 =	vld [tilespmem:s8+$0xFFFFFFE0];
	_ =	sdelay $0x4  }
0x133: {  	vm0 =	vlt.s32 v1, $0xC380;
	_ =	sdelay $0x5  }
0x134: {  	v2 =	vor.u32 s7, v0;
	v1 =	vld.idx.msk [tilespmem:v1+s9+$0x0], vm0;
	_ =	sdelay $0x4  }
0x135: {  	[tilespmem:v2+s3+$0x0] =	vst.idx.msk vm0, v1  }
0x136: {  	v1 =	vld [tilespmem:s8+$0xFFFFFFF0];
	_ =	sdelay $0x4  }
0x137: {  	vm13 =	vlt.s32 v1, $0xC380;
	_ =	sdelay $0x4  }
0x138: {  	s10 =	sadd.s32 $0x10, s7  }
0x139: {  	v2 =	vor.u32 s10, v0;
	v1 =	vld.idx.msk [tilespmem:v1+s9+$0x0], vm13;
	_ =	sdelay $0x4  }
0x13a: {  	[tilespmem:v2+s3+$0x0] =	vst.idx.msk vm13, v1  }
0x13b: {  	v1 =	vld [tilespmem:s8+$0x0];
	_ =	sdelay $0x4  }
0x13c: {  	vm14 =	vlt.s32 v1, $0xC380;
	_ =	sdelay $0x4  }
0x13d: {  	s10 =	sadd.s32 $0x20, s7  }
0x13e: {  	v2 =	vor.u32 s10, v0;
	v1 =	vld.idx.msk [tilespmem:v1+s9+$0x0], vm14;
	_ =	sdelay $0x4  }
0x13f: {  	[tilespmem:v2+s3+$0x0] =	vst.idx.msk vm14, v1  }
0x140: {  	v1 =	vld [tilespmem:s8+$0x10];
	_ =	sdelay $0x4  }
0x141: {  	vm15 =	vlt.s32 v1, $0xC380;
	_ =	sdelay $0x4  }
0x142: {  	s10 =	sadd.s32 $0x30, s7  }
0x143: {  	p0 =	sne.s32 s7, $0xFC0;
	v2 =	vor.u32 s10, v0;
	v1 =	vld.idx.msk [tilespmem:v1+s9+$0x0], vm15  }
.Ltmp6:
0x144: {  	_ = 	snop;
	(pc) =	sbr.rel @p0 .LBB2_14-.Ltmp6, $2  }
0x145: {  	_ =	sdelay $0x2  }
0x146: {  	s7 =	sadd.s32 $0x40, s7;
	s8 =	sadd.s32 $0x40, s8;
	[tilespmem:v2+s3+$0x0] =	vst.idx.msk vm15, v1  }
0x147: {  	s7 =	simm.s32 $0x0;
	s8 =	rddreg [dreg:$0x19]  }
0x148: {  	[tilespmem:s7], [sflag:$0x1] =	stream.strided.gather [hbm4b:s8+s24], $0xC380, s25, s24, $0x38;
	[tilespmem:$0x1C700] =	vst v63  }
0x149: {  	_ =	swait.ge [sflag:s1], $0xC380  }
0x14a: {  	[sflag:s1] =	ssyncset.done $0x0  }
0x14b: {  	s8 =	simm.s32 $0x19720;
	[sflag:s1] =	ssyncadd.s32 $0xFFFF3C80  }
.LBB2_16:
0x14c: {  	v1 =	vld [tilespmem:s8+$0xFFFFFFE0];
	_ =	sdelay $0x4  }
0x14d: {  	vm0 =	vgt.s32 v1, $0xC37F  }
0x14e: {  	v1 =	vadd.s32 $0xFFFF3C80, v1;
	_ =	sdelay $0x4  }
0x14f: {  	v2 =	vor.u32 s7, v0;
	v1 =	vld.idx.msk [tilespmem:v1+s30+$0x0], vm0;
	_ =	sdelay $0x4  }
0x150: {  	[tilespmem:v2+s3+$0x0] =	vst.idx.msk vm0, v1  }
0x151: {  	v1 =	vld [tilespmem:s8+$0xFFFFFFF0];
	_ =	sdelay $0x4  }
0x152: {  	vm13 =	vgt.s32 v1, $0xC37F  }
0x153: {  	v1 =	vadd.s32 $0xFFFF3C80, v1;
	_ =	sdelay $0x3  }
0x154: {  	s10 =	sadd.s32 $0x10, s7  }
0x155: {  	v2 =	vor.u32 s10, v0;
	v1 =	vld.idx.msk [tilespmem:v1+s30+$0x0], vm13;
	_ =	sdelay $0x4  }
0x156: {  	[tilespmem:v2+s3+$0x0] =	vst.idx.msk vm13, v1  }
0x157: {  	v1 =	vld [tilespmem:s8+$0x0];
	_ =	sdelay $0x4  }
0x158: {  	vm14 =	vgt.s32 v1, $0xC37F  }
0x159: {  	v1 =	vadd.s32 $0xFFFF3C80, v1;
	_ =	sdelay $0x3  }
0x15a: {  	s10 =	sadd.s32 $0x20, s7  }
0x15b: {  	v2 =	vor.u32 s10, v0;
	v1 =	vld.idx.msk [tilespmem:v1+s30+$0x0], vm14;
	_ =	sdelay $0x4  }
0x15c: {  	[tilespmem:v2+s3+$0x0] =	vst.idx.msk vm14, v1  }
0x15d: {  	v1 =	vld [tilespmem:s8+$0x10];
	_ =	sdelay $0x4  }
0x15e: {  	vm15 =	vgt.s32 v1, $0xC37F  }
0x15f: {  	v1 =	vadd.s32 $0xFFFF3C80, v1;
	_ =	sdelay $0x3  }
0x160: {  	s10 =	sadd.s32 $0x30, s7  }
0x161: {  	p0 =	sne.s32 s7, $0xFC0;
	v2 =	vor.u32 s10, v0;
	v1 =	vld.idx.msk [tilespmem:v1+s30+$0x0], vm15  }
.Ltmp7:
0x162: {  	_ = 	snop;
	(pc) =	sbr.rel @p0 .LBB2_16-.Ltmp7, $2  }
0x163: {  	_ =	sdelay $0x2  }
0x164: {  	s7 =	sadd.s32 $0x40, s7;
	s8 =	sadd.s32 $0x40, s8;
	[tilespmem:v2+s3+$0x0] =	vst.idx.msk vm15, v1  }
0x165: {  	[hbm4b:s13+s24] =	stream.strided.scatter [tilespmem:s3], [sflag:$0x6], $0x1000, s25, s24, $0x38;
	[tilespmem:$0x1C700] =	vst v63  }
0x166: {  	_ =	swait.ge [sflag:s28], $0x1000  }
0x167: {  	[sflag:s28] =	ssyncset.done $0x0  }
0x168: {  	s7 =	rddreg [dreg:$0x8];
	[sflag:s28] =	ssyncadd.s32 $0xFFFFF000  }
0x169: {  	[tilespmem:s29], [sflag:$0x4] =	stream.strided.gather [hbm4b:s7+s24], $0x1000, s25, s24, $0x38;
	[tilespmem:$0x1C700] =	vst v63  }
0x16a: {  	_ =	swait.ge [sflag:s4], $0x1000  }
0x16b: {  	[sflag:s4] =	ssyncset.done $0x0  }
0x16c: {  	s10 =	rddreg [dreg:$0x1a];
	[sflag:s4] =	ssyncadd.s32 $0xFFFFF000  }
0x16d: {  	[tilespmem:s30], [sflag:$0x2] =	stream.strided.gather [hbm4b:s10+s24], $0xC380, s25, s24, $0x38;
	[tilespmem:$0x1C700] =	vst v63  }
0x16e: {  	_ =	swait.ge [sflag:s31], $0xC380  }
0x16f: {  	[sflag:s31] =	ssyncset.done $0x0  }
0x170: {  	s8 =	simm.s32 $0x18720;
	s7 =	simm.s32 $0x0;
	[sflag:s31] =	ssyncadd.s32 $0xFFFF3C80  }
.LBB2_18:
0x171: {  	v1 =	vld [tilespmem:s8+$0xFFFFFFE0];
	_ =	sdelay $0x4  }
0x172: {  	vm0 =	vlt.s32 v1, $0xC380;
	_ =	sdelay $0x5  }
0x173: {  	v2 =	vor.u32 s7, v0;
	v1 =	vld.idx.msk [tilespmem:v1+s9+$0x0], vm0;
	_ =	sdelay $0x4  }
0x174: {  	[tilespmem:v2+s0+$0x0] =	vst.idx.msk vm0, v1  }
0x175: {  	v1 =	vld [tilespmem:s8+$0xFFFFFFF0];
	_ =	sdelay $0x4  }
0x176: {  	vm13 =	vlt.s32 v1, $0xC380;
	_ =	sdelay $0x4  }
0x177: {  	s10 =	sadd.s32 $0x10, s7  }
0x178: {  	v2 =	vor.u32 s10, v0;
	v1 =	vld.idx.msk [tilespmem:v1+s9+$0x0], vm13;
	_ =	sdelay $0x4  }
0x179: {  	[tilespmem:v2+s0+$0x0] =	vst.idx.msk vm13, v1  }
0x17a: {  	v1 =	vld [tilespmem:s8+$0x0];
	_ =	sdelay $0x4  }
0x17b: {  	vm14 =	vlt.s32 v1, $0xC380;
	_ =	sdelay $0x4  }
0x17c: {  	s10 =	sadd.s32 $0x20, s7  }
0x17d: {  	v2 =	vor.u32 s10, v0;
	v1 =	vld.idx.msk [tilespmem:v1+s9+$0x0], vm14;
	_ =	sdelay $0x4  }
0x17e: {  	[tilespmem:v2+s0+$0x0] =	vst.idx.msk vm14, v1  }
0x17f: {  	v1 =	vld [tilespmem:s8+$0x10];
	_ =	sdelay $0x4  }
0x180: {  	vm15 =	vlt.s32 v1, $0xC380;
	_ =	sdelay $0x4  }
0x181: {  	s10 =	sadd.s32 $0x30, s7  }
0x182: {  	p0 =	sne.s32 s7, $0xFC0;
	v2 =	vor.u32 s10, v0;
	v1 =	vld.idx.msk [tilespmem:v1+s9+$0x0], vm15  }
.Ltmp8:
0x183: {  	_ = 	snop;
	(pc) =	sbr.rel @p0 .LBB2_18-.Ltmp8, $2  }
0x184: {  	_ =	sdelay $0x2  }
0x185: {  	s7 =	sadd.s32 $0x40, s7;
	s8 =	sadd.s32 $0x40, s8;
	[tilespmem:v2+s0+$0x0] =	vst.idx.msk vm15, v1  }
0x186: {  	s7 =	simm.s32 $0x0;
	s8 =	rddreg [dreg:$0x1b]  }
0x187: {  	[tilespmem:s7], [sflag:$0x1] =	stream.strided.gather [hbm4b:s8+s24], $0xC380, s25, s24, $0x38;
	[tilespmem:$0x1C700] =	vst v63  }
0x188: {  	_ =	swait.ge [sflag:s1], $0xC380  }
0x189: {  	[sflag:s1] =	ssyncset.done $0x0  }
0x18a: {  	s8 =	simm.s32 $0x18720;
	[sflag:s1] =	ssyncadd.s32 $0xFFFF3C80  }
.LBB2_20:
0x18b: {  	v1 =	vld [tilespmem:s8+$0xFFFFFFE0];
	_ =	sdelay $0x4  }
0x18c: {  	vm0 =	vgt.s32 v1, $0xC37F  }
0x18d: {  	v1 =	vadd.s32 $0xFFFF3C80, v1;
	_ =	sdelay $0x4  }
0x18e: {  	v2 =	vor.u32 s7, v0;
	v1 =	vld.idx.msk [tilespmem:v1+s30+$0x0], vm0;
	_ =	sdelay $0x4  }
0x18f: {  	[tilespmem:v2+s0+$0x0] =	vst.idx.msk vm0, v1  }
0x190: {  	v1 =	vld [tilespmem:s8+$0xFFFFFFF0];
	_ =	sdelay $0x4  }
0x191: {  	vm13 =	vgt.s32 v1, $0xC37F  }
0x192: {  	v1 =	vadd.s32 $0xFFFF3C80, v1;
	_ =	sdelay $0x3  }
0x193: {  	s10 =	sadd.s32 $0x10, s7  }
0x194: {  	v2 =	vor.u32 s10, v0;
	v1 =	vld.idx.msk [tilespmem:v1+s30+$0x0], vm13;
	_ =	sdelay $0x4  }
0x195: {  	[tilespmem:v2+s0+$0x0] =	vst.idx.msk vm13, v1  }
0x196: {  	v1 =	vld [tilespmem:s8+$0x0];
	_ =	sdelay $0x4  }
0x197: {  	vm14 =	vgt.s32 v1, $0xC37F  }
0x198: {  	v1 =	vadd.s32 $0xFFFF3C80, v1;
	_ =	sdelay $0x3  }
0x199: {  	s10 =	sadd.s32 $0x20, s7  }
0x19a: {  	v2 =	vor.u32 s10, v0;
	v1 =	vld.idx.msk [tilespmem:v1+s30+$0x0], vm14;
	_ =	sdelay $0x4  }
0x19b: {  	[tilespmem:v2+s0+$0x0] =	vst.idx.msk vm14, v1  }
0x19c: {  	v1 =	vld [tilespmem:s8+$0x10];
	_ =	sdelay $0x4  }
0x19d: {  	vm15 =	vgt.s32 v1, $0xC37F  }
0x19e: {  	v1 =	vadd.s32 $0xFFFF3C80, v1;
	_ =	sdelay $0x3  }
0x19f: {  	s10 =	sadd.s32 $0x30, s7  }
0x1a0: {  	p0 =	sne.s32 s7, $0xFC0;
	v2 =	vor.u32 s10, v0;
	v1 =	vld.idx.msk [tilespmem:v1+s30+$0x0], vm15  }
.Ltmp9:
0x1a1: {  	_ = 	snop;
	(pc) =	sbr.rel @p0 .LBB2_20-.Ltmp9, $2  }
0x1a2: {  	_ =	sdelay $0x2  }
0x1a3: {  	s7 =	sadd.s32 $0x40, s7;
	s8 =	sadd.s32 $0x40, s8;
	[tilespmem:v2+s0+$0x0] =	vst.idx.msk vm15, v1  }
0x1a4: {  	[hbm4b:s14+s24] =	stream.strided.scatter [tilespmem:s0], [sflag:$0x5], $0x1000, s25, s24, $0x38;
	[tilespmem:$0x1C700] =	vst v63  }
0x1a5: {  	_ =	swait.ge [sflag:s2], $0x1000  }
0x1a6: {  	[sflag:s2] =	ssyncset.done $0x0  }
0x1a7: {  	s7 =	rddreg [dreg:$0x9];
	[sflag:s2] =	ssyncadd.s32 $0xFFFFF000  }
0x1a8: {  	[tilespmem:s26], [sflag:$0x3] =	stream.strided.gather [hbm4b:s7+s24], $0x1000, s25, s24, $0x38;
	[tilespmem:$0x1C700] =	vst v63  }
0x1a9: {  	_ =	swait.ge [sflag:s5], $0x1000  }
0x1aa: {  	[sflag:s5] =	ssyncset.done $0x0  }
0x1ab: {  	s10 =	rddreg [dreg:$0x1c];
	[sflag:s5] =	ssyncadd.s32 $0xFFFFF000  }
0x1ac: {  	[tilespmem:s30], [sflag:$0x2] =	stream.strided.gather [hbm4b:s10+s24], $0xC380, s25, s24, $0x38;
	[tilespmem:$0x1C700] =	vst v63  }
0x1ad: {  	_ =	swait.ge [sflag:s31], $0xC380  }
0x1ae: {  	[sflag:s31] =	ssyncset.done $0x0  }
0x1af: {  	s8 =	simm.s32 $0x19720;
	s7 =	simm.s32 $0x0;
	[sflag:s31] =	ssyncadd.s32 $0xFFFF3C80  }
.LBB2_22:
0x1b0: {  	v1 =	vld [tilespmem:s8+$0xFFFFFFE0];
	_ =	sdelay $0x4  }
0x1b1: {  	vm0 =	vlt.s32 v1, $0xC380;
	_ =	sdelay $0x5  }
0x1b2: {  	v2 =	vor.u32 s7, v0;
	v1 =	vld.idx.msk [tilespmem:v1+s9+$0x0], vm0;
	_ =	sdelay $0x4  }
0x1b3: {  	[tilespmem:v2+s3+$0x0] =	vst.idx.msk vm0, v1  }
0x1b4: {  	v1 =	vld [tilespmem:s8+$0xFFFFFFF0];
	_ =	sdelay $0x4  }
0x1b5: {  	vm13 =	vlt.s32 v1, $0xC380;
	_ =	sdelay $0x4  }
0x1b6: {  	s10 =	sadd.s32 $0x10, s7  }
0x1b7: {  	v2 =	vor.u32 s10, v0;
	v1 =	vld.idx.msk [tilespmem:v1+s9+$0x0], vm13;
	_ =	sdelay $0x4  }
0x1b8: {  	[tilespmem:v2+s3+$0x0] =	vst.idx.msk vm13, v1  }
0x1b9: {  	v1 =	vld [tilespmem:s8+$0x0];
	_ =	sdelay $0x4  }
0x1ba: {  	vm14 =	vlt.s32 v1, $0xC380;
	_ =	sdelay $0x4  }
0x1bb: {  	s10 =	sadd.s32 $0x20, s7  }
0x1bc: {  	v2 =	vor.u32 s10, v0;
	v1 =	vld.idx.msk [tilespmem:v1+s9+$0x0], vm14;
	_ =	sdelay $0x4  }
0x1bd: {  	[tilespmem:v2+s3+$0x0] =	vst.idx.msk vm14, v1  }
0x1be: {  	v1 =	vld [tilespmem:s8+$0x10];
	_ =	sdelay $0x4  }
0x1bf: {  	vm15 =	vlt.s32 v1, $0xC380;
	_ =	sdelay $0x4  }
0x1c0: {  	s10 =	sadd.s32 $0x30, s7  }
0x1c1: {  	p0 =	sne.s32 s7, $0xFC0;
	v2 =	vor.u32 s10, v0;
	v1 =	vld.idx.msk [tilespmem:v1+s9+$0x0], vm15  }
.Ltmp10:
0x1c2: {  	_ = 	snop;
	(pc) =	sbr.rel @p0 .LBB2_22-.Ltmp10, $2  }
0x1c3: {  	_ =	sdelay $0x2  }
0x1c4: {  	s7 =	sadd.s32 $0x40, s7;
	s8 =	sadd.s32 $0x40, s8;
	[tilespmem:v2+s3+$0x0] =	vst.idx.msk vm15, v1  }
0x1c5: {  	s7 =	simm.s32 $0x0;
	s8 =	rddreg [dreg:$0x1d]  }
0x1c6: {  	[tilespmem:s7], [sflag:$0x1] =	stream.strided.gather [hbm4b:s8+s24], $0xC380, s25, s24, $0x38;
	[tilespmem:$0x1C700] =	vst v63  }
0x1c7: {  	_ =	swait.ge [sflag:s1], $0xC380  }
0x1c8: {  	[sflag:s1] =	ssyncset.done $0x0  }
0x1c9: {  	s8 =	simm.s32 $0x19720;
	[sflag:s1] =	ssyncadd.s32 $0xFFFF3C80  }
.LBB2_24:
0x1ca: {  	v1 =	vld [tilespmem:s8+$0xFFFFFFE0];
	_ =	sdelay $0x4  }
0x1cb: {  	vm0 =	vgt.s32 v1, $0xC37F  }
0x1cc: {  	v1 =	vadd.s32 $0xFFFF3C80, v1;
	_ =	sdelay $0x4  }
0x1cd: {  	v2 =	vor.u32 s7, v0;
	v1 =	vld.idx.msk [tilespmem:v1+s30+$0x0], vm0;
	_ =	sdelay $0x4  }
0x1ce: {  	[tilespmem:v2+s3+$0x0] =	vst.idx.msk vm0, v1  }
0x1cf: {  	v1 =	vld [tilespmem:s8+$0xFFFFFFF0];
	_ =	sdelay $0x4  }
0x1d0: {  	vm13 =	vgt.s32 v1, $0xC37F  }
0x1d1: {  	v1 =	vadd.s32 $0xFFFF3C80, v1;
	_ =	sdelay $0x3  }
0x1d2: {  	s10 =	sadd.s32 $0x10, s7  }
0x1d3: {  	v2 =	vor.u32 s10, v0;
	v1 =	vld.idx.msk [tilespmem:v1+s30+$0x0], vm13;
	_ =	sdelay $0x4  }
0x1d4: {  	[tilespmem:v2+s3+$0x0] =	vst.idx.msk vm13, v1  }
0x1d5: {  	v1 =	vld [tilespmem:s8+$0x0];
	_ =	sdelay $0x4  }
0x1d6: {  	vm14 =	vgt.s32 v1, $0xC37F  }
0x1d7: {  	v1 =	vadd.s32 $0xFFFF3C80, v1;
	_ =	sdelay $0x3  }
0x1d8: {  	s10 =	sadd.s32 $0x20, s7  }
0x1d9: {  	v2 =	vor.u32 s10, v0;
	v1 =	vld.idx.msk [tilespmem:v1+s30+$0x0], vm14;
	_ =	sdelay $0x4  }
0x1da: {  	[tilespmem:v2+s3+$0x0] =	vst.idx.msk vm14, v1  }
0x1db: {  	v1 =	vld [tilespmem:s8+$0x10];
	_ =	sdelay $0x4  }
0x1dc: {  	vm15 =	vgt.s32 v1, $0xC37F  }
0x1dd: {  	v1 =	vadd.s32 $0xFFFF3C80, v1;
	_ =	sdelay $0x3  }
0x1de: {  	s10 =	sadd.s32 $0x30, s7  }
0x1df: {  	p0 =	sne.s32 s7, $0xFC0;
	v2 =	vor.u32 s10, v0;
	v1 =	vld.idx.msk [tilespmem:v1+s30+$0x0], vm15  }
.Ltmp11:
0x1e0: {  	_ = 	snop;
	(pc) =	sbr.rel @p0 .LBB2_24-.Ltmp11, $2  }
0x1e1: {  	_ =	sdelay $0x2  }
0x1e2: {  	s7 =	sadd.s32 $0x40, s7;
	s8 =	sadd.s32 $0x40, s8;
	[tilespmem:v2+s3+$0x0] =	vst.idx.msk vm15, v1  }
0x1e3: {  	[hbm4b:s15+s24] =	stream.strided.scatter [tilespmem:s3], [sflag:$0x6], $0x1000, s25, s24, $0x38;
	[tilespmem:$0x1C700] =	vst v63  }
0x1e4: {  	_ =	swait.ge [sflag:s28], $0x1000  }
0x1e5: {  	[sflag:s28] =	ssyncset.done $0x0  }
0x1e6: {  	s7 =	rddreg [dreg:$0xa];
	[sflag:s28] =	ssyncadd.s32 $0xFFFFF000  }
0x1e7: {  	[tilespmem:s29], [sflag:$0x4] =	stream.strided.gather [hbm4b:s7+s24], $0x1000, s25, s24, $0x38;
	[tilespmem:$0x1C700] =	vst v63  }
0x1e8: {  	_ =	swait.ge [sflag:s4], $0x1000  }
0x1e9: {  	[sflag:s4] =	ssyncset.done $0x0  }
0x1ea: {  	s10 =	rddreg [dreg:$0x1e];
	[sflag:s4] =	ssyncadd.s32 $0xFFFFF000  }
0x1eb: {  	[tilespmem:s30], [sflag:$0x2] =	stream.strided.gather [hbm4b:s10+s24], $0xC380, s25, s24, $0x38;
	[tilespmem:$0x1C700] =	vst v63  }
0x1ec: {  	_ =	swait.ge [sflag:s31], $0xC380  }
0x1ed: {  	[sflag:s31] =	ssyncset.done $0x0  }
0x1ee: {  	s8 =	simm.s32 $0x18720;
	s7 =	simm.s32 $0x0;
	[sflag:s31] =	ssyncadd.s32 $0xFFFF3C80  }
.LBB2_26:
0x1ef: {  	v1 =	vld [tilespmem:s8+$0xFFFFFFE0];
	_ =	sdelay $0x4  }
0x1f0: {  	vm0 =	vlt.s32 v1, $0xC380;
	_ =	sdelay $0x5  }
0x1f1: {  	v2 =	vor.u32 s7, v0;
	v1 =	vld.idx.msk [tilespmem:v1+s9+$0x0], vm0;
	_ =	sdelay $0x4  }
0x1f2: {  	[tilespmem:v2+s0+$0x0] =	vst.idx.msk vm0, v1  }
0x1f3: {  	v1 =	vld [tilespmem:s8+$0xFFFFFFF0];
	_ =	sdelay $0x4  }
0x1f4: {  	vm13 =	vlt.s32 v1, $0xC380;
	_ =	sdelay $0x4  }
0x1f5: {  	s10 =	sadd.s32 $0x10, s7  }
0x1f6: {  	v2 =	vor.u32 s10, v0;
	v1 =	vld.idx.msk [tilespmem:v1+s9+$0x0], vm13;
	_ =	sdelay $0x4  }
0x1f7: {  	[tilespmem:v2+s0+$0x0] =	vst.idx.msk vm13, v1  }
0x1f8: {  	v1 =	vld [tilespmem:s8+$0x0];
	_ =	sdelay $0x4  }
0x1f9: {  	vm14 =	vlt.s32 v1, $0xC380;
	_ =	sdelay $0x4  }
0x1fa: {  	s10 =	sadd.s32 $0x20, s7  }
0x1fb: {  	v2 =	vor.u32 s10, v0;
	v1 =	vld.idx.msk [tilespmem:v1+s9+$0x0], vm14;
	_ =	sdelay $0x4  }
0x1fc: {  	[tilespmem:v2+s0+$0x0] =	vst.idx.msk vm14, v1  }
0x1fd: {  	v1 =	vld [tilespmem:s8+$0x10];
	_ =	sdelay $0x4  }
0x1fe: {  	vm15 =	vlt.s32 v1, $0xC380;
	_ =	sdelay $0x4  }
0x1ff: {  	s10 =	sadd.s32 $0x30, s7  }
0x200: {  	p0 =	sne.s32 s7, $0xFC0;
	v2 =	vor.u32 s10, v0;
	v1 =	vld.idx.msk [tilespmem:v1+s9+$0x0], vm15  }
.Ltmp12:
0x201: {  	_ = 	snop;
	(pc) =	sbr.rel @p0 .LBB2_26-.Ltmp12, $2  }
0x202: {  	_ =	sdelay $0x2  }
0x203: {  	s7 =	sadd.s32 $0x40, s7;
	s8 =	sadd.s32 $0x40, s8;
	[tilespmem:v2+s0+$0x0] =	vst.idx.msk vm15, v1  }
0x204: {  	s7 =	simm.s32 $0x0;
	s8 =	rddreg [dreg:$0x1f]  }
0x205: {  	[tilespmem:s7], [sflag:$0x1] =	stream.strided.gather [hbm4b:s8+s24], $0xC380, s25, s24, $0x38;
	[tilespmem:$0x1C700] =	vst v63  }
0x206: {  	_ =	swait.ge [sflag:s1], $0xC380  }
0x207: {  	[sflag:s1] =	ssyncset.done $0x0  }
0x208: {  	s8 =	simm.s32 $0x18720;
	[sflag:s1] =	ssyncadd.s32 $0xFFFF3C80  }
.LBB2_28:
0x209: {  	v1 =	vld [tilespmem:s8+$0xFFFFFFE0];
	_ =	sdelay $0x4  }
0x20a: {  	vm0 =	vgt.s32 v1, $0xC37F  }
0x20b: {  	v1 =	vadd.s32 $0xFFFF3C80, v1;
	_ =	sdelay $0x4  }
0x20c: {  	v2 =	vor.u32 s7, v0;
	v1 =	vld.idx.msk [tilespmem:v1+s30+$0x0], vm0;
	_ =	sdelay $0x4  }
0x20d: {  	[tilespmem:v2+s0+$0x0] =	vst.idx.msk vm0, v1  }
0x20e: {  	v1 =	vld [tilespmem:s8+$0xFFFFFFF0];
	_ =	sdelay $0x4  }
0x20f: {  	vm13 =	vgt.s32 v1, $0xC37F  }
0x210: {  	v1 =	vadd.s32 $0xFFFF3C80, v1;
	_ =	sdelay $0x3  }
0x211: {  	s10 =	sadd.s32 $0x10, s7  }
0x212: {  	v2 =	vor.u32 s10, v0;
	v1 =	vld.idx.msk [tilespmem:v1+s30+$0x0], vm13;
	_ =	sdelay $0x4  }
0x213: {  	[tilespmem:v2+s0+$0x0] =	vst.idx.msk vm13, v1  }
0x214: {  	v1 =	vld [tilespmem:s8+$0x0];
	_ =	sdelay $0x4  }
0x215: {  	vm14 =	vgt.s32 v1, $0xC37F  }
0x216: {  	v1 =	vadd.s32 $0xFFFF3C80, v1;
	_ =	sdelay $0x3  }
0x217: {  	s10 =	sadd.s32 $0x20, s7  }
0x218: {  	v2 =	vor.u32 s10, v0;
	v1 =	vld.idx.msk [tilespmem:v1+s30+$0x0], vm14;
	_ =	sdelay $0x4  }
0x219: {  	[tilespmem:v2+s0+$0x0] =	vst.idx.msk vm14, v1  }
0x21a: {  	v1 =	vld [tilespmem:s8+$0x10];
	_ =	sdelay $0x4  }
0x21b: {  	vm15 =	vgt.s32 v1, $0xC37F  }
0x21c: {  	v1 =	vadd.s32 $0xFFFF3C80, v1;
	_ =	sdelay $0x3  }
0x21d: {  	s10 =	sadd.s32 $0x30, s7  }
0x21e: {  	p0 =	sne.s32 s7, $0xFC0;
	v2 =	vor.u32 s10, v0;
	v1 =	vld.idx.msk [tilespmem:v1+s30+$0x0], vm15  }
.Ltmp13:
0x21f: {  	_ = 	snop;
	(pc) =	sbr.rel @p0 .LBB2_28-.Ltmp13, $2  }
0x220: {  	_ =	sdelay $0x2  }
0x221: {  	s7 =	sadd.s32 $0x40, s7;
	s8 =	sadd.s32 $0x40, s8;
	[tilespmem:v2+s0+$0x0] =	vst.idx.msk vm15, v1  }
0x222: {  	[hbm4b:s16+s24] =	stream.strided.scatter [tilespmem:s0], [sflag:$0x5], $0x1000, s25, s24, $0x38;
	[tilespmem:$0x1C700] =	vst v63  }
0x223: {  	_ =	swait.ge [sflag:s2], $0x1000  }
0x224: {  	[sflag:s2] =	ssyncset.done $0x0  }
0x225: {  	s7 =	rddreg [dreg:$0xe];
	[sflag:s2] =	ssyncadd.s32 $0xFFFFF000  }
0x226: {  	[tilespmem:s26], [sflag:$0x3] =	stream.strided.gather [hbm4b:s7+s24], $0x1000, s25, s24, $0x38;
	[tilespmem:$0x1C700] =	vst v63  }
0x227: {  	_ =	swait.ge [sflag:s5], $0x1000  }
0x228: {  	s10 =	sld [smem:$0x7F2]  }
0x229: {  	[sflag:s5] =	ssyncset.done $0x0  }
0x22a: {  	[sflag:s5] =	ssyncadd.s32 $0xFFFFF000  }
0x22b: {  	[tilespmem:s30], [sflag:$0x2] =	stream.strided.gather [hbm4b:s10+s24], $0xC380, s25, s24, $0x38;
	[tilespmem:$0x1C700] =	vst v63  }
0x22c: {  	_ =	swait.ge [sflag:s31], $0xC380  }
0x22d: {  	[sflag:s31] =	ssyncset.done $0x0  }
0x22e: {  	s8 =	simm.s32 $0x19720;
	s7 =	simm.s32 $0x0;
	[sflag:s31] =	ssyncadd.s32 $0xFFFF3C80  }
.LBB2_30:
0x22f: {  	v1 =	vld [tilespmem:s8+$0xFFFFFFE0];
	_ =	sdelay $0x4  }
0x230: {  	vm0 =	vlt.s32 v1, $0xC380;
	_ =	sdelay $0x5  }
0x231: {  	v2 =	vor.u32 s7, v0;
	v1 =	vld.idx.msk [tilespmem:v1+s9+$0x0], vm0;
	_ =	sdelay $0x4  }
0x232: {  	[tilespmem:v2+s3+$0x0] =	vst.idx.msk vm0, v1  }
0x233: {  	v1 =	vld [tilespmem:s8+$0xFFFFFFF0];
	_ =	sdelay $0x4  }
0x234: {  	vm13 =	vlt.s32 v1, $0xC380;
	_ =	sdelay $0x4  }
0x235: {  	s10 =	sadd.s32 $0x10, s7  }
0x236: {  	v2 =	vor.u32 s10, v0;
	v1 =	vld.idx.msk [tilespmem:v1+s9+$0x0], vm13;
	_ =	sdelay $0x4  }
0x237: {  	[tilespmem:v2+s3+$0x0] =	vst.idx.msk vm13, v1  }
0x238: {  	v1 =	vld [tilespmem:s8+$0x0];
	_ =	sdelay $0x4  }
0x239: {  	vm14 =	vlt.s32 v1, $0xC380;
	_ =	sdelay $0x4  }
0x23a: {  	s10 =	sadd.s32 $0x20, s7  }
0x23b: {  	v2 =	vor.u32 s10, v0;
	v1 =	vld.idx.msk [tilespmem:v1+s9+$0x0], vm14;
	_ =	sdelay $0x4  }
0x23c: {  	[tilespmem:v2+s3+$0x0] =	vst.idx.msk vm14, v1  }
0x23d: {  	v1 =	vld [tilespmem:s8+$0x10];
	_ =	sdelay $0x4  }
0x23e: {  	vm15 =	vlt.s32 v1, $0xC380;
	_ =	sdelay $0x4  }
0x23f: {  	s10 =	sadd.s32 $0x30, s7  }
0x240: {  	p0 =	sne.s32 s7, $0xFC0;
	v2 =	vor.u32 s10, v0;
	v1 =	vld.idx.msk [tilespmem:v1+s9+$0x0], vm15  }
.Ltmp14:
0x241: {  	_ = 	snop;
	(pc) =	sbr.rel @p0 .LBB2_30-.Ltmp14, $2  }
0x242: {  	_ =	sdelay $0x2  }
0x243: {  	s7 =	sadd.s32 $0x40, s7;
	s8 =	sadd.s32 $0x40, s8;
	[tilespmem:v2+s3+$0x0] =	vst.idx.msk vm15, v1  }
0x244: {  	s8 =	sld [smem:$0x7F3];
	_ =	sdelay $0x1  }
0x245: {  	s7 =	simm.s32 $0x0  }
0x246: {  	[tilespmem:s7], [sflag:$0x1] =	stream.strided.gather [hbm4b:s8+s24], $0xC380, s25, s24, $0x38;
	[tilespmem:$0x1C700] =	vst v63  }
0x247: {  	_ =	swait.ge [sflag:s1], $0xC380  }
0x248: {  	[sflag:s1] =	ssyncset.done $0x0  }
0x249: {  	s8 =	simm.s32 $0x19720;
	[sflag:s1] =	ssyncadd.s32 $0xFFFF3C80  }
.LBB2_32:
0x24a: {  	v1 =	vld [tilespmem:s8+$0xFFFFFFE0];
	_ =	sdelay $0x4  }
0x24b: {  	vm0 =	vgt.s32 v1, $0xC37F  }
0x24c: {  	v1 =	vadd.s32 $0xFFFF3C80, v1;
	_ =	sdelay $0x4  }
0x24d: {  	v2 =	vor.u32 s7, v0;
	v1 =	vld.idx.msk [tilespmem:v1+s30+$0x0], vm0;
	_ =	sdelay $0x4  }
0x24e: {  	[tilespmem:v2+s3+$0x0] =	vst.idx.msk vm0, v1  }
0x24f: {  	v1 =	vld [tilespmem:s8+$0xFFFFFFF0];
	_ =	sdelay $0x4  }
0x250: {  	vm13 =	vgt.s32 v1, $0xC37F  }
0x251: {  	v1 =	vadd.s32 $0xFFFF3C80, v1;
	_ =	sdelay $0x3  }
0x252: {  	s10 =	sadd.s32 $0x10, s7  }
0x253: {  	v2 =	vor.u32 s10, v0;
	v1 =	vld.idx.msk [tilespmem:v1+s30+$0x0], vm13;
	_ =	sdelay $0x4  }
0x254: {  	[tilespmem:v2+s3+$0x0] =	vst.idx.msk vm13, v1  }
0x255: {  	v1 =	vld [tilespmem:s8+$0x0];
	_ =	sdelay $0x4  }
0x256: {  	vm14 =	vgt.s32 v1, $0xC37F  }
0x257: {  	v1 =	vadd.s32 $0xFFFF3C80, v1;
	_ =	sdelay $0x3  }
0x258: {  	s10 =	sadd.s32 $0x20, s7  }
0x259: {  	v2 =	vor.u32 s10, v0;
	v1 =	vld.idx.msk [tilespmem:v1+s30+$0x0], vm14;
	_ =	sdelay $0x4  }
0x25a: {  	[tilespmem:v2+s3+$0x0] =	vst.idx.msk vm14, v1  }
0x25b: {  	v1 =	vld [tilespmem:s8+$0x10];
	_ =	sdelay $0x4  }
0x25c: {  	vm15 =	vgt.s32 v1, $0xC37F  }
0x25d: {  	v1 =	vadd.s32 $0xFFFF3C80, v1;
	_ =	sdelay $0x3  }
0x25e: {  	s10 =	sadd.s32 $0x30, s7  }
0x25f: {  	p0 =	sne.s32 s7, $0xFC0;
	v2 =	vor.u32 s10, v0;
	v1 =	vld.idx.msk [tilespmem:v1+s30+$0x0], vm15  }
.Ltmp15:
0x260: {  	_ = 	snop;
	(pc) =	sbr.rel @p0 .LBB2_32-.Ltmp15, $2  }
0x261: {  	_ =	sdelay $0x2  }
0x262: {  	s7 =	sadd.s32 $0x40, s7;
	s8 =	sadd.s32 $0x40, s8;
	[tilespmem:v2+s3+$0x0] =	vst.idx.msk vm15, v1  }
0x263: {  	[hbm4b:s17+s24] =	stream.strided.scatter [tilespmem:s3], [sflag:$0x6], $0x1000, s25, s24, $0x38;
	[tilespmem:$0x1C700] =	vst v63  }
0x264: {  	_ =	swait.ge [sflag:s28], $0x1000  }
0x265: {  	[sflag:s28] =	ssyncset.done $0x0  }
0x266: {  	s7 =	rddreg [dreg:$0xb];
	[sflag:s28] =	ssyncadd.s32 $0xFFFFF000  }
0x267: {  	[tilespmem:s29], [sflag:$0x4] =	stream.strided.gather [hbm4b:s7+s24], $0x1000, s25, s24, $0x38;
	[tilespmem:$0x1C700] =	vst v63  }
0x268: {  	_ =	swait.ge [sflag:s4], $0x1000  }
0x269: {  	s10 =	sld [smem:$0x7F4]  }
0x26a: {  	[sflag:s4] =	ssyncset.done $0x0  }
0x26b: {  	[sflag:s4] =	ssyncadd.s32 $0xFFFFF000  }
0x26c: {  	[tilespmem:s30], [sflag:$0x2] =	stream.strided.gather [hbm4b:s10+s24], $0xC380, s25, s24, $0x38;
	[tilespmem:$0x1C700] =	vst v63  }
0x26d: {  	_ =	swait.ge [sflag:s31], $0xC380  }
0x26e: {  	[sflag:s31] =	ssyncset.done $0x0  }
0x26f: {  	s8 =	simm.s32 $0x18720;
	s7 =	simm.s32 $0x0;
	[sflag:s31] =	ssyncadd.s32 $0xFFFF3C80  }
.LBB2_34:
0x270: {  	v1 =	vld [tilespmem:s8+$0xFFFFFFE0];
	_ =	sdelay $0x4  }
0x271: {  	vm0 =	vlt.s32 v1, $0xC380;
	_ =	sdelay $0x5  }
0x272: {  	v2 =	vor.u32 s7, v0;
	v1 =	vld.idx.msk [tilespmem:v1+s9+$0x0], vm0;
	_ =	sdelay $0x4  }
0x273: {  	[tilespmem:v2+s0+$0x0] =	vst.idx.msk vm0, v1  }
0x274: {  	v1 =	vld [tilespmem:s8+$0xFFFFFFF0];
	_ =	sdelay $0x4  }
0x275: {  	vm13 =	vlt.s32 v1, $0xC380;
	_ =	sdelay $0x4  }
0x276: {  	s10 =	sadd.s32 $0x10, s7  }
0x277: {  	v2 =	vor.u32 s10, v0;
	v1 =	vld.idx.msk [tilespmem:v1+s9+$0x0], vm13;
	_ =	sdelay $0x4  }
0x278: {  	[tilespmem:v2+s0+$0x0] =	vst.idx.msk vm13, v1  }
0x279: {  	v1 =	vld [tilespmem:s8+$0x0];
	_ =	sdelay $0x4  }
0x27a: {  	vm14 =	vlt.s32 v1, $0xC380;
	_ =	sdelay $0x4  }
0x27b: {  	s10 =	sadd.s32 $0x20, s7  }
0x27c: {  	v2 =	vor.u32 s10, v0;
	v1 =	vld.idx.msk [tilespmem:v1+s9+$0x0], vm14;
	_ =	sdelay $0x4  }
0x27d: {  	[tilespmem:v2+s0+$0x0] =	vst.idx.msk vm14, v1  }
0x27e: {  	v1 =	vld [tilespmem:s8+$0x10];
	_ =	sdelay $0x4  }
0x27f: {  	vm15 =	vlt.s32 v1, $0xC380;
	_ =	sdelay $0x4  }
0x280: {  	s10 =	sadd.s32 $0x30, s7  }
0x281: {  	p0 =	sne.s32 s7, $0xFC0;
	v2 =	vor.u32 s10, v0;
	v1 =	vld.idx.msk [tilespmem:v1+s9+$0x0], vm15  }
.Ltmp16:
0x282: {  	_ = 	snop;
	(pc) =	sbr.rel @p0 .LBB2_34-.Ltmp16, $2  }
0x283: {  	_ =	sdelay $0x2  }
0x284: {  	s7 =	sadd.s32 $0x40, s7;
	s8 =	sadd.s32 $0x40, s8;
	[tilespmem:v2+s0+$0x0] =	vst.idx.msk vm15, v1  }
0x285: {  	s8 =	sld [smem:$0x7F5];
	_ =	sdelay $0x1  }
0x286: {  	s7 =	simm.s32 $0x0  }
0x287: {  	[tilespmem:s7], [sflag:$0x1] =	stream.strided.gather [hbm4b:s8+s24], $0xC380, s25, s24, $0x38;
	[tilespmem:$0x1C700] =	vst v63  }
0x288: {  	_ =	swait.ge [sflag:s1], $0xC380  }
0x289: {  	[sflag:s1] =	ssyncset.done $0x0  }
0x28a: {  	s8 =	simm.s32 $0x18720;
	[sflag:s1] =	ssyncadd.s32 $0xFFFF3C80  }
.LBB2_36:
0x28b: {  	v1 =	vld [tilespmem:s8+$0xFFFFFFE0];
	_ =	sdelay $0x4  }
0x28c: {  	vm0 =	vgt.s32 v1, $0xC37F  }
0x28d: {  	v1 =	vadd.s32 $0xFFFF3C80, v1;
	_ =	sdelay $0x4  }
0x28e: {  	v2 =	vor.u32 s7, v0;
	v1 =	vld.idx.msk [tilespmem:v1+s30+$0x0], vm0;
	_ =	sdelay $0x4  }
0x28f: {  	[tilespmem:v2+s0+$0x0] =	vst.idx.msk vm0, v1  }
0x290: {  	v1 =	vld [tilespmem:s8+$0xFFFFFFF0];
	_ =	sdelay $0x4  }
0x291: {  	vm13 =	vgt.s32 v1, $0xC37F  }
0x292: {  	v1 =	vadd.s32 $0xFFFF3C80, v1;
	_ =	sdelay $0x3  }
0x293: {  	s10 =	sadd.s32 $0x10, s7  }
0x294: {  	v2 =	vor.u32 s10, v0;
	v1 =	vld.idx.msk [tilespmem:v1+s30+$0x0], vm13;
	_ =	sdelay $0x4  }
0x295: {  	[tilespmem:v2+s0+$0x0] =	vst.idx.msk vm13, v1  }
0x296: {  	v1 =	vld [tilespmem:s8+$0x0];
	_ =	sdelay $0x4  }
0x297: {  	vm14 =	vgt.s32 v1, $0xC37F  }
0x298: {  	v1 =	vadd.s32 $0xFFFF3C80, v1;
	_ =	sdelay $0x3  }
0x299: {  	s10 =	sadd.s32 $0x20, s7  }
0x29a: {  	v2 =	vor.u32 s10, v0;
	v1 =	vld.idx.msk [tilespmem:v1+s30+$0x0], vm14;
	_ =	sdelay $0x4  }
0x29b: {  	[tilespmem:v2+s0+$0x0] =	vst.idx.msk vm14, v1  }
0x29c: {  	v1 =	vld [tilespmem:s8+$0x10];
	_ =	sdelay $0x4  }
0x29d: {  	vm15 =	vgt.s32 v1, $0xC37F  }
0x29e: {  	v1 =	vadd.s32 $0xFFFF3C80, v1;
	_ =	sdelay $0x3  }
0x29f: {  	s10 =	sadd.s32 $0x30, s7  }
0x2a0: {  	p0 =	sne.s32 s7, $0xFC0;
	v2 =	vor.u32 s10, v0;
	v1 =	vld.idx.msk [tilespmem:v1+s30+$0x0], vm15  }
.Ltmp17:
0x2a1: {  	_ = 	snop;
	(pc) =	sbr.rel @p0 .LBB2_36-.Ltmp17, $2  }
0x2a2: {  	_ =	sdelay $0x2  }
0x2a3: {  	s7 =	sadd.s32 $0x40, s7;
	s8 =	sadd.s32 $0x40, s8;
	[tilespmem:v2+s0+$0x0] =	vst.idx.msk vm15, v1  }
0x2a4: {  	[hbm4b:s18+s24] =	stream.strided.scatter [tilespmem:s0], [sflag:$0x5], $0x1000, s25, s24, $0x38;
	[tilespmem:$0x1C700] =	vst v63  }
0x2a5: {  	_ =	swait.ge [sflag:s2], $0x1000  }
0x2a6: {  	[sflag:s2] =	ssyncset.done $0x0  }
0x2a7: {  	s7 =	rddreg [dreg:$0xc];
	[sflag:s2] =	ssyncadd.s32 $0xFFFFF000  }
0x2a8: {  	[tilespmem:s26], [sflag:$0x3] =	stream.strided.gather [hbm4b:s7+s24], $0x1000, s25, s24, $0x38;
	[tilespmem:$0x1C700] =	vst v63  }
0x2a9: {  	_ =	swait.ge [sflag:s5], $0x1000  }
0x2aa: {  	s10 =	sld [smem:$0x7F6]  }
0x2ab: {  	[sflag:s5] =	ssyncset.done $0x0  }
0x2ac: {  	[sflag:s5] =	ssyncadd.s32 $0xFFFFF000  }
0x2ad: {  	[tilespmem:s30], [sflag:$0x2] =	stream.strided.gather [hbm4b:s10+s24], $0xC380, s25, s24, $0x38;
	[tilespmem:$0x1C700] =	vst v63  }
0x2ae: {  	_ =	swait.ge [sflag:s31], $0xC380  }
0x2af: {  	[sflag:s31] =	ssyncset.done $0x0  }
0x2b0: {  	s8 =	simm.s32 $0x19720;
	s7 =	simm.s32 $0x0;
	[sflag:s31] =	ssyncadd.s32 $0xFFFF3C80  }
.LBB2_38:
0x2b1: {  	v1 =	vld [tilespmem:s8+$0xFFFFFFE0];
	_ =	sdelay $0x4  }
0x2b2: {  	vm0 =	vlt.s32 v1, $0xC380;
	_ =	sdelay $0x5  }
0x2b3: {  	v2 =	vor.u32 s7, v0;
	v1 =	vld.idx.msk [tilespmem:v1+s9+$0x0], vm0;
	_ =	sdelay $0x4  }
0x2b4: {  	[tilespmem:v2+s3+$0x0] =	vst.idx.msk vm0, v1  }
0x2b5: {  	v1 =	vld [tilespmem:s8+$0xFFFFFFF0];
	_ =	sdelay $0x4  }
0x2b6: {  	vm13 =	vlt.s32 v1, $0xC380;
	_ =	sdelay $0x4  }
0x2b7: {  	s10 =	sadd.s32 $0x10, s7  }
0x2b8: {  	v2 =	vor.u32 s10, v0;
	v1 =	vld.idx.msk [tilespmem:v1+s9+$0x0], vm13;
	_ =	sdelay $0x4  }
0x2b9: {  	[tilespmem:v2+s3+$0x0] =	vst.idx.msk vm13, v1  }
0x2ba: {  	v1 =	vld [tilespmem:s8+$0x0];
	_ =	sdelay $0x4  }
0x2bb: {  	vm14 =	vlt.s32 v1, $0xC380;
	_ =	sdelay $0x4  }
0x2bc: {  	s10 =	sadd.s32 $0x20, s7  }
0x2bd: {  	v2 =	vor.u32 s10, v0;
	v1 =	vld.idx.msk [tilespmem:v1+s9+$0x0], vm14;
	_ =	sdelay $0x4  }
0x2be: {  	[tilespmem:v2+s3+$0x0] =	vst.idx.msk vm14, v1  }
0x2bf: {  	v1 =	vld [tilespmem:s8+$0x10];
	_ =	sdelay $0x4  }
0x2c0: {  	vm15 =	vlt.s32 v1, $0xC380;
	_ =	sdelay $0x4  }
0x2c1: {  	s10 =	sadd.s32 $0x30, s7  }
0x2c2: {  	p0 =	sne.s32 s7, $0xFC0;
	v2 =	vor.u32 s10, v0;
	v1 =	vld.idx.msk [tilespmem:v1+s9+$0x0], vm15  }
.Ltmp18:
0x2c3: {  	_ = 	snop;
	(pc) =	sbr.rel @p0 .LBB2_38-.Ltmp18, $2  }
0x2c4: {  	_ =	sdelay $0x2  }
0x2c5: {  	s7 =	sadd.s32 $0x40, s7;
	s8 =	sadd.s32 $0x40, s8;
	[tilespmem:v2+s3+$0x0] =	vst.idx.msk vm15, v1  }
0x2c6: {  	s8 =	sld [smem:$0x7F7];
	_ =	sdelay $0x1  }
0x2c7: {  	s7 =	simm.s32 $0x0  }
0x2c8: {  	[tilespmem:s7], [sflag:$0x1] =	stream.strided.gather [hbm4b:s8+s24], $0xC380, s25, s24, $0x38;
	[tilespmem:$0x1C700] =	vst v63  }
0x2c9: {  	_ =	swait.ge [sflag:s1], $0xC380  }
0x2ca: {  	[sflag:s1] =	ssyncset.done $0x0  }
0x2cb: {  	s8 =	simm.s32 $0x19720;
	[sflag:s1] =	ssyncadd.s32 $0xFFFF3C80  }
.LBB2_40:
0x2cc: {  	v1 =	vld [tilespmem:s8+$0xFFFFFFE0];
	_ =	sdelay $0x4  }
0x2cd: {  	vm0 =	vgt.s32 v1, $0xC37F  }
0x2ce: {  	v1 =	vadd.s32 $0xFFFF3C80, v1;
	_ =	sdelay $0x4  }
0x2cf: {  	v2 =	vor.u32 s7, v0;
	v1 =	vld.idx.msk [tilespmem:v1+s30+$0x0], vm0;
	_ =	sdelay $0x4  }
0x2d0: {  	[tilespmem:v2+s3+$0x0] =	vst.idx.msk vm0, v1  }
0x2d1: {  	v1 =	vld [tilespmem:s8+$0xFFFFFFF0];
	_ =	sdelay $0x4  }
0x2d2: {  	vm13 =	vgt.s32 v1, $0xC37F  }
0x2d3: {  	v1 =	vadd.s32 $0xFFFF3C80, v1;
	_ =	sdelay $0x3  }
0x2d4: {  	s10 =	sadd.s32 $0x10, s7  }
0x2d5: {  	v2 =	vor.u32 s10, v0;
	v1 =	vld.idx.msk [tilespmem:v1+s30+$0x0], vm13;
	_ =	sdelay $0x4  }
0x2d6: {  	[tilespmem:v2+s3+$0x0] =	vst.idx.msk vm13, v1  }
0x2d7: {  	v1 =	vld [tilespmem:s8+$0x0];
	_ =	sdelay $0x4  }
0x2d8: {  	vm14 =	vgt.s32 v1, $0xC37F  }
0x2d9: {  	v1 =	vadd.s32 $0xFFFF3C80, v1;
	_ =	sdelay $0x3  }
0x2da: {  	s10 =	sadd.s32 $0x20, s7  }
0x2db: {  	v2 =	vor.u32 s10, v0;
	v1 =	vld.idx.msk [tilespmem:v1+s30+$0x0], vm14;
	_ =	sdelay $0x4  }
0x2dc: {  	[tilespmem:v2+s3+$0x0] =	vst.idx.msk vm14, v1  }
0x2dd: {  	v1 =	vld [tilespmem:s8+$0x10];
	_ =	sdelay $0x4  }
0x2de: {  	vm15 =	vgt.s32 v1, $0xC37F  }
0x2df: {  	v1 =	vadd.s32 $0xFFFF3C80, v1;
	_ =	sdelay $0x3  }
0x2e0: {  	s10 =	sadd.s32 $0x30, s7  }
0x2e1: {  	p0 =	sne.s32 s7, $0xFC0;
	v2 =	vor.u32 s10, v0;
	v1 =	vld.idx.msk [tilespmem:v1+s30+$0x0], vm15  }
.Ltmp19:
0x2e2: {  	_ = 	snop;
	(pc) =	sbr.rel @p0 .LBB2_40-.Ltmp19, $2  }
0x2e3: {  	_ =	sdelay $0x2  }
0x2e4: {  	s7 =	sadd.s32 $0x40, s7;
	s8 =	sadd.s32 $0x40, s8;
	[tilespmem:v2+s3+$0x0] =	vst.idx.msk vm15, v1  }
0x2e5: {  	[hbm4b:s19+s24] =	stream.strided.scatter [tilespmem:s3], [sflag:$0x6], $0x1000, s25, s24, $0x38;
	[tilespmem:$0x1C700] =	vst v63  }
0x2e6: {  	_ =	swait.ge [sflag:s28], $0x1000  }
0x2e7: {  	[sflag:s28] =	ssyncset.done $0x0  }
0x2e8: {  	s7 =	rddreg [dreg:$0xf];
	[sflag:s28] =	ssyncadd.s32 $0xFFFFF000  }
0x2e9: {  	[tilespmem:s29], [sflag:$0x4] =	stream.strided.gather [hbm4b:s7+s24], $0x1000, s25, s24, $0x38;
	[tilespmem:$0x1C700] =	vst v63  }
0x2ea: {  	_ =	swait.ge [sflag:s4], $0x1000  }
0x2eb: {  	s10 =	sld [smem:$0x7F8]  }
0x2ec: {  	[sflag:s4] =	ssyncset.done $0x0  }
0x2ed: {  	[sflag:s4] =	ssyncadd.s32 $0xFFFFF000  }
0x2ee: {  	[tilespmem:s30], [sflag:$0x2] =	stream.strided.gather [hbm4b:s10+s24], $0xC380, s25, s24, $0x38;
	[tilespmem:$0x1C700] =	vst v63  }
0x2ef: {  	_ =	swait.ge [sflag:s31], $0xC380  }
0x2f0: {  	[sflag:s31] =	ssyncset.done $0x0  }
0x2f1: {  	s8 =	simm.s32 $0x18720;
	s7 =	simm.s32 $0x0;
	[sflag:s31] =	ssyncadd.s32 $0xFFFF3C80  }
.LBB2_42:
0x2f2: {  	v1 =	vld [tilespmem:s8+$0xFFFFFFE0];
	_ =	sdelay $0x4  }
0x2f3: {  	vm0 =	vlt.s32 v1, $0xC380;
	_ =	sdelay $0x5  }
0x2f4: {  	v2 =	vor.u32 s7, v0;
	v1 =	vld.idx.msk [tilespmem:v1+s9+$0x0], vm0;
	_ =	sdelay $0x4  }
0x2f5: {  	[tilespmem:v2+s0+$0x0] =	vst.idx.msk vm0, v1  }
0x2f6: {  	v1 =	vld [tilespmem:s8+$0xFFFFFFF0];
	_ =	sdelay $0x4  }
0x2f7: {  	vm13 =	vlt.s32 v1, $0xC380;
	_ =	sdelay $0x4  }
0x2f8: {  	s10 =	sadd.s32 $0x10, s7  }
0x2f9: {  	v2 =	vor.u32 s10, v0;
	v1 =	vld.idx.msk [tilespmem:v1+s9+$0x0], vm13;
	_ =	sdelay $0x4  }
0x2fa: {  	[tilespmem:v2+s0+$0x0] =	vst.idx.msk vm13, v1  }
0x2fb: {  	v1 =	vld [tilespmem:s8+$0x0];
	_ =	sdelay $0x4  }
0x2fc: {  	vm14 =	vlt.s32 v1, $0xC380;
	_ =	sdelay $0x4  }
0x2fd: {  	s10 =	sadd.s32 $0x20, s7  }
0x2fe: {  	v2 =	vor.u32 s10, v0;
	v1 =	vld.idx.msk [tilespmem:v1+s9+$0x0], vm14;
	_ =	sdelay $0x4  }
0x2ff: {  	[tilespmem:v2+s0+$0x0] =	vst.idx.msk vm14, v1  }
0x300: {  	v1 =	vld [tilespmem:s8+$0x10];
	_ =	sdelay $0x4  }
0x301: {  	vm15 =	vlt.s32 v1, $0xC380;
	_ =	sdelay $0x4  }
0x302: {  	s10 =	sadd.s32 $0x30, s7  }
0x303: {  	p0 =	sne.s32 s7, $0xFC0;
	v2 =	vor.u32 s10, v0;
	v1 =	vld.idx.msk [tilespmem:v1+s9+$0x0], vm15  }
.Ltmp20:
0x304: {  	_ = 	snop;
	(pc) =	sbr.rel @p0 .LBB2_42-.Ltmp20, $2  }
0x305: {  	_ =	sdelay $0x2  }
0x306: {  	s7 =	sadd.s32 $0x40, s7;
	s8 =	sadd.s32 $0x40, s8;
	[tilespmem:v2+s0+$0x0] =	vst.idx.msk vm15, v1  }
0x307: {  	s8 =	sld [smem:$0x7F9];
	_ =	sdelay $0x1  }
0x308: {  	s7 =	simm.s32 $0x0  }
0x309: {  	[tilespmem:s7], [sflag:$0x1] =	stream.strided.gather [hbm4b:s8+s24], $0xC380, s25, s24, $0x38;
	[tilespmem:$0x1C700] =	vst v63  }
0x30a: {  	_ =	swait.ge [sflag:s1], $0xC380  }
0x30b: {  	[sflag:s1] =	ssyncset.done $0x0  }
0x30c: {  	s8 =	simm.s32 $0x18720;
	[sflag:s1] =	ssyncadd.s32 $0xFFFF3C80  }
.LBB2_44:
0x30d: {  	v1 =	vld [tilespmem:s8+$0xFFFFFFE0];
	_ =	sdelay $0x4  }
0x30e: {  	vm0 =	vgt.s32 v1, $0xC37F  }
0x30f: {  	v1 =	vadd.s32 $0xFFFF3C80, v1;
	_ =	sdelay $0x4  }
0x310: {  	v2 =	vor.u32 s7, v0;
	v1 =	vld.idx.msk [tilespmem:v1+s30+$0x0], vm0;
	_ =	sdelay $0x4  }
0x311: {  	[tilespmem:v2+s0+$0x0] =	vst.idx.msk vm0, v1  }
0x312: {  	v1 =	vld [tilespmem:s8+$0xFFFFFFF0];
	_ =	sdelay $0x4  }
0x313: {  	vm13 =	vgt.s32 v1, $0xC37F  }
0x314: {  	v1 =	vadd.s32 $0xFFFF3C80, v1;
	_ =	sdelay $0x3  }
0x315: {  	s10 =	sadd.s32 $0x10, s7  }
0x316: {  	v2 =	vor.u32 s10, v0;
	v1 =	vld.idx.msk [tilespmem:v1+s30+$0x0], vm13;
	_ =	sdelay $0x4  }
0x317: {  	[tilespmem:v2+s0+$0x0] =	vst.idx.msk vm13, v1  }
0x318: {  	v1 =	vld [tilespmem:s8+$0x0];
	_ =	sdelay $0x4  }
0x319: {  	vm14 =	vgt.s32 v1, $0xC37F  }
0x31a: {  	v1 =	vadd.s32 $0xFFFF3C80, v1;
	_ =	sdelay $0x3  }
0x31b: {  	s10 =	sadd.s32 $0x20, s7  }
0x31c: {  	v2 =	vor.u32 s10, v0;
	v1 =	vld.idx.msk [tilespmem:v1+s30+$0x0], vm14;
	_ =	sdelay $0x4  }
0x31d: {  	[tilespmem:v2+s0+$0x0] =	vst.idx.msk vm14, v1  }
0x31e: {  	v1 =	vld [tilespmem:s8+$0x10];
	_ =	sdelay $0x4  }
0x31f: {  	vm15 =	vgt.s32 v1, $0xC37F  }
0x320: {  	v1 =	vadd.s32 $0xFFFF3C80, v1;
	_ =	sdelay $0x3  }
0x321: {  	s10 =	sadd.s32 $0x30, s7  }
0x322: {  	p0 =	sne.s32 s7, $0xFC0;
	v2 =	vor.u32 s10, v0;
	v1 =	vld.idx.msk [tilespmem:v1+s30+$0x0], vm15  }
.Ltmp21:
0x323: {  	_ = 	snop;
	(pc) =	sbr.rel @p0 .LBB2_44-.Ltmp21, $2  }
0x324: {  	_ =	sdelay $0x2  }
0x325: {  	s7 =	sadd.s32 $0x40, s7;
	s8 =	sadd.s32 $0x40, s8;
	[tilespmem:v2+s0+$0x0] =	vst.idx.msk vm15, v1  }
0x326: {  	[hbm4b:s20+s24] =	stream.strided.scatter [tilespmem:s0], [sflag:$0x5], $0x1000, s25, s24, $0x38;
	[tilespmem:$0x1C700] =	vst v63  }
0x327: {  	_ =	swait.ge [sflag:s2], $0x1000  }
0x328: {  	[sflag:s2] =	ssyncset.done $0x0  }
0x329: {  	s7 =	rddreg [dreg:$0x10];
	[sflag:s2] =	ssyncadd.s32 $0xFFFFF000  }
0x32a: {  	[tilespmem:s26], [sflag:$0x3] =	stream.strided.gather [hbm4b:s7+s24], $0x1000, s25, s24, $0x38;
	[tilespmem:$0x1C700] =	vst v63  }
0x32b: {  	_ =	swait.ge [sflag:s5], $0x1000  }
0x32c: {  	s10 =	sld [smem:$0x7FA]  }
0x32d: {  	[sflag:s5] =	ssyncset.done $0x0  }
0x32e: {  	[sflag:s5] =	ssyncadd.s32 $0xFFFFF000  }
0x32f: {  	[tilespmem:s30], [sflag:$0x2] =	stream.strided.gather [hbm4b:s10+s24], $0xC380, s25, s24, $0x38;
	[tilespmem:$0x1C700] =	vst v63  }
0x330: {  	_ =	swait.ge [sflag:s31], $0xC380  }
0x331: {  	[sflag:s31] =	ssyncset.done $0x0  }
0x332: {  	s8 =	simm.s32 $0x19720;
	s7 =	simm.s32 $0x0;
	[sflag:s31] =	ssyncadd.s32 $0xFFFF3C80  }
.LBB2_46:
0x333: {  	v1 =	vld [tilespmem:s8+$0xFFFFFFE0];
	_ =	sdelay $0x4  }
0x334: {  	vm0 =	vlt.s32 v1, $0xC380;
	_ =	sdelay $0x5  }
0x335: {  	v2 =	vor.u32 s7, v0;
	v1 =	vld.idx.msk [tilespmem:v1+s9+$0x0], vm0;
	_ =	sdelay $0x4  }
0x336: {  	[tilespmem:v2+s3+$0x0] =	vst.idx.msk vm0, v1  }
0x337: {  	v1 =	vld [tilespmem:s8+$0xFFFFFFF0];
	_ =	sdelay $0x4  }
0x338: {  	vm13 =	vlt.s32 v1, $0xC380;
	_ =	sdelay $0x4  }
0x339: {  	s10 =	sadd.s32 $0x10, s7  }
0x33a: {  	v2 =	vor.u32 s10, v0;
	v1 =	vld.idx.msk [tilespmem:v1+s9+$0x0], vm13;
	_ =	sdelay $0x4  }
0x33b: {  	[tilespmem:v2+s3+$0x0] =	vst.idx.msk vm13, v1  }
0x33c: {  	v1 =	vld [tilespmem:s8+$0x0];
	_ =	sdelay $0x4  }
0x33d: {  	vm14 =	vlt.s32 v1, $0xC380;
	_ =	sdelay $0x4  }
0x33e: {  	s10 =	sadd.s32 $0x20, s7  }
0x33f: {  	v2 =	vor.u32 s10, v0;
	v1 =	vld.idx.msk [tilespmem:v1+s9+$0x0], vm14;
	_ =	sdelay $0x4  }
0x340: {  	[tilespmem:v2+s3+$0x0] =	vst.idx.msk vm14, v1  }
0x341: {  	v1 =	vld [tilespmem:s8+$0x10];
	_ =	sdelay $0x4  }
0x342: {  	vm15 =	vlt.s32 v1, $0xC380;
	_ =	sdelay $0x4  }
0x343: {  	s10 =	sadd.s32 $0x30, s7  }
0x344: {  	p0 =	sne.s32 s7, $0xFC0;
	v2 =	vor.u32 s10, v0;
	v1 =	vld.idx.msk [tilespmem:v1+s9+$0x0], vm15  }
.Ltmp22:
0x345: {  	_ = 	snop;
	(pc) =	sbr.rel @p0 .LBB2_46-.Ltmp22, $2  }
0x346: {  	_ =	sdelay $0x2  }
0x347: {  	s7 =	sadd.s32 $0x40, s7;
	s8 =	sadd.s32 $0x40, s8;
	[tilespmem:v2+s3+$0x0] =	vst.idx.msk vm15, v1  }
0x348: {  	s8 =	sld [smem:$0x7FB];
	_ =	sdelay $0x1  }
0x349: {  	s7 =	simm.s32 $0x0  }
0x34a: {  	[tilespmem:s7], [sflag:$0x1] =	stream.strided.gather [hbm4b:s8+s24], $0xC380, s25, s24, $0x38;
	[tilespmem:$0x1C700] =	vst v63  }
0x34b: {  	_ =	swait.ge [sflag:s1], $0xC380  }
0x34c: {  	[sflag:s1] =	ssyncset.done $0x0  }
0x34d: {  	s8 =	simm.s32 $0x19720;
	[sflag:s1] =	ssyncadd.s32 $0xFFFF3C80  }
.LBB2_48:
0x34e: {  	v1 =	vld [tilespmem:s8+$0xFFFFFFE0];
	_ =	sdelay $0x4  }
0x34f: {  	vm0 =	vgt.s32 v1, $0xC37F  }
0x350: {  	v1 =	vadd.s32 $0xFFFF3C80, v1;
	_ =	sdelay $0x4  }
0x351: {  	v2 =	vor.u32 s7, v0;
	v1 =	vld.idx.msk [tilespmem:v1+s30+$0x0], vm0;
	_ =	sdelay $0x4  }
0x352: {  	[tilespmem:v2+s3+$0x0] =	vst.idx.msk vm0, v1  }
0x353: {  	v1 =	vld [tilespmem:s8+$0xFFFFFFF0];
	_ =	sdelay $0x4  }
0x354: {  	vm13 =	vgt.s32 v1, $0xC37F  }
0x355: {  	v1 =	vadd.s32 $0xFFFF3C80, v1;
	_ =	sdelay $0x3  }
0x356: {  	s10 =	sadd.s32 $0x10, s7  }
0x357: {  	v2 =	vor.u32 s10, v0;
	v1 =	vld.idx.msk [tilespmem:v1+s30+$0x0], vm13;
	_ =	sdelay $0x4  }
0x358: {  	[tilespmem:v2+s3+$0x0] =	vst.idx.msk vm13, v1  }
0x359: {  	v1 =	vld [tilespmem:s8+$0x0];
	_ =	sdelay $0x4  }
0x35a: {  	vm14 =	vgt.s32 v1, $0xC37F  }
0x35b: {  	v1 =	vadd.s32 $0xFFFF3C80, v1;
	_ =	sdelay $0x3  }
0x35c: {  	s10 =	sadd.s32 $0x20, s7  }
0x35d: {  	v2 =	vor.u32 s10, v0;
	v1 =	vld.idx.msk [tilespmem:v1+s30+$0x0], vm14;
	_ =	sdelay $0x4  }
0x35e: {  	[tilespmem:v2+s3+$0x0] =	vst.idx.msk vm14, v1  }
0x35f: {  	v1 =	vld [tilespmem:s8+$0x10];
	_ =	sdelay $0x4  }
0x360: {  	vm15 =	vgt.s32 v1, $0xC37F  }
0x361: {  	v1 =	vadd.s32 $0xFFFF3C80, v1;
	_ =	sdelay $0x3  }
0x362: {  	s10 =	sadd.s32 $0x30, s7  }
0x363: {  	p0 =	sne.s32 s7, $0xFC0;
	v2 =	vor.u32 s10, v0;
	v1 =	vld.idx.msk [tilespmem:v1+s30+$0x0], vm15  }
.Ltmp23:
0x364: {  	_ = 	snop;
	(pc) =	sbr.rel @p0 .LBB2_48-.Ltmp23, $2  }
0x365: {  	_ =	sdelay $0x2  }
0x366: {  	s7 =	sadd.s32 $0x40, s7;
	s8 =	sadd.s32 $0x40, s8;
	[tilespmem:v2+s3+$0x0] =	vst.idx.msk vm15, v1  }
0x367: {  	[hbm4b:s21+s24] =	stream.strided.scatter [tilespmem:s3], [sflag:$0x6], $0x1000, s25, s24, $0x38;
	[tilespmem:$0x1C700] =	vst v63  }
0x368: {  	_ =	swait.ge [sflag:s28], $0x1000  }
0x369: {  	[sflag:s28] =	ssyncset.done $0x0  }
0x36a: {  	[sflag:s28] =	ssyncadd.s32 $0xFFFFF000  }
0x36b: {  	_ =	swait.ge [sflag:s4], $0x1000  }
0x36c: {  	s7 =	sld [smem:$0x7FC]  }
0x36d: {  	[sflag:s4] =	ssyncset.done $0x0  }
0x36e: {  	[sflag:s4] =	ssyncadd.s32 $0xFFFFF000  }
0x36f: {  	[tilespmem:s30], [sflag:$0x2] =	stream.strided.gather [hbm4b:s7+s24], $0xC380, s25, s24, $0x38;
	[tilespmem:$0x1C700] =	vst v63  }
0x370: {  	_ =	swait.ge [sflag:s31], $0xC380  }
0x371: {  	[sflag:s31] =	ssyncset.done $0x0  }
0x372: {  	s8 =	simm.s32 $0x18720;
	s7 =	simm.s32 $0x0;
	[sflag:s31] =	ssyncadd.s32 $0xFFFF3C80  }
.LBB2_50:
0x373: {  	v1 =	vld [tilespmem:s8+$0xFFFFFFE0];
	_ =	sdelay $0x4  }
0x374: {  	vm0 =	vlt.s32 v1, $0xC380;
	_ =	sdelay $0x5  }
0x375: {  	v2 =	vor.u32 s7, v0;
	v1 =	vld.idx.msk [tilespmem:v1+s9+$0x0], vm0;
	_ =	sdelay $0x4  }
0x376: {  	[tilespmem:v2+s0+$0x0] =	vst.idx.msk vm0, v1  }
0x377: {  	v1 =	vld [tilespmem:s8+$0xFFFFFFF0];
	_ =	sdelay $0x4  }
0x378: {  	vm13 =	vlt.s32 v1, $0xC380;
	_ =	sdelay $0x4  }
0x379: {  	s10 =	sadd.s32 $0x10, s7  }
0x37a: {  	v2 =	vor.u32 s10, v0;
	v1 =	vld.idx.msk [tilespmem:v1+s9+$0x0], vm13;
	_ =	sdelay $0x4  }
0x37b: {  	[tilespmem:v2+s0+$0x0] =	vst.idx.msk vm13, v1  }
0x37c: {  	v1 =	vld [tilespmem:s8+$0x0];
	_ =	sdelay $0x4  }
0x37d: {  	vm14 =	vlt.s32 v1, $0xC380;
	_ =	sdelay $0x4  }
0x37e: {  	s10 =	sadd.s32 $0x20, s7  }
0x37f: {  	v2 =	vor.u32 s10, v0;
	v1 =	vld.idx.msk [tilespmem:v1+s9+$0x0], vm14;
	_ =	sdelay $0x4  }
0x380: {  	[tilespmem:v2+s0+$0x0] =	vst.idx.msk vm14, v1  }
0x381: {  	v1 =	vld [tilespmem:s8+$0x10];
	_ =	sdelay $0x4  }
0x382: {  	vm15 =	vlt.s32 v1, $0xC380;
	_ =	sdelay $0x4  }
0x383: {  	s10 =	sadd.s32 $0x30, s7  }
0x384: {  	p0 =	sne.s32 s7, $0xFC0;
	v2 =	vor.u32 s10, v0;
	v1 =	vld.idx.msk [tilespmem:v1+s9+$0x0], vm15  }
.Ltmp24:
0x385: {  	_ = 	snop;
	(pc) =	sbr.rel @p0 .LBB2_50-.Ltmp24, $2  }
0x386: {  	_ =	sdelay $0x2  }
0x387: {  	s7 =	sadd.s32 $0x40, s7;
	s8 =	sadd.s32 $0x40, s8;
	[tilespmem:v2+s0+$0x0] =	vst.idx.msk vm15, v1  }
0x388: {  	_ =	swait.ge [sflag:s1], $0xC380  }
0x389: {  	[sflag:s1] =	ssyncset.done $0x0  }
0x38a: {  	s7 =	simm.s32 $0x0;
	s8 =	simm.s32 $0x18720;
	[sflag:s1] =	ssyncadd.s32 $0xFFFF3C80  }
.LBB2_52:
0x38b: {  	v1 =	vld [tilespmem:s8+$0xFFFFFFE0];
	_ =	sdelay $0x4  }
0x38c: {  	vm0 =	vgt.s32 v1, $0xC37F  }
0x38d: {  	v1 =	vadd.s32 $0xFFFF3C80, v1;
	_ =	sdelay $0x4  }
0x38e: {  	v2 =	vor.u32 s7, v0;
	v1 =	vld.idx.msk [tilespmem:v1+s30+$0x0], vm0;
	_ =	sdelay $0x4  }
0x38f: {  	[tilespmem:v2+s0+$0x0] =	vst.idx.msk vm0, v1  }
0x390: {  	v1 =	vld [tilespmem:s8+$0xFFFFFFF0];
	_ =	sdelay $0x4  }
0x391: {  	vm13 =	vgt.s32 v1, $0xC37F  }
0x392: {  	v1 =	vadd.s32 $0xFFFF3C80, v1;
	_ =	sdelay $0x3  }
0x393: {  	s10 =	sadd.s32 $0x10, s7  }
0x394: {  	v2 =	vor.u32 s10, v0;
	v1 =	vld.idx.msk [tilespmem:v1+s30+$0x0], vm13;
	_ =	sdelay $0x4  }
0x395: {  	[tilespmem:v2+s0+$0x0] =	vst.idx.msk vm13, v1  }
0x396: {  	v1 =	vld [tilespmem:s8+$0x0];
	_ =	sdelay $0x4  }
0x397: {  	vm14 =	vgt.s32 v1, $0xC37F  }
0x398: {  	v1 =	vadd.s32 $0xFFFF3C80, v1;
	_ =	sdelay $0x3  }
0x399: {  	s10 =	sadd.s32 $0x20, s7  }
0x39a: {  	v2 =	vor.u32 s10, v0;
	v1 =	vld.idx.msk [tilespmem:v1+s30+$0x0], vm14;
	_ =	sdelay $0x4  }
0x39b: {  	[tilespmem:v2+s0+$0x0] =	vst.idx.msk vm14, v1  }
0x39c: {  	v1 =	vld [tilespmem:s8+$0x10];
	_ =	sdelay $0x4  }
0x39d: {  	vm15 =	vgt.s32 v1, $0xC37F  }
0x39e: {  	v1 =	vadd.s32 $0xFFFF3C80, v1;
	_ =	sdelay $0x3  }
0x39f: {  	s10 =	sadd.s32 $0x30, s7  }
0x3a0: {  	p0 =	sne.s32 s7, $0xFC0;
	v2 =	vor.u32 s10, v0;
	v1 =	vld.idx.msk [tilespmem:v1+s30+$0x0], vm15  }
.Ltmp25:
0x3a1: {  	_ = 	snop;
	(pc) =	sbr.rel @p0 .LBB2_52-.Ltmp25, $2  }
0x3a2: {  	_ =	sdelay $0x2  }
0x3a3: {  	s7 =	sadd.s32 $0x40, s7;
	s8 =	sadd.s32 $0x40, s8;
	[tilespmem:v2+s0+$0x0] =	vst.idx.msk vm15, v1  }
0x3a4: {  	[hbm4b:s22+s24] =	stream.strided.scatter [tilespmem:s0], [sflag:$0x5], $0x1000, s25, s24, $0x38;
	[tilespmem:$0x1C700] =	vst v63  }
0x3a5: {  	s6 =	sadd.s32 $0x1, s6  }
0x3a6: {  	_ =	swait.ge [sflag:s4], $0x1000;
	p0 =	sne.s32 s6, s23  }
.Ltmp26:
0x3a7: {  	[sflag:s4] =	ssyncset.done $0x0;
	(pc) =	sbr.rel @p0 .LBB2_1-.Ltmp26, $4  }
0x3a8: {  	[sflag:s4] =	ssyncadd.s32 $0xFFFFF000  }
0x3a9: {  	_ =	swait.ge [sflag:s5], $0x1000  }
0x3aa: {  	[sflag:s5] =	ssyncset.done $0x0  }
0x3ab: {  	[sflag:s5] =	ssyncadd.s32 $0xFFFFF000  }
0x3ac: {  	_ =	sfence.sel $0x180000  }
0x3ad: {  	[bflag:$0x0] =	sbarrier.arrive $0xFFFF  }
0x3ae: {  	_ =	strace $0x90000047  }
0x3af: {  	s0 =	stileid.u32;
	[bflag:$0x2] =	sbarrier.arrive $0xFFFF  }
0x3b0: {  	p0 =	sne.s32 s0, $0x0;
	s0 =	rddreg [dreg:$0x3]  }
0x3b1: {  	s0 =	sadd.s32 @!p0 $0x100000, s0  }
0x3b2: {  	[sflag:s0] =	ssyncadd.tile.s32 @!p0 $0x1;
	_ =	shalt  }
.Lfunc_end2:
_tile_overlayer_lowered:
.L_overlay_start_2:
0x3b3: {  	(tag) =	ssettag $0x2  }
0x3b4: {  	s0 =	rddreg [dreg:$0x0];
	s2 =	stileid.u32  }
0x3b5: {  	s1 =	rddreg [dreg:$0x1];
	p0 =	sne.s32 s2, $0x0  }
0x3b6: {  	s3 =	rddreg [dreg:$0x2];
	[bflag:$0x3] =	sbarrier.arrive $0xFFFF;
	s2 =	simm.s32 @!p0 $0x1C07  }
0x3b7: {  	[timem:s3], [sflag:s2] =	dma.local @!p0 [hbm:s0], s1  }
0x3b8: {  	s0 =	simm.s32 @!p0 $0x7  }
0x3b9: {  	_ =	swait.ge @!p0 [sflag:s0], s1  }
0x3ba: {  	s1 =	ssub.s32 @!p0 $0x0, s1;
	[sflag:s0] =	ssyncset.done @!p0 $0x0  }
0x3bb: {  	[sflag:s0] =	ssyncadd.s32 @!p0 s1  }
0x3bc: {  	[bflag:$0x3] =	sbarrier.arrive $0xFFFF  }
0x3bd: {  	_ =	shalt  }

</sc_bundles>
